<compile_context>
chip_gen: v7x
topology: tpu7x:2x2x1
jax: 0.10.2.dev20260603
libtpu: 0.0.44.dev20260713+nightly
codegen_flags: <defaults>
</compile_context>

<pallas_src>
import functools

import jax
import jax.numpy as jnp
from jax import lax
from jax.experimental import pallas as pl
from jax.experimental.pallas import tpu as pltpu
from jax.experimental.pallas import tpu_sc as plsc

IN_CHANNELS = 128
HIDDEN = 64
N_NODES = 10000
N_EDGES = 320000

NC = 2
NS = 16
LANES = 16
NW = NC * NS
EDGES_PER_W = N_EDGES // NW
CHUNK = 400
N_CHUNKS = EDGES_PER_W // CHUNK
GROUPS = CHUNK // LANES
SUB_SPLITS = ((0, 128), (128, 128), (256, 128), (384, 16))


def _project_body(e_ref, w1a_ref, w1b_ref, b1_ref, ta_ref, tb_ref):
    e = e_ref[...]
    dn = (((1,), (0,)), ((), ()))
    ta_ref[...] = lax.dot_general(
        e, w1a_ref[...], dn, precision=lax.Precision.HIGHEST,
        preferred_element_type=jnp.float32) + b1_ref[...]
    tb_ref[...] = lax.dot_general(
        e, w1b_ref[...], dn, precision=lax.Precision.HIGHEST,
        preferred_element_type=jnp.float32)


def _project(node_embeddings, w1a, w1b, b1):
    return pl.pallas_call(
        _project_body,
        out_shape=[
            jax.ShapeDtypeStruct((N_NODES, HIDDEN), jnp.float32),
            jax.ShapeDtypeStruct((N_NODES, HIDDEN), jnp.float32),
        ],
    )(node_embeddings, w1a, w1b, b1)


_MESH = plsc.VectorSubcoreMesh(core_axis_name="c", subcore_axis_name="s")


@functools.partial(
    pl.kernel,
    mesh=_MESH,
    compiler_params=pltpu.CompilerParams(use_tc_tiling_on_sc=False,
                                         needs_layout_passes=False),
    out_type=jax.ShapeDtypeStruct((N_EDGES,), jnp.float32),
    scratch_types=[
        pltpu.VMEM((CHUNK,), jnp.int32),
        pltpu.VMEM((CHUNK,), jnp.int32),
        pltpu.VMEM((CHUNK,), jnp.int32),
        pltpu.VMEM((CHUNK,), jnp.int32),
        pltpu.VMEM((CHUNK, HIDDEN), jnp.float32),
        pltpu.VMEM((CHUNK, HIDDEN), jnp.float32),
        pltpu.VMEM((CHUNK, HIDDEN), jnp.float32),
        pltpu.VMEM((CHUNK, HIDDEN), jnp.float32),
        pltpu.VMEM((CHUNK,), jnp.float32),
        pltpu.VMEM((CHUNK,), jnp.float32),
        pltpu.VMEM((HIDDEN * LANES,), jnp.float32),
        pltpu.VMEM((LANES,), jnp.float32),
        pltpu.SemaphoreType.DMA,
        pltpu.SemaphoreType.DMA,
        pltpu.SemaphoreType.DMA,
        pltpu.SemaphoreType.DMA,
        pltpu.SemaphoreType.DMA,
        pltpu.SemaphoreType.DMA,
    ],
)
def _decode(ta_hbm, tb_hbm, src_hbm, dst_hbm, w2_hbm, b2_hbm, out_hbm,
            si0, di0, si1, di1, a0, b0, a1, b1v_, o0, o1, w2_v, b2_v,
            sem_i0, sem_i1, sem_g0, sem_g1, sem_o0, sem_o1):
    wid = lax.axis_index("s") * NC + lax.axis_index("c")
    base = wid * EDGES_PER_W
    pltpu.sync_copy(w2_hbm, w2_v)
    pltpu.sync_copy(b2_hbm, b2_v)
    lane = lax.iota(jnp.int32, LANES)

    bufs = [
        dict(si=si0, di=di0, a=a0, b=b0, o=o0,
             sem_i=sem_i0, sem_g=sem_g0, sem_o=sem_o0),
        dict(si=si1, di=di1, a=a1, b=b1v_, o=o1,
             sem_i=sem_i1, sem_g=sem_g1, sem_o=sem_o1),
    ]

    def off_of(c):
        return pl.multiple_of(base + c * CHUNK, 8)

    def idx_fetch(c, bf, start):
        off = off_of(c)
        for hbm, ref in ((src_hbm, bf["si"]), (dst_hbm, bf["di"])):
            cp = pltpu.make_async_copy(hbm.at[pl.ds(off, CHUNK)], ref,
                                       bf["sem_i"])
            cp.start() if start else cp.wait()

    def gathers(bf, start):
        for off, size in SUB_SPLITS:
            sl = pl.ds(off, size)
            for hbm, idx, ref in ((ta_hbm, bf["si"], bf["a"]),
                                  (tb_hbm, bf["di"], bf["b"])):
                cp = pltpu.make_async_copy(hbm.at[idx.at[sl]], ref.at[sl],
                                           bf["sem_g"])
                cp.start() if start else cp.wait()

    def out_copy(c, bf, start):
        off = off_of(c)
        cp = pltpu.make_async_copy(bf["o"], out_hbm.at[pl.ds(off, CHUNK)],
                                   bf["sem_o"])
        cp.start() if start else cp.wait()

    def compute(bf):
        def group_body(g, carry):
            rows = lane + g * LANES
            acc = b2_v[...]
            for k in range(HIDDEN):
                cols = (lane + k) & (HIDDEN - 1)
                wv = w2_v[pl.ds(k * LANES, LANES)]
                av = plsc.load_gather(bf["a"], [rows, cols])
                bv = plsc.load_gather(bf["b"], [rows, cols])
                acc = acc + jnp.maximum(av + bv, 0.0) * wv
            bf["o"][pl.ds(pl.multiple_of(g * LANES, 8), LANES)] = acc
            return carry

        lax.fori_loop(0, GROUPS, group_body, 0)

    idx_fetch(0, bufs[0], True)
    idx_fetch(0, bufs[0], False)
    gathers(bufs[0], True)
    idx_fetch(1, bufs[1], True)

    def half(c, par):
        cur, nxt = bufs[par], bufs[1 - par]

        gathers(cur, False)

        @pl.when(c + 1 < N_CHUNKS)
        def _():
            idx_fetch(c + 1, nxt, False)
            gathers(nxt, True)

        @pl.when(c + 2 < N_CHUNKS)
        def _():
            idx_fetch(c + 2, cur, True)

        @pl.when(c >= 2)
        def _():
            out_copy(c - 2, cur, False)

        compute(cur)
        out_copy(c, cur, True)

    def pair_body(t, carry):
        c = t * 2
        half(c, 0)

        @pl.when(c + 1 < N_CHUNKS)
        def _():
            half(c + 1, 1)
        return carry

    lax.fori_loop(0, (N_CHUNKS + 1) // 2, pair_body, 0)

    out_copy(N_CHUNKS - 2, bufs[(N_CHUNKS - 2) % 2], False)
    out_copy(N_CHUNKS - 1, bufs[(N_CHUNKS - 1) % 2], False)


def kernel(node_embeddings, edge_index, W1, b1, W2, b2):
    ei = edge_index.astype(jnp.int32)
    ta, tb = _project(node_embeddings, W1[:IN_CHANNELS], W1[IN_CHANNELS:],
                      b1.reshape(1, HIDDEN))
    kk = jnp.arange(HIDDEN, dtype=jnp.int32)[:, None]
    ll = jnp.arange(LANES, dtype=jnp.int32)[None, :]
    w2rot = W2.reshape(HIDDEN)[(kk + ll) % HIDDEN].reshape(HIDDEN * LANES)
    b2v = jnp.broadcast_to(b2.reshape(()), (LANES,))
    out = _decode(ta, tb, ei[0], ei[1], w2rot, b2v)
    return out.reshape(N_EDGES, 1)

# --- scband reference (transcript-rebuilt; emitter-appended) ---
"""Pipeline reference for scband-link-weight-decoder-13142599925966 (READ-ONLY COPY).

The authoritative reference and input builder live on the scoring server;
editing this copy changes nothing except your own understanding.
"""

import jax, jax.numpy as jnp
import numpy as np

IN_CHANNELS = 128
HIDDEN = 64
N_NODES = 10000
N_EDGES = 320000


def setup_inputs(seed: int = 0) -> dict:
    key = jax.random.key(seed)
    k1, k2, k3, k4, k5, k6 = jax.random.split(key, 6)
    node_embeddings = jax.random.normal(k1, (N_NODES, IN_CHANNELS), dtype=jnp.float32)
    edge_index = jax.random.randint(k2, (2, N_EDGES), 0, N_NODES, dtype=jnp.int64)
    in_dim = 2 * IN_CHANNELS
    # Linear 1: (2*in_channels -> 64), PyTorch default init scale ~ 1/sqrt(fan_in)
    lim1 = 1.0 / np.sqrt(in_dim)
    W1 = jax.random.uniform(k3, (in_dim, HIDDEN), minval=-lim1, maxval=lim1, dtype=jnp.float32)
    b1 = jax.random.uniform(k4, (HIDDEN,), minval=-lim1, maxval=lim1, dtype=jnp.float32)
    # Final Linear: (64 -> 1)
    lim2 = 1.0 / np.sqrt(HIDDEN)
    W2 = jax.random.uniform(k5, (HIDDEN, 1), minval=-lim2, maxval=lim2, dtype=jnp.float32)
    b2 = jax.random.uniform(k6, (1,), minval=-lim2, maxval=lim2, dtype=jnp.float32)
    return {"node_embeddings": node_embeddings, "edge_index": edge_index,
            "W1": W1, "b1": b1, "W2": W2, "b2": b2}


def reference(node_embeddings, edge_index, W1, b1, W2, b2):
    src = jnp.take(node_embeddings, edge_index[0], axis=0)
    dst = jnp.take(node_embeddings, edge_index[1], axis=0)
    node_pair_embedding = jnp.concatenate([src, dst], axis=1)
    h = jax.nn.relu(node_pair_embedding @ W1 + b1)
    out = h @ W2 + b2
    return out

if __name__ == "__main__":
    import jax
    _d = setup_inputs()
    print(jax.jit(kernel)(*tuple(_d.values())))

</pallas_src>

<mosaic_0001>
#map = affine_map<(d0, d1) -> (0, 0)>
#map1 = affine_map<(d0, d1) -> (0)>
module attributes {stable_mosaic.version = 14 : i64} {
  func.func @_decode(%arg0: i32, %arg1: i32, %arg2: memref<10000x64xf32, #tpu.memory_space<hbm>>, %arg3: memref<10000x64xf32, #tpu.memory_space<hbm>>, %arg4: memref<320000xi32, #tpu.memory_space<hbm>>, %arg5: memref<320000xi32, #tpu.memory_space<hbm>>, %arg6: memref<1024xf32, #tpu.memory_space<hbm>>, %arg7: memref<16xf32, #tpu.memory_space<hbm>>, %arg8: memref<320000xf32, #tpu.memory_space<hbm>>, %arg9: memref<400xi32, #tpu.memory_space<vmem>>, %arg10: memref<400xi32, #tpu.memory_space<vmem>>, %arg11: memref<400xi32, #tpu.memory_space<vmem>>, %arg12: memref<400xi32, #tpu.memory_space<vmem>>, %arg13: memref<400x64xf32, #tpu.memory_space<vmem>>, %arg14: memref<400x64xf32, #tpu.memory_space<vmem>>, %arg15: memref<400x64xf32, #tpu.memory_space<vmem>>, %arg16: memref<400x64xf32, #tpu.memory_space<vmem>>, %arg17: memref<400xf32, #tpu.memory_space<vmem>>, %arg18: memref<400xf32, #tpu.memory_space<vmem>>, %arg19: memref<1024xf32, #tpu.memory_space<vmem>>, %arg20: memref<16xf32, #tpu.memory_space<vmem>>, %arg21: memref<!tpu.dma_semaphore, #tpu.memory_space<semaphore_mem>>, %arg22: memref<!tpu.dma_semaphore, #tpu.memory_space<semaphore_mem>>, %arg23: memref<!tpu.dma_semaphore, #tpu.memory_space<semaphore_mem>>, %arg24: memref<!tpu.dma_semaphore, #tpu.memory_space<semaphore_mem>>, %arg25: memref<!tpu.dma_semaphore, #tpu.memory_space<semaphore_mem>>, %arg26: memref<!tpu.dma_semaphore, #tpu.memory_space<semaphore_mem>>) attributes {dimension_semantics = [#tpu.dimension_semantics<core_parallel>, #tpu.dimension_semantics<subcore_parallel>], iteration_bounds = array<i64: 2, 16>, scalar_prefetch = 0 : i64, scratch_operands = 18 : i64, tpu.core_type = #tpu.core_type<sc_vector_subcore>, window_params = [{transform_indices = #map}, {transform_indices = #map}, {transform_indices = #map1}, {transform_indices = #map1}, {transform_indices = #map1}, {transform_indices = #map1}, {transform_indices = #map1}]} {
    %mul3A = arith.constant 2 : i32
    %mul3A_0 = arith.muli %arg1, %mul3A : i32
    %add3A = arith.addi %mul3A_0, %arg0 : i32
    %mul3A_1 = arith.constant 10000 : i32
    %mul3A_2 = arith.muli %add3A, %mul3A_1 : i32
    "tpu.region"() ({
      %run_scoped3A = tpu.sem_alloc : memref<!tpu.dma_semaphore, #tpu.memory_space<semaphore_mem>>
      tpu.enqueue_dma source(%arg6 : memref<1024xf32, #tpu.memory_space<hbm>>) target(%arg19 : memref<1024xf32, #tpu.memory_space<vmem>>) target_semaphore(%run_scoped3A : memref<!tpu.dma_semaphore, #tpu.memory_space<semaphore_mem>>)
      tpu.wait_dma2 semaphore(%run_scoped3A : memref<!tpu.dma_semaphore, #tpu.memory_space<semaphore_mem>>) src(%arg6 : memref<1024xf32, #tpu.memory_space<hbm>>) dst(%arg19 : memref<1024xf32, #tpu.memory_space<vmem>>)
      tpu.yield
    }) : () -> ()
    "tpu.region"() ({
      %run_scoped3A = tpu.sem_alloc : memref<!tpu.dma_semaphore, #tpu.memory_space<semaphore_mem>>
      tpu.enqueue_dma source(%arg7 : memref<16xf32, #tpu.memory_space<hbm>>) target(%arg20 : memref<16xf32, #tpu.memory_space<vmem>>) target_semaphore(%run_scoped3A : memref<!tpu.dma_semaphore, #tpu.memory_space<semaphore_mem>>)
      tpu.wait_dma2 semaphore(%run_scoped3A : memref<!tpu.dma_semaphore, #tpu.memory_space<semaphore_mem>>) src(%arg7 : memref<16xf32, #tpu.memory_space<hbm>>) dst(%arg20 : memref<16xf32, #tpu.memory_space<vmem>>)
      tpu.yield
    }) : () -> ()
    %iota3A = tpu.iota {dimensions = array<i32: 0>} : vector<16xi32>
    %add3A_3 = arith.constant 0 : i32
    %add3A_4 = arith.addi %mul3A_2, %add3A_3 : i32
    %multiple_of3A = tpu.assume_multiple %add3A_4, 8 : i32
    %dma_start3A = tpu.memref_slice %arg4[%multiple_of3A] : memref<320000xi32, #tpu.memory_space<hbm>> -> memref<400xi32, #tpu.memory_space<hbm>>
    %dma_start3A_5 = tpu.memref_slice %arg4[%multiple_of3A] : memref<320000xi32, #tpu.memory_space<hbm>> -> memref<400xi32, #tpu.memory_space<hbm>>
    tpu.enqueue_dma source(%dma_start3A_5 : memref<400xi32, #tpu.memory_space<hbm>>) target(%arg9 : memref<400xi32, #tpu.memory_space<vmem>>) target_semaphore(%arg21 : memref<!tpu.dma_semaphore, #tpu.memory_space<semaphore_mem>>)
    %dma_start3A_6 = tpu.memref_slice %arg5[%multiple_of3A] : memref<320000xi32, #tpu.memory_space<hbm>> -> memref<400xi32, #tpu.memory_space<hbm>>
    %dma_start3A_7 = tpu.memref_slice %arg5[%multiple_of3A] : memref<320000xi32, #tpu.memory_space<hbm>> -> memref<400xi32, #tpu.memory_space<hbm>>
    tpu.enqueue_dma source(%dma_start3A_7 : memref<400xi32, #tpu.memory_space<hbm>>) target(%arg10 : memref<400xi32, #tpu.memory_space<vmem>>) target_semaphore(%arg21 : memref<!tpu.dma_semaphore, #tpu.memory_space<semaphore_mem>>)
    %add3A_8 = arith.constant 0 : i32
    %add3A_9 = arith.addi %mul3A_2, %add3A_8 : i32
    %multiple_of3A_10 = tpu.assume_multiple %add3A_9, 8 : i32
    %dma_wait3A = tpu.memref_slice %arg4[%multiple_of3A_10] : memref<320000xi32, #tpu.memory_space<hbm>> -> memref<400xi32, #tpu.memory_space<hbm>>
    %dma_wait3A_11 = tpu.memref_slice %arg4[%multiple_of3A_10] : memref<320000xi32, #tpu.memory_space<hbm>> -> memref<400xi32, #tpu.memory_space<hbm>>
    tpu.wait_dma2 semaphore(%arg21 : memref<!tpu.dma_semaphore, #tpu.memory_space<semaphore_mem>>) src(%dma_wait3A_11 : memref<400xi32, #tpu.memory_space<hbm>>) dst(%arg9 : memref<400xi32, #tpu.memory_space<vmem>>)
    %dma_wait3A_12 = tpu.memref_slice %arg5[%multiple_of3A_10] : memref<320000xi32, #tpu.memory_space<hbm>> -> memref<400xi32, #tpu.memory_space<hbm>>
    %dma_wait3A_13 = tpu.memref_slice %arg5[%multiple_of3A_10] : memref<320000xi32, #tpu.memory_space<hbm>> -> memref<400xi32, #tpu.memory_space<hbm>>
    tpu.wait_dma2 semaphore(%arg21 : memref<!tpu.dma_semaphore, #tpu.memory_space<semaphore_mem>>) src(%dma_wait3A_13 : memref<400xi32, #tpu.memory_space<hbm>>) dst(%arg10 : memref<400xi32, #tpu.memory_space<vmem>>)
    %dma_start3A_14 = arith.constant 0 : i32
    %dma_start3A_15 = arith.constant 0 : i32
    %dma_start3A_16 = tpu.memref_slice %arg13[%dma_start3A_14, %dma_start3A_15] : memref<400x64xf32, #tpu.memory_space<vmem>> -> memref<128x64xf32, #tpu.memory_space<vmem>>
    %dma_start3A_17 = arith.constant 0 : i32
    %dma_start3A_18 = tpu.memref_slice %arg9[%dma_start3A_17] : memref<400xi32, #tpu.memory_space<vmem>> -> memref<128xi32, #tpu.memory_space<vmem>>
    %dma_start3A_19 = arith.constant 0 : i32
    %dma_start3A_20 = arith.constant 0 : i32
    %dma_start3A_21 = tpu.memref_slice %arg2[%dma_start3A_19, %dma_start3A_20] : memref<10000x64xf32, #tpu.memory_space<hbm>> -> memref<10000x64xf32, #tpu.memory_space<hbm>>
    tpu.enqueue_indirect_dma source(%dma_start3A_21 : memref<10000x64xf32, #tpu.memory_space<hbm>>) target(%dma_start3A_16 : memref<128x64xf32, #tpu.memory_space<vmem>>) offsets(%dma_start3A_18 : memref<128xi32, #tpu.memory_space<vmem>>) semaphore(%arg23 : memref<!tpu.dma_semaphore, #tpu.memory_space<semaphore_mem>>)
    %dma_start3A_22 = arith.constant 0 : i32
    %dma_start3A_23 = arith.constant 0 : i32
    %dma_start3A_24 = tpu.memref_slice %arg14[%dma_start3A_22, %dma_start3A_23] : memref<400x64xf32, #tpu.memory_space<vmem>> -> memref<128x64xf32, #tpu.memory_space<vmem>>
    %dma_start3A_25 = arith.constant 0 : i32
    %dma_start3A_26 = tpu.memref_slice %arg10[%dma_start3A_25] : memref<400xi32, #tpu.memory_space<vmem>> -> memref<128xi32, #tpu.memory_space<vmem>>
    %dma_start3A_27 = arith.constant 0 : i32
    %dma_start3A_28 = arith.constant 0 : i32
    %dma_start3A_29 = tpu.memref_slice %arg3[%dma_start3A_27, %dma_start3A_28] : memref<10000x64xf32, #tpu.memory_space<hbm>> -> memref<10000x64xf32, #tpu.memory_space<hbm>>
    tpu.enqueue_indirect_dma source(%dma_start3A_29 : memref<10000x64xf32, #tpu.memory_space<hbm>>) target(%dma_start3A_24 : memref<128x64xf32, #tpu.memory_space<vmem>>) offsets(%dma_start3A_26 : memref<128xi32, #tpu.memory_space<vmem>>) semaphore(%arg23 : memref<!tpu.dma_semaphore, #tpu.memory_space<semaphore_mem>>)
    %dma_start3A_30 = arith.constant 128 : i32
    %dma_start3A_31 = arith.constant 0 : i32
    %dma_start3A_32 = tpu.memref_slice %arg13[%dma_start3A_30, %dma_start3A_31] : memref<400x64xf32, #tpu.memory_space<vmem>> -> memref<128x64xf32, #tpu.memory_space<vmem>>
    %dma_start3A_33 = arith.constant 128 : i32
    %dma_start3A_34 = tpu.memref_slice %arg9[%dma_start3A_33] : memref<400xi32, #tpu.memory_space<vmem>> -> memref<128xi32, #tpu.memory_space<vmem>>
    %dma_start3A_35 = arith.constant 0 : i32
    %dma_start3A_36 = arith.constant 0 : i32
    %dma_start3A_37 = tpu.memref_slice %arg2[%dma_start3A_35, %dma_start3A_36] : memref<10000x64xf32, #tpu.memory_space<hbm>> -> memref<10000x64xf32, #tpu.memory_space<hbm>>
    tpu.enqueue_indirect_dma source(%dma_start3A_37 : memref<10000x64xf32, #tpu.memory_space<hbm>>) target(%dma_start3A_32 : memref<128x64xf32, #tpu.memory_space<vmem>>) offsets(%dma_start3A_34 : memref<128xi32, #tpu.memory_space<vmem>>) semaphore(%arg23 : memref<!tpu.dma_semaphore, #tpu.memory_space<semaphore_mem>>)
    %dma_start3A_38 = arith.constant 128 : i32
    %dma_start3A_39 = arith.constant 0 : i32
    %dma_start3A_40 = tpu.memref_slice %arg14[%dma_start3A_38, %dma_start3A_39] : memref<400x64xf32, #tpu.memory_space<vmem>> -> memref<128x64xf32, #tpu.memory_space<vmem>>
    %dma_start3A_41 = arith.constant 128 : i32
    %dma_start3A_42 = tpu.memref_slice %arg10[%dma_start3A_41] : memref<400xi32, #tpu.memory_space<vmem>> -> memref<128xi32, #tpu.memory_space<vmem>>
    %dma_start3A_43 = arith.constant 0 : i32
    %dma_start3A_44 = arith.constant 0 : i32
    %dma_start3A_45 = tpu.memref_slice %arg3[%dma_start3A_43, %dma_start3A_44] : memref<10000x64xf32, #tpu.memory_space<hbm>> -> memref<10000x64xf32, #tpu.memory_space<hbm>>
    tpu.enqueue_indirect_dma source(%dma_start3A_45 : memref<10000x64xf32, #tpu.memory_space<hbm>>) target(%dma_start3A_40 : memref<128x64xf32, #tpu.memory_space<vmem>>) offsets(%dma_start3A_42 : memref<128xi32, #tpu.memory_space<vmem>>) semaphore(%arg23 : memref<!tpu.dma_semaphore, #tpu.memory_space<semaphore_mem>>)
    %dma_start3A_46 = arith.constant 256 : i32
    %dma_start3A_47 = arith.constant 0 : i32
    %dma_start3A_48 = tpu.memref_slice %arg13[%dma_start3A_46, %dma_start3A_47] : memref<400x64xf32, #tpu.memory_space<vmem>> -> memref<128x64xf32, #tpu.memory_space<vmem>>
    %dma_start3A_49 = arith.constant 256 : i32
    %dma_start3A_50 = tpu.memref_slice %arg9[%dma_start3A_49] : memref<400xi32, #tpu.memory_space<vmem>> -> memref<128xi32, #tpu.memory_space<vmem>>
    %dma_start3A_51 = arith.constant 0 : i32
    %dma_start3A_52 = arith.constant 0 : i32
    %dma_start3A_53 = tpu.memref_slice %arg2[%dma_start3A_51, %dma_start3A_52] : memref<10000x64xf32, #tpu.memory_space<hbm>> -> memref<10000x64xf32, #tpu.memory_space<hbm>>
    tpu.enqueue_indirect_dma source(%dma_start3A_53 : memref<10000x64xf32, #tpu.memory_space<hbm>>) target(%dma_start3A_48 : memref<128x64xf32, #tpu.memory_space<vmem>>) offsets(%dma_start3A_50 : memref<128xi32, #tpu.memory_space<vmem>>) semaphore(%arg23 : memref<!tpu.dma_semaphore, #tpu.memory_space<semaphore_mem>>)
    %dma_start3A_54 = arith.constant 256 : i32
    %dma_start3A_55 = arith.constant 0 : i32
    %dma_start3A_56 = tpu.memref_slice %arg14[%dma_start3A_54, %dma_start3A_55] : memref<400x64xf32, #tpu.memory_space<vmem>> -> memref<128x64xf32, #tpu.memory_space<vmem>>
    %dma_start3A_57 = arith.constant 256 : i32
    %dma_start3A_58 = tpu.memref_slice %arg10[%dma_start3A_57] : memref<400xi32, #tpu.memory_space<vmem>> -> memref<128xi32, #tpu.memory_space<vmem>>
    %dma_start3A_59 = arith.constant 0 : i32
    %dma_start3A_60 = arith.constant 0 : i32
    %dma_start3A_61 = tpu.memref_slice %arg3[%dma_start3A_59, %dma_start3A_60] : memref<10000x64xf32, #tpu.memory_space<hbm>> -> memref<10000x64xf32, #tpu.memory_space<hbm>>
    tpu.enqueue_indirect_dma source(%dma_start3A_61 : memref<10000x64xf32, #tpu.memory_space<hbm>>) target(%dma_start3A_56 : memref<128x64xf32, #tpu.memory_space<vmem>>) offsets(%dma_start3A_58 : memref<128xi32, #tpu.memory_space<vmem>>) semaphore(%arg23 : memref<!tpu.dma_semaphore, #tpu.memory_space<semaphore_mem>>)
    %dma_start3A_62 = arith.constant 384 : i32
    %dma_start3A_63 = arith.constant 0 : i32
    %dma_start3A_64 = tpu.memref_slice %arg13[%dma_start3A_62, %dma_start3A_63] : memref<400x64xf32, #tpu.memory_space<vmem>> -> memref<16x64xf32, #tpu.memory_space<vmem>>
    %dma_start3A_65 = arith.constant 384 : i32
    %dma_start3A_66 = tpu.memref_slice %arg9[%dma_start3A_65] : memref<400xi32, #tpu.memory_space<vmem>> -> memref<16xi32, #tpu.memory_space<vmem>>
    %dma_start3A_67 = arith.constant 0 : i32
    %dma_start3A_68 = arith.constant 0 : i32
    %dma_start3A_69 = tpu.memref_slice %arg2[%dma_start3A_67, %dma_start3A_68] : memref<10000x64xf32, #tpu.memory_space<hbm>> -> memref<10000x64xf32, #tpu.memory_space<hbm>>
    tpu.enqueue_indirect_dma source(%dma_start3A_69 : memref<10000x64xf32, #tpu.memory_space<hbm>>) target(%dma_start3A_64 : memref<16x64xf32, #tpu.memory_space<vmem>>) offsets(%dma_start3A_66 : memref<16xi32, #tpu.memory_space<vmem>>) semaphore(%arg23 : memref<!tpu.dma_semaphore, #tpu.memory_space<semaphore_mem>>)
    %dma_start3A_70 = arith.constant 384 : i32
    %dma_start3A_71 = arith.constant 0 : i32
    %dma_start3A_72 = tpu.memref_slice %arg14[%dma_start3A_70, %dma_start3A_71] : memref<400x64xf32, #tpu.memory_space<vmem>> -> memref<16x64xf32, #tpu.memory_space<vmem>>
    %dma_start3A_73 = arith.constant 384 : i32
    %dma_start3A_74 = tpu.memref_slice %arg10[%dma_start3A_73] : memref<400xi32, #tpu.memory_space<vmem>> -> memref<16xi32, #tpu.memory_space<vmem>>
    %dma_start3A_75 = arith.constant 0 : i32
    %dma_start3A_76 = arith.constant 0 : i32
    %dma_start3A_77 = tpu.memref_slice %arg3[%dma_start3A_75, %dma_start3A_76] : memref<10000x64xf32, #tpu.memory_space<hbm>> -> memref<10000x64xf32, #tpu.memory_space<hbm>>
    tpu.enqueue_indirect_dma source(%dma_start3A_77 : memref<10000x64xf32, #tpu.memory_space<hbm>>) target(%dma_start3A_72 : memref<16x64xf32, #tpu.memory_space<vmem>>) offsets(%dma_start3A_74 : memref<16xi32, #tpu.memory_space<vmem>>) semaphore(%arg23 : memref<!tpu.dma_semaphore, #tpu.memory_space<semaphore_mem>>)
    %add3A_78 = arith.constant 400 : i32
    %add3A_79 = arith.addi %mul3A_2, %add3A_78 : i32
    %multiple_of3A_80 = tpu.assume_multiple %add3A_79, 8 : i32
    %dma_start3A_81 = tpu.memref_slice %arg4[%multiple_of3A_80] : memref<320000xi32, #tpu.memory_space<hbm>> -> memref<400xi32, #tpu.memory_space<hbm>>
    %dma_start3A_82 = tpu.memref_slice %arg4[%multiple_of3A_80] : memref<320000xi32, #tpu.memory_space<hbm>> -> memref<400xi32, #tpu.memory_space<hbm>>
    tpu.enqueue_dma source(%dma_start3A_82 : memref<400xi32, #tpu.memory_space<hbm>>) target(%arg11 : memref<400xi32, #tpu.memory_space<vmem>>) target_semaphore(%arg22 : memref<!tpu.dma_semaphore, #tpu.memory_space<semaphore_mem>>)
    %dma_start3A_83 = tpu.memref_slice %arg5[%multiple_of3A_80] : memref<320000xi32, #tpu.memory_space<hbm>> -> memref<400xi32, #tpu.memory_space<hbm>>
    %dma_start3A_84 = tpu.memref_slice %arg5[%multiple_of3A_80] : memref<320000xi32, #tpu.memory_space<hbm>> -> memref<400xi32, #tpu.memory_space<hbm>>
    tpu.enqueue_dma source(%dma_start3A_84 : memref<400xi32, #tpu.memory_space<hbm>>) target(%arg12 : memref<400xi32, #tpu.memory_space<vmem>>) target_semaphore(%arg22 : memref<!tpu.dma_semaphore, #tpu.memory_space<semaphore_mem>>)
    %scan3A = arith.constant 0 : i32
    %scan3A_85 = arith.constant 0 : i32
    %scan3A_86 = arith.constant 13 : i32
    %scan3A_87 = arith.addi %scan3A_85, %scan3A_86 : i32
    %scan3A_88 = arith.constant 1 : i32
    scf.for %scan3A_100 = %scan3A_85 to %scan3A_87 step %scan3A_88  : i32 {
      %mul3A_101 = arith.constant 2 : i32
      %mul3A_102 = arith.muli %scan3A_100, %mul3A_101 : i32
      %dma_wait3A_103 = arith.constant 0 : i32
      %dma_wait3A_104 = arith.constant 0 : i32
      %dma_wait3A_105 = tpu.memref_slice %arg13[%dma_wait3A_103, %dma_wait3A_104] : memref<400x64xf32, #tpu.memory_space<vmem>> -> memref<128x64xf32, #tpu.memory_space<vmem>>
      %dma_wait3A_106 = arith.constant 0 : i32
      %dma_wait3A_107 = tpu.memref_slice %arg9[%dma_wait3A_106] : memref<400xi32, #tpu.memory_space<vmem>> -> memref<128xi32, #tpu.memory_space<vmem>>
      %dma_wait3A_108 = arith.constant 0 : i32
      %dma_wait3A_109 = arith.constant 0 : i32
      %dma_wait3A_110 = tpu.memref_slice %arg2[%dma_wait3A_108, %dma_wait3A_109] : memref<10000x64xf32, #tpu.memory_space<hbm>> -> memref<10000x64xf32, #tpu.memory_space<hbm>>
      tpu.wait_indirect_dma semaphore(%arg23 : memref<!tpu.dma_semaphore, #tpu.memory_space<semaphore_mem>>) src(%dma_wait3A_110 : memref<10000x64xf32, #tpu.memory_space<hbm>>) dst(%dma_wait3A_105 : memref<128x64xf32, #tpu.memory_space<vmem>>)
      %dma_wait3A_111 = arith.constant 0 : i32
      %dma_wait3A_112 = arith.constant 0 : i32
      %dma_wait3A_113 = tpu.memref_slice %arg14[%dma_wait3A_111, %dma_wait3A_112] : memref<400x64xf32, #tpu.memory_space<vmem>> -> memref<128x64xf32, #tpu.memory_space<vmem>>
      %dma_wait3A_114 = arith.constant 0 : i32
      %dma_wait3A_115 = tpu.memref_slice %arg10[%dma_wait3A_114] : memref<400xi32, #tpu.memory_space<vmem>> -> memref<128xi32, #tpu.memory_space<vmem>>
      %dma_wait3A_116 = arith.constant 0 : i32
      %dma_wait3A_117 = arith.constant 0 : i32
      %dma_wait3A_118 = tpu.memref_slice %arg3[%dma_wait3A_116, %dma_wait3A_117] : memref<10000x64xf32, #tpu.memory_space<hbm>> -> memref<10000x64xf32, #tpu.memory_space<hbm>>
      tpu.wait_indirect_dma semaphore(%arg23 : memref<!tpu.dma_semaphore, #tpu.memory_space<semaphore_mem>>) src(%dma_wait3A_118 : memref<10000x64xf32, #tpu.memory_space<hbm>>) dst(%dma_wait3A_113 : memref<128x64xf32, #tpu.memory_space<vmem>>)
      %dma_wait3A_119 = arith.constant 128 : i32
      %dma_wait3A_120 = arith.constant 0 : i32
      %dma_wait3A_121 = tpu.memref_slice %arg13[%dma_wait3A_119, %dma_wait3A_120] : memref<400x64xf32, #tpu.memory_space<vmem>> -> memref<128x64xf32, #tpu.memory_space<vmem>>
      %dma_wait3A_122 = arith.constant 128 : i32
      %dma_wait3A_123 = tpu.memref_slice %arg9[%dma_wait3A_122] : memref<400xi32, #tpu.memory_space<vmem>> -> memref<128xi32, #tpu.memory_space<vmem>>
      %dma_wait3A_124 = arith.constant 0 : i32
      %dma_wait3A_125 = arith.constant 0 : i32
      %dma_wait3A_126 = tpu.memref_slice %arg2[%dma_wait3A_124, %dma_wait3A_125] : memref<10000x64xf32, #tpu.memory_space<hbm>> -> memref<10000x64xf32, #tpu.memory_space<hbm>>
      tpu.wait_indirect_dma semaphore(%arg23 : memref<!tpu.dma_semaphore, #tpu.memory_space<semaphore_mem>>) src(%dma_wait3A_126 : memref<10000x64xf32, #tpu.memory_space<hbm>>) dst(%dma_wait3A_121 : memref<128x64xf32, #tpu.memory_space<vmem>>)
      %dma_wait3A_127 = arith.constant 128 : i32
      %dma_wait3A_128 = arith.constant 0 : i32
      %dma_wait3A_129 = tpu.memref_slice %arg14[%dma_wait3A_127, %dma_wait3A_128] : memref<400x64xf32, #tpu.memory_space<vmem>> -> memref<128x64xf32, #tpu.memory_space<vmem>>
      %dma_wait3A_130 = arith.constant 128 : i32
      %dma_wait3A_131 = tpu.memref_slice %arg10[%dma_wait3A_130] : memref<400xi32, #tpu.memory_space<vmem>> -> memref<128xi32, #tpu.memory_space<vmem>>
      %dma_wait3A_132 = arith.constant 0 : i32
      %dma_wait3A_133 = arith.constant 0 : i32
      %dma_wait3A_134 = tpu.memref_slice %arg3[%dma_wait3A_132, %dma_wait3A_133] : memref<10000x64xf32, #tpu.memory_space<hbm>> -> memref<10000x64xf32, #tpu.memory_space<hbm>>
      tpu.wait_indirect_dma semaphore(%arg23 : memref<!tpu.dma_semaphore, #tpu.memory_space<semaphore_mem>>) src(%dma_wait3A_134 : memref<10000x64xf32, #tpu.memory_space<hbm>>) dst(%dma_wait3A_129 : memref<128x64xf32, #tpu.memory_space<vmem>>)
      %dma_wait3A_135 = arith.constant 256 : i32
      %dma_wait3A_136 = arith.constant 0 : i32
      %dma_wait3A_137 = tpu.memref_slice %arg13[%dma_wait3A_135, %dma_wait3A_136] : memref<400x64xf32, #tpu.memory_space<vmem>> -> memref<128x64xf32, #tpu.memory_space<vmem>>
      %dma_wait3A_138 = arith.constant 256 : i32
      %dma_wait3A_139 = tpu.memref_slice %arg9[%dma_wait3A_138] : memref<400xi32, #tpu.memory_space<vmem>> -> memref<128xi32, #tpu.memory_space<vmem>>
      %dma_wait3A_140 = arith.constant 0 : i32
      %dma_wait3A_141 = arith.constant 0 : i32
      %dma_wait3A_142 = tpu.memref_slice %arg2[%dma_wait3A_140, %dma_wait3A_141] : memref<10000x64xf32, #tpu.memory_space<hbm>> -> memref<10000x64xf32, #tpu.memory_space<hbm>>
      tpu.wait_indirect_dma semaphore(%arg23 : memref<!tpu.dma_semaphore, #tpu.memory_space<semaphore_mem>>) src(%dma_wait3A_142 : memref<10000x64xf32, #tpu.memory_space<hbm>>) dst(%dma_wait3A_137 : memref<128x64xf32, #tpu.memory_space<vmem>>)
      %dma_wait3A_143 = arith.constant 256 : i32
      %dma_wait3A_144 = arith.constant 0 : i32
      %dma_wait3A_145 = tpu.memref_slice %arg14[%dma_wait3A_143, %dma_wait3A_144] : memref<400x64xf32, #tpu.memory_space<vmem>> -> memref<128x64xf32, #tpu.memory_space<vmem>>
      %dma_wait3A_146 = arith.constant 256 : i32
      %dma_wait3A_147 = tpu.memref_slice %arg10[%dma_wait3A_146] : memref<400xi32, #tpu.memory_space<vmem>> -> memref<128xi32, #tpu.memory_space<vmem>>
      %dma_wait3A_148 = arith.constant 0 : i32
      %dma_wait3A_149 = arith.constant 0 : i32
      %dma_wait3A_150 = tpu.memref_slice %arg3[%dma_wait3A_148, %dma_wait3A_149] : memref<10000x64xf32, #tpu.memory_space<hbm>> -> memref<10000x64xf32, #tpu.memory_space<hbm>>
      tpu.wait_indirect_dma semaphore(%arg23 : memref<!tpu.dma_semaphore, #tpu.memory_space<semaphore_mem>>) src(%dma_wait3A_150 : memref<10000x64xf32, #tpu.memory_space<hbm>>) dst(%dma_wait3A_145 : memref<128x64xf32, #tpu.memory_space<vmem>>)
      %dma_wait3A_151 = arith.constant 384 : i32
      %dma_wait3A_152 = arith.constant 0 : i32
      %dma_wait3A_153 = tpu.memref_slice %arg13[%dma_wait3A_151, %dma_wait3A_152] : memref<400x64xf32, #tpu.memory_space<vmem>> -> memref<16x64xf32, #tpu.memory_space<vmem>>
      %dma_wait3A_154 = arith.constant 384 : i32
      %dma_wait3A_155 = tpu.memref_slice %arg9[%dma_wait3A_154] : memref<400xi32, #tpu.memory_space<vmem>> -> memref<16xi32, #tpu.memory_space<vmem>>
      %dma_wait3A_156 = arith.constant 0 : i32
      %dma_wait3A_157 = arith.constant 0 : i32
      %dma_wait3A_158 = tpu.memref_slice %arg2[%dma_wait3A_156, %dma_wait3A_157] : memref<10000x64xf32, #tpu.memory_space<hbm>> -> memref<10000x64xf32, #tpu.memory_space<hbm>>
      tpu.wait_indirect_dma semaphore(%arg23 : memref<!tpu.dma_semaphore, #tpu.memory_space<semaphore_mem>>) src(%dma_wait3A_158 : memref<10000x64xf32, #tpu.memory_space<hbm>>) dst(%dma_wait3A_153 : memref<16x64xf32, #tpu.memory_space<vmem>>)
      %dma_wait3A_159 = arith.constant 384 : i32
      %dma_wait3A_160 = arith.constant 0 : i32
      %dma_wait3A_161 = tpu.memref_slice %arg14[%dma_wait3A_159, %dma_wait3A_160] : memref<400x64xf32, #tpu.memory_space<vmem>> -> memref<16x64xf32, #tpu.memory_space<vmem>>
      %dma_wait3A_162 = arith.constant 384 : i32
      %dma_wait3A_163 = tpu.memref_slice %arg10[%dma_wait3A_162] : memref<400xi32, #tpu.memory_space<vmem>> -> memref<16xi32, #tpu.memory_space<vmem>>
      %dma_wait3A_164 = arith.constant 0 : i32
      %dma_wait3A_165 = arith.constant 0 : i32
      %dma_wait3A_166 = tpu.memref_slice %arg3[%dma_wait3A_164, %dma_wait3A_165] : memref<10000x64xf32, #tpu.memory_space<hbm>> -> memref<10000x64xf32, #tpu.memory_space<hbm>>
      tpu.wait_indirect_dma semaphore(%arg23 : memref<!tpu.dma_semaphore, #tpu.memory_space<semaphore_mem>>) src(%dma_wait3A_166 : memref<10000x64xf32, #tpu.memory_space<hbm>>) dst(%dma_wait3A_161 : memref<16x64xf32, #tpu.memory_space<vmem>>)
      %add3A_167 = arith.constant 1 : i32
      %add3A_168 = arith.addi %mul3A_102, %add3A_167 : i32
      %lt3A = arith.constant 25 : i32
      %lt3A_169 = arith.cmpi slt, %add3A_168, %lt3A : i32
      %convert_element_type3A = arith.extui %lt3A_169 : i1 to i32
      %cond3A = arith.constant 0 : i32
      %cond3A_170 = arith.cmpi ne, %convert_element_type3A, %cond3A : i32
      scf.if %cond3A_170 {
        %add3A_201 = arith.constant 1 : i32
        %add3A_202 = arith.addi %mul3A_102, %add3A_201 : i32
        %mul3A_203 = arith.constant 400 : i32
        %mul3A_204 = arith.muli %add3A_202, %mul3A_203 : i32
        %add3A_205 = arith.addi %mul3A_2, %mul3A_204 : i32
        %multiple_of3A_206 = tpu.assume_multiple %add3A_205, 8 : i32
        %dma_wait3A_207 = tpu.memref_slice %arg4[%multiple_of3A_206] : memref<320000xi32, #tpu.memory_space<hbm>> -> memref<400xi32, #tpu.memory_space<hbm>>
        %dma_wait3A_208 = tpu.memref_slice %arg4[%multiple_of3A_206] : memref<320000xi32, #tpu.memory_space<hbm>> -> memref<400xi32, #tpu.memory_space<hbm>>
        tpu.wait_dma2 semaphore(%arg22 : memref<!tpu.dma_semaphore, #tpu.memory_space<semaphore_mem>>) src(%dma_wait3A_208 : memref<400xi32, #tpu.memory_space<hbm>>) dst(%arg11 : memref<400xi32, #tpu.memory_space<vmem>>)
        %dma_wait3A_209 = tpu.memref_slice %arg5[%multiple_of3A_206] : memref<320000xi32, #tpu.memory_space<hbm>> -> memref<400xi32, #tpu.memory_space<hbm>>
        %dma_wait3A_210 = tpu.memref_slice %arg5[%multiple_of3A_206] : memref<320000xi32, #tpu.memory_space<hbm>> -> memref<400xi32, #tpu.memory_space<hbm>>
        tpu.wait_dma2 semaphore(%arg22 : memref<!tpu.dma_semaphore, #tpu.memory_space<semaphore_mem>>) src(%dma_wait3A_210 : memref<400xi32, #tpu.memory_space<hbm>>) dst(%arg12 : memref<400xi32, #tpu.memory_space<vmem>>)
        %dma_start3A_211 = arith.constant 0 : i32
        %dma_start3A_212 = arith.constant 0 : i32
        %dma_start3A_213 = tpu.memref_slice %arg15[%dma_start3A_211, %dma_start3A_212] : memref<400x64xf32, #tpu.memory_space<vmem>> -> memref<128x64xf32, #tpu.memory_space<vmem>>
        %dma_start3A_214 = arith.constant 0 : i32
        %dma_start3A_215 = tpu.memref_slice %arg11[%dma_start3A_214] : memref<400xi32, #tpu.memory_space<vmem>> -> memref<128xi32, #tpu.memory_space<vmem>>
        %dma_start3A_216 = arith.constant 0 : i32
        %dma_start3A_217 = arith.constant 0 : i32
        %dma_start3A_218 = tpu.memref_slice %arg2[%dma_start3A_216, %dma_start3A_217] : memref<10000x64xf32, #tpu.memory_space<hbm>> -> memref<10000x64xf32, #tpu.memory_space<hbm>>
        tpu.enqueue_indirect_dma source(%dma_start3A_218 : memref<10000x64xf32, #tpu.memory_space<hbm>>) target(%dma_start3A_213 : memref<128x64xf32, #tpu.memory_space<vmem>>) offsets(%dma_start3A_215 : memref<128xi32, #tpu.memory_space<vmem>>) semaphore(%arg24 : memref<!tpu.dma_semaphore, #tpu.memory_space<semaphore_mem>>)
        %dma_start3A_219 = arith.constant 0 : i32
        %dma_start3A_220 = arith.constant 0 : i32
        %dma_start3A_221 = tpu.memref_slice %arg16[%dma_start3A_219, %dma_start3A_220] : memref<400x64xf32, #tpu.memory_space<vmem>> -> memref<128x64xf32, #tpu.memory_space<vmem>>
        %dma_start3A_222 = arith.constant 0 : i32
        %dma_start3A_223 = tpu.memref_slice %arg12[%dma_start3A_222] : memref<400xi32, #tpu.memory_space<vmem>> -> memref<128xi32, #tpu.memory_space<vmem>>
        %dma_start3A_224 = arith.constant 0 : i32
        %dma_start3A_225 = arith.constant 0 : i32
        %dma_start3A_226 = tpu.memref_slice %arg3[%dma_start3A_224, %dma_start3A_225] : memref<10000x64xf32, #tpu.memory_space<hbm>> -> memref<10000x64xf32, #tpu.memory_space<hbm>>
        tpu.enqueue_indirect_dma source(%dma_start3A_226 : memref<10000x64xf32, #tpu.memory_space<hbm>>) target(%dma_start3A_221 : memref<128x64xf32, #tpu.memory_space<vmem>>) offsets(%dma_start3A_223 : memref<128xi32, #tpu.memory_space<vmem>>) semaphore(%arg24 : memref<!tpu.dma_semaphore, #tpu.memory_space<semaphore_mem>>)
        %dma_start3A_227 = arith.constant 128 : i32
        %dma_start3A_228 = arith.constant 0 : i32
        %dma_start3A_229 = tpu.memref_slice %arg15[%dma_start3A_227, %dma_start3A_228] : memref<400x64xf32, #tpu.memory_space<vmem>> -> memref<128x64xf32, #tpu.memory_space<vmem>>
        %dma_start3A_230 = arith.constant 128 : i32
        %dma_start3A_231 = tpu.memref_slice %arg11[%dma_start3A_230] : memref<400xi32, #tpu.memory_space<vmem>> -> memref<128xi32, #tpu.memory_space<vmem>>
        %dma_start3A_232 = arith.constant 0 : i32
        %dma_start3A_233 = arith.constant 0 : i32
        %dma_start3A_234 = tpu.memref_slice %arg2[%dma_start3A_232, %dma_start3A_233] : memref<10000x64xf32, #tpu.memory_space<hbm>> -> memref<10000x64xf32, #tpu.memory_space<hbm>>
        tpu.enqueue_indirect_dma source(%dma_start3A_234 : memref<10000x64xf32, #tpu.memory_space<hbm>>) target(%dma_start3A_229 : memref<128x64xf32, #tpu.memory_space<vmem>>) offsets(%dma_start3A_231 : memref<128xi32, #tpu.memory_space<vmem>>) semaphore(%arg24 : memref<!tpu.dma_semaphore, #tpu.memory_space<semaphore_mem>>)
        %dma_start3A_235 = arith.constant 128 : i32
        %dma_start3A_236 = arith.constant 0 : i32
        %dma_start3A_237 = tpu.memref_slice %arg16[%dma_start3A_235, %dma_start3A_236] : memref<400x64xf32, #tpu.memory_space<vmem>> -> memref<128x64xf32, #tpu.memory_space<vmem>>
        %dma_start3A_238 = arith.constant 128 : i32
        %dma_start3A_239 = tpu.memref_slice %arg12[%dma_start3A_238] : memref<400xi32, #tpu.memory_space<vmem>> -> memref<128xi32, #tpu.memory_space<vmem>>
        %dma_start3A_240 = arith.constant 0 : i32
        %dma_start3A_241 = arith.constant 0 : i32
        %dma_start3A_242 = tpu.memref_slice %arg3[%dma_start3A_240, %dma_start3A_241] : memref<10000x64xf32, #tpu.memory_space<hbm>> -> memref<10000x64xf32, #tpu.memory_space<hbm>>
        tpu.enqueue_indirect_dma source(%dma_start3A_242 : memref<10000x64xf32, #tpu.memory_space<hbm>>) target(%dma_start3A_237 : memref<128x64xf32, #tpu.memory_space<vmem>>) offsets(%dma_start3A_239 : memref<128xi32, #tpu.memory_space<vmem>>) semaphore(%arg24 : memref<!tpu.dma_semaphore, #tpu.memory_space<semaphore_mem>>)
        %dma_start3A_243 = arith.constant 256 : i32
        %dma_start3A_244 = arith.constant 0 : i32
        %dma_start3A_245 = tpu.memref_slice %arg15[%dma_start3A_243, %dma_start3A_244] : memref<400x64xf32, #tpu.memory_space<vmem>> -> memref<128x64xf32, #tpu.memory_space<vmem>>
        %dma_start3A_246 = arith.constant 256 : i32
        %dma_start3A_247 = tpu.memref_slice %arg11[%dma_start3A_246] : memref<400xi32, #tpu.memory_space<vmem>> -> memref<128xi32, #tpu.memory_space<vmem>>
        %dma_start3A_248 = arith.constant 0 : i32
        %dma_start3A_249 = arith.constant 0 : i32
        %dma_start3A_250 = tpu.memref_slice %arg2[%dma_start3A_248, %dma_start3A_249] : memref<10000x64xf32, #tpu.memory_space<hbm>> -> memref<10000x64xf32, #tpu.memory_space<hbm>>
        tpu.enqueue_indirect_dma source(%dma_start3A_250 : memref<10000x64xf32, #tpu.memory_space<hbm>>) target(%dma_start3A_245 : memref<128x64xf32, #tpu.memory_space<vmem>>) offsets(%dma_start3A_247 : memref<128xi32, #tpu.memory_space<vmem>>) semaphore(%arg24 : memref<!tpu.dma_semaphore, #tpu.memory_space<semaphore_mem>>)
        %dma_start3A_251 = arith.constant 256 : i32
        %dma_start3A_252 = arith.constant 0 : i32
        %dma_start3A_253 = tpu.memref_slice %arg16[%dma_start3A_251, %dma_start3A_252] : memref<400x64xf32, #tpu.memory_space<vmem>> -> memref<128x64xf32, #tpu.memory_space<vmem>>
        %dma_start3A_254 = arith.constant 256 : i32
        %dma_start3A_255 = tpu.memref_slice %arg12[%dma_start3A_254] : memref<400xi32, #tpu.memory_space<vmem>> -> memref<128xi32, #tpu.memory_space<vmem>>
        %dma_start3A_256 = arith.constant 0 : i32
        %dma_start3A_257 = arith.constant 0 : i32
        %dma_start3A_258 = tpu.memref_slice %arg3[%dma_start3A_256, %dma_start3A_257] : memref<10000x64xf32, #tpu.memory_space<hbm>> -> memref<10000x64xf32, #tpu.memory_space<hbm>>
        tpu.enqueue_indirect_dma source(%dma_start3A_258 : memref<10000x64xf32, #tpu.memory_space<hbm>>) target(%dma_start3A_253 : memref<128x64xf32, #tpu.memory_space<vmem>>) offsets(%dma_start3A_255 : memref<128xi32, #tpu.memory_space<vmem>>) semaphore(%arg24 : memref<!tpu.dma_semaphore, #tpu.memory_space<semaphore_mem>>)
        %dma_start3A_259 = arith.constant 384 : i32
        %dma_start3A_260 = arith.constant 0 : i32
        %dma_start3A_261 = tpu.memref_slice %arg15[%dma_start3A_259, %dma_start3A_260] : memref<400x64xf32, #tpu.memory_space<vmem>> -> memref<16x64xf32, #tpu.memory_space<vmem>>
        %dma_start3A_262 = arith.constant 384 : i32
        %dma_start3A_263 = tpu.memref_slice %arg11[%dma_start3A_262] : memref<400xi32, #tpu.memory_space<vmem>> -> memref<16xi32, #tpu.memory_space<vmem>>
        %dma_start3A_264 = arith.constant 0 : i32
        %dma_start3A_265 = arith.constant 0 : i32
        %dma_start3A_266 = tpu.memref_slice %arg2[%dma_start3A_264, %dma_start3A_265] : memref<10000x64xf32, #tpu.memory_space<hbm>> -> memref<10000x64xf32, #tpu.memory_space<hbm>>
        tpu.enqueue_indirect_dma source(%dma_start3A_266 : memref<10000x64xf32, #tpu.memory_space<hbm>>) target(%dma_start3A_261 : memref<16x64xf32, #tpu.memory_space<vmem>>) offsets(%dma_start3A_263 : memref<16xi32, #tpu.memory_space<vmem>>) semaphore(%arg24 : memref<!tpu.dma_semaphore, #tpu.memory_space<semaphore_mem>>)
        %dma_start3A_267 = arith.constant 384 : i32
        %dma_start3A_268 = arith.constant 0 : i32
        %dma_start3A_269 = tpu.memref_slice %arg16[%dma_start3A_267, %dma_start3A_268] : memref<400x64xf32, #tpu.memory_space<vmem>> -> memref<16x64xf32, #tpu.memory_space<vmem>>
        %dma_start3A_270 = arith.constant 384 : i32
        %dma_start3A_271 = tpu.memref_slice %arg12[%dma_start3A_270] : memref<400xi32, #tpu.memory_space<vmem>> -> memref<16xi32, #tpu.memory_space<vmem>>
        %dma_start3A_272 = arith.constant 0 : i32
        %dma_start3A_273 = arith.constant 0 : i32
        %dma_start3A_274 = tpu.memref_slice %arg3[%dma_start3A_272, %dma_start3A_273] : memref<10000x64xf32, #tpu.memory_space<hbm>> -> memref<10000x64xf32, #tpu.memory_space<hbm>>
        tpu.enqueue_indirect_dma source(%dma_start3A_274 : memref<10000x64xf32, #tpu.memory_space<hbm>>) target(%dma_start3A_269 : memref<16x64xf32, #tpu.memory_space<vmem>>) offsets(%dma_start3A_271 : memref<16xi32, #tpu.memory_space<vmem>>) semaphore(%arg24 : memref<!tpu.dma_semaphore, #tpu.memory_space<semaphore_mem>>)
      } else {
      }
      %add3A_171 = arith.constant 2 : i32
      %add3A_172 = arith.addi %mul3A_102, %add3A_171 : i32
      %lt3A_173 = arith.constant 25 : i32
      %lt3A_174 = arith.cmpi slt, %add3A_172, %lt3A_173 : i32
      %convert_element_type3A_175 = arith.extui %lt3A_174 : i1 to i32
      %cond3A_176 = arith.constant 0 : i32
      %cond3A_177 = arith.cmpi ne, %convert_element_type3A_175, %cond3A_176 : i32
      scf.if %cond3A_177 {
        %add3A_201 = arith.constant 2 : i32
        %add3A_202 = arith.addi %mul3A_102, %add3A_201 : i32
        %mul3A_203 = arith.constant 400 : i32
        %mul3A_204 = arith.muli %add3A_202, %mul3A_203 : i32
        %add3A_205 = arith.addi %mul3A_2, %mul3A_204 : i32
        %multiple_of3A_206 = tpu.assume_multiple %add3A_205, 8 : i32
        %dma_start3A_207 = tpu.memref_slice %arg4[%multiple_of3A_206] : memref<320000xi32, #tpu.memory_space<hbm>> -> memref<400xi32, #tpu.memory_space<hbm>>
        %dma_start3A_208 = tpu.memref_slice %arg4[%multiple_of3A_206] : memref<320000xi32, #tpu.memory_space<hbm>> -> memref<400xi32, #tpu.memory_space<hbm>>
        tpu.enqueue_dma source(%dma_start3A_208 : memref<400xi32, #tpu.memory_space<hbm>>) target(%arg9 : memref<400xi32, #tpu.memory_space<vmem>>) target_semaphore(%arg21 : memref<!tpu.dma_semaphore, #tpu.memory_space<semaphore_mem>>)
        %dma_start3A_209 = tpu.memref_slice %arg5[%multiple_of3A_206] : memref<320000xi32, #tpu.memory_space<hbm>> -> memref<400xi32, #tpu.memory_space<hbm>>
        %dma_start3A_210 = tpu.memref_slice %arg5[%multiple_of3A_206] : memref<320000xi32, #tpu.memory_space<hbm>> -> memref<400xi32, #tpu.memory_space<hbm>>
        tpu.enqueue_dma source(%dma_start3A_210 : memref<400xi32, #tpu.memory_space<hbm>>) target(%arg10 : memref<400xi32, #tpu.memory_space<vmem>>) target_semaphore(%arg21 : memref<!tpu.dma_semaphore, #tpu.memory_space<semaphore_mem>>)
      } else {
      }
      %ge3A = arith.constant 2 : i32
      %ge3A_178 = arith.cmpi sge, %mul3A_102, %ge3A : i32
      %convert_element_type3A_179 = arith.extui %ge3A_178 : i1 to i32
      %cond3A_180 = arith.constant 0 : i32
      %cond3A_181 = arith.cmpi ne, %convert_element_type3A_179, %cond3A_180 : i32
      scf.if %cond3A_181 {
        %sub3A = arith.constant 2 : i32
        %sub3A_201 = arith.subi %mul3A_102, %sub3A : i32
        %mul3A_202 = arith.constant 400 : i32
        %mul3A_203 = arith.muli %sub3A_201, %mul3A_202 : i32
        %add3A_204 = arith.addi %mul3A_2, %mul3A_203 : i32
        %multiple_of3A_205 = tpu.assume_multiple %add3A_204, 8 : i32
        %dma_wait3A_206 = tpu.memref_slice %arg8[%multiple_of3A_205] : memref<320000xf32, #tpu.memory_space<hbm>> -> memref<400xf32, #tpu.memory_space<hbm>>
        %dma_wait3A_207 = tpu.memref_slice %arg8[%multiple_of3A_205] : memref<320000xf32, #tpu.memory_space<hbm>> -> memref<400xf32, #tpu.memory_space<hbm>>
        tpu.wait_dma2 semaphore(%arg25 : memref<!tpu.dma_semaphore, #tpu.memory_space<semaphore_mem>>) src(%arg17 : memref<400xf32, #tpu.memory_space<vmem>>) dst(%dma_wait3A_207 : memref<400xf32, #tpu.memory_space<hbm>>)
      } else {
      }
      %scan3A_182 = arith.constant 0 : i32
      %scan3A_183 = arith.constant 0 : i32
      %scan3A_184 = arith.constant 25 : i32
      %scan3A_185 = arith.addi %scan3A_183, %scan3A_184 : i32
      %scan3A_186 = arith.constant 1 : i32
      scf.for %scan3A_201 = %scan3A_183 to %scan3A_185 step %scan3A_186  : i32 {
        %mul3A_202 = arith.constant 16 : i32
        %mul3A_203 = arith.muli %scan3A_201, %mul3A_202 : i32
        %add3A_204 = vector.broadcast %mul3A_203 : i32 to vector<16xi32>
        %add3A_205 = arith.addi %iota3A, %add3A_204 : vector<16xi32>
        %get3A = arith.constant 0 : index
        %get3A_206 = tpu.vector_load %arg20[%get3A] {strides = array<i32>} : memref<16xf32, #tpu.memory_space<vmem>>, vector<16xf32>,
        %add3A_207 = arith.constant 0 : i32
        %add3A_208 = vector.broadcast %add3A_207 : i32 to vector<16xi32>
        %add3A_209 = arith.addi %iota3A, %add3A_208 : vector<16xi32>
        %and3A = arith.constant 63 : i32
        %and3A_210 = vector.broadcast %and3A : i32 to vector<16xi32>
        %and3A_211 = arith.andi %add3A_209, %and3A_210 : vector<16xi32>
        %get3A_212 = arith.constant 0 : index
        %get3A_213 = tpu.vector_load %arg19[%get3A_212] {strides = array<i32>} : memref<1024xf32, #tpu.memory_space<vmem>>, vector<16xf32>,
        %gather3A = tpu.vector_load_idx %arg13[%add3A_205, %and3A_211] : memref<400x64xf32, #tpu.memory_space<vmem>>[vector<16xi32>, vector<16xi32>], vector<16xf32>,
        %gather3A_214 = tpu.vector_load_idx %arg14[%add3A_205, %and3A_211] : memref<400x64xf32, #tpu.memory_space<vmem>>[vector<16xi32>, vector<16xi32>], vector<16xf32>,
        %add3A_215 = arith.addf %gather3A, %gather3A_214 : vector<16xf32>
        %max3A = arith.constant 0.000000e+00 : f32
        %max3A_216 = vector.broadcast %max3A : f32 to vector<16xf32>
        %max3A_217 = arith.maximumf %add3A_215, %max3A_216 : vector<16xf32>
        %mul3A_218 = arith.mulf %max3A_217, %get3A_213 : vector<16xf32>
        %add3A_219 = arith.addf %get3A_206, %mul3A_218 : vector<16xf32>
        %add3A_220 = arith.constant 1 : i32
        %add3A_221 = vector.broadcast %add3A_220 : i32 to vector<16xi32>
        %add3A_222 = arith.addi %iota3A, %add3A_221 : vector<16xi32>
        %and3A_223 = arith.constant 63 : i32
        %and3A_224 = vector.broadcast %and3A_223 : i32 to vector<16xi32>
        %and3A_225 = arith.andi %add3A_222, %and3A_224 : vector<16xi32>
        %get3A_226 = arith.constant 16 : index
        %get3A_227 = tpu.vector_load %arg19[%get3A_226] {strides = array<i32>} : memref<1024xf32, #tpu.memory_space<vmem>>, vector<16xf32>,
        %gather3A_228 = tpu.vector_load_idx %arg13[%add3A_205, %and3A_225] : memref<400x64xf32, #tpu.memory_space<vmem>>[vector<16xi32>, vector<16xi32>], vector<16xf32>,
        %gather3A_229 = tpu.vector_load_idx %arg14[%add3A_205, %and3A_225] : memref<400x64xf32, #tpu.memory_space<vmem>>[vector<16xi32>, vector<16xi32>], vector<16xf32>,
        %add3A_230 = arith.addf %gather3A_228, %gather3A_229 : vector<16xf32>
        %max3A_231 = arith.constant 0.000000e+00 : f32
        %max3A_232 = vector.broadcast %max3A_231 : f32 to vector<16xf32>
        %max3A_233 = arith.maximumf %add3A_230, %max3A_232 : vector<16xf32>
        %mul3A_234 = arith.mulf %max3A_233, %get3A_227 : vector<16xf32>
        %add3A_235 = arith.addf %add3A_219, %mul3A_234 : vector<16xf32>
        %add3A_236 = arith.constant 2 : i32
        %add3A_237 = vector.broadcast %add3A_236 : i32 to vector<16xi32>
        %add3A_238 = arith.addi %iota3A, %add3A_237 : vector<16xi32>
        %and3A_239 = arith.constant 63 : i32
        %and3A_240 = vector.broadcast %and3A_239 : i32 to vector<16xi32>
        %and3A_241 = arith.andi %add3A_238, %and3A_240 : vector<16xi32>
        %get3A_242 = arith.constant 32 : index
        %get3A_243 = tpu.vector_load %arg19[%get3A_242] {strides = array<i32>} : memref<1024xf32, #tpu.memory_space<vmem>>, vector<16xf32>,
        %gather3A_244 = tpu.vector_load_idx %arg13[%add3A_205, %and3A_241] : memref<400x64xf32, #tpu.memory_space<vmem>>[vector<16xi32>, vector<16xi32>], vector<16xf32>,
        %gather3A_245 = tpu.vector_load_idx %arg14[%add3A_205, %and3A_241] : memref<400x64xf32, #tpu.memory_space<vmem>>[vector<16xi32>, vector<16xi32>], vector<16xf32>,
        %add3A_246 = arith.addf %gather3A_244, %gather3A_245 : vector<16xf32>
        %max3A_247 = arith.constant 0.000000e+00 : f32
        %max3A_248 = vector.broadcast %max3A_247 : f32 to vector<16xf32>
        %max3A_249 = arith.maximumf %add3A_246, %max3A_248 : vector<16xf32>
        %mul3A_250 = arith.mulf %max3A_249, %get3A_243 : vector<16xf32>
        %add3A_251 = arith.addf %add3A_235, %mul3A_250 : vector<16xf32>
        %add3A_252 = arith.constant 3 : i32
        %add3A_253 = vector.broadcast %add3A_252 : i32 to vector<16xi32>
        %add3A_254 = arith.addi %iota3A, %add3A_253 : vector<16xi32>
        %and3A_255 = arith.constant 63 : i32
        %and3A_256 = vector.broadcast %and3A_255 : i32 to vector<16xi32>
        %and3A_257 = arith.andi %add3A_254, %and3A_256 : vector<16xi32>
        %get3A_258 = arith.constant 48 : index
        %get3A_259 = tpu.vector_load %arg19[%get3A_258] {strides = array<i32>} : memref<1024xf32, #tpu.memory_space<vmem>>, vector<16xf32>,
        %gather3A_260 = tpu.vector_load_idx %arg13[%add3A_205, %and3A_257] : memref<400x64xf32, #tpu.memory_space<vmem>>[vector<16xi32>, vector<16xi32>], vector<16xf32>,
        %gather3A_261 = tpu.vector_load_idx %arg14[%add3A_205, %and3A_257] : memref<400x64xf32, #tpu.memory_space<vmem>>[vector<16xi32>, vector<16xi32>], vector<16xf32>,
        %add3A_262 = arith.addf %gather3A_260, %gather3A_261 : vector<16xf32>
        %max3A_263 = arith.constant 0.000000e+00 : f32
        %max3A_264 = vector.broadcast %max3A_263 : f32 to vector<16xf32>
        %max3A_265 = arith.maximumf %add3A_262, %max3A_264 : vector<16xf32>
        %mul3A_266 = arith.mulf %max3A_265, %get3A_259 : vector<16xf32>
        %add3A_267 = arith.addf %add3A_251, %mul3A_266 : vector<16xf32>
        %add3A_268 = arith.constant 4 : i32
        %add3A_269 = vector.broadcast %add3A_268 : i32 to vector<16xi32>
        %add3A_270 = arith.addi %iota3A, %add3A_269 : vector<16xi32>
        %and3A_271 = arith.constant 63 : i32
        %and3A_272 = vector.broadcast %and3A_271 : i32 to vector<16xi32>
        %and3A_273 = arith.andi %add3A_270, %and3A_272 : vector<16xi32>
        %get3A_274 = arith.constant 64 : index
        %get3A_275 = tpu.vector_load %arg19[%get3A_274] {strides = array<i32>} : memref<1024xf32, #tpu.memory_space<vmem>>, vector<16xf32>,
        %gather3A_276 = tpu.vector_load_idx %arg13[%add3A_205, %and3A_273] : memref<400x64xf32, #tpu.memory_space<vmem>>[vector<16xi32>, vector<16xi32>], vector<16xf32>,
        %gather3A_277 = tpu.vector_load_idx %arg14[%add3A_205, %and3A_273] : memref<400x64xf32, #tpu.memory_space<vmem>>[vector<16xi32>, vector<16xi32>], vector<16xf32>,
        %add3A_278 = arith.addf %gather3A_276, %gather3A_277 : vector<16xf32>
        %max3A_279 = arith.constant 0.000000e+00 : f32
        %max3A_280 = vector.broadcast %max3A_279 : f32 to vector<16xf32>
        %max3A_281 = arith.maximumf %add3A_278, %max3A_280 : vector<16xf32>
        %mul3A_282 = arith.mulf %max3A_281, %get3A_275 : vector<16xf32>
        %add3A_283 = arith.addf %add3A_267, %mul3A_282 : vector<16xf32>
        %add3A_284 = arith.constant 5 : i32
        %add3A_285 = vector.broadcast %add3A_284 : i32 to vector<16xi32>
        %add3A_286 = arith.addi %iota3A, %add3A_285 : vector<16xi32>
        %and3A_287 = arith.constant 63 : i32
        %and3A_288 = vector.broadcast %and3A_287 : i32 to vector<16xi32>
        %and3A_289 = arith.andi %add3A_286, %and3A_288 : vector<16xi32>
        %get3A_290 = arith.constant 80 : index
        %get3A_291 = tpu.vector_load %arg19[%get3A_290] {strides = array<i32>} : memref<1024xf32, #tpu.memory_space<vmem>>, vector<16xf32>,
        %gather3A_292 = tpu.vector_load_idx %arg13[%add3A_205, %and3A_289] : memref<400x64xf32, #tpu.memory_space<vmem>>[vector<16xi32>, vector<16xi32>], vector<16xf32>,
        %gather3A_293 = tpu.vector_load_idx %arg14[%add3A_205, %and3A_289] : memref<400x64xf32, #tpu.memory_space<vmem>>[vector<16xi32>, vector<16xi32>], vector<16xf32>,
        %add3A_294 = arith.addf %gather3A_292, %gather3A_293 : vector<16xf32>
        %max3A_295 = arith.constant 0.000000e+00 : f32
        %max3A_296 = vector.broadcast %max3A_295 : f32 to vector<16xf32>
        %max3A_297 = arith.maximumf %add3A_294, %max3A_296 : vector<16xf32>
        %mul3A_298 = arith.mulf %max3A_297, %get3A_291 : vector<16xf32>
        %add3A_299 = arith.addf %add3A_283, %mul3A_298 : vector<16xf32>
        %add3A_300 = arith.constant 6 : i32
        %add3A_301 = vector.broadcast %add3A_300 : i32 to vector<16xi32>
        %add3A_302 = arith.addi %iota3A, %add3A_301 : vector<16xi32>
        %and3A_303 = arith.constant 63 : i32
        %and3A_304 = vector.broadcast %and3A_303 : i32 to vector<16xi32>
        %and3A_305 = arith.andi %add3A_302, %and3A_304 : vector<16xi32>
        %get3A_306 = arith.constant 96 : index
        %get3A_307 = tpu.vector_load %arg19[%get3A_306] {strides = array<i32>} : memref<1024xf32, #tpu.memory_space<vmem>>, vector<16xf32>,
        %gather3A_308 = tpu.vector_load_idx %arg13[%add3A_205, %and3A_305] : memref<400x64xf32, #tpu.memory_space<vmem>>[vector<16xi32>, vector<16xi32>], vector<16xf32>,
        %gather3A_309 = tpu.vector_load_idx %arg14[%add3A_205, %and3A_305] : memref<400x64xf32, #tpu.memory_space<vmem>>[vector<16xi32>, vector<16xi32>], vector<16xf32>,
        %add3A_310 = arith.addf %gather3A_308, %gather3A_309 : vector<16xf32>
        %max3A_311 = arith.constant 0.000000e+00 : f32
        %max3A_312 = vector.broadcast %max3A_311 : f32 to vector<16xf32>
        %max3A_313 = arith.maximumf %add3A_310, %max3A_312 : vector<16xf32>
        %mul3A_314 = arith.mulf %max3A_313, %get3A_307 : vector<16xf32>
        %add3A_315 = arith.addf %add3A_299, %mul3A_314 : vector<16xf32>
        %add3A_316 = arith.constant 7 : i32
        %add3A_317 = vector.broadcast %add3A_316 : i32 to vector<16xi32>
        %add3A_318 = arith.addi %iota3A, %add3A_317 : vector<16xi32>
        %and3A_319 = arith.constant 63 : i32
        %and3A_320 = vector.broadcast %and3A_319 : i32 to vector<16xi32>
        %and3A_321 = arith.andi %add3A_318, %and3A_320 : vector<16xi32>
        %get3A_322 = arith.constant 112 : index
        %get3A_323 = tpu.vector_load %arg19[%get3A_322] {strides = array<i32>} : memref<1024xf32, #tpu.memory_space<vmem>>, vector<16xf32>,
        %gather3A_324 = tpu.vector_load_idx %arg13[%add3A_205, %and3A_321] : memref<400x64xf32, #tpu.memory_space<vmem>>[vector<16xi32>, vector<16xi32>], vector<16xf32>,
        %gather3A_325 = tpu.vector_load_idx %arg14[%add3A_205, %and3A_321] : memref<400x64xf32, #tpu.memory_space<vmem>>[vector<16xi32>, vector<16xi32>], vector<16xf32>,
        %add3A_326 = arith.addf %gather3A_324, %gather3A_325 : vector<16xf32>
        %max3A_327 = arith.constant 0.000000e+00 : f32
        %max3A_328 = vector.broadcast %max3A_327 : f32 to vector<16xf32>
        %max3A_329 = arith.maximumf %add3A_326, %max3A_328 : vector<16xf32>
        %mul3A_330 = arith.mulf %max3A_329, %get3A_323 : vector<16xf32>
        %add3A_331 = arith.addf %add3A_315, %mul3A_330 : vector<16xf32>
        %add3A_332 = arith.constant 8 : i32
        %add3A_333 = vector.broadcast %add3A_332 : i32 to vector<16xi32>
        %add3A_334 = arith.addi %iota3A, %add3A_333 : vector<16xi32>
        %and3A_335 = arith.constant 63 : i32
        %and3A_336 = vector.broadcast %and3A_335 : i32 to vector<16xi32>
        %and3A_337 = arith.andi %add3A_334, %and3A_336 : vector<16xi32>
        %get3A_338 = arith.constant 128 : index
        %get3A_339 = tpu.vector_load %arg19[%get3A_338] {strides = array<i32>} : memref<1024xf32, #tpu.memory_space<vmem>>, vector<16xf32>,
        %gather3A_340 = tpu.vector_load_idx %arg13[%add3A_205, %and3A_337] : memref<400x64xf32, #tpu.memory_space<vmem>>[vector<16xi32>, vector<16xi32>], vector<16xf32>,
        %gather3A_341 = tpu.vector_load_idx %arg14[%add3A_205, %and3A_337] : memref<400x64xf32, #tpu.memory_space<vmem>>[vector<16xi32>, vector<16xi32>], vector<16xf32>,
        %add3A_342 = arith.addf %gather3A_340, %gather3A_341 : vector<16xf32>
        %max3A_343 = arith.constant 0.000000e+00 : f32
        %max3A_344 = vector.broadcast %max3A_343 : f32 to vector<16xf32>
        %max3A_345 = arith.maximumf %add3A_342, %max3A_344 : vector<16xf32>
        %mul3A_346 = arith.mulf %max3A_345, %get3A_339 : vector<16xf32>
        %add3A_347 = arith.addf %add3A_331, %mul3A_346 : vector<16xf32>
        %add3A_348 = arith.constant 9 : i32
        %add3A_349 = vector.broadcast %add3A_348 : i32 to vector<16xi32>
        %add3A_350 = arith.addi %iota3A, %add3A_349 : vector<16xi32>
        %and3A_351 = arith.constant 63 : i32
        %and3A_352 = vector.broadcast %and3A_351 : i32 to vector<16xi32>
        %and3A_353 = arith.andi %add3A_350, %and3A_352 : vector<16xi32>
        %get3A_354 = arith.constant 144 : index
        %get3A_355 = tpu.vector_load %arg19[%get3A_354] {strides = array<i32>} : memref<1024xf32, #tpu.memory_space<vmem>>, vector<16xf32>,
        %gather3A_356 = tpu.vector_load_idx %arg13[%add3A_205, %and3A_353] : memref<400x64xf32, #tpu.memory_space<vmem>>[vector<16xi32>, vector<16xi32>], vector<16xf32>,
        %gather3A_357 = tpu.vector_load_idx %arg14[%add3A_205, %and3A_353] : memref<400x64xf32, #tpu.memory_space<vmem>>[vector<16xi32>, vector<16xi32>], vector<16xf32>,
        %add3A_358 = arith.addf %gather3A_356, %gather3A_357 : vector<16xf32>
        %max3A_359 = arith.constant 0.000000e+00 : f32
        %max3A_360 = vector.broadcast %max3A_359 : f32 to vector<16xf32>
        %max3A_361 = arith.maximumf %add3A_358, %max3A_360 : vector<16xf32>
        %mul3A_362 = arith.mulf %max3A_361, %get3A_355 : vector<16xf32>
        %add3A_363 = arith.addf %add3A_347, %mul3A_362 : vector<16xf32>
        %add3A_364 = arith.constant 10 : i32
        %add3A_365 = vector.broadcast %add3A_364 : i32 to vector<16xi32>
        %add3A_366 = arith.addi %iota3A, %add3A_365 : vector<16xi32>
        %and3A_367 = arith.constant 63 : i32
        %and3A_368 = vector.broadcast %and3A_367 : i32 to vector<16xi32>
        %and3A_369 = arith.andi %add3A_366, %and3A_368 : vector<16xi32>
        %get3A_370 = arith.constant 160 : index
        %get3A_371 = tpu.vector_load %arg19[%get3A_370] {strides = array<i32>} : memref<1024xf32, #tpu.memory_space<vmem>>, vector<16xf32>,
        %gather3A_372 = tpu.vector_load_idx %arg13[%add3A_205, %and3A_369] : memref<400x64xf32, #tpu.memory_space<vmem>>[vector<16xi32>, vector<16xi32>], vector<16xf32>,
        %gather3A_373 = tpu.vector_load_idx %arg14[%add3A_205, %and3A_369] : memref<400x64xf32, #tpu.memory_space<vmem>>[vector<16xi32>, vector<16xi32>], vector<16xf32>,
        %add3A_374 = arith.addf %gather3A_372, %gather3A_373 : vector<16xf32>
        %max3A_375 = arith.constant 0.000000e+00 : f32
        %max3A_376 = vector.broadcast %max3A_375 : f32 to vector<16xf32>
        %max3A_377 = arith.maximumf %add3A_374, %max3A_376 : vector<16xf32>
        %mul3A_378 = arith.mulf %max3A_377, %get3A_371 : vector<16xf32>
        %add3A_379 = arith.addf %add3A_363, %mul3A_378 : vector<16xf32>
        %add3A_380 = arith.constant 11 : i32
        %add3A_381 = vector.broadcast %add3A_380 : i32 to vector<16xi32>
        %add3A_382 = arith.addi %iota3A, %add3A_381 : vector<16xi32>
        %and3A_383 = arith.constant 63 : i32
        %and3A_384 = vector.broadcast %and3A_383 : i32 to vector<16xi32>
        %and3A_385 = arith.andi %add3A_382, %and3A_384 : vector<16xi32>
        %get3A_386 = arith.constant 176 : index
        %get3A_387 = tpu.vector_load %arg19[%get3A_386] {strides = array<i32>} : memref<1024xf32, #tpu.memory_space<vmem>>, vector<16xf32>,
        %gather3A_388 = tpu.vector_load_idx %arg13[%add3A_205, %and3A_385] : memref<400x64xf32, #tpu.memory_space<vmem>>[vector<16xi32>, vector<16xi32>], vector<16xf32>,
        %gather3A_389 = tpu.vector_load_idx %arg14[%add3A_205, %and3A_385] : memref<400x64xf32, #tpu.memory_space<vmem>>[vector<16xi32>, vector<16xi32>], vector<16xf32>,
        %add3A_390 = arith.addf %gather3A_388, %gather3A_389 : vector<16xf32>
        %max3A_391 = arith.constant 0.000000e+00 : f32
        %max3A_392 = vector.broadcast %max3A_391 : f32 to vector<16xf32>
        %max3A_393 = arith.maximumf %add3A_390, %max3A_392 : vector<16xf32>
        %mul3A_394 = arith.mulf %max3A_393, %get3A_387 : vector<16xf32>
        %add3A_395 = arith.addf %add3A_379, %mul3A_394 : vector<16xf32>
        %add3A_396 = arith.constant 12 : i32
        %add3A_397 = vector.broadcast %add3A_396 : i32 to vector<16xi32>
        %add3A_398 = arith.addi %iota3A, %add3A_397 : vector<16xi32>
        %and3A_399 = arith.constant 63 : i32
        %and3A_400 = vector.broadcast %and3A_399 : i32 to vector<16xi32>
        %and3A_401 = arith.andi %add3A_398, %and3A_400 : vector<16xi32>
        %get3A_402 = arith.constant 192 : index
        %get3A_403 = tpu.vector_load %arg19[%get3A_402] {strides = array<i32>} : memref<1024xf32, #tpu.memory_space<vmem>>, vector<16xf32>,
        %gather3A_404 = tpu.vector_load_idx %arg13[%add3A_205, %and3A_401] : memref<400x64xf32, #tpu.memory_space<vmem>>[vector<16xi32>, vector<16xi32>], vector<16xf32>,
        %gather3A_405 = tpu.vector_load_idx %arg14[%add3A_205, %and3A_401] : memref<400x64xf32, #tpu.memory_space<vmem>>[vector<16xi32>, vector<16xi32>], vector<16xf32>,
        %add3A_406 = arith.addf %gather3A_404, %gather3A_405 : vector<16xf32>
        %max3A_407 = arith.constant 0.000000e+00 : f32
        %max3A_408 = vector.broadcast %max3A_407 : f32 to vector<16xf32>
        %max3A_409 = arith.maximumf %add3A_406, %max3A_408 : vector<16xf32>
        %mul3A_410 = arith.mulf %max3A_409, %get3A_403 : vector<16xf32>
        %add3A_411 = arith.addf %add3A_395, %mul3A_410 : vector<16xf32>
        %add3A_412 = arith.constant 13 : i32
        %add3A_413 = vector.broadcast %add3A_412 : i32 to vector<16xi32>
        %add3A_414 = arith.addi %iota3A, %add3A_413 : vector<16xi32>
        %and3A_415 = arith.constant 63 : i32
        %and3A_416 = vector.broadcast %and3A_415 : i32 to vector<16xi32>
        %and3A_417 = arith.andi %add3A_414, %and3A_416 : vector<16xi32>
        %get3A_418 = arith.constant 208 : index
        %get3A_419 = tpu.vector_load %arg19[%get3A_418] {strides = array<i32>} : memref<1024xf32, #tpu.memory_space<vmem>>, vector<16xf32>,
        %gather3A_420 = tpu.vector_load_idx %arg13[%add3A_205, %and3A_417] : memref<400x64xf32, #tpu.memory_space<vmem>>[vector<16xi32>, vector<16xi32>], vector<16xf32>,
        %gather3A_421 = tpu.vector_load_idx %arg14[%add3A_205, %and3A_417] : memref<400x64xf32, #tpu.memory_space<vmem>>[vector<16xi32>, vector<16xi32>], vector<16xf32>,
        %add3A_422 = arith.addf %gather3A_420, %gather3A_421 : vector<16xf32>
        %max3A_423 = arith.constant 0.000000e+00 : f32
        %max3A_424 = vector.broadcast %max3A_423 : f32 to vector<16xf32>
        %max3A_425 = arith.maximumf %add3A_422, %max3A_424 : vector<16xf32>
        %mul3A_426 = arith.mulf %max3A_425, %get3A_419 : vector<16xf32>
        %add3A_427 = arith.addf %add3A_411, %mul3A_426 : vector<16xf32>
        %add3A_428 = arith.constant 14 : i32
        %add3A_429 = vector.broadcast %add3A_428 : i32 to vector<16xi32>
        %add3A_430 = arith.addi %iota3A, %add3A_429 : vector<16xi32>
        %and3A_431 = arith.constant 63 : i32
        %and3A_432 = vector.broadcast %and3A_431 : i32 to vector<16xi32>
        %and3A_433 = arith.andi %add3A_430, %and3A_432 : vector<16xi32>
        %get3A_434 = arith.constant 224 : index
        %get3A_435 = tpu.vector_load %arg19[%get3A_434] {strides = array<i32>} : memref<1024xf32, #tpu.memory_space<vmem>>, vector<16xf32>,
        %gather3A_436 = tpu.vector_load_idx %arg13[%add3A_205, %and3A_433] : memref<400x64xf32, #tpu.memory_space<vmem>>[vector<16xi32>, vector<16xi32>], vector<16xf32>,
        %gather3A_437 = tpu.vector_load_idx %arg14[%add3A_205, %and3A_433] : memref<400x64xf32, #tpu.memory_space<vmem>>[vector<16xi32>, vector<16xi32>], vector<16xf32>,
        %add3A_438 = arith.addf %gather3A_436, %gather3A_437 : vector<16xf32>
        %max3A_439 = arith.constant 0.000000e+00 : f32
        %max3A_440 = vector.broadcast %max3A_439 : f32 to vector<16xf32>
        %max3A_441 = arith.maximumf %add3A_438, %max3A_440 : vector<16xf32>
        %mul3A_442 = arith.mulf %max3A_441, %get3A_435 : vector<16xf32>
        %add3A_443 = arith.addf %add3A_427, %mul3A_442 : vector<16xf32>
        %add3A_444 = arith.constant 15 : i32
        %add3A_445 = vector.broadcast %add3A_444 : i32 to vector<16xi32>
        %add3A_446 = arith.addi %iota3A, %add3A_445 : vector<16xi32>
        %and3A_447 = arith.constant 63 : i32
        %and3A_448 = vector.broadcast %and3A_447 : i32 to vector<16xi32>
        %and3A_449 = arith.andi %add3A_446, %and3A_448 : vector<16xi32>
        %get3A_450 = arith.constant 240 : index
        %get3A_451 = tpu.vector_load %arg19[%get3A_450] {strides = array<i32>} : memref<1024xf32, #tpu.memory_space<vmem>>, vector<16xf32>,
        %gather3A_452 = tpu.vector_load_idx %arg13[%add3A_205, %and3A_449] : memref<400x64xf32, #tpu.memory_space<vmem>>[vector<16xi32>, vector<16xi32>], vector<16xf32>,
        %gather3A_453 = tpu.vector_load_idx %arg14[%add3A_205, %and3A_449] : memref<400x64xf32, #tpu.memory_space<vmem>>[vector<16xi32>, vector<16xi32>], vector<16xf32>,
        %add3A_454 = arith.addf %gather3A_452, %gather3A_453 : vector<16xf32>
        %max3A_455 = arith.constant 0.000000e+00 : f32
        %max3A_456 = vector.broadcast %max3A_455 : f32 to vector<16xf32>
        %max3A_457 = arith.maximumf %add3A_454, %max3A_456 : vector<16xf32>
        %mul3A_458 = arith.mulf %max3A_457, %get3A_451 : vector<16xf32>
        %add3A_459 = arith.addf %add3A_443, %mul3A_458 : vector<16xf32>
        %add3A_460 = arith.constant 16 : i32
        %add3A_461 = vector.broadcast %add3A_460 : i32 to vector<16xi32>
        %add3A_462 = arith.addi %iota3A, %add3A_461 : vector<16xi32>
        %and3A_463 = arith.constant 63 : i32
        %and3A_464 = vector.broadcast %and3A_463 : i32 to vector<16xi32>
        %and3A_465 = arith.andi %add3A_462, %and3A_464 : vector<16xi32>
        %get3A_466 = arith.constant 256 : index
        %get3A_467 = tpu.vector_load %arg19[%get3A_466] {strides = array<i32>} : memref<1024xf32, #tpu.memory_space<vmem>>, vector<16xf32>,
        %gather3A_468 = tpu.vector_load_idx %arg13[%add3A_205, %and3A_465] : memref<400x64xf32, #tpu.memory_space<vmem>>[vector<16xi32>, vector<16xi32>], vector<16xf32>,
        %gather3A_469 = tpu.vector_load_idx %arg14[%add3A_205, %and3A_465] : memref<400x64xf32, #tpu.memory_space<vmem>>[vector<16xi32>, vector<16xi32>], vector<16xf32>,
        %add3A_470 = arith.addf %gather3A_468, %gather3A_469 : vector<16xf32>
        %max3A_471 = arith.constant 0.000000e+00 : f32
        %max3A_472 = vector.broadcast %max3A_471 : f32 to vector<16xf32>
        %max3A_473 = arith.maximumf %add3A_470, %max3A_472 : vector<16xf32>
        %mul3A_474 = arith.mulf %max3A_473, %get3A_467 : vector<16xf32>
        %add3A_475 = arith.addf %add3A_459, %mul3A_474 : vector<16xf32>
        %add3A_476 = arith.constant 17 : i32
        %add3A_477 = vector.broadcast %add3A_476 : i32 to vector<16xi32>
        %add3A_478 = arith.addi %iota3A, %add3A_477 : vector<16xi32>
        %and3A_479 = arith.constant 63 : i32
        %and3A_480 = vector.broadcast %and3A_479 : i32 to vector<16xi32>
        %and3A_481 = arith.andi %add3A_478, %and3A_480 : vector<16xi32>
        %get3A_482 = arith.constant 272 : index
        %get3A_483 = tpu.vector_load %arg19[%get3A_482] {strides = array<i32>} : memref<1024xf32, #tpu.memory_space<vmem>>, vector<16xf32>,
        %gather3A_484 = tpu.vector_load_idx %arg13[%add3A_205, %and3A_481] : memref<400x64xf32, #tpu.memory_space<vmem>>[vector<16xi32>, vector<16xi32>], vector<16xf32>,
        %gather3A_485 = tpu.vector_load_idx %arg14[%add3A_205, %and3A_481] : memref<400x64xf32, #tpu.memory_space<vmem>>[vector<16xi32>, vector<16xi32>], vector<16xf32>,
        %add3A_486 = arith.addf %gather3A_484, %gather3A_485 : vector<16xf32>
        %max3A_487 = arith.constant 0.000000e+00 : f32
        %max3A_488 = vector.broadcast %max3A_487 : f32 to vector<16xf32>
        %max3A_489 = arith.maximumf %add3A_486, %max3A_488 : vector<16xf32>
        %mul3A_490 = arith.mulf %max3A_489, %get3A_483 : vector<16xf32>
        %add3A_491 = arith.addf %add3A_475, %mul3A_490 : vector<16xf32>
        %add3A_492 = arith.constant 18 : i32
        %add3A_493 = vector.broadcast %add3A_492 : i32 to vector<16xi32>
        %add3A_494 = arith.addi %iota3A, %add3A_493 : vector<16xi32>
        %and3A_495 = arith.constant 63 : i32
        %and3A_496 = vector.broadcast %and3A_495 : i32 to vector<16xi32>
        %and3A_497 = arith.andi %add3A_494, %and3A_496 : vector<16xi32>
        %get3A_498 = arith.constant 288 : index
        %get3A_499 = tpu.vector_load %arg19[%get3A_498] {strides = array<i32>} : memref<1024xf32, #tpu.memory_space<vmem>>, vector<16xf32>,
        %gather3A_500 = tpu.vector_load_idx %arg13[%add3A_205, %and3A_497] : memref<400x64xf32, #tpu.memory_space<vmem>>[vector<16xi32>, vector<16xi32>], vector<16xf32>,
        %gather3A_501 = tpu.vector_load_idx %arg14[%add3A_205, %and3A_497] : memref<400x64xf32, #tpu.memory_space<vmem>>[vector<16xi32>, vector<16xi32>], vector<16xf32>,
        %add3A_502 = arith.addf %gather3A_500, %gather3A_501 : vector<16xf32>
        %max3A_503 = arith.constant 0.000000e+00 : f32
        %max3A_504 = vector.broadcast %max3A_503 : f32 to vector<16xf32>
        %max3A_505 = arith.maximumf %add3A_502, %max3A_504 : vector<16xf32>
        %mul3A_506 = arith.mulf %max3A_505, %get3A_499 : vector<16xf32>
        %add3A_507 = arith.addf %add3A_491, %mul3A_506 : vector<16xf32>
        %add3A_508 = arith.constant 19 : i32
        %add3A_509 = vector.broadcast %add3A_508 : i32 to vector<16xi32>
        %add3A_510 = arith.addi %iota3A, %add3A_509 : vector<16xi32>
        %and3A_511 = arith.constant 63 : i32
        %and3A_512 = vector.broadcast %and3A_511 : i32 to vector<16xi32>
        %and3A_513 = arith.andi %add3A_510, %and3A_512 : vector<16xi32>
        %get3A_514 = arith.constant 304 : index
        %get3A_515 = tpu.vector_load %arg19[%get3A_514] {strides = array<i32>} : memref<1024xf32, #tpu.memory_space<vmem>>, vector<16xf32>,
        %gather3A_516 = tpu.vector_load_idx %arg13[%add3A_205, %and3A_513] : memref<400x64xf32, #tpu.memory_space<vmem>>[vector<16xi32>, vector<16xi32>], vector<16xf32>,
        %gather3A_517 = tpu.vector_load_idx %arg14[%add3A_205, %and3A_513] : memref<400x64xf32, #tpu.memory_space<vmem>>[vector<16xi32>, vector<16xi32>], vector<16xf32>,
        %add3A_518 = arith.addf %gather3A_516, %gather3A_517 : vector<16xf32>
        %max3A_519 = arith.constant 0.000000e+00 : f32
        %max3A_520 = vector.broadcast %max3A_519 : f32 to vector<16xf32>
        %max3A_521 = arith.maximumf %add3A_518, %max3A_520 : vector<16xf32>
        %mul3A_522 = arith.mulf %max3A_521, %get3A_515 : vector<16xf32>
        %add3A_523 = arith.addf %add3A_507, %mul3A_522 : vector<16xf32>
        %add3A_524 = arith.constant 20 : i32
        %add3A_525 = vector.broadcast %add3A_524 : i32 to vector<16xi32>
        %add3A_526 = arith.addi %iota3A, %add3A_525 : vector<16xi32>
        %and3A_527 = arith.constant 63 : i32
        %and3A_528 = vector.broadcast %and3A_527 : i32 to vector<16xi32>
        %and3A_529 = arith.andi %add3A_526, %and3A_528 : vector<16xi32>
        %get3A_530 = arith.constant 320 : index
        %get3A_531 = tpu.vector_load %arg19[%get3A_530] {strides = array<i32>} : memref<1024xf32, #tpu.memory_space<vmem>>, vector<16xf32>,
        %gather3A_532 = tpu.vector_load_idx %arg13[%add3A_205, %and3A_529] : memref<400x64xf32, #tpu.memory_space<vmem>>[vector<16xi32>, vector<16xi32>], vector<16xf32>,
        %gather3A_533 = tpu.vector_load_idx %arg14[%add3A_205, %and3A_529] : memref<400x64xf32, #tpu.memory_space<vmem>>[vector<16xi32>, vector<16xi32>], vector<16xf32>,
        %add3A_534 = arith.addf %gather3A_532, %gather3A_533 : vector<16xf32>
        %max3A_535 = arith.constant 0.000000e+00 : f32
        %max3A_536 = vector.broadcast %max3A_535 : f32 to vector<16xf32>
        %max3A_537 = arith.maximumf %add3A_534, %max3A_536 : vector<16xf32>
        %mul3A_538 = arith.mulf %max3A_537, %get3A_531 : vector<16xf32>
        %add3A_539 = arith.addf %add3A_523, %mul3A_538 : vector<16xf32>
        %add3A_540 = arith.constant 21 : i32
        %add3A_541 = vector.broadcast %add3A_540 : i32 to vector<16xi32>
        %add3A_542 = arith.addi %iota3A, %add3A_541 : vector<16xi32>
        %and3A_543 = arith.constant 63 : i32
        %and3A_544 = vector.broadcast %and3A_543 : i32 to vector<16xi32>
        %and3A_545 = arith.andi %add3A_542, %and3A_544 : vector<16xi32>
        %get3A_546 = arith.constant 336 : index
        %get3A_547 = tpu.vector_load %arg19[%get3A_546] {strides = array<i32>} : memref<1024xf32, #tpu.memory_space<vmem>>, vector<16xf32>,
        %gather3A_548 = tpu.vector_load_idx %arg13[%add3A_205, %and3A_545] : memref<400x64xf32, #tpu.memory_space<vmem>>[vector<16xi32>, vector<16xi32>], vector<16xf32>,
        %gather3A_549 = tpu.vector_load_idx %arg14[%add3A_205, %and3A_545] : memref<400x64xf32, #tpu.memory_space<vmem>>[vector<16xi32>, vector<16xi32>], vector<16xf32>,
        %add3A_550 = arith.addf %gather3A_548, %gather3A_549 : vector<16xf32>
        %max3A_551 = arith.constant 0.000000e+00 : f32
        %max3A_552 = vector.broadcast %max3A_551 : f32 to vector<16xf32>
        %max3A_553 = arith.maximumf %add3A_550, %max3A_552 : vector<16xf32>
        %mul3A_554 = arith.mulf %max3A_553, %get3A_547 : vector<16xf32>
        %add3A_555 = arith.addf %add3A_539, %mul3A_554 : vector<16xf32>
        %add3A_556 = arith.constant 22 : i32
        %add3A_557 = vector.broadcast %add3A_556 : i32 to vector<16xi32>
        %add3A_558 = arith.addi %iota3A, %add3A_557 : vector<16xi32>
        %and3A_559 = arith.constant 63 : i32
        %and3A_560 = vector.broadcast %and3A_559 : i32 to vector<16xi32>
        %and3A_561 = arith.andi %add3A_558, %and3A_560 : vector<16xi32>
        %get3A_562 = arith.constant 352 : index
        %get3A_563 = tpu.vector_load %arg19[%get3A_562] {strides = array<i32>} : memref<1024xf32, #tpu.memory_space<vmem>>, vector<16xf32>,
        %gather3A_564 = tpu.vector_load_idx %arg13[%add3A_205, %and3A_561] : memref<400x64xf32, #tpu.memory_space<vmem>>[vector<16xi32>, vector<16xi32>], vector<16xf32>,
        %gather3A_565 = tpu.vector_load_idx %arg14[%add3A_205, %and3A_561] : memref<400x64xf32, #tpu.memory_space<vmem>>[vector<16xi32>, vector<16xi32>], vector<16xf32>,
        %add3A_566 = arith.addf %gather3A_564, %gather3A_565 : vector<16xf32>
        %max3A_567 = arith.constant 0.000000e+00 : f32
        %max3A_568 = vector.broadcast %max3A_567 : f32 to vector<16xf32>
        %max3A_569 = arith.maximumf %add3A_566, %max3A_568 : vector<16xf32>
        %mul3A_570 = arith.mulf %max3A_569, %get3A_563 : vector<16xf32>
        %add3A_571 = arith.addf %add3A_555, %mul3A_570 : vector<16xf32>
        %add3A_572 = arith.constant 23 : i32
        %add3A_573 = vector.broadcast %add3A_572 : i32 to vector<16xi32>
        %add3A_574 = arith.addi %iota3A, %add3A_573 : vector<16xi32>
        %and3A_575 = arith.constant 63 : i32
        %and3A_576 = vector.broadcast %and3A_575 : i32 to vector<16xi32>
        %and3A_577 = arith.andi %add3A_574, %and3A_576 : vector<16xi32>
        %get3A_578 = arith.constant 368 : index
        %get3A_579 = tpu.vector_load %arg19[%get3A_578] {strides = array<i32>} : memref<1024xf32, #tpu.memory_space<vmem>>, vector<16xf32>,
        %gather3A_580 = tpu.vector_load_idx %arg13[%add3A_205, %and3A_577] : memref<400x64xf32, #tpu.memory_space<vmem>>[vector<16xi32>, vector<16xi32>], vector<16xf32>,
        %gather3A_581 = tpu.vector_load_idx %arg14[%add3A_205, %and3A_577] : memref<400x64xf32, #tpu.memory_space<vmem>>[vector<16xi32>, vector<16xi32>], vector<16xf32>,
        %add3A_582 = arith.addf %gather3A_580, %gather3A_581 : vector<16xf32>
        %max3A_583 = arith.constant 0.000000e+00 : f32
        %max3A_584 = vector.broadcast %max3A_583 : f32 to vector<16xf32>
        %max3A_585 = arith.maximumf %add3A_582, %max3A_584 : vector<16xf32>
        %mul3A_586 = arith.mulf %max3A_585, %get3A_579 : vector<16xf32>
        %add3A_587 = arith.addf %add3A_571, %mul3A_586 : vector<16xf32>
        %add3A_588 = arith.constant 24 : i32
        %add3A_589 = vector.broadcast %add3A_588 : i32 to vector<16xi32>
        %add3A_590 = arith.addi %iota3A, %add3A_589 : vector<16xi32>
        %and3A_591 = arith.constant 63 : i32
        %and3A_592 = vector.broadcast %and3A_591 : i32 to vector<16xi32>
        %and3A_593 = arith.andi %add3A_590, %and3A_592 : vector<16xi32>
        %get3A_594 = arith.constant 384 : index
        %get3A_595 = tpu.vector_load %arg19[%get3A_594] {strides = array<i32>} : memref<1024xf32, #tpu.memory_space<vmem>>, vector<16xf32>,
        %gather3A_596 = tpu.vector_load_idx %arg13[%add3A_205, %and3A_593] : memref<400x64xf32, #tpu.memory_space<vmem>>[vector<16xi32>, vector<16xi32>], vector<16xf32>,
        %gather3A_597 = tpu.vector_load_idx %arg14[%add3A_205, %and3A_593] : memref<400x64xf32, #tpu.memory_space<vmem>>[vector<16xi32>, vector<16xi32>], vector<16xf32>,
        %add3A_598 = arith.addf %gather3A_596, %gather3A_597 : vector<16xf32>
        %max3A_599 = arith.constant 0.000000e+00 : f32
        %max3A_600 = vector.broadcast %max3A_599 : f32 to vector<16xf32>
        %max3A_601 = arith.maximumf %add3A_598, %max3A_600 : vector<16xf32>
        %mul3A_602 = arith.mulf %max3A_601, %get3A_595 : vector<16xf32>
        %add3A_603 = arith.addf %add3A_587, %mul3A_602 : vector<16xf32>
        %add3A_604 = arith.constant 25 : i32
        %add3A_605 = vector.broadcast %add3A_604 : i32 to vector<16xi32>
        %add3A_606 = arith.addi %iota3A, %add3A_605 : vector<16xi32>
        %and3A_607 = arith.constant 63 : i32
        %and3A_608 = vector.broadcast %and3A_607 : i32 to vector<16xi32>
        %and3A_609 = arith.andi %add3A_606, %and3A_608 : vector<16xi32>
        %get3A_610 = arith.constant 400 : index
        %get3A_611 = tpu.vector_load %arg19[%get3A_610] {strides = array<i32>} : memref<1024xf32, #tpu.memory_space<vmem>>, vector<16xf32>,
        %gather3A_612 = tpu.vector_load_idx %arg13[%add3A_205, %and3A_609] : memref<400x64xf32, #tpu.memory_space<vmem>>[vector<16xi32>, vector<16xi32>], vector<16xf32>,
        %gather3A_613 = tpu.vector_load_idx %arg14[%add3A_205, %and3A_609] : memref<400x64xf32, #tpu.memory_space<vmem>>[vector<16xi32>, vector<16xi32>], vector<16xf32>,
        %add3A_614 = arith.addf %gather3A_612, %gather3A_613 : vector<16xf32>
        %max3A_615 = arith.constant 0.000000e+00 : f32
        %max3A_616 = vector.broadcast %max3A_615 : f32 to vector<16xf32>
        %max3A_617 = arith.maximumf %add3A_614, %max3A_616 : vector<16xf32>
        %mul3A_618 = arith.mulf %max3A_617, %get3A_611 : vector<16xf32>
        %add3A_619 = arith.addf %add3A_603, %mul3A_618 : vector<16xf32>
        %add3A_620 = arith.constant 26 : i32
        %add3A_621 = vector.broadcast %add3A_620 : i32 to vector<16xi32>
        %add3A_622 = arith.addi %iota3A, %add3A_621 : vector<16xi32>
        %and3A_623 = arith.constant 63 : i32
        %and3A_624 = vector.broadcast %and3A_623 : i32 to vector<16xi32>
        %and3A_625 = arith.andi %add3A_622, %and3A_624 : vector<16xi32>
        %get3A_626 = arith.constant 416 : index
        %get3A_627 = tpu.vector_load %arg19[%get3A_626] {strides = array<i32>} : memref<1024xf32, #tpu.memory_space<vmem>>, vector<16xf32>,
        %gather3A_628 = tpu.vector_load_idx %arg13[%add3A_205, %and3A_625] : memref<400x64xf32, #tpu.memory_space<vmem>>[vector<16xi32>, vector<16xi32>], vector<16xf32>,
        %gather3A_629 = tpu.vector_load_idx %arg14[%add3A_205, %and3A_625] : memref<400x64xf32, #tpu.memory_space<vmem>>[vector<16xi32>, vector<16xi32>], vector<16xf32>,
        %add3A_630 = arith.addf %gather3A_628, %gather3A_629 : vector<16xf32>
        %max3A_631 = arith.constant 0.000000e+00 : f32
        %max3A_632 = vector.broadcast %max3A_631 : f32 to vector<16xf32>
        %max3A_633 = arith.maximumf %add3A_630, %max3A_632 : vector<16xf32>
        %mul3A_634 = arith.mulf %max3A_633, %get3A_627 : vector<16xf32>
        %add3A_635 = arith.addf %add3A_619, %mul3A_634 : vector<16xf32>
        %add3A_636 = arith.constant 27 : i32
        %add3A_637 = vector.broadcast %add3A_636 : i32 to vector<16xi32>
        %add3A_638 = arith.addi %iota3A, %add3A_637 : vector<16xi32>
        %and3A_639 = arith.constant 63 : i32
        %and3A_640 = vector.broadcast %and3A_639 : i32 to vector<16xi32>
        %and3A_641 = arith.andi %add3A_638, %and3A_640 : vector<16xi32>
        %get3A_642 = arith.constant 432 : index
        %get3A_643 = tpu.vector_load %arg19[%get3A_642] {strides = array<i32>} : memref<1024xf32, #tpu.memory_space<vmem>>, vector<16xf32>,
        %gather3A_644 = tpu.vector_load_idx %arg13[%add3A_205, %and3A_641] : memref<400x64xf32, #tpu.memory_space<vmem>>[vector<16xi32>, vector<16xi32>], vector<16xf32>,
        %gather3A_645 = tpu.vector_load_idx %arg14[%add3A_205, %and3A_641] : memref<400x64xf32, #tpu.memory_space<vmem>>[vector<16xi32>, vector<16xi32>], vector<16xf32>,
        %add3A_646 = arith.addf %gather3A_644, %gather3A_645 : vector<16xf32>
        %max3A_647 = arith.constant 0.000000e+00 : f32
        %max3A_648 = vector.broadcast %max3A_647 : f32 to vector<16xf32>
        %max3A_649 = arith.maximumf %add3A_646, %max3A_648 : vector<16xf32>
        %mul3A_650 = arith.mulf %max3A_649, %get3A_643 : vector<16xf32>
        %add3A_651 = arith.addf %add3A_635, %mul3A_650 : vector<16xf32>
        %add3A_652 = arith.constant 28 : i32
        %add3A_653 = vector.broadcast %add3A_652 : i32 to vector<16xi32>
        %add3A_654 = arith.addi %iota3A, %add3A_653 : vector<16xi32>
        %and3A_655 = arith.constant 63 : i32
        %and3A_656 = vector.broadcast %and3A_655 : i32 to vector<16xi32>
        %and3A_657 = arith.andi %add3A_654, %and3A_656 : vector<16xi32>
        %get3A_658 = arith.constant 448 : index
        %get3A_659 = tpu.vector_load %arg19[%get3A_658] {strides = array<i32>} : memref<1024xf32, #tpu.memory_space<vmem>>, vector<16xf32>,
        %gather3A_660 = tpu.vector_load_idx %arg13[%add3A_205, %and3A_657] : memref<400x64xf32, #tpu.memory_space<vmem>>[vector<16xi32>, vector<16xi32>], vector<16xf32>,
        %gather3A_661 = tpu.vector_load_idx %arg14[%add3A_205, %and3A_657] : memref<400x64xf32, #tpu.memory_space<vmem>>[vector<16xi32>, vector<16xi32>], vector<16xf32>,
        %add3A_662 = arith.addf %gather3A_660, %gather3A_661 : vector<16xf32>
        %max3A_663 = arith.constant 0.000000e+00 : f32
        %max3A_664 = vector.broadcast %max3A_663 : f32 to vector<16xf32>
        %max3A_665 = arith.maximumf %add3A_662, %max3A_664 : vector<16xf32>
        %mul3A_666 = arith.mulf %max3A_665, %get3A_659 : vector<16xf32>
        %add3A_667 = arith.addf %add3A_651, %mul3A_666 : vector<16xf32>
        %add3A_668 = arith.constant 29 : i32
        %add3A_669 = vector.broadcast %add3A_668 : i32 to vector<16xi32>
        %add3A_670 = arith.addi %iota3A, %add3A_669 : vector<16xi32>
        %and3A_671 = arith.constant 63 : i32
        %and3A_672 = vector.broadcast %and3A_671 : i32 to vector<16xi32>
        %and3A_673 = arith.andi %add3A_670, %and3A_672 : vector<16xi32>
        %get3A_674 = arith.constant 464 : index
        %get3A_675 = tpu.vector_load %arg19[%get3A_674] {strides = array<i32>} : memref<1024xf32, #tpu.memory_space<vmem>>, vector<16xf32>,
        %gather3A_676 = tpu.vector_load_idx %arg13[%add3A_205, %and3A_673] : memref<400x64xf32, #tpu.memory_space<vmem>>[vector<16xi32>, vector<16xi32>], vector<16xf32>,
        %gather3A_677 = tpu.vector_load_idx %arg14[%add3A_205, %and3A_673] : memref<400x64xf32, #tpu.memory_space<vmem>>[vector<16xi32>, vector<16xi32>], vector<16xf32>,
        %add3A_678 = arith.addf %gather3A_676, %gather3A_677 : vector<16xf32>
        %max3A_679 = arith.constant 0.000000e+00 : f32
        %max3A_680 = vector.broadcast %max3A_679 : f32 to vector<16xf32>
        %max3A_681 = arith.maximumf %add3A_678, %max3A_680 : vector<16xf32>
        %mul3A_682 = arith.mulf %max3A_681, %get3A_675 : vector<16xf32>
        %add3A_683 = arith.addf %add3A_667, %mul3A_682 : vector<16xf32>
        %add3A_684 = arith.constant 30 : i32
        %add3A_685 = vector.broadcast %add3A_684 : i32 to vector<16xi32>
        %add3A_686 = arith.addi %iota3A, %add3A_685 : vector<16xi32>
        %and3A_687 = arith.constant 63 : i32
        %and3A_688 = vector.broadcast %and3A_687 : i32 to vector<16xi32>
        %and3A_689 = arith.andi %add3A_686, %and3A_688 : vector<16xi32>
        %get3A_690 = arith.constant 480 : index
        %get3A_691 = tpu.vector_load %arg19[%get3A_690] {strides = array<i32>} : memref<1024xf32, #tpu.memory_space<vmem>>, vector<16xf32>,
        %gather3A_692 = tpu.vector_load_idx %arg13[%add3A_205, %and3A_689] : memref<400x64xf32, #tpu.memory_space<vmem>>[vector<16xi32>, vector<16xi32>], vector<16xf32>,
        %gather3A_693 = tpu.vector_load_idx %arg14[%add3A_205, %and3A_689] : memref<400x64xf32, #tpu.memory_space<vmem>>[vector<16xi32>, vector<16xi32>], vector<16xf32>,
        %add3A_694 = arith.addf %gather3A_692, %gather3A_693 : vector<16xf32>
        %max3A_695 = arith.constant 0.000000e+00 : f32
        %max3A_696 = vector.broadcast %max3A_695 : f32 to vector<16xf32>
        %max3A_697 = arith.maximumf %add3A_694, %max3A_696 : vector<16xf32>
        %mul3A_698 = arith.mulf %max3A_697, %get3A_691 : vector<16xf32>
        %add3A_699 = arith.addf %add3A_683, %mul3A_698 : vector<16xf32>
        %add3A_700 = arith.constant 31 : i32
        %add3A_701 = vector.broadcast %add3A_700 : i32 to vector<16xi32>
        %add3A_702 = arith.addi %iota3A, %add3A_701 : vector<16xi32>
        %and3A_703 = arith.constant 63 : i32
        %and3A_704 = vector.broadcast %and3A_703 : i32 to vector<16xi32>
        %and3A_705 = arith.andi %add3A_702, %and3A_704 : vector<16xi32>
        %get3A_706 = arith.constant 496 : index
        %get3A_707 = tpu.vector_load %arg19[%get3A_706] {strides = array<i32>} : memref<1024xf32, #tpu.memory_space<vmem>>, vector<16xf32>,
        %gather3A_708 = tpu.vector_load_idx %arg13[%add3A_205, %and3A_705] : memref<400x64xf32, #tpu.memory_space<vmem>>[vector<16xi32>, vector<16xi32>], vector<16xf32>,
        %gather3A_709 = tpu.vector_load_idx %arg14[%add3A_205, %and3A_705] : memref<400x64xf32, #tpu.memory_space<vmem>>[vector<16xi32>, vector<16xi32>], vector<16xf32>,
        %add3A_710 = arith.addf %gather3A_708, %gather3A_709 : vector<16xf32>
        %max3A_711 = arith.constant 0.000000e+00 : f32
        %max3A_712 = vector.broadcast %max3A_711 : f32 to vector<16xf32>
        %max3A_713 = arith.maximumf %add3A_710, %max3A_712 : vector<16xf32>
        %mul3A_714 = arith.mulf %max3A_713, %get3A_707 : vector<16xf32>
        %add3A_715 = arith.addf %add3A_699, %mul3A_714 : vector<16xf32>
        %add3A_716 = arith.constant 32 : i32
        %add3A_717 = vector.broadcast %add3A_716 : i32 to vector<16xi32>
        %add3A_718 = arith.addi %iota3A, %add3A_717 : vector<16xi32>
        %and3A_719 = arith.constant 63 : i32
        %and3A_720 = vector.broadcast %and3A_719 : i32 to vector<16xi32>
        %and3A_721 = arith.andi %add3A_718, %and3A_720 : vector<16xi32>
        %get3A_722 = arith.constant 512 : index
        %get3A_723 = tpu.vector_load %arg19[%get3A_722] {strides = array<i32>} : memref<1024xf32, #tpu.memory_space<vmem>>, vector<16xf32>,
        %gather3A_724 = tpu.vector_load_idx %arg13[%add3A_205, %and3A_721] : memref<400x64xf32, #tpu.memory_space<vmem>>[vector<16xi32>, vector<16xi32>], vector<16xf32>,
        %gather3A_725 = tpu.vector_load_idx %arg14[%add3A_205, %and3A_721] : memref<400x64xf32, #tpu.memory_space<vmem>>[vector<16xi32>, vector<16xi32>], vector<16xf32>,
        %add3A_726 = arith.addf %gather3A_724, %gather3A_725 : vector<16xf32>
        %max3A_727 = arith.constant 0.000000e+00 : f32
        %max3A_728 = vector.broadcast %max3A_727 : f32 to vector<16xf32>
        %max3A_729 = arith.maximumf %add3A_726, %max3A_728 : vector<16xf32>
        %mul3A_730 = arith.mulf %max3A_729, %get3A_723 : vector<16xf32>
        %add3A_731 = arith.addf %add3A_715, %mul3A_730 : vector<16xf32>
        %add3A_732 = arith.constant 33 : i32
        %add3A_733 = vector.broadcast %add3A_732 : i32 to vector<16xi32>
        %add3A_734 = arith.addi %iota3A, %add3A_733 : vector<16xi32>
        %and3A_735 = arith.constant 63 : i32
        %and3A_736 = vector.broadcast %and3A_735 : i32 to vector<16xi32>
        %and3A_737 = arith.andi %add3A_734, %and3A_736 : vector<16xi32>
        %get3A_738 = arith.constant 528 : index
        %get3A_739 = tpu.vector_load %arg19[%get3A_738] {strides = array<i32>} : memref<1024xf32, #tpu.memory_space<vmem>>, vector<16xf32>,
        %gather3A_740 = tpu.vector_load_idx %arg13[%add3A_205, %and3A_737] : memref<400x64xf32, #tpu.memory_space<vmem>>[vector<16xi32>, vector<16xi32>], vector<16xf32>,
        %gather3A_741 = tpu.vector_load_idx %arg14[%add3A_205, %and3A_737] : memref<400x64xf32, #tpu.memory_space<vmem>>[vector<16xi32>, vector<16xi32>], vector<16xf32>,
        %add3A_742 = arith.addf %gather3A_740, %gather3A_741 : vector<16xf32>
        %max3A_743 = arith.constant 0.000000e+00 : f32
        %max3A_744 = vector.broadcast %max3A_743 : f32 to vector<16xf32>
        %max3A_745 = arith.maximumf %add3A_742, %max3A_744 : vector<16xf32>
        %mul3A_746 = arith.mulf %max3A_745, %get3A_739 : vector<16xf32>
        %add3A_747 = arith.addf %add3A_731, %mul3A_746 : vector<16xf32>
        %add3A_748 = arith.constant 34 : i32
        %add3A_749 = vector.broadcast %add3A_748 : i32 to vector<16xi32>
        %add3A_750 = arith.addi %iota3A, %add3A_749 : vector<16xi32>
        %and3A_751 = arith.constant 63 : i32
        %and3A_752 = vector.broadcast %and3A_751 : i32 to vector<16xi32>
        %and3A_753 = arith.andi %add3A_750, %and3A_752 : vector<16xi32>
        %get3A_754 = arith.constant 544 : index
        %get3A_755 = tpu.vector_load %arg19[%get3A_754] {strides = array<i32>} : memref<1024xf32, #tpu.memory_space<vmem>>, vector<16xf32>,
        %gather3A_756 = tpu.vector_load_idx %arg13[%add3A_205, %and3A_753] : memref<400x64xf32, #tpu.memory_space<vmem>>[vector<16xi32>, vector<16xi32>], vector<16xf32>,
        %gather3A_757 = tpu.vector_load_idx %arg14[%add3A_205, %and3A_753] : memref<400x64xf32, #tpu.memory_space<vmem>>[vector<16xi32>, vector<16xi32>], vector<16xf32>,
        %add3A_758 = arith.addf %gather3A_756, %gather3A_757 : vector<16xf32>
        %max3A_759 = arith.constant 0.000000e+00 : f32
        %max3A_760 = vector.broadcast %max3A_759 : f32 to vector<16xf32>
        %max3A_761 = arith.maximumf %add3A_758, %max3A_760 : vector<16xf32>
        %mul3A_762 = arith.mulf %max3A_761, %get3A_755 : vector<16xf32>
        %add3A_763 = arith.addf %add3A_747, %mul3A_762 : vector<16xf32>
        %add3A_764 = arith.constant 35 : i32
        %add3A_765 = vector.broadcast %add3A_764 : i32 to vector<16xi32>
        %add3A_766 = arith.addi %iota3A, %add3A_765 : vector<16xi32>
        %and3A_767 = arith.constant 63 : i32
        %and3A_768 = vector.broadcast %and3A_767 : i32 to vector<16xi32>
        %and3A_769 = arith.andi %add3A_766, %and3A_768 : vector<16xi32>
        %get3A_770 = arith.constant 560 : index
        %get3A_771 = tpu.vector_load %arg19[%get3A_770] {strides = array<i32>} : memref<1024xf32, #tpu.memory_space<vmem>>, vector<16xf32>,
        %gather3A_772 = tpu.vector_load_idx %arg13[%add3A_205, %and3A_769] : memref<400x64xf32, #tpu.memory_space<vmem>>[vector<16xi32>, vector<16xi32>], vector<16xf32>,
        %gather3A_773 = tpu.vector_load_idx %arg14[%add3A_205, %and3A_769] : memref<400x64xf32, #tpu.memory_space<vmem>>[vector<16xi32>, vector<16xi32>], vector<16xf32>,
        %add3A_774 = arith.addf %gather3A_772, %gather3A_773 : vector<16xf32>
        %max3A_775 = arith.constant 0.000000e+00 : f32
        %max3A_776 = vector.broadcast %max3A_775 : f32 to vector<16xf32>
        %max3A_777 = arith.maximumf %add3A_774, %max3A_776 : vector<16xf32>
        %mul3A_778 = arith.mulf %max3A_777, %get3A_771 : vector<16xf32>
        %add3A_779 = arith.addf %add3A_763, %mul3A_778 : vector<16xf32>
        %add3A_780 = arith.constant 36 : i32
        %add3A_781 = vector.broadcast %add3A_780 : i32 to vector<16xi32>
        %add3A_782 = arith.addi %iota3A, %add3A_781 : vector<16xi32>
        %and3A_783 = arith.constant 63 : i32
        %and3A_784 = vector.broadcast %and3A_783 : i32 to vector<16xi32>
        %and3A_785 = arith.andi %add3A_782, %and3A_784 : vector<16xi32>
        %get3A_786 = arith.constant 576 : index
        %get3A_787 = tpu.vector_load %arg19[%get3A_786] {strides = array<i32>} : memref<1024xf32, #tpu.memory_space<vmem>>, vector<16xf32>,
        %gather3A_788 = tpu.vector_load_idx %arg13[%add3A_205, %and3A_785] : memref<400x64xf32, #tpu.memory_space<vmem>>[vector<16xi32>, vector<16xi32>], vector<16xf32>,
        %gather3A_789 = tpu.vector_load_idx %arg14[%add3A_205, %and3A_785] : memref<400x64xf32, #tpu.memory_space<vmem>>[vector<16xi32>, vector<16xi32>], vector<16xf32>,
        %add3A_790 = arith.addf %gather3A_788, %gather3A_789 : vector<16xf32>
        %max3A_791 = arith.constant 0.000000e+00 : f32
        %max3A_792 = vector.broadcast %max3A_791 : f32 to vector<16xf32>
        %max3A_793 = arith.maximumf %add3A_790, %max3A_792 : vector<16xf32>
        %mul3A_794 = arith.mulf %max3A_793, %get3A_787 : vector<16xf32>
        %add3A_795 = arith.addf %add3A_779, %mul3A_794 : vector<16xf32>
        %add3A_796 = arith.constant 37 : i32
        %add3A_797 = vector.broadcast %add3A_796 : i32 to vector<16xi32>
        %add3A_798 = arith.addi %iota3A, %add3A_797 : vector<16xi32>
        %and3A_799 = arith.constant 63 : i32
        %and3A_800 = vector.broadcast %and3A_799 : i32 to vector<16xi32>
        %and3A_801 = arith.andi %add3A_798, %and3A_800 : vector<16xi32>
        %get3A_802 = arith.constant 592 : index
        %get3A_803 = tpu.vector_load %arg19[%get3A_802] {strides = array<i32>} : memref<1024xf32, #tpu.memory_space<vmem>>, vector<16xf32>,
        %gather3A_804 = tpu.vector_load_idx %arg13[%add3A_205, %and3A_801] : memref<400x64xf32, #tpu.memory_space<vmem>>[vector<16xi32>, vector<16xi32>], vector<16xf32>,
        %gather3A_805 = tpu.vector_load_idx %arg14[%add3A_205, %and3A_801] : memref<400x64xf32, #tpu.memory_space<vmem>>[vector<16xi32>, vector<16xi32>], vector<16xf32>,
        %add3A_806 = arith.addf %gather3A_804, %gather3A_805 : vector<16xf32>
        %max3A_807 = arith.constant 0.000000e+00 : f32
        %max3A_808 = vector.broadcast %max3A_807 : f32 to vector<16xf32>
        %max3A_809 = arith.maximumf %add3A_806, %max3A_808 : vector<16xf32>
        %mul3A_810 = arith.mulf %max3A_809, %get3A_803 : vector<16xf32>
        %add3A_811 = arith.addf %add3A_795, %mul3A_810 : vector<16xf32>
        %add3A_812 = arith.constant 38 : i32
        %add3A_813 = vector.broadcast %add3A_812 : i32 to vector<16xi32>
        %add3A_814 = arith.addi %iota3A, %add3A_813 : vector<16xi32>
        %and3A_815 = arith.constant 63 : i32
        %and3A_816 = vector.broadcast %and3A_815 : i32 to vector<16xi32>
        %and3A_817 = arith.andi %add3A_814, %and3A_816 : vector<16xi32>
        %get3A_818 = arith.constant 608 : index
        %get3A_819 = tpu.vector_load %arg19[%get3A_818] {strides = array<i32>} : memref<1024xf32, #tpu.memory_space<vmem>>, vector<16xf32>,
        %gather3A_820 = tpu.vector_load_idx %arg13[%add3A_205, %and3A_817] : memref<400x64xf32, #tpu.memory_space<vmem>>[vector<16xi32>, vector<16xi32>], vector<16xf32>,
        %gather3A_821 = tpu.vector_load_idx %arg14[%add3A_205, %and3A_817] : memref<400x64xf32, #tpu.memory_space<vmem>>[vector<16xi32>, vector<16xi32>], vector<16xf32>,
        %add3A_822 = arith.addf %gather3A_820, %gather3A_821 : vector<16xf32>
        %max3A_823 = arith.constant 0.000000e+00 : f32
        %max3A_824 = vector.broadcast %max3A_823 : f32 to vector<16xf32>
        %max3A_825 = arith.maximumf %add3A_822, %max3A_824 : vector<16xf32>
        %mul3A_826 = arith.mulf %max3A_825, %get3A_819 : vector<16xf32>
        %add3A_827 = arith.addf %add3A_811, %mul3A_826 : vector<16xf32>
        %add3A_828 = arith.constant 39 : i32
        %add3A_829 = vector.broadcast %add3A_828 : i32 to vector<16xi32>
        %add3A_830 = arith.addi %iota3A, %add3A_829 : vector<16xi32>
        %and3A_831 = arith.constant 63 : i32
        %and3A_832 = vector.broadcast %and3A_831 : i32 to vector<16xi32>
        %and3A_833 = arith.andi %add3A_830, %and3A_832 : vector<16xi32>
        %get3A_834 = arith.constant 624 : index
        %get3A_835 = tpu.vector_load %arg19[%get3A_834] {strides = array<i32>} : memref<1024xf32, #tpu.memory_space<vmem>>, vector<16xf32>,
        %gather3A_836 = tpu.vector_load_idx %arg13[%add3A_205, %and3A_833] : memref<400x64xf32, #tpu.memory_space<vmem>>[vector<16xi32>, vector<16xi32>], vector<16xf32>,
        %gather3A_837 = tpu.vector_load_idx %arg14[%add3A_205, %and3A_833] : memref<400x64xf32, #tpu.memory_space<vmem>>[vector<16xi32>, vector<16xi32>], vector<16xf32>,
        %add3A_838 = arith.addf %gather3A_836, %gather3A_837 : vector<16xf32>
        %max3A_839 = arith.constant 0.000000e+00 : f32
        %max3A_840 = vector.broadcast %max3A_839 : f32 to vector<16xf32>
        %max3A_841 = arith.maximumf %add3A_838, %max3A_840 : vector<16xf32>
        %mul3A_842 = arith.mulf %max3A_841, %get3A_835 : vector<16xf32>
        %add3A_843 = arith.addf %add3A_827, %mul3A_842 : vector<16xf32>
        %add3A_844 = arith.constant 40 : i32
        %add3A_845 = vector.broadcast %add3A_844 : i32 to vector<16xi32>
        %add3A_846 = arith.addi %iota3A, %add3A_845 : vector<16xi32>
        %and3A_847 = arith.constant 63 : i32
        %and3A_848 = vector.broadcast %and3A_847 : i32 to vector<16xi32>
        %and3A_849 = arith.andi %add3A_846, %and3A_848 : vector<16xi32>
        %get3A_850 = arith.constant 640 : index
        %get3A_851 = tpu.vector_load %arg19[%get3A_850] {strides = array<i32>} : memref<1024xf32, #tpu.memory_space<vmem>>, vector<16xf32>,
        %gather3A_852 = tpu.vector_load_idx %arg13[%add3A_205, %and3A_849] : memref<400x64xf32, #tpu.memory_space<vmem>>[vector<16xi32>, vector<16xi32>], vector<16xf32>,
        %gather3A_853 = tpu.vector_load_idx %arg14[%add3A_205, %and3A_849] : memref<400x64xf32, #tpu.memory_space<vmem>>[vector<16xi32>, vector<16xi32>], vector<16xf32>,
        %add3A_854 = arith.addf %gather3A_852, %gather3A_853 : vector<16xf32>
        %max3A_855 = arith.constant 0.000000e+00 : f32
        %max3A_856 = vector.broadcast %max3A_855 : f32 to vector<16xf32>
        %max3A_857 = arith.maximumf %add3A_854, %max3A_856 : vector<16xf32>
        %mul3A_858 = arith.mulf %max3A_857, %get3A_851 : vector<16xf32>
        %add3A_859 = arith.addf %add3A_843, %mul3A_858 : vector<16xf32>
        %add3A_860 = arith.constant 41 : i32
        %add3A_861 = vector.broadcast %add3A_860 : i32 to vector<16xi32>
        %add3A_862 = arith.addi %iota3A, %add3A_861 : vector<16xi32>
        %and3A_863 = arith.constant 63 : i32
        %and3A_864 = vector.broadcast %and3A_863 : i32 to vector<16xi32>
        %and3A_865 = arith.andi %add3A_862, %and3A_864 : vector<16xi32>
        %get3A_866 = arith.constant 656 : index
        %get3A_867 = tpu.vector_load %arg19[%get3A_866] {strides = array<i32>} : memref<1024xf32, #tpu.memory_space<vmem>>, vector<16xf32>,
        %gather3A_868 = tpu.vector_load_idx %arg13[%add3A_205, %and3A_865] : memref<400x64xf32, #tpu.memory_space<vmem>>[vector<16xi32>, vector<16xi32>], vector<16xf32>,
        %gather3A_869 = tpu.vector_load_idx %arg14[%add3A_205, %and3A_865] : memref<400x64xf32, #tpu.memory_space<vmem>>[vector<16xi32>, vector<16xi32>], vector<16xf32>,
        %add3A_870 = arith.addf %gather3A_868, %gather3A_869 : vector<16xf32>
        %max3A_871 = arith.constant 0.000000e+00 : f32
        %max3A_872 = vector.broadcast %max3A_871 : f32 to vector<16xf32>
        %max3A_873 = arith.maximumf %add3A_870, %max3A_872 : vector<16xf32>
        %mul3A_874 = arith.mulf %max3A_873, %get3A_867 : vector<16xf32>
        %add3A_875 = arith.addf %add3A_859, %mul3A_874 : vector<16xf32>
        %add3A_876 = arith.constant 42 : i32
        %add3A_877 = vector.broadcast %add3A_876 : i32 to vector<16xi32>
        %add3A_878 = arith.addi %iota3A, %add3A_877 : vector<16xi32>
        %and3A_879 = arith.constant 63 : i32
        %and3A_880 = vector.broadcast %and3A_879 : i32 to vector<16xi32>
        %and3A_881 = arith.andi %add3A_878, %and3A_880 : vector<16xi32>
        %get3A_882 = arith.constant 672 : index
        %get3A_883 = tpu.vector_load %arg19[%get3A_882] {strides = array<i32>} : memref<1024xf32, #tpu.memory_space<vmem>>, vector<16xf32>,
        %gather3A_884 = tpu.vector_load_idx %arg13[%add3A_205, %and3A_881] : memref<400x64xf32, #tpu.memory_space<vmem>>[vector<16xi32>, vector<16xi32>], vector<16xf32>,
        %gather3A_885 = tpu.vector_load_idx %arg14[%add3A_205, %and3A_881] : memref<400x64xf32, #tpu.memory_space<vmem>>[vector<16xi32>, vector<16xi32>], vector<16xf32>,
        %add3A_886 = arith.addf %gather3A_884, %gather3A_885 : vector<16xf32>
        %max3A_887 = arith.constant 0.000000e+00 : f32
        %max3A_888 = vector.broadcast %max3A_887 : f32 to vector<16xf32>
        %max3A_889 = arith.maximumf %add3A_886, %max3A_888 : vector<16xf32>
        %mul3A_890 = arith.mulf %max3A_889, %get3A_883 : vector<16xf32>
        %add3A_891 = arith.addf %add3A_875, %mul3A_890 : vector<16xf32>
        %add3A_892 = arith.constant 43 : i32
        %add3A_893 = vector.broadcast %add3A_892 : i32 to vector<16xi32>
        %add3A_894 = arith.addi %iota3A, %add3A_893 : vector<16xi32>
        %and3A_895 = arith.constant 63 : i32
        %and3A_896 = vector.broadcast %and3A_895 : i32 to vector<16xi32>
        %and3A_897 = arith.andi %add3A_894, %and3A_896 : vector<16xi32>
        %get3A_898 = arith.constant 688 : index
        %get3A_899 = tpu.vector_load %arg19[%get3A_898] {strides = array<i32>} : memref<1024xf32, #tpu.memory_space<vmem>>, vector<16xf32>,
        %gather3A_900 = tpu.vector_load_idx %arg13[%add3A_205, %and3A_897] : memref<400x64xf32, #tpu.memory_space<vmem>>[vector<16xi32>, vector<16xi32>], vector<16xf32>,
        %gather3A_901 = tpu.vector_load_idx %arg14[%add3A_205, %and3A_897] : memref<400x64xf32, #tpu.memory_space<vmem>>[vector<16xi32>, vector<16xi32>], vector<16xf32>,
        %add3A_902 = arith.addf %gather3A_900, %gather3A_901 : vector<16xf32>
        %max3A_903 = arith.constant 0.000000e+00 : f32
        %max3A_904 = vector.broadcast %max3A_903 : f32 to vector<16xf32>
        %max3A_905 = arith.maximumf %add3A_902, %max3A_904 : vector<16xf32>
        %mul3A_906 = arith.mulf %max3A_905, %get3A_899 : vector<16xf32>
        %add3A_907 = arith.addf %add3A_891, %mul3A_906 : vector<16xf32>
        %add3A_908 = arith.constant 44 : i32
        %add3A_909 = vector.broadcast %add3A_908 : i32 to vector<16xi32>
        %add3A_910 = arith.addi %iota3A, %add3A_909 : vector<16xi32>
        %and3A_911 = arith.constant 63 : i32
        %and3A_912 = vector.broadcast %and3A_911 : i32 to vector<16xi32>
        %and3A_913 = arith.andi %add3A_910, %and3A_912 : vector<16xi32>
        %get3A_914 = arith.constant 704 : index
        %get3A_915 = tpu.vector_load %arg19[%get3A_914] {strides = array<i32>} : memref<1024xf32, #tpu.memory_space<vmem>>, vector<16xf32>,
        %gather3A_916 = tpu.vector_load_idx %arg13[%add3A_205, %and3A_913] : memref<400x64xf32, #tpu.memory_space<vmem>>[vector<16xi32>, vector<16xi32>], vector<16xf32>,
        %gather3A_917 = tpu.vector_load_idx %arg14[%add3A_205, %and3A_913] : memref<400x64xf32, #tpu.memory_space<vmem>>[vector<16xi32>, vector<16xi32>], vector<16xf32>,
        %add3A_918 = arith.addf %gather3A_916, %gather3A_917 : vector<16xf32>
        %max3A_919 = arith.constant 0.000000e+00 : f32
        %max3A_920 = vector.broadcast %max3A_919 : f32 to vector<16xf32>
        %max3A_921 = arith.maximumf %add3A_918, %max3A_920 : vector<16xf32>
        %mul3A_922 = arith.mulf %max3A_921, %get3A_915 : vector<16xf32>
        %add3A_923 = arith.addf %add3A_907, %mul3A_922 : vector<16xf32>
        %add3A_924 = arith.constant 45 : i32
        %add3A_925 = vector.broadcast %add3A_924 : i32 to vector<16xi32>
        %add3A_926 = arith.addi %iota3A, %add3A_925 : vector<16xi32>
        %and3A_927 = arith.constant 63 : i32
        %and3A_928 = vector.broadcast %and3A_927 : i32 to vector<16xi32>
        %and3A_929 = arith.andi %add3A_926, %and3A_928 : vector<16xi32>
        %get3A_930 = arith.constant 720 : index
        %get3A_931 = tpu.vector_load %arg19[%get3A_930] {strides = array<i32>} : memref<1024xf32, #tpu.memory_space<vmem>>, vector<16xf32>,
        %gather3A_932 = tpu.vector_load_idx %arg13[%add3A_205, %and3A_929] : memref<400x64xf32, #tpu.memory_space<vmem>>[vector<16xi32>, vector<16xi32>], vector<16xf32>,
        %gather3A_933 = tpu.vector_load_idx %arg14[%add3A_205, %and3A_929] : memref<400x64xf32, #tpu.memory_space<vmem>>[vector<16xi32>, vector<16xi32>], vector<16xf32>,
        %add3A_934 = arith.addf %gather3A_932, %gather3A_933 : vector<16xf32>
        %max3A_935 = arith.constant 0.000000e+00 : f32
        %max3A_936 = vector.broadcast %max3A_935 : f32 to vector<16xf32>
        %max3A_937 = arith.maximumf %add3A_934, %max3A_936 : vector<16xf32>
        %mul3A_938 = arith.mulf %max3A_937, %get3A_931 : vector<16xf32>
        %add3A_939 = arith.addf %add3A_923, %mul3A_938 : vector<16xf32>
        %add3A_940 = arith.constant 46 : i32
        %add3A_941 = vector.broadcast %add3A_940 : i32 to vector<16xi32>
        %add3A_942 = arith.addi %iota3A, %add3A_941 : vector<16xi32>
        %and3A_943 = arith.constant 63 : i32
        %and3A_944 = vector.broadcast %and3A_943 : i32 to vector<16xi32>
        %and3A_945 = arith.andi %add3A_942, %and3A_944 : vector<16xi32>
        %get3A_946 = arith.constant 736 : index
        %get3A_947 = tpu.vector_load %arg19[%get3A_946] {strides = array<i32>} : memref<1024xf32, #tpu.memory_space<vmem>>, vector<16xf32>,
        %gather3A_948 = tpu.vector_load_idx %arg13[%add3A_205, %and3A_945] : memref<400x64xf32, #tpu.memory_space<vmem>>[vector<16xi32>, vector<16xi32>], vector<16xf32>,
        %gather3A_949 = tpu.vector_load_idx %arg14[%add3A_205, %and3A_945] : memref<400x64xf32, #tpu.memory_space<vmem>>[vector<16xi32>, vector<16xi32>], vector<16xf32>,
        %add3A_950 = arith.addf %gather3A_948, %gather3A_949 : vector<16xf32>
        %max3A_951 = arith.constant 0.000000e+00 : f32
        %max3A_952 = vector.broadcast %max3A_951 : f32 to vector<16xf32>
        %max3A_953 = arith.maximumf %add3A_950, %max3A_952 : vector<16xf32>
        %mul3A_954 = arith.mulf %max3A_953, %get3A_947 : vector<16xf32>
        %add3A_955 = arith.addf %add3A_939, %mul3A_954 : vector<16xf32>
        %add3A_956 = arith.constant 47 : i32
        %add3A_957 = vector.broadcast %add3A_956 : i32 to vector<16xi32>
        %add3A_958 = arith.addi %iota3A, %add3A_957 : vector<16xi32>
        %and3A_959 = arith.constant 63 : i32
        %and3A_960 = vector.broadcast %and3A_959 : i32 to vector<16xi32>
        %and3A_961 = arith.andi %add3A_958, %and3A_960 : vector<16xi32>
        %get3A_962 = arith.constant 752 : index
        %get3A_963 = tpu.vector_load %arg19[%get3A_962] {strides = array<i32>} : memref<1024xf32, #tpu.memory_space<vmem>>, vector<16xf32>,
        %gather3A_964 = tpu.vector_load_idx %arg13[%add3A_205, %and3A_961] : memref<400x64xf32, #tpu.memory_space<vmem>>[vector<16xi32>, vector<16xi32>], vector<16xf32>,
        %gather3A_965 = tpu.vector_load_idx %arg14[%add3A_205, %and3A_961] : memref<400x64xf32, #tpu.memory_space<vmem>>[vector<16xi32>, vector<16xi32>], vector<16xf32>,
        %add3A_966 = arith.addf %gather3A_964, %gather3A_965 : vector<16xf32>
        %max3A_967 = arith.constant 0.000000e+00 : f32
        %max3A_968 = vector.broadcast %max3A_967 : f32 to vector<16xf32>
        %max3A_969 = arith.maximumf %add3A_966, %max3A_968 : vector<16xf32>
        %mul3A_970 = arith.mulf %max3A_969, %get3A_963 : vector<16xf32>
        %add3A_971 = arith.addf %add3A_955, %mul3A_970 : vector<16xf32>
        %add3A_972 = arith.constant 48 : i32
        %add3A_973 = vector.broadcast %add3A_972 : i32 to vector<16xi32>
        %add3A_974 = arith.addi %iota3A, %add3A_973 : vector<16xi32>
        %and3A_975 = arith.constant 63 : i32
        %and3A_976 = vector.broadcast %and3A_975 : i32 to vector<16xi32>
        %and3A_977 = arith.andi %add3A_974, %and3A_976 : vector<16xi32>
        %get3A_978 = arith.constant 768 : index
        %get3A_979 = tpu.vector_load %arg19[%get3A_978] {strides = array<i32>} : memref<1024xf32, #tpu.memory_space<vmem>>, vector<16xf32>,
        %gather3A_980 = tpu.vector_load_idx %arg13[%add3A_205, %and3A_977] : memref<400x64xf32, #tpu.memory_space<vmem>>[vector<16xi32>, vector<16xi32>], vector<16xf32>,
        %gather3A_981 = tpu.vector_load_idx %arg14[%add3A_205, %and3A_977] : memref<400x64xf32, #tpu.memory_space<vmem>>[vector<16xi32>, vector<16xi32>], vector<16xf32>,
        %add3A_982 = arith.addf %gather3A_980, %gather3A_981 : vector<16xf32>
        %max3A_983 = arith.constant 0.000000e+00 : f32
        %max3A_984 = vector.broadcast %max3A_983 : f32 to vector<16xf32>
        %max3A_985 = arith.maximumf %add3A_982, %max3A_984 : vector<16xf32>
        %mul3A_986 = arith.mulf %max3A_985, %get3A_979 : vector<16xf32>
        %add3A_987 = arith.addf %add3A_971, %mul3A_986 : vector<16xf32>
        %add3A_988 = arith.constant 49 : i32
        %add3A_989 = vector.broadcast %add3A_988 : i32 to vector<16xi32>
        %add3A_990 = arith.addi %iota3A, %add3A_989 : vector<16xi32>
        %and3A_991 = arith.constant 63 : i32
        %and3A_992 = vector.broadcast %and3A_991 : i32 to vector<16xi32>
        %and3A_993 = arith.andi %add3A_990, %and3A_992 : vector<16xi32>
        %get3A_994 = arith.constant 784 : index
        %get3A_995 = tpu.vector_load %arg19[%get3A_994] {strides = array<i32>} : memref<1024xf32, #tpu.memory_space<vmem>>, vector<16xf32>,
        %gather3A_996 = tpu.vector_load_idx %arg13[%add3A_205, %and3A_993] : memref<400x64xf32, #tpu.memory_space<vmem>>[vector<16xi32>, vector<16xi32>], vector<16xf32>,
        %gather3A_997 = tpu.vector_load_idx %arg14[%add3A_205, %and3A_993] : memref<400x64xf32, #tpu.memory_space<vmem>>[vector<16xi32>, vector<16xi32>], vector<16xf32>,
        %add3A_998 = arith.addf %gather3A_996, %gather3A_997 : vector<16xf32>
        %max3A_999 = arith.constant 0.000000e+00 : f32
        %max3A_1000 = vector.broadcast %max3A_999 : f32 to vector<16xf32>
        %max3A_1001 = arith.maximumf %add3A_998, %max3A_1000 : vector<16xf32>
        %mul3A_1002 = arith.mulf %max3A_1001, %get3A_995 : vector<16xf32>
        %add3A_1003 = arith.addf %add3A_987, %mul3A_1002 : vector<16xf32>
        %add3A_1004 = arith.constant 50 : i32
        %add3A_1005 = vector.broadcast %add3A_1004 : i32 to vector<16xi32>
        %add3A_1006 = arith.addi %iota3A, %add3A_1005 : vector<16xi32>
        %and3A_1007 = arith.constant 63 : i32
        %and3A_1008 = vector.broadcast %and3A_1007 : i32 to vector<16xi32>
        %and3A_1009 = arith.andi %add3A_1006, %and3A_1008 : vector<16xi32>
        %get3A_1010 = arith.constant 800 : index
        %get3A_1011 = tpu.vector_load %arg19[%get3A_1010] {strides = array<i32>} : memref<1024xf32, #tpu.memory_space<vmem>>, vector<16xf32>,
        %gather3A_1012 = tpu.vector_load_idx %arg13[%add3A_205, %and3A_1009] : memref<400x64xf32, #tpu.memory_space<vmem>>[vector<16xi32>, vector<16xi32>], vector<16xf32>,
        %gather3A_1013 = tpu.vector_load_idx %arg14[%add3A_205, %and3A_1009] : memref<400x64xf32, #tpu.memory_space<vmem>>[vector<16xi32>, vector<16xi32>], vector<16xf32>,
        %add3A_1014 = arith.addf %gather3A_1012, %gather3A_1013 : vector<16xf32>
        %max3A_1015 = arith.constant 0.000000e+00 : f32
        %max3A_1016 = vector.broadcast %max3A_1015 : f32 to vector<16xf32>
        %max3A_1017 = arith.maximumf %add3A_1014, %max3A_1016 : vector<16xf32>
        %mul3A_1018 = arith.mulf %max3A_1017, %get3A_1011 : vector<16xf32>
        %add3A_1019 = arith.addf %add3A_1003, %mul3A_1018 : vector<16xf32>
        %add3A_1020 = arith.constant 51 : i32
        %add3A_1021 = vector.broadcast %add3A_1020 : i32 to vector<16xi32>
        %add3A_1022 = arith.addi %iota3A, %add3A_1021 : vector<16xi32>
        %and3A_1023 = arith.constant 63 : i32
        %and3A_1024 = vector.broadcast %and3A_1023 : i32 to vector<16xi32>
        %and3A_1025 = arith.andi %add3A_1022, %and3A_1024 : vector<16xi32>
        %get3A_1026 = arith.constant 816 : index
        %get3A_1027 = tpu.vector_load %arg19[%get3A_1026] {strides = array<i32>} : memref<1024xf32, #tpu.memory_space<vmem>>, vector<16xf32>,
        %gather3A_1028 = tpu.vector_load_idx %arg13[%add3A_205, %and3A_1025] : memref<400x64xf32, #tpu.memory_space<vmem>>[vector<16xi32>, vector<16xi32>], vector<16xf32>,
        %gather3A_1029 = tpu.vector_load_idx %arg14[%add3A_205, %and3A_1025] : memref<400x64xf32, #tpu.memory_space<vmem>>[vector<16xi32>, vector<16xi32>], vector<16xf32>,
        %add3A_1030 = arith.addf %gather3A_1028, %gather3A_1029 : vector<16xf32>
        %max3A_1031 = arith.constant 0.000000e+00 : f32
        %max3A_1032 = vector.broadcast %max3A_1031 : f32 to vector<16xf32>
        %max3A_1033 = arith.maximumf %add3A_1030, %max3A_1032 : vector<16xf32>
        %mul3A_1034 = arith.mulf %max3A_1033, %get3A_1027 : vector<16xf32>
        %add3A_1035 = arith.addf %add3A_1019, %mul3A_1034 : vector<16xf32>
        %add3A_1036 = arith.constant 52 : i32
        %add3A_1037 = vector.broadcast %add3A_1036 : i32 to vector<16xi32>
        %add3A_1038 = arith.addi %iota3A, %add3A_1037 : vector<16xi32>
        %and3A_1039 = arith.constant 63 : i32
        %and3A_1040 = vector.broadcast %and3A_1039 : i32 to vector<16xi32>
        %and3A_1041 = arith.andi %add3A_1038, %and3A_1040 : vector<16xi32>
        %get3A_1042 = arith.constant 832 : index
        %get3A_1043 = tpu.vector_load %arg19[%get3A_1042] {strides = array<i32>} : memref<1024xf32, #tpu.memory_space<vmem>>, vector<16xf32>,
        %gather3A_1044 = tpu.vector_load_idx %arg13[%add3A_205, %and3A_1041] : memref<400x64xf32, #tpu.memory_space<vmem>>[vector<16xi32>, vector<16xi32>], vector<16xf32>,
        %gather3A_1045 = tpu.vector_load_idx %arg14[%add3A_205, %and3A_1041] : memref<400x64xf32, #tpu.memory_space<vmem>>[vector<16xi32>, vector<16xi32>], vector<16xf32>,
        %add3A_1046 = arith.addf %gather3A_1044, %gather3A_1045 : vector<16xf32>
        %max3A_1047 = arith.constant 0.000000e+00 : f32
        %max3A_1048 = vector.broadcast %max3A_1047 : f32 to vector<16xf32>
        %max3A_1049 = arith.maximumf %add3A_1046, %max3A_1048 : vector<16xf32>
        %mul3A_1050 = arith.mulf %max3A_1049, %get3A_1043 : vector<16xf32>
        %add3A_1051 = arith.addf %add3A_1035, %mul3A_1050 : vector<16xf32>
        %add3A_1052 = arith.constant 53 : i32
        %add3A_1053 = vector.broadcast %add3A_1052 : i32 to vector<16xi32>
        %add3A_1054 = arith.addi %iota3A, %add3A_1053 : vector<16xi32>
        %and3A_1055 = arith.constant 63 : i32
        %and3A_1056 = vector.broadcast %and3A_1055 : i32 to vector<16xi32>
        %and3A_1057 = arith.andi %add3A_1054, %and3A_1056 : vector<16xi32>
        %get3A_1058 = arith.constant 848 : index
        %get3A_1059 = tpu.vector_load %arg19[%get3A_1058] {strides = array<i32>} : memref<1024xf32, #tpu.memory_space<vmem>>, vector<16xf32>,
        %gather3A_1060 = tpu.vector_load_idx %arg13[%add3A_205, %and3A_1057] : memref<400x64xf32, #tpu.memory_space<vmem>>[vector<16xi32>, vector<16xi32>], vector<16xf32>,
        %gather3A_1061 = tpu.vector_load_idx %arg14[%add3A_205, %and3A_1057] : memref<400x64xf32, #tpu.memory_space<vmem>>[vector<16xi32>, vector<16xi32>], vector<16xf32>,
        %add3A_1062 = arith.addf %gather3A_1060, %gather3A_1061 : vector<16xf32>
        %max3A_1063 = arith.constant 0.000000e+00 : f32
        %max3A_1064 = vector.broadcast %max3A_1063 : f32 to vector<16xf32>
        %max3A_1065 = arith.maximumf %add3A_1062, %max3A_1064 : vector<16xf32>
        %mul3A_1066 = arith.mulf %max3A_1065, %get3A_1059 : vector<16xf32>
        %add3A_1067 = arith.addf %add3A_1051, %mul3A_1066 : vector<16xf32>
        %add3A_1068 = arith.constant 54 : i32
        %add3A_1069 = vector.broadcast %add3A_1068 : i32 to vector<16xi32>
        %add3A_1070 = arith.addi %iota3A, %add3A_1069 : vector<16xi32>
        %and3A_1071 = arith.constant 63 : i32
        %and3A_1072 = vector.broadcast %and3A_1071 : i32 to vector<16xi32>
        %and3A_1073 = arith.andi %add3A_1070, %and3A_1072 : vector<16xi32>
        %get3A_1074 = arith.constant 864 : index
        %get3A_1075 = tpu.vector_load %arg19[%get3A_1074] {strides = array<i32>} : memref<1024xf32, #tpu.memory_space<vmem>>, vector<16xf32>,
        %gather3A_1076 = tpu.vector_load_idx %arg13[%add3A_205, %and3A_1073] : memref<400x64xf32, #tpu.memory_space<vmem>>[vector<16xi32>, vector<16xi32>], vector<16xf32>,
        %gather3A_1077 = tpu.vector_load_idx %arg14[%add3A_205, %and3A_1073] : memref<400x64xf32, #tpu.memory_space<vmem>>[vector<16xi32>, vector<16xi32>], vector<16xf32>,
        %add3A_1078 = arith.addf %gather3A_1076, %gather3A_1077 : vector<16xf32>
        %max3A_1079 = arith.constant 0.000000e+00 : f32
        %max3A_1080 = vector.broadcast %max3A_1079 : f32 to vector<16xf32>
        %max3A_1081 = arith.maximumf %add3A_1078, %max3A_1080 : vector<16xf32>
        %mul3A_1082 = arith.mulf %max3A_1081, %get3A_1075 : vector<16xf32>
        %add3A_1083 = arith.addf %add3A_1067, %mul3A_1082 : vector<16xf32>
        %add3A_1084 = arith.constant 55 : i32
        %add3A_1085 = vector.broadcast %add3A_1084 : i32 to vector<16xi32>
        %add3A_1086 = arith.addi %iota3A, %add3A_1085 : vector<16xi32>
        %and3A_1087 = arith.constant 63 : i32
        %and3A_1088 = vector.broadcast %and3A_1087 : i32 to vector<16xi32>
        %and3A_1089 = arith.andi %add3A_1086, %and3A_1088 : vector<16xi32>
        %get3A_1090 = arith.constant 880 : index
        %get3A_1091 = tpu.vector_load %arg19[%get3A_1090] {strides = array<i32>} : memref<1024xf32, #tpu.memory_space<vmem>>, vector<16xf32>,
        %gather3A_1092 = tpu.vector_load_idx %arg13[%add3A_205, %and3A_1089] : memref<400x64xf32, #tpu.memory_space<vmem>>[vector<16xi32>, vector<16xi32>], vector<16xf32>,
        %gather3A_1093 = tpu.vector_load_idx %arg14[%add3A_205, %and3A_1089] : memref<400x64xf32, #tpu.memory_space<vmem>>[vector<16xi32>, vector<16xi32>], vector<16xf32>,
        %add3A_1094 = arith.addf %gather3A_1092, %gather3A_1093 : vector<16xf32>
        %max3A_1095 = arith.constant 0.000000e+00 : f32
        %max3A_1096 = vector.broadcast %max3A_1095 : f32 to vector<16xf32>
        %max3A_1097 = arith.maximumf %add3A_1094, %max3A_1096 : vector<16xf32>
        %mul3A_1098 = arith.mulf %max3A_1097, %get3A_1091 : vector<16xf32>
        %add3A_1099 = arith.addf %add3A_1083, %mul3A_1098 : vector<16xf32>
        %add3A_1100 = arith.constant 56 : i32
        %add3A_1101 = vector.broadcast %add3A_1100 : i32 to vector<16xi32>
        %add3A_1102 = arith.addi %iota3A, %add3A_1101 : vector<16xi32>
        %and3A_1103 = arith.constant 63 : i32
        %and3A_1104 = vector.broadcast %and3A_1103 : i32 to vector<16xi32>
        %and3A_1105 = arith.andi %add3A_1102, %and3A_1104 : vector<16xi32>
        %get3A_1106 = arith.constant 896 : index
        %get3A_1107 = tpu.vector_load %arg19[%get3A_1106] {strides = array<i32>} : memref<1024xf32, #tpu.memory_space<vmem>>, vector<16xf32>,
        %gather3A_1108 = tpu.vector_load_idx %arg13[%add3A_205, %and3A_1105] : memref<400x64xf32, #tpu.memory_space<vmem>>[vector<16xi32>, vector<16xi32>], vector<16xf32>,
        %gather3A_1109 = tpu.vector_load_idx %arg14[%add3A_205, %and3A_1105] : memref<400x64xf32, #tpu.memory_space<vmem>>[vector<16xi32>, vector<16xi32>], vector<16xf32>,
        %add3A_1110 = arith.addf %gather3A_1108, %gather3A_1109 : vector<16xf32>
        %max3A_1111 = arith.constant 0.000000e+00 : f32
        %max3A_1112 = vector.broadcast %max3A_1111 : f32 to vector<16xf32>
        %max3A_1113 = arith.maximumf %add3A_1110, %max3A_1112 : vector<16xf32>
        %mul3A_1114 = arith.mulf %max3A_1113, %get3A_1107 : vector<16xf32>
        %add3A_1115 = arith.addf %add3A_1099, %mul3A_1114 : vector<16xf32>
        %add3A_1116 = arith.constant 57 : i32
        %add3A_1117 = vector.broadcast %add3A_1116 : i32 to vector<16xi32>
        %add3A_1118 = arith.addi %iota3A, %add3A_1117 : vector<16xi32>
        %and3A_1119 = arith.constant 63 : i32
        %and3A_1120 = vector.broadcast %and3A_1119 : i32 to vector<16xi32>
        %and3A_1121 = arith.andi %add3A_1118, %and3A_1120 : vector<16xi32>
        %get3A_1122 = arith.constant 912 : index
        %get3A_1123 = tpu.vector_load %arg19[%get3A_1122] {strides = array<i32>} : memref<1024xf32, #tpu.memory_space<vmem>>, vector<16xf32>,
        %gather3A_1124 = tpu.vector_load_idx %arg13[%add3A_205, %and3A_1121] : memref<400x64xf32, #tpu.memory_space<vmem>>[vector<16xi32>, vector<16xi32>], vector<16xf32>,
        %gather3A_1125 = tpu.vector_load_idx %arg14[%add3A_205, %and3A_1121] : memref<400x64xf32, #tpu.memory_space<vmem>>[vector<16xi32>, vector<16xi32>], vector<16xf32>,
        %add3A_1126 = arith.addf %gather3A_1124, %gather3A_1125 : vector<16xf32>
        %max3A_1127 = arith.constant 0.000000e+00 : f32
        %max3A_1128 = vector.broadcast %max3A_1127 : f32 to vector<16xf32>
        %max3A_1129 = arith.maximumf %add3A_1126, %max3A_1128 : vector<16xf32>
        %mul3A_1130 = arith.mulf %max3A_1129, %get3A_1123 : vector<16xf32>
        %add3A_1131 = arith.addf %add3A_1115, %mul3A_1130 : vector<16xf32>
        %add3A_1132 = arith.constant 58 : i32
        %add3A_1133 = vector.broadcast %add3A_1132 : i32 to vector<16xi32>
        %add3A_1134 = arith.addi %iota3A, %add3A_1133 : vector<16xi32>
        %and3A_1135 = arith.constant 63 : i32
        %and3A_1136 = vector.broadcast %and3A_1135 : i32 to vector<16xi32>
        %and3A_1137 = arith.andi %add3A_1134, %and3A_1136 : vector<16xi32>
        %get3A_1138 = arith.constant 928 : index
        %get3A_1139 = tpu.vector_load %arg19[%get3A_1138] {strides = array<i32>} : memref<1024xf32, #tpu.memory_space<vmem>>, vector<16xf32>,
        %gather3A_1140 = tpu.vector_load_idx %arg13[%add3A_205, %and3A_1137] : memref<400x64xf32, #tpu.memory_space<vmem>>[vector<16xi32>, vector<16xi32>], vector<16xf32>,
        %gather3A_1141 = tpu.vector_load_idx %arg14[%add3A_205, %and3A_1137] : memref<400x64xf32, #tpu.memory_space<vmem>>[vector<16xi32>, vector<16xi32>], vector<16xf32>,
        %add3A_1142 = arith.addf %gather3A_1140, %gather3A_1141 : vector<16xf32>
        %max3A_1143 = arith.constant 0.000000e+00 : f32
        %max3A_1144 = vector.broadcast %max3A_1143 : f32 to vector<16xf32>
        %max3A_1145 = arith.maximumf %add3A_1142, %max3A_1144 : vector<16xf32>
        %mul3A_1146 = arith.mulf %max3A_1145, %get3A_1139 : vector<16xf32>
        %add3A_1147 = arith.addf %add3A_1131, %mul3A_1146 : vector<16xf32>
        %add3A_1148 = arith.constant 59 : i32
        %add3A_1149 = vector.broadcast %add3A_1148 : i32 to vector<16xi32>
        %add3A_1150 = arith.addi %iota3A, %add3A_1149 : vector<16xi32>
        %and3A_1151 = arith.constant 63 : i32
        %and3A_1152 = vector.broadcast %and3A_1151 : i32 to vector<16xi32>
        %and3A_1153 = arith.andi %add3A_1150, %and3A_1152 : vector<16xi32>
        %get3A_1154 = arith.constant 944 : index
        %get3A_1155 = tpu.vector_load %arg19[%get3A_1154] {strides = array<i32>} : memref<1024xf32, #tpu.memory_space<vmem>>, vector<16xf32>,
        %gather3A_1156 = tpu.vector_load_idx %arg13[%add3A_205, %and3A_1153] : memref<400x64xf32, #tpu.memory_space<vmem>>[vector<16xi32>, vector<16xi32>], vector<16xf32>,
        %gather3A_1157 = tpu.vector_load_idx %arg14[%add3A_205, %and3A_1153] : memref<400x64xf32, #tpu.memory_space<vmem>>[vector<16xi32>, vector<16xi32>], vector<16xf32>,
        %add3A_1158 = arith.addf %gather3A_1156, %gather3A_1157 : vector<16xf32>
        %max3A_1159 = arith.constant 0.000000e+00 : f32
        %max3A_1160 = vector.broadcast %max3A_1159 : f32 to vector<16xf32>
        %max3A_1161 = arith.maximumf %add3A_1158, %max3A_1160 : vector<16xf32>
        %mul3A_1162 = arith.mulf %max3A_1161, %get3A_1155 : vector<16xf32>
        %add3A_1163 = arith.addf %add3A_1147, %mul3A_1162 : vector<16xf32>
        %add3A_1164 = arith.constant 60 : i32
        %add3A_1165 = vector.broadcast %add3A_1164 : i32 to vector<16xi32>
        %add3A_1166 = arith.addi %iota3A, %add3A_1165 : vector<16xi32>
        %and3A_1167 = arith.constant 63 : i32
        %and3A_1168 = vector.broadcast %and3A_1167 : i32 to vector<16xi32>
        %and3A_1169 = arith.andi %add3A_1166, %and3A_1168 : vector<16xi32>
        %get3A_1170 = arith.constant 960 : index
        %get3A_1171 = tpu.vector_load %arg19[%get3A_1170] {strides = array<i32>} : memref<1024xf32, #tpu.memory_space<vmem>>, vector<16xf32>,
        %gather3A_1172 = tpu.vector_load_idx %arg13[%add3A_205, %and3A_1169] : memref<400x64xf32, #tpu.memory_space<vmem>>[vector<16xi32>, vector<16xi32>], vector<16xf32>,
        %gather3A_1173 = tpu.vector_load_idx %arg14[%add3A_205, %and3A_1169] : memref<400x64xf32, #tpu.memory_space<vmem>>[vector<16xi32>, vector<16xi32>], vector<16xf32>,
        %add3A_1174 = arith.addf %gather3A_1172, %gather3A_1173 : vector<16xf32>
        %max3A_1175 = arith.constant 0.000000e+00 : f32
        %max3A_1176 = vector.broadcast %max3A_1175 : f32 to vector<16xf32>
        %max3A_1177 = arith.maximumf %add3A_1174, %max3A_1176 : vector<16xf32>
        %mul3A_1178 = arith.mulf %max3A_1177, %get3A_1171 : vector<16xf32>
        %add3A_1179 = arith.addf %add3A_1163, %mul3A_1178 : vector<16xf32>
        %add3A_1180 = arith.constant 61 : i32
        %add3A_1181 = vector.broadcast %add3A_1180 : i32 to vector<16xi32>
        %add3A_1182 = arith.addi %iota3A, %add3A_1181 : vector<16xi32>
        %and3A_1183 = arith.constant 63 : i32
        %and3A_1184 = vector.broadcast %and3A_1183 : i32 to vector<16xi32>
        %and3A_1185 = arith.andi %add3A_1182, %and3A_1184 : vector<16xi32>
        %get3A_1186 = arith.constant 976 : index
        %get3A_1187 = tpu.vector_load %arg19[%get3A_1186] {strides = array<i32>} : memref<1024xf32, #tpu.memory_space<vmem>>, vector<16xf32>,
        %gather3A_1188 = tpu.vector_load_idx %arg13[%add3A_205, %and3A_1185] : memref<400x64xf32, #tpu.memory_space<vmem>>[vector<16xi32>, vector<16xi32>], vector<16xf32>,
        %gather3A_1189 = tpu.vector_load_idx %arg14[%add3A_205, %and3A_1185] : memref<400x64xf32, #tpu.memory_space<vmem>>[vector<16xi32>, vector<16xi32>], vector<16xf32>,
        %add3A_1190 = arith.addf %gather3A_1188, %gather3A_1189 : vector<16xf32>
        %max3A_1191 = arith.constant 0.000000e+00 : f32
        %max3A_1192 = vector.broadcast %max3A_1191 : f32 to vector<16xf32>
        %max3A_1193 = arith.maximumf %add3A_1190, %max3A_1192 : vector<16xf32>
        %mul3A_1194 = arith.mulf %max3A_1193, %get3A_1187 : vector<16xf32>
        %add3A_1195 = arith.addf %add3A_1179, %mul3A_1194 : vector<16xf32>
        %add3A_1196 = arith.constant 62 : i32
        %add3A_1197 = vector.broadcast %add3A_1196 : i32 to vector<16xi32>
        %add3A_1198 = arith.addi %iota3A, %add3A_1197 : vector<16xi32>
        %and3A_1199 = arith.constant 63 : i32
        %and3A_1200 = vector.broadcast %and3A_1199 : i32 to vector<16xi32>
        %and3A_1201 = arith.andi %add3A_1198, %and3A_1200 : vector<16xi32>
        %get3A_1202 = arith.constant 992 : index
        %get3A_1203 = tpu.vector_load %arg19[%get3A_1202] {strides = array<i32>} : memref<1024xf32, #tpu.memory_space<vmem>>, vector<16xf32>,
        %gather3A_1204 = tpu.vector_load_idx %arg13[%add3A_205, %and3A_1201] : memref<400x64xf32, #tpu.memory_space<vmem>>[vector<16xi32>, vector<16xi32>], vector<16xf32>,
        %gather3A_1205 = tpu.vector_load_idx %arg14[%add3A_205, %and3A_1201] : memref<400x64xf32, #tpu.memory_space<vmem>>[vector<16xi32>, vector<16xi32>], vector<16xf32>,
        %add3A_1206 = arith.addf %gather3A_1204, %gather3A_1205 : vector<16xf32>
        %max3A_1207 = arith.constant 0.000000e+00 : f32
        %max3A_1208 = vector.broadcast %max3A_1207 : f32 to vector<16xf32>
        %max3A_1209 = arith.maximumf %add3A_1206, %max3A_1208 : vector<16xf32>
        %mul3A_1210 = arith.mulf %max3A_1209, %get3A_1203 : vector<16xf32>
        %add3A_1211 = arith.addf %add3A_1195, %mul3A_1210 : vector<16xf32>
        %add3A_1212 = arith.constant 63 : i32
        %add3A_1213 = vector.broadcast %add3A_1212 : i32 to vector<16xi32>
        %add3A_1214 = arith.addi %iota3A, %add3A_1213 : vector<16xi32>
        %and3A_1215 = arith.constant 63 : i32
        %and3A_1216 = vector.broadcast %and3A_1215 : i32 to vector<16xi32>
        %and3A_1217 = arith.andi %add3A_1214, %and3A_1216 : vector<16xi32>
        %get3A_1218 = arith.constant 1008 : index
        %get3A_1219 = tpu.vector_load %arg19[%get3A_1218] {strides = array<i32>} : memref<1024xf32, #tpu.memory_space<vmem>>, vector<16xf32>,
        %gather3A_1220 = tpu.vector_load_idx %arg13[%add3A_205, %and3A_1217] : memref<400x64xf32, #tpu.memory_space<vmem>>[vector<16xi32>, vector<16xi32>], vector<16xf32>,
        %gather3A_1221 = tpu.vector_load_idx %arg14[%add3A_205, %and3A_1217] : memref<400x64xf32, #tpu.memory_space<vmem>>[vector<16xi32>, vector<16xi32>], vector<16xf32>,
        %add3A_1222 = arith.addf %gather3A_1220, %gather3A_1221 : vector<16xf32>
        %max3A_1223 = arith.constant 0.000000e+00 : f32
        %max3A_1224 = vector.broadcast %max3A_1223 : f32 to vector<16xf32>
        %max3A_1225 = arith.maximumf %add3A_1222, %max3A_1224 : vector<16xf32>
        %mul3A_1226 = arith.mulf %max3A_1225, %get3A_1219 : vector<16xf32>
        %add3A_1227 = arith.addf %add3A_1211, %mul3A_1226 : vector<16xf32>
        %mul3A_1228 = arith.constant 16 : i32
        %mul3A_1229 = arith.muli %scan3A_201, %mul3A_1228 : i32
        %multiple_of3A_1230 = tpu.assume_multiple %mul3A_1229, 8 : i32
        %swap3A = arith.index_cast %multiple_of3A_1230 : i32 to index
        %swap3A_1231 = tpu.vector_load %arg17[%swap3A] {strides = array<i32>} : memref<400xf32, #tpu.memory_space<vmem>>, vector<16xf32>,
        tpu.vector_store %arg17[%swap3A], %add3A_1227 {strides = array<i32>} : memref<400xf32, #tpu.memory_space<vmem>>, vector<16xf32>,
      }
      %scan3A_187 = arith.constant 25 : i32
      %mul3A_188 = arith.constant 400 : i32
      %mul3A_189 = arith.muli %mul3A_102, %mul3A_188 : i32
      %add3A_190 = arith.addi %mul3A_2, %mul3A_189 : i32
      %multiple_of3A_191 = tpu.assume_multiple %add3A_190, 8 : i32
      %dma_start3A_192 = tpu.memref_slice %arg8[%multiple_of3A_191] : memref<320000xf32, #tpu.memory_space<hbm>> -> memref<400xf32, #tpu.memory_space<hbm>>
      %dma_start3A_193 = tpu.memref_slice %arg8[%multiple_of3A_191] : memref<320000xf32, #tpu.memory_space<hbm>> -> memref<400xf32, #tpu.memory_space<hbm>>
      tpu.enqueue_dma source(%arg17 : memref<400xf32, #tpu.memory_space<vmem>>) target(%dma_start3A_193 : memref<400xf32, #tpu.memory_space<hbm>>) target_semaphore(%arg25 : memref<!tpu.dma_semaphore, #tpu.memory_space<semaphore_mem>>)
      %add3A_194 = arith.constant 1 : i32
      %add3A_195 = arith.addi %mul3A_102, %add3A_194 : i32
      %lt3A_196 = arith.constant 25 : i32
      %lt3A_197 = arith.cmpi slt, %add3A_195, %lt3A_196 : i32
      %convert_element_type3A_198 = arith.extui %lt3A_197 : i1 to i32
      %cond3A_199 = arith.constant 0 : i32
      %cond3A_200 = arith.cmpi ne, %convert_element_type3A_198, %cond3A_199 : i32
      scf.if %cond3A_200 {
        %add3A_201 = arith.constant 1 : i32
        %add3A_202 = arith.addi %mul3A_102, %add3A_201 : i32
        %dma_wait3A_203 = arith.constant 0 : i32
        %dma_wait3A_204 = arith.constant 0 : i32
        %dma_wait3A_205 = tpu.memref_slice %arg15[%dma_wait3A_203, %dma_wait3A_204] : memref<400x64xf32, #tpu.memory_space<vmem>> -> memref<128x64xf32, #tpu.memory_space<vmem>>
        %dma_wait3A_206 = arith.constant 0 : i32
        %dma_wait3A_207 = tpu.memref_slice %arg11[%dma_wait3A_206] : memref<400xi32, #tpu.memory_space<vmem>> -> memref<128xi32, #tpu.memory_space<vmem>>
        %dma_wait3A_208 = arith.constant 0 : i32
        %dma_wait3A_209 = arith.constant 0 : i32
        %dma_wait3A_210 = tpu.memref_slice %arg2[%dma_wait3A_208, %dma_wait3A_209] : memref<10000x64xf32, #tpu.memory_space<hbm>> -> memref<10000x64xf32, #tpu.memory_space<hbm>>
        tpu.wait_indirect_dma semaphore(%arg24 : memref<!tpu.dma_semaphore, #tpu.memory_space<semaphore_mem>>) src(%dma_wait3A_210 : memref<10000x64xf32, #tpu.memory_space<hbm>>) dst(%dma_wait3A_205 : memref<128x64xf32, #tpu.memory_space<vmem>>)
        %dma_wait3A_211 = arith.constant 0 : i32
        %dma_wait3A_212 = arith.constant 0 : i32
        %dma_wait3A_213 = tpu.memref_slice %arg16[%dma_wait3A_211, %dma_wait3A_212] : memref<400x64xf32, #tpu.memory_space<vmem>> -> memref<128x64xf32, #tpu.memory_space<vmem>>
        %dma_wait3A_214 = arith.constant 0 : i32
        %dma_wait3A_215 = tpu.memref_slice %arg12[%dma_wait3A_214] : memref<400xi32, #tpu.memory_space<vmem>> -> memref<128xi32, #tpu.memory_space<vmem>>
        %dma_wait3A_216 = arith.constant 0 : i32
        %dma_wait3A_217 = arith.constant 0 : i32
        %dma_wait3A_218 = tpu.memref_slice %arg3[%dma_wait3A_216, %dma_wait3A_217] : memref<10000x64xf32, #tpu.memory_space<hbm>> -> memref<10000x64xf32, #tpu.memory_space<hbm>>
        tpu.wait_indirect_dma semaphore(%arg24 : memref<!tpu.dma_semaphore, #tpu.memory_space<semaphore_mem>>) src(%dma_wait3A_218 : memref<10000x64xf32, #tpu.memory_space<hbm>>) dst(%dma_wait3A_213 : memref<128x64xf32, #tpu.memory_space<vmem>>)
        %dma_wait3A_219 = arith.constant 128 : i32
        %dma_wait3A_220 = arith.constant 0 : i32
        %dma_wait3A_221 = tpu.memref_slice %arg15[%dma_wait3A_219, %dma_wait3A_220] : memref<400x64xf32, #tpu.memory_space<vmem>> -> memref<128x64xf32, #tpu.memory_space<vmem>>
        %dma_wait3A_222 = arith.constant 128 : i32
        %dma_wait3A_223 = tpu.memref_slice %arg11[%dma_wait3A_222] : memref<400xi32, #tpu.memory_space<vmem>> -> memref<128xi32, #tpu.memory_space<vmem>>
        %dma_wait3A_224 = arith.constant 0 : i32
        %dma_wait3A_225 = arith.constant 0 : i32
        %dma_wait3A_226 = tpu.memref_slice %arg2[%dma_wait3A_224, %dma_wait3A_225] : memref<10000x64xf32, #tpu.memory_space<hbm>> -> memref<10000x64xf32, #tpu.memory_space<hbm>>
        tpu.wait_indirect_dma semaphore(%arg24 : memref<!tpu.dma_semaphore, #tpu.memory_space<semaphore_mem>>) src(%dma_wait3A_226 : memref<10000x64xf32, #tpu.memory_space<hbm>>) dst(%dma_wait3A_221 : memref<128x64xf32, #tpu.memory_space<vmem>>)
        %dma_wait3A_227 = arith.constant 128 : i32
        %dma_wait3A_228 = arith.constant 0 : i32
        %dma_wait3A_229 = tpu.memref_slice %arg16[%dma_wait3A_227, %dma_wait3A_228] : memref<400x64xf32, #tpu.memory_space<vmem>> -> memref<128x64xf32, #tpu.memory_space<vmem>>
        %dma_wait3A_230 = arith.constant 128 : i32
        %dma_wait3A_231 = tpu.memref_slice %arg12[%dma_wait3A_230] : memref<400xi32, #tpu.memory_space<vmem>> -> memref<128xi32, #tpu.memory_space<vmem>>
        %dma_wait3A_232 = arith.constant 0 : i32
        %dma_wait3A_233 = arith.constant 0 : i32
        %dma_wait3A_234 = tpu.memref_slice %arg3[%dma_wait3A_232, %dma_wait3A_233] : memref<10000x64xf32, #tpu.memory_space<hbm>> -> memref<10000x64xf32, #tpu.memory_space<hbm>>
        tpu.wait_indirect_dma semaphore(%arg24 : memref<!tpu.dma_semaphore, #tpu.memory_space<semaphore_mem>>) src(%dma_wait3A_234 : memref<10000x64xf32, #tpu.memory_space<hbm>>) dst(%dma_wait3A_229 : memref<128x64xf32, #tpu.memory_space<vmem>>)
        %dma_wait3A_235 = arith.constant 256 : i32
        %dma_wait3A_236 = arith.constant 0 : i32
        %dma_wait3A_237 = tpu.memref_slice %arg15[%dma_wait3A_235, %dma_wait3A_236] : memref<400x64xf32, #tpu.memory_space<vmem>> -> memref<128x64xf32, #tpu.memory_space<vmem>>
        %dma_wait3A_238 = arith.constant 256 : i32
        %dma_wait3A_239 = tpu.memref_slice %arg11[%dma_wait3A_238] : memref<400xi32, #tpu.memory_space<vmem>> -> memref<128xi32, #tpu.memory_space<vmem>>
        %dma_wait3A_240 = arith.constant 0 : i32
        %dma_wait3A_241 = arith.constant 0 : i32
        %dma_wait3A_242 = tpu.memref_slice %arg2[%dma_wait3A_240, %dma_wait3A_241] : memref<10000x64xf32, #tpu.memory_space<hbm>> -> memref<10000x64xf32, #tpu.memory_space<hbm>>
        tpu.wait_indirect_dma semaphore(%arg24 : memref<!tpu.dma_semaphore, #tpu.memory_space<semaphore_mem>>) src(%dma_wait3A_242 : memref<10000x64xf32, #tpu.memory_space<hbm>>) dst(%dma_wait3A_237 : memref<128x64xf32, #tpu.memory_space<vmem>>)
        %dma_wait3A_243 = arith.constant 256 : i32
        %dma_wait3A_244 = arith.constant 0 : i32
        %dma_wait3A_245 = tpu.memref_slice %arg16[%dma_wait3A_243, %dma_wait3A_244] : memref<400x64xf32, #tpu.memory_space<vmem>> -> memref<128x64xf32, #tpu.memory_space<vmem>>
        %dma_wait3A_246 = arith.constant 256 : i32
        %dma_wait3A_247 = tpu.memref_slice %arg12[%dma_wait3A_246] : memref<400xi32, #tpu.memory_space<vmem>> -> memref<128xi32, #tpu.memory_space<vmem>>
        %dma_wait3A_248 = arith.constant 0 : i32
        %dma_wait3A_249 = arith.constant 0 : i32
        %dma_wait3A_250 = tpu.memref_slice %arg3[%dma_wait3A_248, %dma_wait3A_249] : memref<10000x64xf32, #tpu.memory_space<hbm>> -> memref<10000x64xf32, #tpu.memory_space<hbm>>
        tpu.wait_indirect_dma semaphore(%arg24 : memref<!tpu.dma_semaphore, #tpu.memory_space<semaphore_mem>>) src(%dma_wait3A_250 : memref<10000x64xf32, #tpu.memory_space<hbm>>) dst(%dma_wait3A_245 : memref<128x64xf32, #tpu.memory_space<vmem>>)
        %dma_wait3A_251 = arith.constant 384 : i32
        %dma_wait3A_252 = arith.constant 0 : i32
        %dma_wait3A_253 = tpu.memref_slice %arg15[%dma_wait3A_251, %dma_wait3A_252] : memref<400x64xf32, #tpu.memory_space<vmem>> -> memref<16x64xf32, #tpu.memory_space<vmem>>
        %dma_wait3A_254 = arith.constant 384 : i32
        %dma_wait3A_255 = tpu.memref_slice %arg11[%dma_wait3A_254] : memref<400xi32, #tpu.memory_space<vmem>> -> memref<16xi32, #tpu.memory_space<vmem>>
        %dma_wait3A_256 = arith.constant 0 : i32
        %dma_wait3A_257 = arith.constant 0 : i32
        %dma_wait3A_258 = tpu.memref_slice %arg2[%dma_wait3A_256, %dma_wait3A_257] : memref<10000x64xf32, #tpu.memory_space<hbm>> -> memref<10000x64xf32, #tpu.memory_space<hbm>>
        tpu.wait_indirect_dma semaphore(%arg24 : memref<!tpu.dma_semaphore, #tpu.memory_space<semaphore_mem>>) src(%dma_wait3A_258 : memref<10000x64xf32, #tpu.memory_space<hbm>>) dst(%dma_wait3A_253 : memref<16x64xf32, #tpu.memory_space<vmem>>)
        %dma_wait3A_259 = arith.constant 384 : i32
        %dma_wait3A_260 = arith.constant 0 : i32
        %dma_wait3A_261 = tpu.memref_slice %arg16[%dma_wait3A_259, %dma_wait3A_260] : memref<400x64xf32, #tpu.memory_space<vmem>> -> memref<16x64xf32, #tpu.memory_space<vmem>>
        %dma_wait3A_262 = arith.constant 384 : i32
        %dma_wait3A_263 = tpu.memref_slice %arg12[%dma_wait3A_262] : memref<400xi32, #tpu.memory_space<vmem>> -> memref<16xi32, #tpu.memory_space<vmem>>
        %dma_wait3A_264 = arith.constant 0 : i32
        %dma_wait3A_265 = arith.constant 0 : i32
        %dma_wait3A_266 = tpu.memref_slice %arg3[%dma_wait3A_264, %dma_wait3A_265] : memref<10000x64xf32, #tpu.memory_space<hbm>> -> memref<10000x64xf32, #tpu.memory_space<hbm>>
        tpu.wait_indirect_dma semaphore(%arg24 : memref<!tpu.dma_semaphore, #tpu.memory_space<semaphore_mem>>) src(%dma_wait3A_266 : memref<10000x64xf32, #tpu.memory_space<hbm>>) dst(%dma_wait3A_261 : memref<16x64xf32, #tpu.memory_space<vmem>>)
        %add3A_267 = arith.constant 1 : i32
        %add3A_268 = arith.addi %add3A_202, %add3A_267 : i32
        %lt3A_269 = arith.constant 25 : i32
        %lt3A_270 = arith.cmpi slt, %add3A_268, %lt3A_269 : i32
        %convert_element_type3A_271 = arith.extui %lt3A_270 : i1 to i32
        %cond3A_272 = arith.constant 0 : i32
        %cond3A_273 = arith.cmpi ne, %convert_element_type3A_271, %cond3A_272 : i32
        scf.if %cond3A_273 {
          %add3A_298 = arith.constant 1 : i32
          %add3A_299 = arith.addi %add3A_202, %add3A_298 : i32
          %mul3A_300 = arith.constant 400 : i32
          %mul3A_301 = arith.muli %add3A_299, %mul3A_300 : i32
          %add3A_302 = arith.addi %mul3A_2, %mul3A_301 : i32
          %multiple_of3A_303 = tpu.assume_multiple %add3A_302, 8 : i32
          %dma_wait3A_304 = tpu.memref_slice %arg4[%multiple_of3A_303] : memref<320000xi32, #tpu.memory_space<hbm>> -> memref<400xi32, #tpu.memory_space<hbm>>
          %dma_wait3A_305 = tpu.memref_slice %arg4[%multiple_of3A_303] : memref<320000xi32, #tpu.memory_space<hbm>> -> memref<400xi32, #tpu.memory_space<hbm>>
          tpu.wait_dma2 semaphore(%arg21 : memref<!tpu.dma_semaphore, #tpu.memory_space<semaphore_mem>>) src(%dma_wait3A_305 : memref<400xi32, #tpu.memory_space<hbm>>) dst(%arg9 : memref<400xi32, #tpu.memory_space<vmem>>)
          %dma_wait3A_306 = tpu.memref_slice %arg5[%multiple_of3A_303] : memref<320000xi32, #tpu.memory_space<hbm>> -> memref<400xi32, #tpu.memory_space<hbm>>
          %dma_wait3A_307 = tpu.memref_slice %arg5[%multiple_of3A_303] : memref<320000xi32, #tpu.memory_space<hbm>> -> memref<400xi32, #tpu.memory_space<hbm>>
          tpu.wait_dma2 semaphore(%arg21 : memref<!tpu.dma_semaphore, #tpu.memory_space<semaphore_mem>>) src(%dma_wait3A_307 : memref<400xi32, #tpu.memory_space<hbm>>) dst(%arg10 : memref<400xi32, #tpu.memory_space<vmem>>)
          %dma_start3A_308 = arith.constant 0 : i32
          %dma_start3A_309 = arith.constant 0 : i32
          %dma_start3A_310 = tpu.memref_slice %arg13[%dma_start3A_308, %dma_start3A_309] : memref<400x64xf32, #tpu.memory_space<vmem>> -> memref<128x64xf32, #tpu.memory_space<vmem>>
          %dma_start3A_311 = arith.constant 0 : i32
          %dma_start3A_312 = tpu.memref_slice %arg9[%dma_start3A_311] : memref<400xi32, #tpu.memory_space<vmem>> -> memref<128xi32, #tpu.memory_space<vmem>>
          %dma_start3A_313 = arith.constant 0 : i32
          %dma_start3A_314 = arith.constant 0 : i32
          %dma_start3A_315 = tpu.memref_slice %arg2[%dma_start3A_313, %dma_start3A_314] : memref<10000x64xf32, #tpu.memory_space<hbm>> -> memref<10000x64xf32, #tpu.memory_space<hbm>>
          tpu.enqueue_indirect_dma source(%dma_start3A_315 : memref<10000x64xf32, #tpu.memory_space<hbm>>) target(%dma_start3A_310 : memref<128x64xf32, #tpu.memory_space<vmem>>) offsets(%dma_start3A_312 : memref<128xi32, #tpu.memory_space<vmem>>) semaphore(%arg23 : memref<!tpu.dma_semaphore, #tpu.memory_space<semaphore_mem>>)
          %dma_start3A_316 = arith.constant 0 : i32
          %dma_start3A_317 = arith.constant 0 : i32
          %dma_start3A_318 = tpu.memref_slice %arg14[%dma_start3A_316, %dma_start3A_317] : memref<400x64xf32, #tpu.memory_space<vmem>> -> memref<128x64xf32, #tpu.memory_space<vmem>>
          %dma_start3A_319 = arith.constant 0 : i32
          %dma_start3A_320 = tpu.memref_slice %arg10[%dma_start3A_319] : memref<400xi32, #tpu.memory_space<vmem>> -> memref<128xi32, #tpu.memory_space<vmem>>
          %dma_start3A_321 = arith.constant 0 : i32
          %dma_start3A_322 = arith.constant 0 : i32
          %dma_start3A_323 = tpu.memref_slice %arg3[%dma_start3A_321, %dma_start3A_322] : memref<10000x64xf32, #tpu.memory_space<hbm>> -> memref<10000x64xf32, #tpu.memory_space<hbm>>
          tpu.enqueue_indirect_dma source(%dma_start3A_323 : memref<10000x64xf32, #tpu.memory_space<hbm>>) target(%dma_start3A_318 : memref<128x64xf32, #tpu.memory_space<vmem>>) offsets(%dma_start3A_320 : memref<128xi32, #tpu.memory_space<vmem>>) semaphore(%arg23 : memref<!tpu.dma_semaphore, #tpu.memory_space<semaphore_mem>>)
          %dma_start3A_324 = arith.constant 128 : i32
          %dma_start3A_325 = arith.constant 0 : i32
          %dma_start3A_326 = tpu.memref_slice %arg13[%dma_start3A_324, %dma_start3A_325] : memref<400x64xf32, #tpu.memory_space<vmem>> -> memref<128x64xf32, #tpu.memory_space<vmem>>
          %dma_start3A_327 = arith.constant 128 : i32
          %dma_start3A_328 = tpu.memref_slice %arg9[%dma_start3A_327] : memref<400xi32, #tpu.memory_space<vmem>> -> memref<128xi32, #tpu.memory_space<vmem>>
          %dma_start3A_329 = arith.constant 0 : i32
          %dma_start3A_330 = arith.constant 0 : i32
          %dma_start3A_331 = tpu.memref_slice %arg2[%dma_start3A_329, %dma_start3A_330] : memref<10000x64xf32, #tpu.memory_space<hbm>> -> memref<10000x64xf32, #tpu.memory_space<hbm>>
          tpu.enqueue_indirect_dma source(%dma_start3A_331 : memref<10000x64xf32, #tpu.memory_space<hbm>>) target(%dma_start3A_326 : memref<128x64xf32, #tpu.memory_space<vmem>>) offsets(%dma_start3A_328 : memref<128xi32, #tpu.memory_space<vmem>>) semaphore(%arg23 : memref<!tpu.dma_semaphore, #tpu.memory_space<semaphore_mem>>)
          %dma_start3A_332 = arith.constant 128 : i32
          %dma_start3A_333 = arith.constant 0 : i32
          %dma_start3A_334 = tpu.memref_slice %arg14[%dma_start3A_332, %dma_start3A_333] : memref<400x64xf32, #tpu.memory_space<vmem>> -> memref<128x64xf32, #tpu.memory_space<vmem>>
          %dma_start3A_335 = arith.constant 128 : i32
          %dma_start3A_336 = tpu.memref_slice %arg10[%dma_start3A_335] : memref<400xi32, #tpu.memory_space<vmem>> -> memref<128xi32, #tpu.memory_space<vmem>>
          %dma_start3A_337 = arith.constant 0 : i32
          %dma_start3A_338 = arith.constant 0 : i32
          %dma_start3A_339 = tpu.memref_slice %arg3[%dma_start3A_337, %dma_start3A_338] : memref<10000x64xf32, #tpu.memory_space<hbm>> -> memref<10000x64xf32, #tpu.memory_space<hbm>>
          tpu.enqueue_indirect_dma source(%dma_start3A_339 : memref<10000x64xf32, #tpu.memory_space<hbm>>) target(%dma_start3A_334 : memref<128x64xf32, #tpu.memory_space<vmem>>) offsets(%dma_start3A_336 : memref<128xi32, #tpu.memory_space<vmem>>) semaphore(%arg23 : memref<!tpu.dma_semaphore, #tpu.memory_space<semaphore_mem>>)
          %dma_start3A_340 = arith.constant 256 : i32
          %dma_start3A_341 = arith.constant 0 : i32
          %dma_start3A_342 = tpu.memref_slice %arg13[%dma_start3A_340, %dma_start3A_341] : memref<400x64xf32, #tpu.memory_space<vmem>> -> memref<128x64xf32, #tpu.memory_space<vmem>>
          %dma_start3A_343 = arith.constant 256 : i32
          %dma_start3A_344 = tpu.memref_slice %arg9[%dma_start3A_343] : memref<400xi32, #tpu.memory_space<vmem>> -> memref<128xi32, #tpu.memory_space<vmem>>
          %dma_start3A_345 = arith.constant 0 : i32
          %dma_start3A_346 = arith.constant 0 : i32
          %dma_start3A_347 = tpu.memref_slice %arg2[%dma_start3A_345, %dma_start3A_346] : memref<10000x64xf32, #tpu.memory_space<hbm>> -> memref<10000x64xf32, #tpu.memory_space<hbm>>
          tpu.enqueue_indirect_dma source(%dma_start3A_347 : memref<10000x64xf32, #tpu.memory_space<hbm>>) target(%dma_start3A_342 : memref<128x64xf32, #tpu.memory_space<vmem>>) offsets(%dma_start3A_344 : memref<128xi32, #tpu.memory_space<vmem>>) semaphore(%arg23 : memref<!tpu.dma_semaphore, #tpu.memory_space<semaphore_mem>>)
          %dma_start3A_348 = arith.constant 256 : i32
          %dma_start3A_349 = arith.constant 0 : i32
          %dma_start3A_350 = tpu.memref_slice %arg14[%dma_start3A_348, %dma_start3A_349] : memref<400x64xf32, #tpu.memory_space<vmem>> -> memref<128x64xf32, #tpu.memory_space<vmem>>
          %dma_start3A_351 = arith.constant 256 : i32
          %dma_start3A_352 = tpu.memref_slice %arg10[%dma_start3A_351] : memref<400xi32, #tpu.memory_space<vmem>> -> memref<128xi32, #tpu.memory_space<vmem>>
          %dma_start3A_353 = arith.constant 0 : i32
          %dma_start3A_354 = arith.constant 0 : i32
          %dma_start3A_355 = tpu.memref_slice %arg3[%dma_start3A_353, %dma_start3A_354] : memref<10000x64xf32, #tpu.memory_space<hbm>> -> memref<10000x64xf32, #tpu.memory_space<hbm>>
          tpu.enqueue_indirect_dma source(%dma_start3A_355 : memref<10000x64xf32, #tpu.memory_space<hbm>>) target(%dma_start3A_350 : memref<128x64xf32, #tpu.memory_space<vmem>>) offsets(%dma_start3A_352 : memref<128xi32, #tpu.memory_space<vmem>>) semaphore(%arg23 : memref<!tpu.dma_semaphore, #tpu.memory_space<semaphore_mem>>)
          %dma_start3A_356 = arith.constant 384 : i32
          %dma_start3A_357 = arith.constant 0 : i32
          %dma_start3A_358 = tpu.memref_slice %arg13[%dma_start3A_356, %dma_start3A_357] : memref<400x64xf32, #tpu.memory_space<vmem>> -> memref<16x64xf32, #tpu.memory_space<vmem>>
          %dma_start3A_359 = arith.constant 384 : i32
          %dma_start3A_360 = tpu.memref_slice %arg9[%dma_start3A_359] : memref<400xi32, #tpu.memory_space<vmem>> -> memref<16xi32, #tpu.memory_space<vmem>>
          %dma_start3A_361 = arith.constant 0 : i32
          %dma_start3A_362 = arith.constant 0 : i32
          %dma_start3A_363 = tpu.memref_slice %arg2[%dma_start3A_361, %dma_start3A_362] : memref<10000x64xf32, #tpu.memory_space<hbm>> -> memref<10000x64xf32, #tpu.memory_space<hbm>>
          tpu.enqueue_indirect_dma source(%dma_start3A_363 : memref<10000x64xf32, #tpu.memory_space<hbm>>) target(%dma_start3A_358 : memref<16x64xf32, #tpu.memory_space<vmem>>) offsets(%dma_start3A_360 : memref<16xi32, #tpu.memory_space<vmem>>) semaphore(%arg23 : memref<!tpu.dma_semaphore, #tpu.memory_space<semaphore_mem>>)
          %dma_start3A_364 = arith.constant 384 : i32
          %dma_start3A_365 = arith.constant 0 : i32
          %dma_start3A_366 = tpu.memref_slice %arg14[%dma_start3A_364, %dma_start3A_365] : memref<400x64xf32, #tpu.memory_space<vmem>> -> memref<16x64xf32, #tpu.memory_space<vmem>>
          %dma_start3A_367 = arith.constant 384 : i32
          %dma_start3A_368 = tpu.memref_slice %arg10[%dma_start3A_367] : memref<400xi32, #tpu.memory_space<vmem>> -> memref<16xi32, #tpu.memory_space<vmem>>
          %dma_start3A_369 = arith.constant 0 : i32
          %dma_start3A_370 = arith.constant 0 : i32
          %dma_start3A_371 = tpu.memref_slice %arg3[%dma_start3A_369, %dma_start3A_370] : memref<10000x64xf32, #tpu.memory_space<hbm>> -> memref<10000x64xf32, #tpu.memory_space<hbm>>
          tpu.enqueue_indirect_dma source(%dma_start3A_371 : memref<10000x64xf32, #tpu.memory_space<hbm>>) target(%dma_start3A_366 : memref<16x64xf32, #tpu.memory_space<vmem>>) offsets(%dma_start3A_368 : memref<16xi32, #tpu.memory_space<vmem>>) semaphore(%arg23 : memref<!tpu.dma_semaphore, #tpu.memory_space<semaphore_mem>>)
        } else {
        }
        %add3A_274 = arith.constant 2 : i32
        %add3A_275 = arith.addi %add3A_202, %add3A_274 : i32
        %lt3A_276 = arith.constant 25 : i32
        %lt3A_277 = arith.cmpi slt, %add3A_275, %lt3A_276 : i32
        %convert_element_type3A_278 = arith.extui %lt3A_277 : i1 to i32
        %cond3A_279 = arith.constant 0 : i32
        %cond3A_280 = arith.cmpi ne, %convert_element_type3A_278, %cond3A_279 : i32
        scf.if %cond3A_280 {
          %add3A_298 = arith.constant 2 : i32
          %add3A_299 = arith.addi %add3A_202, %add3A_298 : i32
          %mul3A_300 = arith.constant 400 : i32
          %mul3A_301 = arith.muli %add3A_299, %mul3A_300 : i32
          %add3A_302 = arith.addi %mul3A_2, %mul3A_301 : i32
          %multiple_of3A_303 = tpu.assume_multiple %add3A_302, 8 : i32
          %dma_start3A_304 = tpu.memref_slice %arg4[%multiple_of3A_303] : memref<320000xi32, #tpu.memory_space<hbm>> -> memref<400xi32, #tpu.memory_space<hbm>>
          %dma_start3A_305 = tpu.memref_slice %arg4[%multiple_of3A_303] : memref<320000xi32, #tpu.memory_space<hbm>> -> memref<400xi32, #tpu.memory_space<hbm>>
          tpu.enqueue_dma source(%dma_start3A_305 : memref<400xi32, #tpu.memory_space<hbm>>) target(%arg11 : memref<400xi32, #tpu.memory_space<vmem>>) target_semaphore(%arg22 : memref<!tpu.dma_semaphore, #tpu.memory_space<semaphore_mem>>)
          %dma_start3A_306 = tpu.memref_slice %arg5[%multiple_of3A_303] : memref<320000xi32, #tpu.memory_space<hbm>> -> memref<400xi32, #tpu.memory_space<hbm>>
          %dma_start3A_307 = tpu.memref_slice %arg5[%multiple_of3A_303] : memref<320000xi32, #tpu.memory_space<hbm>> -> memref<400xi32, #tpu.memory_space<hbm>>
          tpu.enqueue_dma source(%dma_start3A_307 : memref<400xi32, #tpu.memory_space<hbm>>) target(%arg12 : memref<400xi32, #tpu.memory_space<vmem>>) target_semaphore(%arg22 : memref<!tpu.dma_semaphore, #tpu.memory_space<semaphore_mem>>)
        } else {
        }
        %ge3A_281 = arith.constant 2 : i32
        %ge3A_282 = arith.cmpi sge, %add3A_202, %ge3A_281 : i32
        %convert_element_type3A_283 = arith.extui %ge3A_282 : i1 to i32
        %cond3A_284 = arith.constant 0 : i32
        %cond3A_285 = arith.cmpi ne, %convert_element_type3A_283, %cond3A_284 : i32
        scf.if %cond3A_285 {
          %sub3A = arith.constant 2 : i32
          %sub3A_298 = arith.subi %add3A_202, %sub3A : i32
          %mul3A_299 = arith.constant 400 : i32
          %mul3A_300 = arith.muli %sub3A_298, %mul3A_299 : i32
          %add3A_301 = arith.addi %mul3A_2, %mul3A_300 : i32
          %multiple_of3A_302 = tpu.assume_multiple %add3A_301, 8 : i32
          %dma_wait3A_303 = tpu.memref_slice %arg8[%multiple_of3A_302] : memref<320000xf32, #tpu.memory_space<hbm>> -> memref<400xf32, #tpu.memory_space<hbm>>
          %dma_wait3A_304 = tpu.memref_slice %arg8[%multiple_of3A_302] : memref<320000xf32, #tpu.memory_space<hbm>> -> memref<400xf32, #tpu.memory_space<hbm>>
          tpu.wait_dma2 semaphore(%arg26 : memref<!tpu.dma_semaphore, #tpu.memory_space<semaphore_mem>>) src(%arg18 : memref<400xf32, #tpu.memory_space<vmem>>) dst(%dma_wait3A_304 : memref<400xf32, #tpu.memory_space<hbm>>)
        } else {
        }
        %scan3A_286 = arith.constant 0 : i32
        %scan3A_287 = arith.constant 0 : i32
        %scan3A_288 = arith.constant 25 : i32
        %scan3A_289 = arith.addi %scan3A_287, %scan3A_288 : i32
        %scan3A_290 = arith.constant 1 : i32
        scf.for %scan3A_298 = %scan3A_287 to %scan3A_289 step %scan3A_290  : i32 {
          %mul3A_299 = arith.constant 16 : i32
          %mul3A_300 = arith.muli %scan3A_298, %mul3A_299 : i32
          %add3A_301 = vector.broadcast %mul3A_300 : i32 to vector<16xi32>
          %add3A_302 = arith.addi %iota3A, %add3A_301 : vector<16xi32>
          %get3A = arith.constant 0 : index
          %get3A_303 = tpu.vector_load %arg20[%get3A] {strides = array<i32>} : memref<16xf32, #tpu.memory_space<vmem>>, vector<16xf32>,
          %add3A_304 = arith.constant 0 : i32
          %add3A_305 = vector.broadcast %add3A_304 : i32 to vector<16xi32>
          %add3A_306 = arith.addi %iota3A, %add3A_305 : vector<16xi32>
          %and3A = arith.constant 63 : i32
          %and3A_307 = vector.broadcast %and3A : i32 to vector<16xi32>
          %and3A_308 = arith.andi %add3A_306, %and3A_307 : vector<16xi32>
          %get3A_309 = arith.constant 0 : index
          %get3A_310 = tpu.vector_load %arg19[%get3A_309] {strides = array<i32>} : memref<1024xf32, #tpu.memory_space<vmem>>, vector<16xf32>,
          %gather3A = tpu.vector_load_idx %arg15[%add3A_302, %and3A_308] : memref<400x64xf32, #tpu.memory_space<vmem>>[vector<16xi32>, vector<16xi32>], vector<16xf32>,
          %gather3A_311 = tpu.vector_load_idx %arg16[%add3A_302, %and3A_308] : memref<400x64xf32, #tpu.memory_space<vmem>>[vector<16xi32>, vector<16xi32>], vector<16xf32>,
          %add3A_312 = arith.addf %gather3A, %gather3A_311 : vector<16xf32>
          %max3A = arith.constant 0.000000e+00 : f32
          %max3A_313 = vector.broadcast %max3A : f32 to vector<16xf32>
          %max3A_314 = arith.maximumf %add3A_312, %max3A_313 : vector<16xf32>
          %mul3A_315 = arith.mulf %max3A_314, %get3A_310 : vector<16xf32>
          %add3A_316 = arith.addf %get3A_303, %mul3A_315 : vector<16xf32>
          %add3A_317 = arith.constant 1 : i32
          %add3A_318 = vector.broadcast %add3A_317 : i32 to vector<16xi32>
          %add3A_319 = arith.addi %iota3A, %add3A_318 : vector<16xi32>
          %and3A_320 = arith.constant 63 : i32
          %and3A_321 = vector.broadcast %and3A_320 : i32 to vector<16xi32>
          %and3A_322 = arith.andi %add3A_319, %and3A_321 : vector<16xi32>
          %get3A_323 = arith.constant 16 : index
          %get3A_324 = tpu.vector_load %arg19[%get3A_323] {strides = array<i32>} : memref<1024xf32, #tpu.memory_space<vmem>>, vector<16xf32>,
          %gather3A_325 = tpu.vector_load_idx %arg15[%add3A_302, %and3A_322] : memref<400x64xf32, #tpu.memory_space<vmem>>[vector<16xi32>, vector<16xi32>], vector<16xf32>,
          %gather3A_326 = tpu.vector_load_idx %arg16[%add3A_302, %and3A_322] : memref<400x64xf32, #tpu.memory_space<vmem>>[vector<16xi32>, vector<16xi32>], vector<16xf32>,
          %add3A_327 = arith.addf %gather3A_325, %gather3A_326 : vector<16xf32>
          %max3A_328 = arith.constant 0.000000e+00 : f32
          %max3A_329 = vector.broadcast %max3A_328 : f32 to vector<16xf32>
          %max3A_330 = arith.maximumf %add3A_327, %max3A_329 : vector<16xf32>
          %mul3A_331 = arith.mulf %max3A_330, %get3A_324 : vector<16xf32>
          %add3A_332 = arith.addf %add3A_316, %mul3A_331 : vector<16xf32>
          %add3A_333 = arith.constant 2 : i32
          %add3A_334 = vector.broadcast %add3A_333 : i32 to vector<16xi32>
          %add3A_335 = arith.addi %iota3A, %add3A_334 : vector<16xi32>
          %and3A_336 = arith.constant 63 : i32
          %and3A_337 = vector.broadcast %and3A_336 : i32 to vector<16xi32>
          %and3A_338 = arith.andi %add3A_335, %and3A_337 : vector<16xi32>
          %get3A_339 = arith.constant 32 : index
          %get3A_340 = tpu.vector_load %arg19[%get3A_339] {strides = array<i32>} : memref<1024xf32, #tpu.memory_space<vmem>>, vector<16xf32>,
          %gather3A_341 = tpu.vector_load_idx %arg15[%add3A_302, %and3A_338] : memref<400x64xf32, #tpu.memory_space<vmem>>[vector<16xi32>, vector<16xi32>], vector<16xf32>,
          %gather3A_342 = tpu.vector_load_idx %arg16[%add3A_302, %and3A_338] : memref<400x64xf32, #tpu.memory_space<vmem>>[vector<16xi32>, vector<16xi32>], vector<16xf32>,
          %add3A_343 = arith.addf %gather3A_341, %gather3A_342 : vector<16xf32>
          %max3A_344 = arith.constant 0.000000e+00 : f32
          %max3A_345 = vector.broadcast %max3A_344 : f32 to vector<16xf32>
          %max3A_346 = arith.maximumf %add3A_343, %max3A_345 : vector<16xf32>
          %mul3A_347 = arith.mulf %max3A_346, %get3A_340 : vector<16xf32>
          %add3A_348 = arith.addf %add3A_332, %mul3A_347 : vector<16xf32>
          %add3A_349 = arith.constant 3 : i32
          %add3A_350 = vector.broadcast %add3A_349 : i32 to vector<16xi32>
          %add3A_351 = arith.addi %iota3A, %add3A_350 : vector<16xi32>
          %and3A_352 = arith.constant 63 : i32
          %and3A_353 = vector.broadcast %and3A_352 : i32 to vector<16xi32>
          %and3A_354 = arith.andi %add3A_351, %and3A_353 : vector<16xi32>
          %get3A_355 = arith.constant 48 : index
          %get3A_356 = tpu.vector_load %arg19[%get3A_355] {strides = array<i32>} : memref<1024xf32, #tpu.memory_space<vmem>>, vector<16xf32>,
          %gather3A_357 = tpu.vector_load_idx %arg15[%add3A_302, %and3A_354] : memref<400x64xf32, #tpu.memory_space<vmem>>[vector<16xi32>, vector<16xi32>], vector<16xf32>,
          %gather3A_358 = tpu.vector_load_idx %arg16[%add3A_302, %and3A_354] : memref<400x64xf32, #tpu.memory_space<vmem>>[vector<16xi32>, vector<16xi32>], vector<16xf32>,
          %add3A_359 = arith.addf %gather3A_357, %gather3A_358 : vector<16xf32>
          %max3A_360 = arith.constant 0.000000e+00 : f32
          %max3A_361 = vector.broadcast %max3A_360 : f32 to vector<16xf32>
          %max3A_362 = arith.maximumf %add3A_359, %max3A_361 : vector<16xf32>
          %mul3A_363 = arith.mulf %max3A_362, %get3A_356 : vector<16xf32>
          %add3A_364 = arith.addf %add3A_348, %mul3A_363 : vector<16xf32>
          %add3A_365 = arith.constant 4 : i32
          %add3A_366 = vector.broadcast %add3A_365 : i32 to vector<16xi32>
          %add3A_367 = arith.addi %iota3A, %add3A_366 : vector<16xi32>
          %and3A_368 = arith.constant 63 : i32
          %and3A_369 = vector.broadcast %and3A_368 : i32 to vector<16xi32>
          %and3A_370 = arith.andi %add3A_367, %and3A_369 : vector<16xi32>
          %get3A_371 = arith.constant 64 : index
          %get3A_372 = tpu.vector_load %arg19[%get3A_371] {strides = array<i32>} : memref<1024xf32, #tpu.memory_space<vmem>>, vector<16xf32>,
          %gather3A_373 = tpu.vector_load_idx %arg15[%add3A_302, %and3A_370] : memref<400x64xf32, #tpu.memory_space<vmem>>[vector<16xi32>, vector<16xi32>], vector<16xf32>,
          %gather3A_374 = tpu.vector_load_idx %arg16[%add3A_302, %and3A_370] : memref<400x64xf32, #tpu.memory_space<vmem>>[vector<16xi32>, vector<16xi32>], vector<16xf32>,
          %add3A_375 = arith.addf %gather3A_373, %gather3A_374 : vector<16xf32>
          %max3A_376 = arith.constant 0.000000e+00 : f32
          %max3A_377 = vector.broadcast %max3A_376 : f32 to vector<16xf32>
          %max3A_378 = arith.maximumf %add3A_375, %max3A_377 : vector<16xf32>
          %mul3A_379 = arith.mulf %max3A_378, %get3A_372 : vector<16xf32>
          %add3A_380 = arith.addf %add3A_364, %mul3A_379 : vector<16xf32>
          %add3A_381 = arith.constant 5 : i32
          %add3A_382 = vector.broadcast %add3A_381 : i32 to vector<16xi32>
          %add3A_383 = arith.addi %iota3A, %add3A_382 : vector<16xi32>
          %and3A_384 = arith.constant 63 : i32
          %and3A_385 = vector.broadcast %and3A_384 : i32 to vector<16xi32>
          %and3A_386 = arith.andi %add3A_383, %and3A_385 : vector<16xi32>
          %get3A_387 = arith.constant 80 : index
          %get3A_388 = tpu.vector_load %arg19[%get3A_387] {strides = array<i32>} : memref<1024xf32, #tpu.memory_space<vmem>>, vector<16xf32>,
          %gather3A_389 = tpu.vector_load_idx %arg15[%add3A_302, %and3A_386] : memref<400x64xf32, #tpu.memory_space<vmem>>[vector<16xi32>, vector<16xi32>], vector<16xf32>,
          %gather3A_390 = tpu.vector_load_idx %arg16[%add3A_302, %and3A_386] : memref<400x64xf32, #tpu.memory_space<vmem>>[vector<16xi32>, vector<16xi32>], vector<16xf32>,
          %add3A_391 = arith.addf %gather3A_389, %gather3A_390 : vector<16xf32>
          %max3A_392 = arith.constant 0.000000e+00 : f32
          %max3A_393 = vector.broadcast %max3A_392 : f32 to vector<16xf32>
          %max3A_394 = arith.maximumf %add3A_391, %max3A_393 : vector<16xf32>
          %mul3A_395 = arith.mulf %max3A_394, %get3A_388 : vector<16xf32>
          %add3A_396 = arith.addf %add3A_380, %mul3A_395 : vector<16xf32>
          %add3A_397 = arith.constant 6 : i32
          %add3A_398 = vector.broadcast %add3A_397 : i32 to vector<16xi32>
          %add3A_399 = arith.addi %iota3A, %add3A_398 : vector<16xi32>
          %and3A_400 = arith.constant 63 : i32
          %and3A_401 = vector.broadcast %and3A_400 : i32 to vector<16xi32>
          %and3A_402 = arith.andi %add3A_399, %and3A_401 : vector<16xi32>
          %get3A_403 = arith.constant 96 : index
          %get3A_404 = tpu.vector_load %arg19[%get3A_403] {strides = array<i32>} : memref<1024xf32, #tpu.memory_space<vmem>>, vector<16xf32>,
          %gather3A_405 = tpu.vector_load_idx %arg15[%add3A_302, %and3A_402] : memref<400x64xf32, #tpu.memory_space<vmem>>[vector<16xi32>, vector<16xi32>], vector<16xf32>,
          %gather3A_406 = tpu.vector_load_idx %arg16[%add3A_302, %and3A_402] : memref<400x64xf32, #tpu.memory_space<vmem>>[vector<16xi32>, vector<16xi32>], vector<16xf32>,
          %add3A_407 = arith.addf %gather3A_405, %gather3A_406 : vector<16xf32>
          %max3A_408 = arith.constant 0.000000e+00 : f32
          %max3A_409 = vector.broadcast %max3A_408 : f32 to vector<16xf32>
          %max3A_410 = arith.maximumf %add3A_407, %max3A_409 : vector<16xf32>
          %mul3A_411 = arith.mulf %max3A_410, %get3A_404 : vector<16xf32>
          %add3A_412 = arith.addf %add3A_396, %mul3A_411 : vector<16xf32>
          %add3A_413 = arith.constant 7 : i32
          %add3A_414 = vector.broadcast %add3A_413 : i32 to vector<16xi32>
          %add3A_415 = arith.addi %iota3A, %add3A_414 : vector<16xi32>
          %and3A_416 = arith.constant 63 : i32
          %and3A_417 = vector.broadcast %and3A_416 : i32 to vector<16xi32>
          %and3A_418 = arith.andi %add3A_415, %and3A_417 : vector<16xi32>
          %get3A_419 = arith.constant 112 : index
          %get3A_420 = tpu.vector_load %arg19[%get3A_419] {strides = array<i32>} : memref<1024xf32, #tpu.memory_space<vmem>>, vector<16xf32>,
          %gather3A_421 = tpu.vector_load_idx %arg15[%add3A_302, %and3A_418] : memref<400x64xf32, #tpu.memory_space<vmem>>[vector<16xi32>, vector<16xi32>], vector<16xf32>,
          %gather3A_422 = tpu.vector_load_idx %arg16[%add3A_302, %and3A_418] : memref<400x64xf32, #tpu.memory_space<vmem>>[vector<16xi32>, vector<16xi32>], vector<16xf32>,
          %add3A_423 = arith.addf %gather3A_421, %gather3A_422 : vector<16xf32>
          %max3A_424 = arith.constant 0.000000e+00 : f32
          %max3A_425 = vector.broadcast %max3A_424 : f32 to vector<16xf32>
          %max3A_426 = arith.maximumf %add3A_423, %max3A_425 : vector<16xf32>
          %mul3A_427 = arith.mulf %max3A_426, %get3A_420 : vector<16xf32>
          %add3A_428 = arith.addf %add3A_412, %mul3A_427 : vector<16xf32>
          %add3A_429 = arith.constant 8 : i32
          %add3A_430 = vector.broadcast %add3A_429 : i32 to vector<16xi32>
          %add3A_431 = arith.addi %iota3A, %add3A_430 : vector<16xi32>
          %and3A_432 = arith.constant 63 : i32
          %and3A_433 = vector.broadcast %and3A_432 : i32 to vector<16xi32>
          %and3A_434 = arith.andi %add3A_431, %and3A_433 : vector<16xi32>
          %get3A_435 = arith.constant 128 : index
          %get3A_436 = tpu.vector_load %arg19[%get3A_435] {strides = array<i32>} : memref<1024xf32, #tpu.memory_space<vmem>>, vector<16xf32>,
          %gather3A_437 = tpu.vector_load_idx %arg15[%add3A_302, %and3A_434] : memref<400x64xf32, #tpu.memory_space<vmem>>[vector<16xi32>, vector<16xi32>], vector<16xf32>,
          %gather3A_438 = tpu.vector_load_idx %arg16[%add3A_302, %and3A_434] : memref<400x64xf32, #tpu.memory_space<vmem>>[vector<16xi32>, vector<16xi32>], vector<16xf32>,
          %add3A_439 = arith.addf %gather3A_437, %gather3A_438 : vector<16xf32>
          %max3A_440 = arith.constant 0.000000e+00 : f32
          %max3A_441 = vector.broadcast %max3A_440 : f32 to vector<16xf32>
          %max3A_442 = arith.maximumf %add3A_439, %max3A_441 : vector<16xf32>
          %mul3A_443 = arith.mulf %max3A_442, %get3A_436 : vector<16xf32>
          %add3A_444 = arith.addf %add3A_428, %mul3A_443 : vector<16xf32>
          %add3A_445 = arith.constant 9 : i32
          %add3A_446 = vector.broadcast %add3A_445 : i32 to vector<16xi32>
          %add3A_447 = arith.addi %iota3A, %add3A_446 : vector<16xi32>
          %and3A_448 = arith.constant 63 : i32
          %and3A_449 = vector.broadcast %and3A_448 : i32 to vector<16xi32>
          %and3A_450 = arith.andi %add3A_447, %and3A_449 : vector<16xi32>
          %get3A_451 = arith.constant 144 : index
          %get3A_452 = tpu.vector_load %arg19[%get3A_451] {strides = array<i32>} : memref<1024xf32, #tpu.memory_space<vmem>>, vector<16xf32>,
          %gather3A_453 = tpu.vector_load_idx %arg15[%add3A_302, %and3A_450] : memref<400x64xf32, #tpu.memory_space<vmem>>[vector<16xi32>, vector<16xi32>], vector<16xf32>,
          %gather3A_454 = tpu.vector_load_idx %arg16[%add3A_302, %and3A_450] : memref<400x64xf32, #tpu.memory_space<vmem>>[vector<16xi32>, vector<16xi32>], vector<16xf32>,
          %add3A_455 = arith.addf %gather3A_453, %gather3A_454 : vector<16xf32>
          %max3A_456 = arith.constant 0.000000e+00 : f32
          %max3A_457 = vector.broadcast %max3A_456 : f32 to vector<16xf32>
          %max3A_458 = arith.maximumf %add3A_455, %max3A_457 : vector<16xf32>
          %mul3A_459 = arith.mulf %max3A_458, %get3A_452 : vector<16xf32>
          %add3A_460 = arith.addf %add3A_444, %mul3A_459 : vector<16xf32>
          %add3A_461 = arith.constant 10 : i32
          %add3A_462 = vector.broadcast %add3A_461 : i32 to vector<16xi32>
          %add3A_463 = arith.addi %iota3A, %add3A_462 : vector<16xi32>
          %and3A_464 = arith.constant 63 : i32
          %and3A_465 = vector.broadcast %and3A_464 : i32 to vector<16xi32>
          %and3A_466 = arith.andi %add3A_463, %and3A_465 : vector<16xi32>
          %get3A_467 = arith.constant 160 : index
          %get3A_468 = tpu.vector_load %arg19[%get3A_467] {strides = array<i32>} : memref<1024xf32, #tpu.memory_space<vmem>>, vector<16xf32>,
          %gather3A_469 = tpu.vector_load_idx %arg15[%add3A_302, %and3A_466] : memref<400x64xf32, #tpu.memory_space<vmem>>[vector<16xi32>, vector<16xi32>], vector<16xf32>,
          %gather3A_470 = tpu.vector_load_idx %arg16[%add3A_302, %and3A_466] : memref<400x64xf32, #tpu.memory_space<vmem>>[vector<16xi32>, vector<16xi32>], vector<16xf32>,
          %add3A_471 = arith.addf %gather3A_469, %gather3A_470 : vector<16xf32>
          %max3A_472 = arith.constant 0.000000e+00 : f32
          %max3A_473 = vector.broadcast %max3A_472 : f32 to vector<16xf32>
          %max3A_474 = arith.maximumf %add3A_471, %max3A_473 : vector<16xf32>
          %mul3A_475 = arith.mulf %max3A_474, %get3A_468 : vector<16xf32>
          %add3A_476 = arith.addf %add3A_460, %mul3A_475 : vector<16xf32>
          %add3A_477 = arith.constant 11 : i32
          %add3A_478 = vector.broadcast %add3A_477 : i32 to vector<16xi32>
          %add3A_479 = arith.addi %iota3A, %add3A_478 : vector<16xi32>
          %and3A_480 = arith.constant 63 : i32
          %and3A_481 = vector.broadcast %and3A_480 : i32 to vector<16xi32>
          %and3A_482 = arith.andi %add3A_479, %and3A_481 : vector<16xi32>
          %get3A_483 = arith.constant 176 : index
          %get3A_484 = tpu.vector_load %arg19[%get3A_483] {strides = array<i32>} : memref<1024xf32, #tpu.memory_space<vmem>>, vector<16xf32>,
          %gather3A_485 = tpu.vector_load_idx %arg15[%add3A_302, %and3A_482] : memref<400x64xf32, #tpu.memory_space<vmem>>[vector<16xi32>, vector<16xi32>], vector<16xf32>,
          %gather3A_486 = tpu.vector_load_idx %arg16[%add3A_302, %and3A_482] : memref<400x64xf32, #tpu.memory_space<vmem>>[vector<16xi32>, vector<16xi32>], vector<16xf32>,
          %add3A_487 = arith.addf %gather3A_485, %gather3A_486 : vector<16xf32>
          %max3A_488 = arith.constant 0.000000e+00 : f32
          %max3A_489 = vector.broadcast %max3A_488 : f32 to vector<16xf32>
          %max3A_490 = arith.maximumf %add3A_487, %max3A_489 : vector<16xf32>
          %mul3A_491 = arith.mulf %max3A_490, %get3A_484 : vector<16xf32>
          %add3A_492 = arith.addf %add3A_476, %mul3A_491 : vector<16xf32>
          %add3A_493 = arith.constant 12 : i32
          %add3A_494 = vector.broadcast %add3A_493 : i32 to vector<16xi32>
          %add3A_495 = arith.addi %iota3A, %add3A_494 : vector<16xi32>
          %and3A_496 = arith.constant 63 : i32
          %and3A_497 = vector.broadcast %and3A_496 : i32 to vector<16xi32>
          %and3A_498 = arith.andi %add3A_495, %and3A_497 : vector<16xi32>
          %get3A_499 = arith.constant 192 : index
          %get3A_500 = tpu.vector_load %arg19[%get3A_499] {strides = array<i32>} : memref<1024xf32, #tpu.memory_space<vmem>>, vector<16xf32>,
          %gather3A_501 = tpu.vector_load_idx %arg15[%add3A_302, %and3A_498] : memref<400x64xf32, #tpu.memory_space<vmem>>[vector<16xi32>, vector<16xi32>], vector<16xf32>,
          %gather3A_502 = tpu.vector_load_idx %arg16[%add3A_302, %and3A_498] : memref<400x64xf32, #tpu.memory_space<vmem>>[vector<16xi32>, vector<16xi32>], vector<16xf32>,
          %add3A_503 = arith.addf %gather3A_501, %gather3A_502 : vector<16xf32>
          %max3A_504 = arith.constant 0.000000e+00 : f32
          %max3A_505 = vector.broadcast %max3A_504 : f32 to vector<16xf32>
          %max3A_506 = arith.maximumf %add3A_503, %max3A_505 : vector<16xf32>
          %mul3A_507 = arith.mulf %max3A_506, %get3A_500 : vector<16xf32>
          %add3A_508 = arith.addf %add3A_492, %mul3A_507 : vector<16xf32>
          %add3A_509 = arith.constant 13 : i32
          %add3A_510 = vector.broadcast %add3A_509 : i32 to vector<16xi32>
          %add3A_511 = arith.addi %iota3A, %add3A_510 : vector<16xi32>
          %and3A_512 = arith.constant 63 : i32
          %and3A_513 = vector.broadcast %and3A_512 : i32 to vector<16xi32>
          %and3A_514 = arith.andi %add3A_511, %and3A_513 : vector<16xi32>
          %get3A_515 = arith.constant 208 : index
          %get3A_516 = tpu.vector_load %arg19[%get3A_515] {strides = array<i32>} : memref<1024xf32, #tpu.memory_space<vmem>>, vector<16xf32>,
          %gather3A_517 = tpu.vector_load_idx %arg15[%add3A_302, %and3A_514] : memref<400x64xf32, #tpu.memory_space<vmem>>[vector<16xi32>, vector<16xi32>], vector<16xf32>,
          %gather3A_518 = tpu.vector_load_idx %arg16[%add3A_302, %and3A_514] : memref<400x64xf32, #tpu.memory_space<vmem>>[vector<16xi32>, vector<16xi32>], vector<16xf32>,
          %add3A_519 = arith.addf %gather3A_517, %gather3A_518 : vector<16xf32>
          %max3A_520 = arith.constant 0.000000e+00 : f32
          %max3A_521 = vector.broadcast %max3A_520 : f32 to vector<16xf32>
          %max3A_522 = arith.maximumf %add3A_519, %max3A_521 : vector<16xf32>
          %mul3A_523 = arith.mulf %max3A_522, %get3A_516 : vector<16xf32>
          %add3A_524 = arith.addf %add3A_508, %mul3A_523 : vector<16xf32>
          %add3A_525 = arith.constant 14 : i32
          %add3A_526 = vector.broadcast %add3A_525 : i32 to vector<16xi32>
          %add3A_527 = arith.addi %iota3A, %add3A_526 : vector<16xi32>
          %and3A_528 = arith.constant 63 : i32
          %and3A_529 = vector.broadcast %and3A_528 : i32 to vector<16xi32>
          %and3A_530 = arith.andi %add3A_527, %and3A_529 : vector<16xi32>
          %get3A_531 = arith.constant 224 : index
          %get3A_532 = tpu.vector_load %arg19[%get3A_531] {strides = array<i32>} : memref<1024xf32, #tpu.memory_space<vmem>>, vector<16xf32>,
          %gather3A_533 = tpu.vector_load_idx %arg15[%add3A_302, %and3A_530] : memref<400x64xf32, #tpu.memory_space<vmem>>[vector<16xi32>, vector<16xi32>], vector<16xf32>,
          %gather3A_534 = tpu.vector_load_idx %arg16[%add3A_302, %and3A_530] : memref<400x64xf32, #tpu.memory_space<vmem>>[vector<16xi32>, vector<16xi32>], vector<16xf32>,
          %add3A_535 = arith.addf %gather3A_533, %gather3A_534 : vector<16xf32>
          %max3A_536 = arith.constant 0.000000e+00 : f32
          %max3A_537 = vector.broadcast %max3A_536 : f32 to vector<16xf32>
          %max3A_538 = arith.maximumf %add3A_535, %max3A_537 : vector<16xf32>
          %mul3A_539 = arith.mulf %max3A_538, %get3A_532 : vector<16xf32>
          %add3A_540 = arith.addf %add3A_524, %mul3A_539 : vector<16xf32>
          %add3A_541 = arith.constant 15 : i32
          %add3A_542 = vector.broadcast %add3A_541 : i32 to vector<16xi32>
          %add3A_543 = arith.addi %iota3A, %add3A_542 : vector<16xi32>
          %and3A_544 = arith.constant 63 : i32
          %and3A_545 = vector.broadcast %and3A_544 : i32 to vector<16xi32>
          %and3A_546 = arith.andi %add3A_543, %and3A_545 : vector<16xi32>
          %get3A_547 = arith.constant 240 : index
          %get3A_548 = tpu.vector_load %arg19[%get3A_547] {strides = array<i32>} : memref<1024xf32, #tpu.memory_space<vmem>>, vector<16xf32>,
          %gather3A_549 = tpu.vector_load_idx %arg15[%add3A_302, %and3A_546] : memref<400x64xf32, #tpu.memory_space<vmem>>[vector<16xi32>, vector<16xi32>], vector<16xf32>,
          %gather3A_550 = tpu.vector_load_idx %arg16[%add3A_302, %and3A_546] : memref<400x64xf32, #tpu.memory_space<vmem>>[vector<16xi32>, vector<16xi32>], vector<16xf32>,
          %add3A_551 = arith.addf %gather3A_549, %gather3A_550 : vector<16xf32>
          %max3A_552 = arith.constant 0.000000e+00 : f32
          %max3A_553 = vector.broadcast %max3A_552 : f32 to vector<16xf32>
          %max3A_554 = arith.maximumf %add3A_551, %max3A_553 : vector<16xf32>
          %mul3A_555 = arith.mulf %max3A_554, %get3A_548 : vector<16xf32>
          %add3A_556 = arith.addf %add3A_540, %mul3A_555 : vector<16xf32>
          %add3A_557 = arith.constant 16 : i32
          %add3A_558 = vector.broadcast %add3A_557 : i32 to vector<16xi32>
          %add3A_559 = arith.addi %iota3A, %add3A_558 : vector<16xi32>
          %and3A_560 = arith.constant 63 : i32
          %and3A_561 = vector.broadcast %and3A_560 : i32 to vector<16xi32>
          %and3A_562 = arith.andi %add3A_559, %and3A_561 : vector<16xi32>
          %get3A_563 = arith.constant 256 : index
          %get3A_564 = tpu.vector_load %arg19[%get3A_563] {strides = array<i32>} : memref<1024xf32, #tpu.memory_space<vmem>>, vector<16xf32>,
          %gather3A_565 = tpu.vector_load_idx %arg15[%add3A_302, %and3A_562] : memref<400x64xf32, #tpu.memory_space<vmem>>[vector<16xi32>, vector<16xi32>], vector<16xf32>,
          %gather3A_566 = tpu.vector_load_idx %arg16[%add3A_302, %and3A_562] : memref<400x64xf32, #tpu.memory_space<vmem>>[vector<16xi32>, vector<16xi32>], vector<16xf32>,
          %add3A_567 = arith.addf %gather3A_565, %gather3A_566 : vector<16xf32>
          %max3A_568 = arith.constant 0.000000e+00 : f32
          %max3A_569 = vector.broadcast %max3A_568 : f32 to vector<16xf32>
          %max3A_570 = arith.maximumf %add3A_567, %max3A_569 : vector<16xf32>
          %mul3A_571 = arith.mulf %max3A_570, %get3A_564 : vector<16xf32>
          %add3A_572 = arith.addf %add3A_556, %mul3A_571 : vector<16xf32>
          %add3A_573 = arith.constant 17 : i32
          %add3A_574 = vector.broadcast %add3A_573 : i32 to vector<16xi32>
          %add3A_575 = arith.addi %iota3A, %add3A_574 : vector<16xi32>
          %and3A_576 = arith.constant 63 : i32
          %and3A_577 = vector.broadcast %and3A_576 : i32 to vector<16xi32>
          %and3A_578 = arith.andi %add3A_575, %and3A_577 : vector<16xi32>
          %get3A_579 = arith.constant 272 : index
          %get3A_580 = tpu.vector_load %arg19[%get3A_579] {strides = array<i32>} : memref<1024xf32, #tpu.memory_space<vmem>>, vector<16xf32>,
          %gather3A_581 = tpu.vector_load_idx %arg15[%add3A_302, %and3A_578] : memref<400x64xf32, #tpu.memory_space<vmem>>[vector<16xi32>, vector<16xi32>], vector<16xf32>,
          %gather3A_582 = tpu.vector_load_idx %arg16[%add3A_302, %and3A_578] : memref<400x64xf32, #tpu.memory_space<vmem>>[vector<16xi32>, vector<16xi32>], vector<16xf32>,
          %add3A_583 = arith.addf %gather3A_581, %gather3A_582 : vector<16xf32>
          %max3A_584 = arith.constant 0.000000e+00 : f32
          %max3A_585 = vector.broadcast %max3A_584 : f32 to vector<16xf32>
          %max3A_586 = arith.maximumf %add3A_583, %max3A_585 : vector<16xf32>
          %mul3A_587 = arith.mulf %max3A_586, %get3A_580 : vector<16xf32>
          %add3A_588 = arith.addf %add3A_572, %mul3A_587 : vector<16xf32>
          %add3A_589 = arith.constant 18 : i32
          %add3A_590 = vector.broadcast %add3A_589 : i32 to vector<16xi32>
          %add3A_591 = arith.addi %iota3A, %add3A_590 : vector<16xi32>
          %and3A_592 = arith.constant 63 : i32
          %and3A_593 = vector.broadcast %and3A_592 : i32 to vector<16xi32>
          %and3A_594 = arith.andi %add3A_591, %and3A_593 : vector<16xi32>
          %get3A_595 = arith.constant 288 : index
          %get3A_596 = tpu.vector_load %arg19[%get3A_595] {strides = array<i32>} : memref<1024xf32, #tpu.memory_space<vmem>>, vector<16xf32>,
          %gather3A_597 = tpu.vector_load_idx %arg15[%add3A_302, %and3A_594] : memref<400x64xf32, #tpu.memory_space<vmem>>[vector<16xi32>, vector<16xi32>], vector<16xf32>,
          %gather3A_598 = tpu.vector_load_idx %arg16[%add3A_302, %and3A_594] : memref<400x64xf32, #tpu.memory_space<vmem>>[vector<16xi32>, vector<16xi32>], vector<16xf32>,
          %add3A_599 = arith.addf %gather3A_597, %gather3A_598 : vector<16xf32>
          %max3A_600 = arith.constant 0.000000e+00 : f32
          %max3A_601 = vector.broadcast %max3A_600 : f32 to vector<16xf32>
          %max3A_602 = arith.maximumf %add3A_599, %max3A_601 : vector<16xf32>
          %mul3A_603 = arith.mulf %max3A_602, %get3A_596 : vector<16xf32>
          %add3A_604 = arith.addf %add3A_588, %mul3A_603 : vector<16xf32>
          %add3A_605 = arith.constant 19 : i32
          %add3A_606 = vector.broadcast %add3A_605 : i32 to vector<16xi32>
          %add3A_607 = arith.addi %iota3A, %add3A_606 : vector<16xi32>
          %and3A_608 = arith.constant 63 : i32
          %and3A_609 = vector.broadcast %and3A_608 : i32 to vector<16xi32>
          %and3A_610 = arith.andi %add3A_607, %and3A_609 : vector<16xi32>
          %get3A_611 = arith.constant 304 : index
          %get3A_612 = tpu.vector_load %arg19[%get3A_611] {strides = array<i32>} : memref<1024xf32, #tpu.memory_space<vmem>>, vector<16xf32>,
          %gather3A_613 = tpu.vector_load_idx %arg15[%add3A_302, %and3A_610] : memref<400x64xf32, #tpu.memory_space<vmem>>[vector<16xi32>, vector<16xi32>], vector<16xf32>,
          %gather3A_614 = tpu.vector_load_idx %arg16[%add3A_302, %and3A_610] : memref<400x64xf32, #tpu.memory_space<vmem>>[vector<16xi32>, vector<16xi32>], vector<16xf32>,
          %add3A_615 = arith.addf %gather3A_613, %gather3A_614 : vector<16xf32>
          %max3A_616 = arith.constant 0.000000e+00 : f32
          %max3A_617 = vector.broadcast %max3A_616 : f32 to vector<16xf32>
          %max3A_618 = arith.maximumf %add3A_615, %max3A_617 : vector<16xf32>
          %mul3A_619 = arith.mulf %max3A_618, %get3A_612 : vector<16xf32>
          %add3A_620 = arith.addf %add3A_604, %mul3A_619 : vector<16xf32>
          %add3A_621 = arith.constant 20 : i32
          %add3A_622 = vector.broadcast %add3A_621 : i32 to vector<16xi32>
          %add3A_623 = arith.addi %iota3A, %add3A_622 : vector<16xi32>
          %and3A_624 = arith.constant 63 : i32
          %and3A_625 = vector.broadcast %and3A_624 : i32 to vector<16xi32>
          %and3A_626 = arith.andi %add3A_623, %and3A_625 : vector<16xi32>
          %get3A_627 = arith.constant 320 : index
          %get3A_628 = tpu.vector_load %arg19[%get3A_627] {strides = array<i32>} : memref<1024xf32, #tpu.memory_space<vmem>>, vector<16xf32>,
          %gather3A_629 = tpu.vector_load_idx %arg15[%add3A_302, %and3A_626] : memref<400x64xf32, #tpu.memory_space<vmem>>[vector<16xi32>, vector<16xi32>], vector<16xf32>,
          %gather3A_630 = tpu.vector_load_idx %arg16[%add3A_302, %and3A_626] : memref<400x64xf32, #tpu.memory_space<vmem>>[vector<16xi32>, vector<16xi32>], vector<16xf32>,
          %add3A_631 = arith.addf %gather3A_629, %gather3A_630 : vector<16xf32>
          %max3A_632 = arith.constant 0.000000e+00 : f32
          %max3A_633 = vector.broadcast %max3A_632 : f32 to vector<16xf32>
          %max3A_634 = arith.maximumf %add3A_631, %max3A_633 : vector<16xf32>
          %mul3A_635 = arith.mulf %max3A_634, %get3A_628 : vector<16xf32>
          %add3A_636 = arith.addf %add3A_620, %mul3A_635 : vector<16xf32>
          %add3A_637 = arith.constant 21 : i32
          %add3A_638 = vector.broadcast %add3A_637 : i32 to vector<16xi32>
          %add3A_639 = arith.addi %iota3A, %add3A_638 : vector<16xi32>
          %and3A_640 = arith.constant 63 : i32
          %and3A_641 = vector.broadcast %and3A_640 : i32 to vector<16xi32>
          %and3A_642 = arith.andi %add3A_639, %and3A_641 : vector<16xi32>
          %get3A_643 = arith.constant 336 : index
          %get3A_644 = tpu.vector_load %arg19[%get3A_643] {strides = array<i32>} : memref<1024xf32, #tpu.memory_space<vmem>>, vector<16xf32>,
          %gather3A_645 = tpu.vector_load_idx %arg15[%add3A_302, %and3A_642] : memref<400x64xf32, #tpu.memory_space<vmem>>[vector<16xi32>, vector<16xi32>], vector<16xf32>,
          %gather3A_646 = tpu.vector_load_idx %arg16[%add3A_302, %and3A_642] : memref<400x64xf32, #tpu.memory_space<vmem>>[vector<16xi32>, vector<16xi32>], vector<16xf32>,
          %add3A_647 = arith.addf %gather3A_645, %gather3A_646 : vector<16xf32>
          %max3A_648 = arith.constant 0.000000e+00 : f32
          %max3A_649 = vector.broadcast %max3A_648 : f32 to vector<16xf32>
          %max3A_650 = arith.maximumf %add3A_647, %max3A_649 : vector<16xf32>
          %mul3A_651 = arith.mulf %max3A_650, %get3A_644 : vector<16xf32>
          %add3A_652 = arith.addf %add3A_636, %mul3A_651 : vector<16xf32>
          %add3A_653 = arith.constant 22 : i32
          %add3A_654 = vector.broadcast %add3A_653 : i32 to vector<16xi32>
          %add3A_655 = arith.addi %iota3A, %add3A_654 : vector<16xi32>
          %and3A_656 = arith.constant 63 : i32
          %and3A_657 = vector.broadcast %and3A_656 : i32 to vector<16xi32>
          %and3A_658 = arith.andi %add3A_655, %and3A_657 : vector<16xi32>
          %get3A_659 = arith.constant 352 : index
          %get3A_660 = tpu.vector_load %arg19[%get3A_659] {strides = array<i32>} : memref<1024xf32, #tpu.memory_space<vmem>>, vector<16xf32>,
          %gather3A_661 = tpu.vector_load_idx %arg15[%add3A_302, %and3A_658] : memref<400x64xf32, #tpu.memory_space<vmem>>[vector<16xi32>, vector<16xi32>], vector<16xf32>,
          %gather3A_662 = tpu.vector_load_idx %arg16[%add3A_302, %and3A_658] : memref<400x64xf32, #tpu.memory_space<vmem>>[vector<16xi32>, vector<16xi32>], vector<16xf32>,
          %add3A_663 = arith.addf %gather3A_661, %gather3A_662 : vector<16xf32>
          %max3A_664 = arith.constant 0.000000e+00 : f32
          %max3A_665 = vector.broadcast %max3A_664 : f32 to vector<16xf32>
          %max3A_666 = arith.maximumf %add3A_663, %max3A_665 : vector<16xf32>
          %mul3A_667 = arith.mulf %max3A_666, %get3A_660 : vector<16xf32>
          %add3A_668 = arith.addf %add3A_652, %mul3A_667 : vector<16xf32>
          %add3A_669 = arith.constant 23 : i32
          %add3A_670 = vector.broadcast %add3A_669 : i32 to vector<16xi32>
          %add3A_671 = arith.addi %iota3A, %add3A_670 : vector<16xi32>
          %and3A_672 = arith.constant 63 : i32
          %and3A_673 = vector.broadcast %and3A_672 : i32 to vector<16xi32>
          %and3A_674 = arith.andi %add3A_671, %and3A_673 : vector<16xi32>
          %get3A_675 = arith.constant 368 : index
          %get3A_676 = tpu.vector_load %arg19[%get3A_675] {strides = array<i32>} : memref<1024xf32, #tpu.memory_space<vmem>>, vector<16xf32>,
          %gather3A_677 = tpu.vector_load_idx %arg15[%add3A_302, %and3A_674] : memref<400x64xf32, #tpu.memory_space<vmem>>[vector<16xi32>, vector<16xi32>], vector<16xf32>,
          %gather3A_678 = tpu.vector_load_idx %arg16[%add3A_302, %and3A_674] : memref<400x64xf32, #tpu.memory_space<vmem>>[vector<16xi32>, vector<16xi32>], vector<16xf32>,
          %add3A_679 = arith.addf %gather3A_677, %gather3A_678 : vector<16xf32>
          %max3A_680 = arith.constant 0.000000e+00 : f32
          %max3A_681 = vector.broadcast %max3A_680 : f32 to vector<16xf32>
          %max3A_682 = arith.maximumf %add3A_679, %max3A_681 : vector<16xf32>
          %mul3A_683 = arith.mulf %max3A_682, %get3A_676 : vector<16xf32>
          %add3A_684 = arith.addf %add3A_668, %mul3A_683 : vector<16xf32>
          %add3A_685 = arith.constant 24 : i32
          %add3A_686 = vector.broadcast %add3A_685 : i32 to vector<16xi32>
          %add3A_687 = arith.addi %iota3A, %add3A_686 : vector<16xi32>
          %and3A_688 = arith.constant 63 : i32
          %and3A_689 = vector.broadcast %and3A_688 : i32 to vector<16xi32>
          %and3A_690 = arith.andi %add3A_687, %and3A_689 : vector<16xi32>
          %get3A_691 = arith.constant 384 : index
          %get3A_692 = tpu.vector_load %arg19[%get3A_691] {strides = array<i32>} : memref<1024xf32, #tpu.memory_space<vmem>>, vector<16xf32>,
          %gather3A_693 = tpu.vector_load_idx %arg15[%add3A_302, %and3A_690] : memref<400x64xf32, #tpu.memory_space<vmem>>[vector<16xi32>, vector<16xi32>], vector<16xf32>,
          %gather3A_694 = tpu.vector_load_idx %arg16[%add3A_302, %and3A_690] : memref<400x64xf32, #tpu.memory_space<vmem>>[vector<16xi32>, vector<16xi32>], vector<16xf32>,
          %add3A_695 = arith.addf %gather3A_693, %gather3A_694 : vector<16xf32>
          %max3A_696 = arith.constant 0.000000e+00 : f32
          %max3A_697 = vector.broadcast %max3A_696 : f32 to vector<16xf32>
          %max3A_698 = arith.maximumf %add3A_695, %max3A_697 : vector<16xf32>
          %mul3A_699 = arith.mulf %max3A_698, %get3A_692 : vector<16xf32>
          %add3A_700 = arith.addf %add3A_684, %mul3A_699 : vector<16xf32>
          %add3A_701 = arith.constant 25 : i32
          %add3A_702 = vector.broadcast %add3A_701 : i32 to vector<16xi32>
          %add3A_703 = arith.addi %iota3A, %add3A_702 : vector<16xi32>
          %and3A_704 = arith.constant 63 : i32
          %and3A_705 = vector.broadcast %and3A_704 : i32 to vector<16xi32>
          %and3A_706 = arith.andi %add3A_703, %and3A_705 : vector<16xi32>
          %get3A_707 = arith.constant 400 : index
          %get3A_708 = tpu.vector_load %arg19[%get3A_707] {strides = array<i32>} : memref<1024xf32, #tpu.memory_space<vmem>>, vector<16xf32>,
          %gather3A_709 = tpu.vector_load_idx %arg15[%add3A_302, %and3A_706] : memref<400x64xf32, #tpu.memory_space<vmem>>[vector<16xi32>, vector<16xi32>], vector<16xf32>,
          %gather3A_710 = tpu.vector_load_idx %arg16[%add3A_302, %and3A_706] : memref<400x64xf32, #tpu.memory_space<vmem>>[vector<16xi32>, vector<16xi32>], vector<16xf32>,
          %add3A_711 = arith.addf %gather3A_709, %gather3A_710 : vector<16xf32>
          %max3A_712 = arith.constant 0.000000e+00 : f32
          %max3A_713 = vector.broadcast %max3A_712 : f32 to vector<16xf32>
          %max3A_714 = arith.maximumf %add3A_711, %max3A_713 : vector<16xf32>
          %mul3A_715 = arith.mulf %max3A_714, %get3A_708 : vector<16xf32>
          %add3A_716 = arith.addf %add3A_700, %mul3A_715 : vector<16xf32>
          %add3A_717 = arith.constant 26 : i32
          %add3A_718 = vector.broadcast %add3A_717 : i32 to vector<16xi32>
          %add3A_719 = arith.addi %iota3A, %add3A_718 : vector<16xi32>
          %and3A_720 = arith.constant 63 : i32
          %and3A_721 = vector.broadcast %and3A_720 : i32 to vector<16xi32>
          %and3A_722 = arith.andi %add3A_719, %and3A_721 : vector<16xi32>
          %get3A_723 = arith.constant 416 : index
          %get3A_724 = tpu.vector_load %arg19[%get3A_723] {strides = array<i32>} : memref<1024xf32, #tpu.memory_space<vmem>>, vector<16xf32>,
          %gather3A_725 = tpu.vector_load_idx %arg15[%add3A_302, %and3A_722] : memref<400x64xf32, #tpu.memory_space<vmem>>[vector<16xi32>, vector<16xi32>], vector<16xf32>,
          %gather3A_726 = tpu.vector_load_idx %arg16[%add3A_302, %and3A_722] : memref<400x64xf32, #tpu.memory_space<vmem>>[vector<16xi32>, vector<16xi32>], vector<16xf32>,
          %add3A_727 = arith.addf %gather3A_725, %gather3A_726 : vector<16xf32>
          %max3A_728 = arith.constant 0.000000e+00 : f32
          %max3A_729 = vector.broadcast %max3A_728 : f32 to vector<16xf32>
          %max3A_730 = arith.maximumf %add3A_727, %max3A_729 : vector<16xf32>
          %mul3A_731 = arith.mulf %max3A_730, %get3A_724 : vector<16xf32>
          %add3A_732 = arith.addf %add3A_716, %mul3A_731 : vector<16xf32>
          %add3A_733 = arith.constant 27 : i32
          %add3A_734 = vector.broadcast %add3A_733 : i32 to vector<16xi32>
          %add3A_735 = arith.addi %iota3A, %add3A_734 : vector<16xi32>
          %and3A_736 = arith.constant 63 : i32
          %and3A_737 = vector.broadcast %and3A_736 : i32 to vector<16xi32>
          %and3A_738 = arith.andi %add3A_735, %and3A_737 : vector<16xi32>
          %get3A_739 = arith.constant 432 : index
          %get3A_740 = tpu.vector_load %arg19[%get3A_739] {strides = array<i32>} : memref<1024xf32, #tpu.memory_space<vmem>>, vector<16xf32>,
          %gather3A_741 = tpu.vector_load_idx %arg15[%add3A_302, %and3A_738] : memref<400x64xf32, #tpu.memory_space<vmem>>[vector<16xi32>, vector<16xi32>], vector<16xf32>,
          %gather3A_742 = tpu.vector_load_idx %arg16[%add3A_302, %and3A_738] : memref<400x64xf32, #tpu.memory_space<vmem>>[vector<16xi32>, vector<16xi32>], vector<16xf32>,
          %add3A_743 = arith.addf %gather3A_741, %gather3A_742 : vector<16xf32>
          %max3A_744 = arith.constant 0.000000e+00 : f32
          %max3A_745 = vector.broadcast %max3A_744 : f32 to vector<16xf32>
          %max3A_746 = arith.maximumf %add3A_743, %max3A_745 : vector<16xf32>
          %mul3A_747 = arith.mulf %max3A_746, %get3A_740 : vector<16xf32>
          %add3A_748 = arith.addf %add3A_732, %mul3A_747 : vector<16xf32>
          %add3A_749 = arith.constant 28 : i32
          %add3A_750 = vector.broadcast %add3A_749 : i32 to vector<16xi32>
          %add3A_751 = arith.addi %iota3A, %add3A_750 : vector<16xi32>
          %and3A_752 = arith.constant 63 : i32
          %and3A_753 = vector.broadcast %and3A_752 : i32 to vector<16xi32>
          %and3A_754 = arith.andi %add3A_751, %and3A_753 : vector<16xi32>
          %get3A_755 = arith.constant 448 : index
          %get3A_756 = tpu.vector_load %arg19[%get3A_755] {strides = array<i32>} : memref<1024xf32, #tpu.memory_space<vmem>>, vector<16xf32>,
          %gather3A_757 = tpu.vector_load_idx %arg15[%add3A_302, %and3A_754] : memref<400x64xf32, #tpu.memory_space<vmem>>[vector<16xi32>, vector<16xi32>], vector<16xf32>,
          %gather3A_758 = tpu.vector_load_idx %arg16[%add3A_302, %and3A_754] : memref<400x64xf32, #tpu.memory_space<vmem>>[vector<16xi32>, vector<16xi32>], vector<16xf32>,
          %add3A_759 = arith.addf %gather3A_757, %gather3A_758 : vector<16xf32>
          %max3A_760 = arith.constant 0.000000e+00 : f32
          %max3A_761 = vector.broadcast %max3A_760 : f32 to vector<16xf32>
          %max3A_762 = arith.maximumf %add3A_759, %max3A_761 : vector<16xf32>
          %mul3A_763 = arith.mulf %max3A_762, %get3A_756 : vector<16xf32>
          %add3A_764 = arith.addf %add3A_748, %mul3A_763 : vector<16xf32>
          %add3A_765 = arith.constant 29 : i32
          %add3A_766 = vector.broadcast %add3A_765 : i32 to vector<16xi32>
          %add3A_767 = arith.addi %iota3A, %add3A_766 : vector<16xi32>
          %and3A_768 = arith.constant 63 : i32
          %and3A_769 = vector.broadcast %and3A_768 : i32 to vector<16xi32>
          %and3A_770 = arith.andi %add3A_767, %and3A_769 : vector<16xi32>
          %get3A_771 = arith.constant 464 : index
          %get3A_772 = tpu.vector_load %arg19[%get3A_771] {strides = array<i32>} : memref<1024xf32, #tpu.memory_space<vmem>>, vector<16xf32>,
          %gather3A_773 = tpu.vector_load_idx %arg15[%add3A_302, %and3A_770] : memref<400x64xf32, #tpu.memory_space<vmem>>[vector<16xi32>, vector<16xi32>], vector<16xf32>,
          %gather3A_774 = tpu.vector_load_idx %arg16[%add3A_302, %and3A_770] : memref<400x64xf32, #tpu.memory_space<vmem>>[vector<16xi32>, vector<16xi32>], vector<16xf32>,
          %add3A_775 = arith.addf %gather3A_773, %gather3A_774 : vector<16xf32>
          %max3A_776 = arith.constant 0.000000e+00 : f32
          %max3A_777 = vector.broadcast %max3A_776 : f32 to vector<16xf32>
          %max3A_778 = arith.maximumf %add3A_775, %max3A_777 : vector<16xf32>
          %mul3A_779 = arith.mulf %max3A_778, %get3A_772 : vector<16xf32>
          %add3A_780 = arith.addf %add3A_764, %mul3A_779 : vector<16xf32>
          %add3A_781 = arith.constant 30 : i32
          %add3A_782 = vector.broadcast %add3A_781 : i32 to vector<16xi32>
          %add3A_783 = arith.addi %iota3A, %add3A_782 : vector<16xi32>
          %and3A_784 = arith.constant 63 : i32
          %and3A_785 = vector.broadcast %and3A_784 : i32 to vector<16xi32>
          %and3A_786 = arith.andi %add3A_783, %and3A_785 : vector<16xi32>
          %get3A_787 = arith.constant 480 : index
          %get3A_788 = tpu.vector_load %arg19[%get3A_787] {strides = array<i32>} : memref<1024xf32, #tpu.memory_space<vmem>>, vector<16xf32>,
          %gather3A_789 = tpu.vector_load_idx %arg15[%add3A_302, %and3A_786] : memref<400x64xf32, #tpu.memory_space<vmem>>[vector<16xi32>, vector<16xi32>], vector<16xf32>,
          %gather3A_790 = tpu.vector_load_idx %arg16[%add3A_302, %and3A_786] : memref<400x64xf32, #tpu.memory_space<vmem>>[vector<16xi32>, vector<16xi32>], vector<16xf32>,
          %add3A_791 = arith.addf %gather3A_789, %gather3A_790 : vector<16xf32>
          %max3A_792 = arith.constant 0.000000e+00 : f32
          %max3A_793 = vector.broadcast %max3A_792 : f32 to vector<16xf32>
          %max3A_794 = arith.maximumf %add3A_791, %max3A_793 : vector<16xf32>
          %mul3A_795 = arith.mulf %max3A_794, %get3A_788 : vector<16xf32>
          %add3A_796 = arith.addf %add3A_780, %mul3A_795 : vector<16xf32>
          %add3A_797 = arith.constant 31 : i32
          %add3A_798 = vector.broadcast %add3A_797 : i32 to vector<16xi32>
          %add3A_799 = arith.addi %iota3A, %add3A_798 : vector<16xi32>
          %and3A_800 = arith.constant 63 : i32
          %and3A_801 = vector.broadcast %and3A_800 : i32 to vector<16xi32>
          %and3A_802 = arith.andi %add3A_799, %and3A_801 : vector<16xi32>
          %get3A_803 = arith.constant 496 : index
          %get3A_804 = tpu.vector_load %arg19[%get3A_803] {strides = array<i32>} : memref<1024xf32, #tpu.memory_space<vmem>>, vector<16xf32>,
          %gather3A_805 = tpu.vector_load_idx %arg15[%add3A_302, %and3A_802] : memref<400x64xf32, #tpu.memory_space<vmem>>[vector<16xi32>, vector<16xi32>], vector<16xf32>,
          %gather3A_806 = tpu.vector_load_idx %arg16[%add3A_302, %and3A_802] : memref<400x64xf32, #tpu.memory_space<vmem>>[vector<16xi32>, vector<16xi32>], vector<16xf32>,
          %add3A_807 = arith.addf %gather3A_805, %gather3A_806 : vector<16xf32>
          %max3A_808 = arith.constant 0.000000e+00 : f32
          %max3A_809 = vector.broadcast %max3A_808 : f32 to vector<16xf32>
          %max3A_810 = arith.maximumf %add3A_807, %max3A_809 : vector<16xf32>
          %mul3A_811 = arith.mulf %max3A_810, %get3A_804 : vector<16xf32>
          %add3A_812 = arith.addf %add3A_796, %mul3A_811 : vector<16xf32>
          %add3A_813 = arith.constant 32 : i32
          %add3A_814 = vector.broadcast %add3A_813 : i32 to vector<16xi32>
          %add3A_815 = arith.addi %iota3A, %add3A_814 : vector<16xi32>
          %and3A_816 = arith.constant 63 : i32
          %and3A_817 = vector.broadcast %and3A_816 : i32 to vector<16xi32>
          %and3A_818 = arith.andi %add3A_815, %and3A_817 : vector<16xi32>
          %get3A_819 = arith.constant 512 : index
          %get3A_820 = tpu.vector_load %arg19[%get3A_819] {strides = array<i32>} : memref<1024xf32, #tpu.memory_space<vmem>>, vector<16xf32>,
          %gather3A_821 = tpu.vector_load_idx %arg15[%add3A_302, %and3A_818] : memref<400x64xf32, #tpu.memory_space<vmem>>[vector<16xi32>, vector<16xi32>], vector<16xf32>,
          %gather3A_822 = tpu.vector_load_idx %arg16[%add3A_302, %and3A_818] : memref<400x64xf32, #tpu.memory_space<vmem>>[vector<16xi32>, vector<16xi32>], vector<16xf32>,
          %add3A_823 = arith.addf %gather3A_821, %gather3A_822 : vector<16xf32>
          %max3A_824 = arith.constant 0.000000e+00 : f32
          %max3A_825 = vector.broadcast %max3A_824 : f32 to vector<16xf32>
          %max3A_826 = arith.maximumf %add3A_823, %max3A_825 : vector<16xf32>
          %mul3A_827 = arith.mulf %max3A_826, %get3A_820 : vector<16xf32>
          %add3A_828 = arith.addf %add3A_812, %mul3A_827 : vector<16xf32>
          %add3A_829 = arith.constant 33 : i32
          %add3A_830 = vector.broadcast %add3A_829 : i32 to vector<16xi32>
          %add3A_831 = arith.addi %iota3A, %add3A_830 : vector<16xi32>
          %and3A_832 = arith.constant 63 : i32
          %and3A_833 = vector.broadcast %and3A_832 : i32 to vector<16xi32>
          %and3A_834 = arith.andi %add3A_831, %and3A_833 : vector<16xi32>
          %get3A_835 = arith.constant 528 : index
          %get3A_836 = tpu.vector_load %arg19[%get3A_835] {strides = array<i32>} : memref<1024xf32, #tpu.memory_space<vmem>>, vector<16xf32>,
          %gather3A_837 = tpu.vector_load_idx %arg15[%add3A_302, %and3A_834] : memref<400x64xf32, #tpu.memory_space<vmem>>[vector<16xi32>, vector<16xi32>], vector<16xf32>,
          %gather3A_838 = tpu.vector_load_idx %arg16[%add3A_302, %and3A_834] : memref<400x64xf32, #tpu.memory_space<vmem>>[vector<16xi32>, vector<16xi32>], vector<16xf32>,
          %add3A_839 = arith.addf %gather3A_837, %gather3A_838 : vector<16xf32>
          %max3A_840 = arith.constant 0.000000e+00 : f32
          %max3A_841 = vector.broadcast %max3A_840 : f32 to vector<16xf32>
          %max3A_842 = arith.maximumf %add3A_839, %max3A_841 : vector<16xf32>
          %mul3A_843 = arith.mulf %max3A_842, %get3A_836 : vector<16xf32>
          %add3A_844 = arith.addf %add3A_828, %mul3A_843 : vector<16xf32>
          %add3A_845 = arith.constant 34 : i32
          %add3A_846 = vector.broadcast %add3A_845 : i32 to vector<16xi32>
          %add3A_847 = arith.addi %iota3A, %add3A_846 : vector<16xi32>
          %and3A_848 = arith.constant 63 : i32
          %and3A_849 = vector.broadcast %and3A_848 : i32 to vector<16xi32>
          %and3A_850 = arith.andi %add3A_847, %and3A_849 : vector<16xi32>
          %get3A_851 = arith.constant 544 : index
          %get3A_852 = tpu.vector_load %arg19[%get3A_851] {strides = array<i32>} : memref<1024xf32, #tpu.memory_space<vmem>>, vector<16xf32>,
          %gather3A_853 = tpu.vector_load_idx %arg15[%add3A_302, %and3A_850] : memref<400x64xf32, #tpu.memory_space<vmem>>[vector<16xi32>, vector<16xi32>], vector<16xf32>,
          %gather3A_854 = tpu.vector_load_idx %arg16[%add3A_302, %and3A_850] : memref<400x64xf32, #tpu.memory_space<vmem>>[vector<16xi32>, vector<16xi32>], vector<16xf32>,
          %add3A_855 = arith.addf %gather3A_853, %gather3A_854 : vector<16xf32>
          %max3A_856 = arith.constant 0.000000e+00 : f32
          %max3A_857 = vector.broadcast %max3A_856 : f32 to vector<16xf32>
          %max3A_858 = arith.maximumf %add3A_855, %max3A_857 : vector<16xf32>
          %mul3A_859 = arith.mulf %max3A_858, %get3A_852 : vector<16xf32>
          %add3A_860 = arith.addf %add3A_844, %mul3A_859 : vector<16xf32>
          %add3A_861 = arith.constant 35 : i32
          %add3A_862 = vector.broadcast %add3A_861 : i32 to vector<16xi32>
          %add3A_863 = arith.addi %iota3A, %add3A_862 : vector<16xi32>
          %and3A_864 = arith.constant 63 : i32
          %and3A_865 = vector.broadcast %and3A_864 : i32 to vector<16xi32>
          %and3A_866 = arith.andi %add3A_863, %and3A_865 : vector<16xi32>
          %get3A_867 = arith.constant 560 : index
          %get3A_868 = tpu.vector_load %arg19[%get3A_867] {strides = array<i32>} : memref<1024xf32, #tpu.memory_space<vmem>>, vector<16xf32>,
          %gather3A_869 = tpu.vector_load_idx %arg15[%add3A_302, %and3A_866] : memref<400x64xf32, #tpu.memory_space<vmem>>[vector<16xi32>, vector<16xi32>], vector<16xf32>,
          %gather3A_870 = tpu.vector_load_idx %arg16[%add3A_302, %and3A_866] : memref<400x64xf32, #tpu.memory_space<vmem>>[vector<16xi32>, vector<16xi32>], vector<16xf32>,
          %add3A_871 = arith.addf %gather3A_869, %gather3A_870 : vector<16xf32>
          %max3A_872 = arith.constant 0.000000e+00 : f32
          %max3A_873 = vector.broadcast %max3A_872 : f32 to vector<16xf32>
          %max3A_874 = arith.maximumf %add3A_871, %max3A_873 : vector<16xf32>
          %mul3A_875 = arith.mulf %max3A_874, %get3A_868 : vector<16xf32>
          %add3A_876 = arith.addf %add3A_860, %mul3A_875 : vector<16xf32>
          %add3A_877 = arith.constant 36 : i32
          %add3A_878 = vector.broadcast %add3A_877 : i32 to vector<16xi32>
          %add3A_879 = arith.addi %iota3A, %add3A_878 : vector<16xi32>
          %and3A_880 = arith.constant 63 : i32
          %and3A_881 = vector.broadcast %and3A_880 : i32 to vector<16xi32>
          %and3A_882 = arith.andi %add3A_879, %and3A_881 : vector<16xi32>
          %get3A_883 = arith.constant 576 : index
          %get3A_884 = tpu.vector_load %arg19[%get3A_883] {strides = array<i32>} : memref<1024xf32, #tpu.memory_space<vmem>>, vector<16xf32>,
          %gather3A_885 = tpu.vector_load_idx %arg15[%add3A_302, %and3A_882] : memref<400x64xf32, #tpu.memory_space<vmem>>[vector<16xi32>, vector<16xi32>], vector<16xf32>,
          %gather3A_886 = tpu.vector_load_idx %arg16[%add3A_302, %and3A_882] : memref<400x64xf32, #tpu.memory_space<vmem>>[vector<16xi32>, vector<16xi32>], vector<16xf32>,
          %add3A_887 = arith.addf %gather3A_885, %gather3A_886 : vector<16xf32>
          %max3A_888 = arith.constant 0.000000e+00 : f32
          %max3A_889 = vector.broadcast %max3A_888 : f32 to vector<16xf32>
          %max3A_890 = arith.maximumf %add3A_887, %max3A_889 : vector<16xf32>
          %mul3A_891 = arith.mulf %max3A_890, %get3A_884 : vector<16xf32>
          %add3A_892 = arith.addf %add3A_876, %mul3A_891 : vector<16xf32>
          %add3A_893 = arith.constant 37 : i32
          %add3A_894 = vector.broadcast %add3A_893 : i32 to vector<16xi32>
          %add3A_895 = arith.addi %iota3A, %add3A_894 : vector<16xi32>
          %and3A_896 = arith.constant 63 : i32
          %and3A_897 = vector.broadcast %and3A_896 : i32 to vector<16xi32>
          %and3A_898 = arith.andi %add3A_895, %and3A_897 : vector<16xi32>
          %get3A_899 = arith.constant 592 : index
          %get3A_900 = tpu.vector_load %arg19[%get3A_899] {strides = array<i32>} : memref<1024xf32, #tpu.memory_space<vmem>>, vector<16xf32>,
          %gather3A_901 = tpu.vector_load_idx %arg15[%add3A_302, %and3A_898] : memref<400x64xf32, #tpu.memory_space<vmem>>[vector<16xi32>, vector<16xi32>], vector<16xf32>,
          %gather3A_902 = tpu.vector_load_idx %arg16[%add3A_302, %and3A_898] : memref<400x64xf32, #tpu.memory_space<vmem>>[vector<16xi32>, vector<16xi32>], vector<16xf32>,
          %add3A_903 = arith.addf %gather3A_901, %gather3A_902 : vector<16xf32>
          %max3A_904 = arith.constant 0.000000e+00 : f32
          %max3A_905 = vector.broadcast %max3A_904 : f32 to vector<16xf32>
          %max3A_906 = arith.maximumf %add3A_903, %max3A_905 : vector<16xf32>
          %mul3A_907 = arith.mulf %max3A_906, %get3A_900 : vector<16xf32>
          %add3A_908 = arith.addf %add3A_892, %mul3A_907 : vector<16xf32>
          %add3A_909 = arith.constant 38 : i32
          %add3A_910 = vector.broadcast %add3A_909 : i32 to vector<16xi32>
          %add3A_911 = arith.addi %iota3A, %add3A_910 : vector<16xi32>
          %and3A_912 = arith.constant 63 : i32
          %and3A_913 = vector.broadcast %and3A_912 : i32 to vector<16xi32>
          %and3A_914 = arith.andi %add3A_911, %and3A_913 : vector<16xi32>
          %get3A_915 = arith.constant 608 : index
          %get3A_916 = tpu.vector_load %arg19[%get3A_915] {strides = array<i32>} : memref<1024xf32, #tpu.memory_space<vmem>>, vector<16xf32>,
          %gather3A_917 = tpu.vector_load_idx %arg15[%add3A_302, %and3A_914] : memref<400x64xf32, #tpu.memory_space<vmem>>[vector<16xi32>, vector<16xi32>], vector<16xf32>,
          %gather3A_918 = tpu.vector_load_idx %arg16[%add3A_302, %and3A_914] : memref<400x64xf32, #tpu.memory_space<vmem>>[vector<16xi32>, vector<16xi32>], vector<16xf32>,
          %add3A_919 = arith.addf %gather3A_917, %gather3A_918 : vector<16xf32>
          %max3A_920 = arith.constant 0.000000e+00 : f32
          %max3A_921 = vector.broadcast %max3A_920 : f32 to vector<16xf32>
          %max3A_922 = arith.maximumf %add3A_919, %max3A_921 : vector<16xf32>
          %mul3A_923 = arith.mulf %max3A_922, %get3A_916 : vector<16xf32>
          %add3A_924 = arith.addf %add3A_908, %mul3A_923 : vector<16xf32>
          %add3A_925 = arith.constant 39 : i32
          %add3A_926 = vector.broadcast %add3A_925 : i32 to vector<16xi32>
          %add3A_927 = arith.addi %iota3A, %add3A_926 : vector<16xi32>
          %and3A_928 = arith.constant 63 : i32
          %and3A_929 = vector.broadcast %and3A_928 : i32 to vector<16xi32>
          %and3A_930 = arith.andi %add3A_927, %and3A_929 : vector<16xi32>
          %get3A_931 = arith.constant 624 : index
          %get3A_932 = tpu.vector_load %arg19[%get3A_931] {strides = array<i32>} : memref<1024xf32, #tpu.memory_space<vmem>>, vector<16xf32>,
          %gather3A_933 = tpu.vector_load_idx %arg15[%add3A_302, %and3A_930] : memref<400x64xf32, #tpu.memory_space<vmem>>[vector<16xi32>, vector<16xi32>], vector<16xf32>,
          %gather3A_934 = tpu.vector_load_idx %arg16[%add3A_302, %and3A_930] : memref<400x64xf32, #tpu.memory_space<vmem>>[vector<16xi32>, vector<16xi32>], vector<16xf32>,
          %add3A_935 = arith.addf %gather3A_933, %gather3A_934 : vector<16xf32>
          %max3A_936 = arith.constant 0.000000e+00 : f32
          %max3A_937 = vector.broadcast %max3A_936 : f32 to vector<16xf32>
          %max3A_938 = arith.maximumf %add3A_935, %max3A_937 : vector<16xf32>
          %mul3A_939 = arith.mulf %max3A_938, %get3A_932 : vector<16xf32>
          %add3A_940 = arith.addf %add3A_924, %mul3A_939 : vector<16xf32>
          %add3A_941 = arith.constant 40 : i32
          %add3A_942 = vector.broadcast %add3A_941 : i32 to vector<16xi32>
          %add3A_943 = arith.addi %iota3A, %add3A_942 : vector<16xi32>
          %and3A_944 = arith.constant 63 : i32
          %and3A_945 = vector.broadcast %and3A_944 : i32 to vector<16xi32>
          %and3A_946 = arith.andi %add3A_943, %and3A_945 : vector<16xi32>
          %get3A_947 = arith.constant 640 : index
          %get3A_948 = tpu.vector_load %arg19[%get3A_947] {strides = array<i32>} : memref<1024xf32, #tpu.memory_space<vmem>>, vector<16xf32>,
          %gather3A_949 = tpu.vector_load_idx %arg15[%add3A_302, %and3A_946] : memref<400x64xf32, #tpu.memory_space<vmem>>[vector<16xi32>, vector<16xi32>], vector<16xf32>,
          %gather3A_950 = tpu.vector_load_idx %arg16[%add3A_302, %and3A_946] : memref<400x64xf32, #tpu.memory_space<vmem>>[vector<16xi32>, vector<16xi32>], vector<16xf32>,
          %add3A_951 = arith.addf %gather3A_949, %gather3A_950 : vector<16xf32>
          %max3A_952 = arith.constant 0.000000e+00 : f32
          %max3A_953 = vector.broadcast %max3A_952 : f32 to vector<16xf32>
          %max3A_954 = arith.maximumf %add3A_951, %max3A_953 : vector<16xf32>
          %mul3A_955 = arith.mulf %max3A_954, %get3A_948 : vector<16xf32>
          %add3A_956 = arith.addf %add3A_940, %mul3A_955 : vector<16xf32>
          %add3A_957 = arith.constant 41 : i32
          %add3A_958 = vector.broadcast %add3A_957 : i32 to vector<16xi32>
          %add3A_959 = arith.addi %iota3A, %add3A_958 : vector<16xi32>
          %and3A_960 = arith.constant 63 : i32
          %and3A_961 = vector.broadcast %and3A_960 : i32 to vector<16xi32>
          %and3A_962 = arith.andi %add3A_959, %and3A_961 : vector<16xi32>
          %get3A_963 = arith.constant 656 : index
          %get3A_964 = tpu.vector_load %arg19[%get3A_963] {strides = array<i32>} : memref<1024xf32, #tpu.memory_space<vmem>>, vector<16xf32>,
          %gather3A_965 = tpu.vector_load_idx %arg15[%add3A_302, %and3A_962] : memref<400x64xf32, #tpu.memory_space<vmem>>[vector<16xi32>, vector<16xi32>], vector<16xf32>,
          %gather3A_966 = tpu.vector_load_idx %arg16[%add3A_302, %and3A_962] : memref<400x64xf32, #tpu.memory_space<vmem>>[vector<16xi32>, vector<16xi32>], vector<16xf32>,
          %add3A_967 = arith.addf %gather3A_965, %gather3A_966 : vector<16xf32>
          %max3A_968 = arith.constant 0.000000e+00 : f32
          %max3A_969 = vector.broadcast %max3A_968 : f32 to vector<16xf32>
          %max3A_970 = arith.maximumf %add3A_967, %max3A_969 : vector<16xf32>
          %mul3A_971 = arith.mulf %max3A_970, %get3A_964 : vector<16xf32>
          %add3A_972 = arith.addf %add3A_956, %mul3A_971 : vector<16xf32>
          %add3A_973 = arith.constant 42 : i32
          %add3A_974 = vector.broadcast %add3A_973 : i32 to vector<16xi32>
          %add3A_975 = arith.addi %iota3A, %add3A_974 : vector<16xi32>
          %and3A_976 = arith.constant 63 : i32
          %and3A_977 = vector.broadcast %and3A_976 : i32 to vector<16xi32>
          %and3A_978 = arith.andi %add3A_975, %and3A_977 : vector<16xi32>
          %get3A_979 = arith.constant 672 : index
          %get3A_980 = tpu.vector_load %arg19[%get3A_979] {strides = array<i32>} : memref<1024xf32, #tpu.memory_space<vmem>>, vector<16xf32>,
          %gather3A_981 = tpu.vector_load_idx %arg15[%add3A_302, %and3A_978] : memref<400x64xf32, #tpu.memory_space<vmem>>[vector<16xi32>, vector<16xi32>], vector<16xf32>,
          %gather3A_982 = tpu.vector_load_idx %arg16[%add3A_302, %and3A_978] : memref<400x64xf32, #tpu.memory_space<vmem>>[vector<16xi32>, vector<16xi32>], vector<16xf32>,
          %add3A_983 = arith.addf %gather3A_981, %gather3A_982 : vector<16xf32>
          %max3A_984 = arith.constant 0.000000e+00 : f32
          %max3A_985 = vector.broadcast %max3A_984 : f32 to vector<16xf32>
          %max3A_986 = arith.maximumf %add3A_983, %max3A_985 : vector<16xf32>
          %mul3A_987 = arith.mulf %max3A_986, %get3A_980 : vector<16xf32>
          %add3A_988 = arith.addf %add3A_972, %mul3A_987 : vector<16xf32>
          %add3A_989 = arith.constant 43 : i32
          %add3A_990 = vector.broadcast %add3A_989 : i32 to vector<16xi32>
          %add3A_991 = arith.addi %iota3A, %add3A_990 : vector<16xi32>
          %and3A_992 = arith.constant 63 : i32
          %and3A_993 = vector.broadcast %and3A_992 : i32 to vector<16xi32>
          %and3A_994 = arith.andi %add3A_991, %and3A_993 : vector<16xi32>
          %get3A_995 = arith.constant 688 : index
          %get3A_996 = tpu.vector_load %arg19[%get3A_995] {strides = array<i32>} : memref<1024xf32, #tpu.memory_space<vmem>>, vector<16xf32>,
          %gather3A_997 = tpu.vector_load_idx %arg15[%add3A_302, %and3A_994] : memref<400x64xf32, #tpu.memory_space<vmem>>[vector<16xi32>, vector<16xi32>], vector<16xf32>,
          %gather3A_998 = tpu.vector_load_idx %arg16[%add3A_302, %and3A_994] : memref<400x64xf32, #tpu.memory_space<vmem>>[vector<16xi32>, vector<16xi32>], vector<16xf32>,
          %add3A_999 = arith.addf %gather3A_997, %gather3A_998 : vector<16xf32>
          %max3A_1000 = arith.constant 0.000000e+00 : f32
          %max3A_1001 = vector.broadcast %max3A_1000 : f32 to vector<16xf32>
          %max3A_1002 = arith.maximumf %add3A_999, %max3A_1001 : vector<16xf32>
          %mul3A_1003 = arith.mulf %max3A_1002, %get3A_996 : vector<16xf32>
          %add3A_1004 = arith.addf %add3A_988, %mul3A_1003 : vector<16xf32>
          %add3A_1005 = arith.constant 44 : i32
          %add3A_1006 = vector.broadcast %add3A_1005 : i32 to vector<16xi32>
          %add3A_1007 = arith.addi %iota3A, %add3A_1006 : vector<16xi32>
          %and3A_1008 = arith.constant 63 : i32
          %and3A_1009 = vector.broadcast %and3A_1008 : i32 to vector<16xi32>
          %and3A_1010 = arith.andi %add3A_1007, %and3A_1009 : vector<16xi32>
          %get3A_1011 = arith.constant 704 : index
          %get3A_1012 = tpu.vector_load %arg19[%get3A_1011] {strides = array<i32>} : memref<1024xf32, #tpu.memory_space<vmem>>, vector<16xf32>,
          %gather3A_1013 = tpu.vector_load_idx %arg15[%add3A_302, %and3A_1010] : memref<400x64xf32, #tpu.memory_space<vmem>>[vector<16xi32>, vector<16xi32>], vector<16xf32>,
          %gather3A_1014 = tpu.vector_load_idx %arg16[%add3A_302, %and3A_1010] : memref<400x64xf32, #tpu.memory_space<vmem>>[vector<16xi32>, vector<16xi32>], vector<16xf32>,
          %add3A_1015 = arith.addf %gather3A_1013, %gather3A_1014 : vector<16xf32>
          %max3A_1016 = arith.constant 0.000000e+00 : f32
          %max3A_1017 = vector.broadcast %max3A_1016 : f32 to vector<16xf32>
          %max3A_1018 = arith.maximumf %add3A_1015, %max3A_1017 : vector<16xf32>
          %mul3A_1019 = arith.mulf %max3A_1018, %get3A_1012 : vector<16xf32>
          %add3A_1020 = arith.addf %add3A_1004, %mul3A_1019 : vector<16xf32>
          %add3A_1021 = arith.constant 45 : i32
          %add3A_1022 = vector.broadcast %add3A_1021 : i32 to vector<16xi32>
          %add3A_1023 = arith.addi %iota3A, %add3A_1022 : vector<16xi32>
          %and3A_1024 = arith.constant 63 : i32
          %and3A_1025 = vector.broadcast %and3A_1024 : i32 to vector<16xi32>
          %and3A_1026 = arith.andi %add3A_1023, %and3A_1025 : vector<16xi32>
          %get3A_1027 = arith.constant 720 : index
          %get3A_1028 = tpu.vector_load %arg19[%get3A_1027] {strides = array<i32>} : memref<1024xf32, #tpu.memory_space<vmem>>, vector<16xf32>,
          %gather3A_1029 = tpu.vector_load_idx %arg15[%add3A_302, %and3A_1026] : memref<400x64xf32, #tpu.memory_space<vmem>>[vector<16xi32>, vector<16xi32>], vector<16xf32>,
          %gather3A_1030 = tpu.vector_load_idx %arg16[%add3A_302, %and3A_1026] : memref<400x64xf32, #tpu.memory_space<vmem>>[vector<16xi32>, vector<16xi32>], vector<16xf32>,
          %add3A_1031 = arith.addf %gather3A_1029, %gather3A_1030 : vector<16xf32>
          %max3A_1032 = arith.constant 0.000000e+00 : f32
          %max3A_1033 = vector.broadcast %max3A_1032 : f32 to vector<16xf32>
          %max3A_1034 = arith.maximumf %add3A_1031, %max3A_1033 : vector<16xf32>
          %mul3A_1035 = arith.mulf %max3A_1034, %get3A_1028 : vector<16xf32>
          %add3A_1036 = arith.addf %add3A_1020, %mul3A_1035 : vector<16xf32>
          %add3A_1037 = arith.constant 46 : i32
          %add3A_1038 = vector.broadcast %add3A_1037 : i32 to vector<16xi32>
          %add3A_1039 = arith.addi %iota3A, %add3A_1038 : vector<16xi32>
          %and3A_1040 = arith.constant 63 : i32
          %and3A_1041 = vector.broadcast %and3A_1040 : i32 to vector<16xi32>
          %and3A_1042 = arith.andi %add3A_1039, %and3A_1041 : vector<16xi32>
          %get3A_1043 = arith.constant 736 : index
          %get3A_1044 = tpu.vector_load %arg19[%get3A_1043] {strides = array<i32>} : memref<1024xf32, #tpu.memory_space<vmem>>, vector<16xf32>,
          %gather3A_1045 = tpu.vector_load_idx %arg15[%add3A_302, %and3A_1042] : memref<400x64xf32, #tpu.memory_space<vmem>>[vector<16xi32>, vector<16xi32>], vector<16xf32>,
          %gather3A_1046 = tpu.vector_load_idx %arg16[%add3A_302, %and3A_1042] : memref<400x64xf32, #tpu.memory_space<vmem>>[vector<16xi32>, vector<16xi32>], vector<16xf32>,
          %add3A_1047 = arith.addf %gather3A_1045, %gather3A_1046 : vector<16xf32>
          %max3A_1048 = arith.constant 0.000000e+00 : f32
          %max3A_1049 = vector.broadcast %max3A_1048 : f32 to vector<16xf32>
          %max3A_1050 = arith.maximumf %add3A_1047, %max3A_1049 : vector<16xf32>
          %mul3A_1051 = arith.mulf %max3A_1050, %get3A_1044 : vector<16xf32>
          %add3A_1052 = arith.addf %add3A_1036, %mul3A_1051 : vector<16xf32>
          %add3A_1053 = arith.constant 47 : i32
          %add3A_1054 = vector.broadcast %add3A_1053 : i32 to vector<16xi32>
          %add3A_1055 = arith.addi %iota3A, %add3A_1054 : vector<16xi32>
          %and3A_1056 = arith.constant 63 : i32
          %and3A_1057 = vector.broadcast %and3A_1056 : i32 to vector<16xi32>
          %and3A_1058 = arith.andi %add3A_1055, %and3A_1057 : vector<16xi32>
          %get3A_1059 = arith.constant 752 : index
          %get3A_1060 = tpu.vector_load %arg19[%get3A_1059] {strides = array<i32>} : memref<1024xf32, #tpu.memory_space<vmem>>, vector<16xf32>,
          %gather3A_1061 = tpu.vector_load_idx %arg15[%add3A_302, %and3A_1058] : memref<400x64xf32, #tpu.memory_space<vmem>>[vector<16xi32>, vector<16xi32>], vector<16xf32>,
          %gather3A_1062 = tpu.vector_load_idx %arg16[%add3A_302, %and3A_1058] : memref<400x64xf32, #tpu.memory_space<vmem>>[vector<16xi32>, vector<16xi32>], vector<16xf32>,
          %add3A_1063 = arith.addf %gather3A_1061, %gather3A_1062 : vector<16xf32>
          %max3A_1064 = arith.constant 0.000000e+00 : f32
          %max3A_1065 = vector.broadcast %max3A_1064 : f32 to vector<16xf32>
          %max3A_1066 = arith.maximumf %add3A_1063, %max3A_1065 : vector<16xf32>
          %mul3A_1067 = arith.mulf %max3A_1066, %get3A_1060 : vector<16xf32>
          %add3A_1068 = arith.addf %add3A_1052, %mul3A_1067 : vector<16xf32>
          %add3A_1069 = arith.constant 48 : i32
          %add3A_1070 = vector.broadcast %add3A_1069 : i32 to vector<16xi32>
          %add3A_1071 = arith.addi %iota3A, %add3A_1070 : vector<16xi32>
          %and3A_1072 = arith.constant 63 : i32
          %and3A_1073 = vector.broadcast %and3A_1072 : i32 to vector<16xi32>
          %and3A_1074 = arith.andi %add3A_1071, %and3A_1073 : vector<16xi32>
          %get3A_1075 = arith.constant 768 : index
          %get3A_1076 = tpu.vector_load %arg19[%get3A_1075] {strides = array<i32>} : memref<1024xf32, #tpu.memory_space<vmem>>, vector<16xf32>,
          %gather3A_1077 = tpu.vector_load_idx %arg15[%add3A_302, %and3A_1074] : memref<400x64xf32, #tpu.memory_space<vmem>>[vector<16xi32>, vector<16xi32>], vector<16xf32>,
          %gather3A_1078 = tpu.vector_load_idx %arg16[%add3A_302, %and3A_1074] : memref<400x64xf32, #tpu.memory_space<vmem>>[vector<16xi32>, vector<16xi32>], vector<16xf32>,
          %add3A_1079 = arith.addf %gather3A_1077, %gather3A_1078 : vector<16xf32>
          %max3A_1080 = arith.constant 0.000000e+00 : f32
          %max3A_1081 = vector.broadcast %max3A_1080 : f32 to vector<16xf32>
          %max3A_1082 = arith.maximumf %add3A_1079, %max3A_1081 : vector<16xf32>
          %mul3A_1083 = arith.mulf %max3A_1082, %get3A_1076 : vector<16xf32>
          %add3A_1084 = arith.addf %add3A_1068, %mul3A_1083 : vector<16xf32>
          %add3A_1085 = arith.constant 49 : i32
          %add3A_1086 = vector.broadcast %add3A_1085 : i32 to vector<16xi32>
          %add3A_1087 = arith.addi %iota3A, %add3A_1086 : vector<16xi32>
          %and3A_1088 = arith.constant 63 : i32
          %and3A_1089 = vector.broadcast %and3A_1088 : i32 to vector<16xi32>
          %and3A_1090 = arith.andi %add3A_1087, %and3A_1089 : vector<16xi32>
          %get3A_1091 = arith.constant 784 : index
          %get3A_1092 = tpu.vector_load %arg19[%get3A_1091] {strides = array<i32>} : memref<1024xf32, #tpu.memory_space<vmem>>, vector<16xf32>,
          %gather3A_1093 = tpu.vector_load_idx %arg15[%add3A_302, %and3A_1090] : memref<400x64xf32, #tpu.memory_space<vmem>>[vector<16xi32>, vector<16xi32>], vector<16xf32>,
          %gather3A_1094 = tpu.vector_load_idx %arg16[%add3A_302, %and3A_1090] : memref<400x64xf32, #tpu.memory_space<vmem>>[vector<16xi32>, vector<16xi32>], vector<16xf32>,
          %add3A_1095 = arith.addf %gather3A_1093, %gather3A_1094 : vector<16xf32>
          %max3A_1096 = arith.constant 0.000000e+00 : f32
          %max3A_1097 = vector.broadcast %max3A_1096 : f32 to vector<16xf32>
          %max3A_1098 = arith.maximumf %add3A_1095, %max3A_1097 : vector<16xf32>
          %mul3A_1099 = arith.mulf %max3A_1098, %get3A_1092 : vector<16xf32>
          %add3A_1100 = arith.addf %add3A_1084, %mul3A_1099 : vector<16xf32>
          %add3A_1101 = arith.constant 50 : i32
          %add3A_1102 = vector.broadcast %add3A_1101 : i32 to vector<16xi32>
          %add3A_1103 = arith.addi %iota3A, %add3A_1102 : vector<16xi32>
          %and3A_1104 = arith.constant 63 : i32
          %and3A_1105 = vector.broadcast %and3A_1104 : i32 to vector<16xi32>
          %and3A_1106 = arith.andi %add3A_1103, %and3A_1105 : vector<16xi32>
          %get3A_1107 = arith.constant 800 : index
          %get3A_1108 = tpu.vector_load %arg19[%get3A_1107] {strides = array<i32>} : memref<1024xf32, #tpu.memory_space<vmem>>, vector<16xf32>,
          %gather3A_1109 = tpu.vector_load_idx %arg15[%add3A_302, %and3A_1106] : memref<400x64xf32, #tpu.memory_space<vmem>>[vector<16xi32>, vector<16xi32>], vector<16xf32>,
          %gather3A_1110 = tpu.vector_load_idx %arg16[%add3A_302, %and3A_1106] : memref<400x64xf32, #tpu.memory_space<vmem>>[vector<16xi32>, vector<16xi32>], vector<16xf32>,
          %add3A_1111 = arith.addf %gather3A_1109, %gather3A_1110 : vector<16xf32>
          %max3A_1112 = arith.constant 0.000000e+00 : f32
          %max3A_1113 = vector.broadcast %max3A_1112 : f32 to vector<16xf32>
          %max3A_1114 = arith.maximumf %add3A_1111, %max3A_1113 : vector<16xf32>
          %mul3A_1115 = arith.mulf %max3A_1114, %get3A_1108 : vector<16xf32>
          %add3A_1116 = arith.addf %add3A_1100, %mul3A_1115 : vector<16xf32>
          %add3A_1117 = arith.constant 51 : i32
          %add3A_1118 = vector.broadcast %add3A_1117 : i32 to vector<16xi32>
          %add3A_1119 = arith.addi %iota3A, %add3A_1118 : vector<16xi32>
          %and3A_1120 = arith.constant 63 : i32
          %and3A_1121 = vector.broadcast %and3A_1120 : i32 to vector<16xi32>
          %and3A_1122 = arith.andi %add3A_1119, %and3A_1121 : vector<16xi32>
          %get3A_1123 = arith.constant 816 : index
          %get3A_1124 = tpu.vector_load %arg19[%get3A_1123] {strides = array<i32>} : memref<1024xf32, #tpu.memory_space<vmem>>, vector<16xf32>,
          %gather3A_1125 = tpu.vector_load_idx %arg15[%add3A_302, %and3A_1122] : memref<400x64xf32, #tpu.memory_space<vmem>>[vector<16xi32>, vector<16xi32>], vector<16xf32>,
          %gather3A_1126 = tpu.vector_load_idx %arg16[%add3A_302, %and3A_1122] : memref<400x64xf32, #tpu.memory_space<vmem>>[vector<16xi32>, vector<16xi32>], vector<16xf32>,
          %add3A_1127 = arith.addf %gather3A_1125, %gather3A_1126 : vector<16xf32>
          %max3A_1128 = arith.constant 0.000000e+00 : f32
          %max3A_1129 = vector.broadcast %max3A_1128 : f32 to vector<16xf32>
          %max3A_1130 = arith.maximumf %add3A_1127, %max3A_1129 : vector<16xf32>
          %mul3A_1131 = arith.mulf %max3A_1130, %get3A_1124 : vector<16xf32>
          %add3A_1132 = arith.addf %add3A_1116, %mul3A_1131 : vector<16xf32>
          %add3A_1133 = arith.constant 52 : i32
          %add3A_1134 = vector.broadcast %add3A_1133 : i32 to vector<16xi32>
          %add3A_1135 = arith.addi %iota3A, %add3A_1134 : vector<16xi32>
          %and3A_1136 = arith.constant 63 : i32
          %and3A_1137 = vector.broadcast %and3A_1136 : i32 to vector<16xi32>
          %and3A_1138 = arith.andi %add3A_1135, %and3A_1137 : vector<16xi32>
          %get3A_1139 = arith.constant 832 : index
          %get3A_1140 = tpu.vector_load %arg19[%get3A_1139] {strides = array<i32>} : memref<1024xf32, #tpu.memory_space<vmem>>, vector<16xf32>,
          %gather3A_1141 = tpu.vector_load_idx %arg15[%add3A_302, %and3A_1138] : memref<400x64xf32, #tpu.memory_space<vmem>>[vector<16xi32>, vector<16xi32>], vector<16xf32>,
          %gather3A_1142 = tpu.vector_load_idx %arg16[%add3A_302, %and3A_1138] : memref<400x64xf32, #tpu.memory_space<vmem>>[vector<16xi32>, vector<16xi32>], vector<16xf32>,
          %add3A_1143 = arith.addf %gather3A_1141, %gather3A_1142 : vector<16xf32>
          %max3A_1144 = arith.constant 0.000000e+00 : f32
          %max3A_1145 = vector.broadcast %max3A_1144 : f32 to vector<16xf32>
          %max3A_1146 = arith.maximumf %add3A_1143, %max3A_1145 : vector<16xf32>
          %mul3A_1147 = arith.mulf %max3A_1146, %get3A_1140 : vector<16xf32>
          %add3A_1148 = arith.addf %add3A_1132, %mul3A_1147 : vector<16xf32>
          %add3A_1149 = arith.constant 53 : i32
          %add3A_1150 = vector.broadcast %add3A_1149 : i32 to vector<16xi32>
          %add3A_1151 = arith.addi %iota3A, %add3A_1150 : vector<16xi32>
          %and3A_1152 = arith.constant 63 : i32
          %and3A_1153 = vector.broadcast %and3A_1152 : i32 to vector<16xi32>
          %and3A_1154 = arith.andi %add3A_1151, %and3A_1153 : vector<16xi32>
          %get3A_1155 = arith.constant 848 : index
          %get3A_1156 = tpu.vector_load %arg19[%get3A_1155] {strides = array<i32>} : memref<1024xf32, #tpu.memory_space<vmem>>, vector<16xf32>,
          %gather3A_1157 = tpu.vector_load_idx %arg15[%add3A_302, %and3A_1154] : memref<400x64xf32, #tpu.memory_space<vmem>>[vector<16xi32>, vector<16xi32>], vector<16xf32>,
          %gather3A_1158 = tpu.vector_load_idx %arg16[%add3A_302, %and3A_1154] : memref<400x64xf32, #tpu.memory_space<vmem>>[vector<16xi32>, vector<16xi32>], vector<16xf32>,
          %add3A_1159 = arith.addf %gather3A_1157, %gather3A_1158 : vector<16xf32>
          %max3A_1160 = arith.constant 0.000000e+00 : f32
          %max3A_1161 = vector.broadcast %max3A_1160 : f32 to vector<16xf32>
          %max3A_1162 = arith.maximumf %add3A_1159, %max3A_1161 : vector<16xf32>
          %mul3A_1163 = arith.mulf %max3A_1162, %get3A_1156 : vector<16xf32>
          %add3A_1164 = arith.addf %add3A_1148, %mul3A_1163 : vector<16xf32>
          %add3A_1165 = arith.constant 54 : i32
          %add3A_1166 = vector.broadcast %add3A_1165 : i32 to vector<16xi32>
          %add3A_1167 = arith.addi %iota3A, %add3A_1166 : vector<16xi32>
          %and3A_1168 = arith.constant 63 : i32
          %and3A_1169 = vector.broadcast %and3A_1168 : i32 to vector<16xi32>
          %and3A_1170 = arith.andi %add3A_1167, %and3A_1169 : vector<16xi32>
          %get3A_1171 = arith.constant 864 : index
          %get3A_1172 = tpu.vector_load %arg19[%get3A_1171] {strides = array<i32>} : memref<1024xf32, #tpu.memory_space<vmem>>, vector<16xf32>,
          %gather3A_1173 = tpu.vector_load_idx %arg15[%add3A_302, %and3A_1170] : memref<400x64xf32, #tpu.memory_space<vmem>>[vector<16xi32>, vector<16xi32>], vector<16xf32>,
          %gather3A_1174 = tpu.vector_load_idx %arg16[%add3A_302, %and3A_1170] : memref<400x64xf32, #tpu.memory_space<vmem>>[vector<16xi32>, vector<16xi32>], vector<16xf32>,
          %add3A_1175 = arith.addf %gather3A_1173, %gather3A_1174 : vector<16xf32>
          %max3A_1176 = arith.constant 0.000000e+00 : f32
          %max3A_1177 = vector.broadcast %max3A_1176 : f32 to vector<16xf32>
          %max3A_1178 = arith.maximumf %add3A_1175, %max3A_1177 : vector<16xf32>
          %mul3A_1179 = arith.mulf %max3A_1178, %get3A_1172 : vector<16xf32>
          %add3A_1180 = arith.addf %add3A_1164, %mul3A_1179 : vector<16xf32>
          %add3A_1181 = arith.constant 55 : i32
          %add3A_1182 = vector.broadcast %add3A_1181 : i32 to vector<16xi32>
          %add3A_1183 = arith.addi %iota3A, %add3A_1182 : vector<16xi32>
          %and3A_1184 = arith.constant 63 : i32
          %and3A_1185 = vector.broadcast %and3A_1184 : i32 to vector<16xi32>
          %and3A_1186 = arith.andi %add3A_1183, %and3A_1185 : vector<16xi32>
          %get3A_1187 = arith.constant 880 : index
          %get3A_1188 = tpu.vector_load %arg19[%get3A_1187] {strides = array<i32>} : memref<1024xf32, #tpu.memory_space<vmem>>, vector<16xf32>,
          %gather3A_1189 = tpu.vector_load_idx %arg15[%add3A_302, %and3A_1186] : memref<400x64xf32, #tpu.memory_space<vmem>>[vector<16xi32>, vector<16xi32>], vector<16xf32>,
          %gather3A_1190 = tpu.vector_load_idx %arg16[%add3A_302, %and3A_1186] : memref<400x64xf32, #tpu.memory_space<vmem>>[vector<16xi32>, vector<16xi32>], vector<16xf32>,
          %add3A_1191 = arith.addf %gather3A_1189, %gather3A_1190 : vector<16xf32>
          %max3A_1192 = arith.constant 0.000000e+00 : f32
          %max3A_1193 = vector.broadcast %max3A_1192 : f32 to vector<16xf32>
          %max3A_1194 = arith.maximumf %add3A_1191, %max3A_1193 : vector<16xf32>
          %mul3A_1195 = arith.mulf %max3A_1194, %get3A_1188 : vector<16xf32>
          %add3A_1196 = arith.addf %add3A_1180, %mul3A_1195 : vector<16xf32>
          %add3A_1197 = arith.constant 56 : i32
          %add3A_1198 = vector.broadcast %add3A_1197 : i32 to vector<16xi32>
          %add3A_1199 = arith.addi %iota3A, %add3A_1198 : vector<16xi32>
          %and3A_1200 = arith.constant 63 : i32
          %and3A_1201 = vector.broadcast %and3A_1200 : i32 to vector<16xi32>
          %and3A_1202 = arith.andi %add3A_1199, %and3A_1201 : vector<16xi32>
          %get3A_1203 = arith.constant 896 : index
          %get3A_1204 = tpu.vector_load %arg19[%get3A_1203] {strides = array<i32>} : memref<1024xf32, #tpu.memory_space<vmem>>, vector<16xf32>,
          %gather3A_1205 = tpu.vector_load_idx %arg15[%add3A_302, %and3A_1202] : memref<400x64xf32, #tpu.memory_space<vmem>>[vector<16xi32>, vector<16xi32>], vector<16xf32>,
          %gather3A_1206 = tpu.vector_load_idx %arg16[%add3A_302, %and3A_1202] : memref<400x64xf32, #tpu.memory_space<vmem>>[vector<16xi32>, vector<16xi32>], vector<16xf32>,
          %add3A_1207 = arith.addf %gather3A_1205, %gather3A_1206 : vector<16xf32>
          %max3A_1208 = arith.constant 0.000000e+00 : f32
          %max3A_1209 = vector.broadcast %max3A_1208 : f32 to vector<16xf32>
          %max3A_1210 = arith.maximumf %add3A_1207, %max3A_1209 : vector<16xf32>
          %mul3A_1211 = arith.mulf %max3A_1210, %get3A_1204 : vector<16xf32>
          %add3A_1212 = arith.addf %add3A_1196, %mul3A_1211 : vector<16xf32>
          %add3A_1213 = arith.constant 57 : i32
          %add3A_1214 = vector.broadcast %add3A_1213 : i32 to vector<16xi32>
          %add3A_1215 = arith.addi %iota3A, %add3A_1214 : vector<16xi32>
          %and3A_1216 = arith.constant 63 : i32
          %and3A_1217 = vector.broadcast %and3A_1216 : i32 to vector<16xi32>
          %and3A_1218 = arith.andi %add3A_1215, %and3A_1217 : vector<16xi32>
          %get3A_1219 = arith.constant 912 : index
          %get3A_1220 = tpu.vector_load %arg19[%get3A_1219] {strides = array<i32>} : memref<1024xf32, #tpu.memory_space<vmem>>, vector<16xf32>,
          %gather3A_1221 = tpu.vector_load_idx %arg15[%add3A_302, %and3A_1218] : memref<400x64xf32, #tpu.memory_space<vmem>>[vector<16xi32>, vector<16xi32>], vector<16xf32>,
          %gather3A_1222 = tpu.vector_load_idx %arg16[%add3A_302, %and3A_1218] : memref<400x64xf32, #tpu.memory_space<vmem>>[vector<16xi32>, vector<16xi32>], vector<16xf32>,
          %add3A_1223 = arith.addf %gather3A_1221, %gather3A_1222 : vector<16xf32>
          %max3A_1224 = arith.constant 0.000000e+00 : f32
          %max3A_1225 = vector.broadcast %max3A_1224 : f32 to vector<16xf32>
          %max3A_1226 = arith.maximumf %add3A_1223, %max3A_1225 : vector<16xf32>
          %mul3A_1227 = arith.mulf %max3A_1226, %get3A_1220 : vector<16xf32>
          %add3A_1228 = arith.addf %add3A_1212, %mul3A_1227 : vector<16xf32>
          %add3A_1229 = arith.constant 58 : i32
          %add3A_1230 = vector.broadcast %add3A_1229 : i32 to vector<16xi32>
          %add3A_1231 = arith.addi %iota3A, %add3A_1230 : vector<16xi32>
          %and3A_1232 = arith.constant 63 : i32
          %and3A_1233 = vector.broadcast %and3A_1232 : i32 to vector<16xi32>
          %and3A_1234 = arith.andi %add3A_1231, %and3A_1233 : vector<16xi32>
          %get3A_1235 = arith.constant 928 : index
          %get3A_1236 = tpu.vector_load %arg19[%get3A_1235] {strides = array<i32>} : memref<1024xf32, #tpu.memory_space<vmem>>, vector<16xf32>,
          %gather3A_1237 = tpu.vector_load_idx %arg15[%add3A_302, %and3A_1234] : memref<400x64xf32, #tpu.memory_space<vmem>>[vector<16xi32>, vector<16xi32>], vector<16xf32>,
          %gather3A_1238 = tpu.vector_load_idx %arg16[%add3A_302, %and3A_1234] : memref<400x64xf32, #tpu.memory_space<vmem>>[vector<16xi32>, vector<16xi32>], vector<16xf32>,
          %add3A_1239 = arith.addf %gather3A_1237, %gather3A_1238 : vector<16xf32>
          %max3A_1240 = arith.constant 0.000000e+00 : f32
          %max3A_1241 = vector.broadcast %max3A_1240 : f32 to vector<16xf32>
          %max3A_1242 = arith.maximumf %add3A_1239, %max3A_1241 : vector<16xf32>
          %mul3A_1243 = arith.mulf %max3A_1242, %get3A_1236 : vector<16xf32>
          %add3A_1244 = arith.addf %add3A_1228, %mul3A_1243 : vector<16xf32>
          %add3A_1245 = arith.constant 59 : i32
          %add3A_1246 = vector.broadcast %add3A_1245 : i32 to vector<16xi32>
          %add3A_1247 = arith.addi %iota3A, %add3A_1246 : vector<16xi32>
          %and3A_1248 = arith.constant 63 : i32
          %and3A_1249 = vector.broadcast %and3A_1248 : i32 to vector<16xi32>
          %and3A_1250 = arith.andi %add3A_1247, %and3A_1249 : vector<16xi32>
          %get3A_1251 = arith.constant 944 : index
          %get3A_1252 = tpu.vector_load %arg19[%get3A_1251] {strides = array<i32>} : memref<1024xf32, #tpu.memory_space<vmem>>, vector<16xf32>,
          %gather3A_1253 = tpu.vector_load_idx %arg15[%add3A_302, %and3A_1250] : memref<400x64xf32, #tpu.memory_space<vmem>>[vector<16xi32>, vector<16xi32>], vector<16xf32>,
          %gather3A_1254 = tpu.vector_load_idx %arg16[%add3A_302, %and3A_1250] : memref<400x64xf32, #tpu.memory_space<vmem>>[vector<16xi32>, vector<16xi32>], vector<16xf32>,
          %add3A_1255 = arith.addf %gather3A_1253, %gather3A_1254 : vector<16xf32>
          %max3A_1256 = arith.constant 0.000000e+00 : f32
          %max3A_1257 = vector.broadcast %max3A_1256 : f32 to vector<16xf32>
          %max3A_1258 = arith.maximumf %add3A_1255, %max3A_1257 : vector<16xf32>
          %mul3A_1259 = arith.mulf %max3A_1258, %get3A_1252 : vector<16xf32>
          %add3A_1260 = arith.addf %add3A_1244, %mul3A_1259 : vector<16xf32>
          %add3A_1261 = arith.constant 60 : i32
          %add3A_1262 = vector.broadcast %add3A_1261 : i32 to vector<16xi32>
          %add3A_1263 = arith.addi %iota3A, %add3A_1262 : vector<16xi32>
          %and3A_1264 = arith.constant 63 : i32
          %and3A_1265 = vector.broadcast %and3A_1264 : i32 to vector<16xi32>
          %and3A_1266 = arith.andi %add3A_1263, %and3A_1265 : vector<16xi32>
          %get3A_1267 = arith.constant 960 : index
          %get3A_1268 = tpu.vector_load %arg19[%get3A_1267] {strides = array<i32>} : memref<1024xf32, #tpu.memory_space<vmem>>, vector<16xf32>,
          %gather3A_1269 = tpu.vector_load_idx %arg15[%add3A_302, %and3A_1266] : memref<400x64xf32, #tpu.memory_space<vmem>>[vector<16xi32>, vector<16xi32>], vector<16xf32>,
          %gather3A_1270 = tpu.vector_load_idx %arg16[%add3A_302, %and3A_1266] : memref<400x64xf32, #tpu.memory_space<vmem>>[vector<16xi32>, vector<16xi32>], vector<16xf32>,
          %add3A_1271 = arith.addf %gather3A_1269, %gather3A_1270 : vector<16xf32>
          %max3A_1272 = arith.constant 0.000000e+00 : f32
          %max3A_1273 = vector.broadcast %max3A_1272 : f32 to vector<16xf32>
          %max3A_1274 = arith.maximumf %add3A_1271, %max3A_1273 : vector<16xf32>
          %mul3A_1275 = arith.mulf %max3A_1274, %get3A_1268 : vector<16xf32>
          %add3A_1276 = arith.addf %add3A_1260, %mul3A_1275 : vector<16xf32>
          %add3A_1277 = arith.constant 61 : i32
          %add3A_1278 = vector.broadcast %add3A_1277 : i32 to vector<16xi32>
          %add3A_1279 = arith.addi %iota3A, %add3A_1278 : vector<16xi32>
          %and3A_1280 = arith.constant 63 : i32
          %and3A_1281 = vector.broadcast %and3A_1280 : i32 to vector<16xi32>
          %and3A_1282 = arith.andi %add3A_1279, %and3A_1281 : vector<16xi32>
          %get3A_1283 = arith.constant 976 : index
          %get3A_1284 = tpu.vector_load %arg19[%get3A_1283] {strides = array<i32>} : memref<1024xf32, #tpu.memory_space<vmem>>, vector<16xf32>,
          %gather3A_1285 = tpu.vector_load_idx %arg15[%add3A_302, %and3A_1282] : memref<400x64xf32, #tpu.memory_space<vmem>>[vector<16xi32>, vector<16xi32>], vector<16xf32>,
          %gather3A_1286 = tpu.vector_load_idx %arg16[%add3A_302, %and3A_1282] : memref<400x64xf32, #tpu.memory_space<vmem>>[vector<16xi32>, vector<16xi32>], vector<16xf32>,
          %add3A_1287 = arith.addf %gather3A_1285, %gather3A_1286 : vector<16xf32>
          %max3A_1288 = arith.constant 0.000000e+00 : f32
          %max3A_1289 = vector.broadcast %max3A_1288 : f32 to vector<16xf32>
          %max3A_1290 = arith.maximumf %add3A_1287, %max3A_1289 : vector<16xf32>
          %mul3A_1291 = arith.mulf %max3A_1290, %get3A_1284 : vector<16xf32>
          %add3A_1292 = arith.addf %add3A_1276, %mul3A_1291 : vector<16xf32>
          %add3A_1293 = arith.constant 62 : i32
          %add3A_1294 = vector.broadcast %add3A_1293 : i32 to vector<16xi32>
          %add3A_1295 = arith.addi %iota3A, %add3A_1294 : vector<16xi32>
          %and3A_1296 = arith.constant 63 : i32
          %and3A_1297 = vector.broadcast %and3A_1296 : i32 to vector<16xi32>
          %and3A_1298 = arith.andi %add3A_1295, %and3A_1297 : vector<16xi32>
          %get3A_1299 = arith.constant 992 : index
          %get3A_1300 = tpu.vector_load %arg19[%get3A_1299] {strides = array<i32>} : memref<1024xf32, #tpu.memory_space<vmem>>, vector<16xf32>,
          %gather3A_1301 = tpu.vector_load_idx %arg15[%add3A_302, %and3A_1298] : memref<400x64xf32, #tpu.memory_space<vmem>>[vector<16xi32>, vector<16xi32>], vector<16xf32>,
          %gather3A_1302 = tpu.vector_load_idx %arg16[%add3A_302, %and3A_1298] : memref<400x64xf32, #tpu.memory_space<vmem>>[vector<16xi32>, vector<16xi32>], vector<16xf32>,
          %add3A_1303 = arith.addf %gather3A_1301, %gather3A_1302 : vector<16xf32>
          %max3A_1304 = arith.constant 0.000000e+00 : f32
          %max3A_1305 = vector.broadcast %max3A_1304 : f32 to vector<16xf32>
          %max3A_1306 = arith.maximumf %add3A_1303, %max3A_1305 : vector<16xf32>
          %mul3A_1307 = arith.mulf %max3A_1306, %get3A_1300 : vector<16xf32>
          %add3A_1308 = arith.addf %add3A_1292, %mul3A_1307 : vector<16xf32>
          %add3A_1309 = arith.constant 63 : i32
          %add3A_1310 = vector.broadcast %add3A_1309 : i32 to vector<16xi32>
          %add3A_1311 = arith.addi %iota3A, %add3A_1310 : vector<16xi32>
          %and3A_1312 = arith.constant 63 : i32
          %and3A_1313 = vector.broadcast %and3A_1312 : i32 to vector<16xi32>
          %and3A_1314 = arith.andi %add3A_1311, %and3A_1313 : vector<16xi32>
          %get3A_1315 = arith.constant 1008 : index
          %get3A_1316 = tpu.vector_load %arg19[%get3A_1315] {strides = array<i32>} : memref<1024xf32, #tpu.memory_space<vmem>>, vector<16xf32>,
          %gather3A_1317 = tpu.vector_load_idx %arg15[%add3A_302, %and3A_1314] : memref<400x64xf32, #tpu.memory_space<vmem>>[vector<16xi32>, vector<16xi32>], vector<16xf32>,
          %gather3A_1318 = tpu.vector_load_idx %arg16[%add3A_302, %and3A_1314] : memref<400x64xf32, #tpu.memory_space<vmem>>[vector<16xi32>, vector<16xi32>], vector<16xf32>,
          %add3A_1319 = arith.addf %gather3A_1317, %gather3A_1318 : vector<16xf32>
          %max3A_1320 = arith.constant 0.000000e+00 : f32
          %max3A_1321 = vector.broadcast %max3A_1320 : f32 to vector<16xf32>
          %max3A_1322 = arith.maximumf %add3A_1319, %max3A_1321 : vector<16xf32>
          %mul3A_1323 = arith.mulf %max3A_1322, %get3A_1316 : vector<16xf32>
          %add3A_1324 = arith.addf %add3A_1308, %mul3A_1323 : vector<16xf32>
          %mul3A_1325 = arith.constant 16 : i32
          %mul3A_1326 = arith.muli %scan3A_298, %mul3A_1325 : i32
          %multiple_of3A_1327 = tpu.assume_multiple %mul3A_1326, 8 : i32
          %swap3A = arith.index_cast %multiple_of3A_1327 : i32 to index
          %swap3A_1328 = tpu.vector_load %arg18[%swap3A] {strides = array<i32>} : memref<400xf32, #tpu.memory_space<vmem>>, vector<16xf32>,
          tpu.vector_store %arg18[%swap3A], %add3A_1324 {strides = array<i32>} : memref<400xf32, #tpu.memory_space<vmem>>, vector<16xf32>,
        }
        %scan3A_291 = arith.constant 25 : i32
        %mul3A_292 = arith.constant 400 : i32
        %mul3A_293 = arith.muli %add3A_202, %mul3A_292 : i32
        %add3A_294 = arith.addi %mul3A_2, %mul3A_293 : i32
        %multiple_of3A_295 = tpu.assume_multiple %add3A_294, 8 : i32
        %dma_start3A_296 = tpu.memref_slice %arg8[%multiple_of3A_295] : memref<320000xf32, #tpu.memory_space<hbm>> -> memref<400xf32, #tpu.memory_space<hbm>>
        %dma_start3A_297 = tpu.memref_slice %arg8[%multiple_of3A_295] : memref<320000xf32, #tpu.memory_space<hbm>> -> memref<400xf32, #tpu.memory_space<hbm>>
        tpu.enqueue_dma source(%arg18 : memref<400xf32, #tpu.memory_space<vmem>>) target(%dma_start3A_297 : memref<400xf32, #tpu.memory_space<hbm>>) target_semaphore(%arg26 : memref<!tpu.dma_semaphore, #tpu.memory_space<semaphore_mem>>)
      } else {
      }
    }
    %scan3A_89 = arith.constant 13 : i32
    %add3A_90 = arith.constant 9200 : i32
    %add3A_91 = arith.addi %mul3A_2, %add3A_90 : i32
    %multiple_of3A_92 = tpu.assume_multiple %add3A_91, 8 : i32
    %dma_wait3A_93 = tpu.memref_slice %arg8[%multiple_of3A_92] : memref<320000xf32, #tpu.memory_space<hbm>> -> memref<400xf32, #tpu.memory_space<hbm>>
    %dma_wait3A_94 = tpu.memref_slice %arg8[%multiple_of3A_92] : memref<320000xf32, #tpu.memory_space<hbm>> -> memref<400xf32, #tpu.memory_space<hbm>>
    tpu.wait_dma2 semaphore(%arg26 : memref<!tpu.dma_semaphore, #tpu.memory_space<semaphore_mem>>) src(%arg18 : memref<400xf32, #tpu.memory_space<vmem>>) dst(%dma_wait3A_94 : memref<400xf32, #tpu.memory_space<hbm>>)
    %add3A_95 = arith.constant 9600 : i32
    %add3A_96 = arith.addi %mul3A_2, %add3A_95 : i32
    %multiple_of3A_97 = tpu.assume_multiple %add3A_96, 8 : i32
    %dma_wait3A_98 = tpu.memref_slice %arg8[%multiple_of3A_97] : memref<320000xf32, #tpu.memory_space<hbm>> -> memref<400xf32, #tpu.memory_space<hbm>>
    %dma_wait3A_99 = tpu.memref_slice %arg8[%multiple_of3A_97] : memref<320000xf32, #tpu.memory_space<hbm>> -> memref<400xf32, #tpu.memory_space<hbm>>
    tpu.wait_dma2 semaphore(%arg25 : memref<!tpu.dma_semaphore, #tpu.memory_space<semaphore_mem>>) src(%arg17 : memref<400xf32, #tpu.memory_space<vmem>>) dst(%dma_wait3A_99 : memref<400xf32, #tpu.memory_space<hbm>>)
    return
  }
}

module attributes {stable_mosaic.version = 14 : i64} {
  func.func @_project_body(%arg0: memref<10000x128xf32, #tpu.memory_space<vmem>>, %arg1: memref<128x64xf32, #tpu.memory_space<vmem>>, %arg2: memref<128x64xf32, #tpu.memory_space<vmem>>, %arg3: memref<1x64xf32, #tpu.memory_space<vmem>>, %arg4: memref<10000x64xf32, #tpu.memory_space<vmem>>, %arg5: memref<10000x64xf32, #tpu.memory_space<vmem>>) attributes {dimension_semantics = [], scalar_prefetch = 0 : i64, scratch_operands = 0 : i64, tpu.core_type = #tpu.core_type<tc>} {
    %get3A = arith.constant 0 : index
    %get3A_0 = arith.constant 0 : index
    %get3A_1 = vector.load %arg0[%get3A, %get3A_0] : memref<10000x128xf32, #tpu.memory_space<vmem>>, vector<10000x128xf32>
    %get3A_2 = arith.constant 0 : index
    %get3A_3 = arith.constant 0 : index
    %get3A_4 = vector.load %arg1[%get3A_2, %get3A_3] : memref<128x64xf32, #tpu.memory_space<vmem>>, vector<128x64xf32>
    %dot_general3A = arith.constant dense<0.000000e+00> : vector<10000x64xf32>
    %dot_general3A_5 = tpu.matmul %get3A_1, %get3A_4, %dot_general3A {dimension_numbers = #tpu.dot_dimension_numbers<[1], [0], [0], [1], [0, 0, 1, 1], [], []>, precision = #tpu.contract_precision<fp32>, transpose_lhs_hint = false} : vector<10000x128xf32>, vector<128x64xf32>, vector<10000x64xf32> -> vector<10000x64xf32>
    %get3A_6 = arith.constant 0 : index
    %get3A_7 = arith.constant 0 : index
    %get3A_8 = vector.load %arg3[%get3A_6, %get3A_7] : memref<1x64xf32, #tpu.memory_space<vmem>>, vector<1x64xf32>
    %add3A = vector.broadcast %get3A_8 : vector<1x64xf32> to vector<10000x64xf32>
    %add3A_9 = arith.addf %dot_general3A_5, %add3A : vector<10000x64xf32>
    %swap3A = arith.constant 0 : index
    %swap3A_10 = arith.constant 0 : index
    %swap3A_11 = vector.load %arg4[%swap3A, %swap3A_10] : memref<10000x64xf32, #tpu.memory_space<vmem>>, vector<10000x64xf32>
    tpu.vector_store %arg4[%swap3A, %swap3A_10], %add3A_9 {strides = array<i32>} : memref<10000x64xf32, #tpu.memory_space<vmem>>, vector<10000x64xf32>,
    %get3A_12 = arith.constant 0 : index
    %get3A_13 = arith.constant 0 : index
    %get3A_14 = vector.load %arg2[%get3A_12, %get3A_13] : memref<128x64xf32, #tpu.memory_space<vmem>>, vector<128x64xf32>
    %dot_general3A_15 = arith.constant dense<0.000000e+00> : vector<10000x64xf32>
    %dot_general3A_16 = tpu.matmul %get3A_1, %get3A_14, %dot_general3A_15 {dimension_numbers = #tpu.dot_dimension_numbers<[1], [0], [0], [1], [0, 0, 1, 1], [], []>, precision = #tpu.contract_precision<fp32>, transpose_lhs_hint = false} : vector<10000x128xf32>, vector<128x64xf32>, vector<10000x64xf32> -> vector<10000x64xf32>
    %swap3A_17 = arith.constant 0 : index
    %swap3A_18 = arith.constant 0 : index
    %swap3A_19 = vector.load %arg5[%swap3A_17, %swap3A_18] : memref<10000x64xf32, #tpu.memory_space<vmem>>, vector<10000x64xf32>
    tpu.vector_store %arg5[%swap3A_17, %swap3A_18], %dot_general3A_16 {strides = array<i32>} : memref<10000x64xf32, #tpu.memory_space<vmem>>, vector<10000x64xf32>,
    return
  }
}

</mosaic_0001>

<sc_bundles>
// kernel: kernel.4.cloned.1.call-start
scs
__scs_entry_jumppad:
0x0: {  	(pc) =	sbr.rel $0x88, $3  }
0x1: {  	(tag) =	ssettag $0x0;
	lr =	simm.s32 $0x1  }
0x2: {  	[smem:$0x3F9B] =	sst lr;
	_ =	strace $0xD0000000  }
0x3: {  	_ = 	snop  }
0x4: {  	_ = 	snop  }
0x5: {  	_ = 	snop  }
0x6: {  	_ = 	snop  }
0x7: {  	_ = 	snop  }
__scs_overlays_trampoline_lowered:
0x8: {  	[smem:$0x3FAA] =	sst s0  }
0x9: {  	[smem:$0x3FAB] =	sst s1  }
0xa: {  	[smem:$0x3FAC] =	sst s2  }
0xb: {  	[smem:$0x3FAD] =	sst s3  }
0xc: {  	[smem:$0x3FAE] =	sst s4  }
0xd: {  	[smem:$0x3FAF] =	sst s5  }
0xe: {  	[smem:$0x3FB0] =	sst s6  }
0xf: {  	[smem:$0x3FB1] =	sst s7  }
0x10: {  	[smem:$0x3FB2] =	sst s8  }
0x11: {  	[smem:$0x3FB3] =	sst s9;
	s0 =	simm.s32 @!p0 $0x0  }
0x12: {  	s1 =	sld [smem:$0x3F99];
	s0 =	simm.s32 @p0 $0x1  }
0x13: {  	[smem:$0x3FB4] =	sst s0;
	s0 =	simm.s32 @!p1 $0x0  }
0x14: {  	s2 =	sld [smem:$0x3F98];
	s0 =	simm.s32 @p1 $0x1  }
0x15: {  	[smem:$0x3FB5] =	sst s0;
	s0 =	simm.s32 @!p2 $0x0  }
0x16: {  	s3 =	sld [smem:$0x3FDB];
	s0 =	simm.s32 @p2 $0x1  }
0x17: {  	s4 =	simm.s32 $0x1BF5;
	[smem:$0x3FB7] =	sst s0  }
0x18: {  	s0 =	sld [smem:$0x3F9A];
	_ =	swait.ge [sflag:s4], $0x0  }
0x19: {  	s7 =	sld [smem:$0x3F9B]  }
0x1a: {  	s8 =	sadd.s32 $0xFFFFE003, lr  }
0x1b: {  	s9 =	sadd.s32 $0xFFFFFEF7, lr;
	s5 =	simm.s32 $0xFFFFFFFF;
	p2 =	slt.u32 s8, $0xFFFFF086  }
0x1c: {  	p1 =	slt.u32 s9, $0xF7A;
	s5 =	simm.s32 @!p2 $0x0  }
0x1d: {  	s5 =	simm.s32 @p1 $0x1;
	p0 =	seq.s32 s7, s2  }
0x1e: {  	s7 =	smul.u32 @!p0 $0xF7A, s2;
	p2 =	seq.s32 @!p0 s5, $0x0  }
0x1f: {  	s9 =	smul.u32 $0xF7A, s1;
	s8 =	simm.s32 @!p0 $0x1BF5;
	p2 =	por !p2, p0  }
0x20: {  	[sflag:s8] =	ssyncset.s32 @!p0 $0xFFFFF086;
	s6 =	sadd.s32 @!p0 s3, s7;
	s7 =	simm.s32 @!p0 $0x108  }
0x21: {  	s3 =	sadd.s32 s3, s9;
	s6 =	sadd.s32 @!p0 $0x88, s6;
	s7 =	simm.s32 @p2 $0x1082  }
0x22: {  	[simem:s7], [sflag:s8] =	dma.local @!p0 [hbm:s6], $0xF7A  }
0x23: {  	s9 =	sor.u32 $0xD0000000, s2;
	s6 =	simm.s32 $0x108;
	_ =	swait.ge @!p0 [sflag:s8], $0x0  }
0x24: {  	s3 =	sadd.s32 $0x88, s3;
	s6 =	simm.s32 @!p1 $0x1082;
	[sflag:s4] =	ssyncset.s32 $0xFFFFF086  }
0x25: {  	[simem:s6], [sflag:s4] =	dma.local [hbm:s3], $0xF7A  }
0x26: {  	[smem:$0x3F9B] =	sst s1;
	(tag) =	ssettag s2;
	_ =	strace s9  }
0x27: {  	s1 =	sld [smem:$0x3FAB]  }
0x28: {  	s2 =	sld [smem:$0x3FAC]  }
0x29: {  	s4 =	sld [smem:$0x3FAE]  }
0x2a: {  	p0 =	seq.s32 s5, $0x0;
	s5 =	sld [smem:$0x3FAF]  }
0x2b: {  	s6 =	sld [smem:$0x3FB0]  }
0x2c: {  	s7 =	sld [smem:$0x3FB1]  }
0x2d: {  	s3 =	simm.s32 $0x108;
	s8 =	sld [smem:$0x3FB2]  }
0x2e: {  	s3 =	simm.s32 @!p0 $0x1082;
	s9 =	sld [smem:$0x3FB3]  }
0x2f: {  	lr =	sadd.s32 s0, s3;
	s0 =	sld [smem:$0x3FAA]  }
0x30: {  	s3 =	sld [smem:$0x3FAD]  }
0x31: {  	[smem:$0x3FB6] =	sst s10  }
0x32: {  	s10 =	sld [smem:$0x3FB4];
	_ =	sdelay $0x3  }
0x33: {  	p0 =	seq.s32 s10, $0x1;
	s10 =	sld [smem:$0x3FB6];
	_ =	sdelay $0x3  }
0x34: {  	[smem:$0x3FB6] =	sst s10  }
0x35: {  	s10 =	sld [smem:$0x3FB5];
	_ =	sdelay $0x3  }
0x36: {  	p1 =	seq.s32 s10, $0x1;
	s10 =	sld [smem:$0x3FB6];
	_ =	sdelay $0x3  }
0x37: {  	[smem:$0x3FB6] =	sst s10  }
0x38: {  	s10 =	sld [smem:$0x3FB7]  }
0x39: {  	_ = 	snop;
	(pc) =	sbr.ind lr, $3  }
0x3a: {  	_ = 	snop  }
0x3b: {  	_ = 	snop  }
0x3c: {  	p2 =	seq.s32 s10, $0x1;
	s10 =	sld [smem:$0x3FB6]  }
0x3d: {  	_ =	shalt  }
0x3e: {  	_ =	shalt  }
0x3f: {  	_ =	shalt  }
0x40: {  	_ =	shalt  }
0x41: {  	_ =	shalt  }
0x42: {  	_ =	shalt  }
0x43: {  	_ =	shalt  }
0x44: {  	_ =	shalt  }
0x45: {  	_ =	shalt  }
0x46: {  	_ =	shalt  }
0x47: {  	_ =	shalt  }
0x48: {  	_ =	shalt  }
0x49: {  	_ =	shalt  }
0x4a: {  	_ =	shalt  }
0x4b: {  	_ =	shalt  }
0x4c: {  	_ =	shalt  }
0x4d: {  	_ =	shalt  }
0x4e: {  	_ =	shalt  }
0x4f: {  	_ =	shalt  }
0x50: {  	_ =	shalt  }
0x51: {  	_ =	shalt  }
0x52: {  	_ =	shalt  }
0x53: {  	_ =	shalt  }
0x54: {  	_ =	shalt  }
0x55: {  	_ =	shalt  }
0x56: {  	_ =	shalt  }
0x57: {  	_ =	shalt  }
0x58: {  	_ =	shalt  }
0x59: {  	_ =	shalt  }
0x5a: {  	_ =	shalt  }
0x5b: {  	_ =	shalt  }
0x5c: {  	_ =	shalt  }
0x5d: {  	_ =	shalt  }
0x5e: {  	_ =	shalt  }
0x5f: {  	_ =	shalt  }
0x60: {  	_ =	shalt  }
0x61: {  	_ =	shalt  }
0x62: {  	_ =	shalt  }
0x63: {  	_ =	shalt  }
0x64: {  	_ =	shalt  }
0x65: {  	_ =	shalt  }
0x66: {  	_ =	shalt  }
0x67: {  	_ =	shalt  }
0x68: {  	_ =	shalt  }
0x69: {  	_ =	shalt  }
0x6a: {  	_ =	shalt  }
0x6b: {  	_ =	shalt  }
0x6c: {  	_ =	shalt  }
0x6d: {  	_ =	shalt  }
0x6e: {  	_ =	shalt  }
0x6f: {  	_ =	shalt  }
0x70: {  	_ =	shalt  }
0x71: {  	_ =	shalt  }
0x72: {  	_ =	shalt  }
0x73: {  	_ =	shalt  }
0x74: {  	_ =	shalt  }
0x75: {  	_ =	shalt  }
0x76: {  	_ =	shalt  }
0x77: {  	_ =	shalt  }
0x78: {  	_ =	shalt  }
0x79: {  	_ =	shalt  }
0x7a: {  	_ =	shalt  }
0x7b: {  	_ =	shalt  }
0x7c: {  	_ =	shalt  }
0x7d: {  	_ =	shalt  }
0x7e: {  	_ =	shalt  }
0x7f: {  	_ =	shalt  }
0x80: {  	_ =	shalt  }
0x81: {  	_ =	shalt  }
0x82: {  	_ =	shalt  }
0x83: {  	_ =	shalt  }
0x84: {  	_ =	shalt  }
0x85: {  	_ =	shalt  }
0x86: {  	_ =	shalt  }
0x87: {  	_ =	shalt  }
.Lfunc_end0:
.L_simem_size_0:
called_computation_lowered:
.L_overlay_start_0:
0x88: {  	s2 =	sld [smem:$0x3FD9]  }
0x89: {  	s3 =	sld [smem:$0x3FFE];
	_ =	sdelay $0x1  }
0x8a: {  	s1 =	srdreg.scid  }
0x8b: {  	s0 =	sand.u32 $0x1, s1  }
0x8c: {  	s17 =	sshll.u32 s0, $0xA;
	s2 =	sadd.s32 s3, s2  }
0x8d: {  	s2 =	sadd.s32 s2, s17  }
0x8e: {  	[smem:$0x3FC2] =	sst s2  }
0x8f: {  	_ = 	snop  }
0x90: {  	s2 =	sld [smem:$0x3FD0];
	(tm) =	ssettm $0x1  }
0x91: {  	s18 =	sld [smem:$0x3FFB];
	_ =	sdelay $0x3  }
0x92: {  	_ =	strace s18  }
0x93: {  	s3 =	sld [smem:$0x3FFC];
	_ =	sdelay $0x3  }
0x94: {  	_ =	strace s3  }
0x95: {  	s3 =	sld [smem:$0x3FFD];
	_ =	sdelay $0x3  }
0x96: {  	_ =	strace s3  }
0x97: {  	_ =	strace $0x8FFFFFFF  }
0x98: {  	s19 =	sld [smem:$0x3FDB];
	_ =	sdelay $0x1  }
0x99: {  	s4 =	simm.s32 $_scs_section_size  }
0x9a: {  	s5 =	simm.s32 $_size__tile_overlayer_lowered;
	s6 =	simm.s32 $_tile_overlayer_lowered  }
0x9b: {  	s22 =	simm.s32 $0x1BFF;
	s21 =	sshll.u32 s6, $0x1;
	s3 =	sadd.s32 s4, s19  }
0x9c: {  	s7 =	simm.s32 $0x0;
	s20 =	sshll.u32 s5, $0x1;
	s5 =	sadd.s32 s21, s3  }
0x9d: {  	[timem:s7], [sflag:s22] =	dma.local [hbm:s5], s20  }
0x9e: {  	_ =	swait.ge [sflag:s22], s20  }
0x9f: {  	s4 =	ssub.s32 $0x0, s20;
	[sflag:s22] =	ssyncset.done $0x0  }
0xa0: {  	[sflag:s22] =	ssyncadd.s32 s4;
	_ =	sdelay $0x1  }
0xa1: {  	s23 =	simm.s32 $0x1B8B  }
0xa2: {  	_ =	swait.ge [sflag:s23], $0x1  }
0xa3: {  	[sflag:s23] =	ssyncset.done $0x0  }
0xa4: {  	s25 =	simm.s32 $0x1B8E;
	s24 =	sld [smem:$0x3FFE];
	[sflag:s23] =	ssyncadd.s32 $0xFFFFFFFF  }
0xa5: {  	s26 =	simm.s32 $execute0_lowered;
	[smem:$0x3FD2] =	sst s25  }
0xa6: {  	s5 =	sshll.u32 s26, $0x1;
	_ =	strace $0x80000046;
	[dreg:$0x1] =	wrdreg $0xFFFFFFFF  }
0xa7: {  	s28 =	simm.s32 $_size_execute0_lowered;
	s3 =	sadd.s32 s3, s5;
	[dreg:$0x0] =	wrdreg $0x0  }
0xa8: {  	s5 =	sshll.u32 s28, $0x1;
	[dreg:$0x2] =	wrdreg s3  }
0xa9: {  	[dreg:$0x3] =	wrdreg s5  }
0xaa: {  	[dreg:$0x4] =	wrdreg $0xC0  }
0xab: {  	_ =	task [dreg:s7], $0x5FFFF  }
0xac: {  	[dreg:$0x1] =	wrdreg $0xFFFFFFFF  }
0xad: {  	[dreg:$0x0] =	wrdreg $0x60  }
0xae: {  	[dreg:$0x2] =	wrdreg s24  }
0xaf: {  	[dreg:$0x3] =	wrdreg s2  }
0xb0: {  	[dreg:$0x4] =	wrdreg $0x9  }
0xb1: {  	_ =	task.clear_ibuf [dreg:s7], $0x5FFFF;
	_ =	strace $0x90000046  }
0xb2: {  	s29 =	simm.s32 $0x9;
	_ =	strace $0x80000048  }
0xb3: {  	_ =	swait.ge [sflag:s29], $0x1  }
0xb4: {  	[sflag:s29] =	ssyncadd.s32 $0xFFFFFFFF  }
0xb5: {  	_ =	strace $0x90000048  }
0xb6: {  	_ =	sfence  }
0xb7: {  	s30 =	sld [smem:$0x0];
	_ =	sdelay $0x2  }
0xb8: {  	s31 =	sshll.u32 s1, $0xD;
	s1 =	sshrl.u32 s1, $0x2  }
0xb9: {  	s3 =	sand.u32 $0x4000, s31;
	s1 =	sadd.s32 s1, s30  }
0xba: {  	s0 =	sor.u32 s3, s0;
	s1 =	sshll.u32 s1, $0x11  }
0xbb: {  	s0 =	sor.u32 s1, s0  }
0xbc: {  	s0 =	sadd.s32 $0x8F2B, s0  }
0xbd: {  	[sflag:s0] =	ssyncadd.remote.s32 $0x1  }
0xbe: {  	_ =	sfence.sel $0xFFFF  }
0xbf: {  	[dreg:$0x0] =	wrdreg $0xFFFFFFFF;
	(pc) =	sbr.abs _section_cstart, $3  }
0xc0: {  	[dreg:$0x1] =	wrdreg $0xFFFFFFFF  }
0xc1: {  	_ =	task.clear_ibuf [dreg:s7], $0x2FFFF;
	_ =	strace $0x9FFFFFFF  }
0xc2: {  	(tm) =	ssettm $0x7FFFFFFF  }
0xc3: {  	_ =	shalt  }
tec
execute0_lowered:
.L_overlay_start_1:
0x0: {  	(tag) =	ssettag $0x1  }
0x1: {  	v35 =	vlaneseq.u32  }
0x2: {  	v0 =	vadd.s32 $0xB, v35  }
0x3: {  	v8 =	vadd.s32 $0xC, v35;
	[tilespmem:$0x1FB70] =	vst v0  }
0x4: {  	v9 =	vadd.s32 $0xD, v35;
	[tilespmem:$0x1FB80] =	vst v8  }
0x5: {  	v10 =	vadd.s32 $0xE, v35;
	[tilespmem:$0x1FB90] =	vst v9  }
0x6: {  	v11 =	vadd.s32 $0xF, v35;
	[tilespmem:$0x1FBA0] =	vst v10  }
0x7: {  	v12 =	vor.u32 $0x10, v35;
	[tilespmem:$0x1FBB0] =	vst v11  }
0x8: {  	v13 =	vadd.s32 $0x11, v35;
	[tilespmem:$0x1FBC0] =	vst v12  }
0x9: {  	v14 =	vadd.s32 $0x12, v35;
	[tilespmem:$0x1FBD0] =	vst v13  }
0xa: {  	v15 =	vadd.s32 $0x13, v35;
	[tilespmem:$0x1FBE0] =	vst v14  }
0xb: {  	v16 =	vadd.s32 $0x14, v35;
	[tilespmem:$0x1FBF0] =	vst v15  }
0xc: {  	v17 =	vadd.s32 $0x15, v35;
	[tilespmem:$0x1FC00] =	vst v16  }
0xd: {  	v18 =	vadd.s32 $0x16, v35;
	[tilespmem:$0x1FC10] =	vst v17  }
0xe: {  	v19 =	vadd.s32 $0x17, v35;
	[tilespmem:$0x1FC20] =	vst v18  }
0xf: {  	v20 =	vadd.s32 $0x18, v35;
	[tilespmem:$0x1FC30] =	vst v19  }
0x10: {  	v21 =	vadd.s32 $0x19, v35;
	[tilespmem:$0x1FC40] =	vst v20  }
0x11: {  	v22 =	vadd.s32 $0x1A, v35;
	[tilespmem:$0x1FC50] =	vst v21  }
0x12: {  	v23 =	vadd.s32 $0x1B, v35;
	[tilespmem:$0x1FC60] =	vst v22  }
0x13: {  	v24 =	vadd.s32 $0x1C, v35;
	[tilespmem:$0x1FC70] =	vst v23  }
0x14: {  	v25 =	vadd.s32 $0x1D, v35;
	[tilespmem:$0x1FC80] =	vst v24  }
0x15: {  	v30 =	vimm.s32 $0x34333231;
	v26 =	vadd.s32 $0x1E, v35;
	[tilespmem:$0x1FC90] =	vst v25  }
0x16: {  	v32 =	vimm.s32 $0x38373635;
	v2 =	vimm.s32 $0x3C3B3A39;
	v27 =	vadd.s32 $0x1F, v35;
	[tilespmem:$0x1FCA0] =	vst v26  }
0x17: {  	v3 =	vimm.s32 $0x3F3E3D;
	vm0 =	vcmask $0x1F10;
	v28 =	vor.u32 $0x20, v35;
	[tilespmem:$0x1FCB0] =	vst v27  }
0x18: {  	v36 =	vimm.s32 $0x35343332;
	v37 =	vimm.s32 $0x39383736;
	v29 =	vadd.s32 $0x21, v35;
	[tilespmem:$0x1FCC0] =	vst v28  }
0x19: {  	v38 =	vimm.s32 $0x3D3C3B3A;
	v6 =	vimm.s32 $0x1003F3E;
	v1 =	vadd.s32 $0x22, v35;
	[tilespmem:$0x1FCD0] =	vst v29  }
0x1a: {  	v51 =	vimm.s32 $0x3020100;
	v60 =	vimm.s32 $0x87654321;
	v31 =	vadd.s32 $0x23, v35;
	[tilespmem:$0x1FCE0] =	vst v1  }
0x1b: {  	v4 =	vunpack.c.0.s8.s32 v32;
	v5 =	vunpack.c.0.s8.s32 v2;
	v34 =	vadd.s32 $0x24, v35;
	[tilespmem:$0x1FCF0] =	vst v31  }
0x1c: {  	v33 =	vunpack.c.0.s8.s32 v3;
	v2 =	vunpack.c.0.s8.s32 v36;
	v42 =	vadd.s32 $0x25, v35;
	[tilespmem:$0x1FD00] =	vst v34  }
0x1d: {  	v7 =	vunpack.c.0.s8.s32 v37;
	v39 =	vunpack.c.0.s8.s32 v6;
	v43 =	vadd.s32 $0x26, v35;
	[tilespmem:$0x1FD30] =	vst v42  }
0x1e: {  	v6 =	vunpack.c.l.s4.s8 v60;
	v0 =	vunpack.c.0.s8.s32 v30;
	[tilespmem:$0x1FD40] =	vst v43;
	v8 =	vimm.s32 $0x3F3E3D3C  }
0x1f: {  	v9 =	vimm.s32 $0x37363534;
	v10 =	vimm.s32 $0x3B3A3938;
	v16 =	vimm.s32 $0x5040302  }
0x20: {  	[tilespmem:$0x1FD20] =	vst v5;
	v3 =	vsel vm0, v33, v5;
	v5 =	vunpack.c.0.s8.s32 v38;
	v11 =	vunpack.c.0.s8.s32 v8  }
0x21: {  	[tilespmem:$0x1FD10] =	vst v4;
	v56 =	vunpack.c.0.s8.s32 v9;
	v57 =	vunpack.c.0.s8.s32 v10;
	v8 =	vunpack.c.0.s8.s32 v16  }
0x22: {  	v0 =	vsel vm0, v4, v0;
	[tilespmem:$0x1FD70] =	vst v5;
	v45 =	vsel vm0, v39, v5;
	v5 =	vunpack.c.0.s8.s32 v51  }
0x23: {  	v17 =	vimm.s32 $0x98765432;
	[tilespmem:$0x1FD60] =	vst v7;
	v6 =	vunpack.c.0.s8.s32 v6;
	v0 =	vcombine.low v0, v3  }
0x24: {  	[tilespmem:$0x1FD90] =	vst v57;
	v13 =	vsel vm0, v57, v56;
	v18 =	vsel vm0, v8, v39;
	v5 =	vsel vm0, v5, v11  }
0x25: {  	v9 =	vunpack.c.l.s4.s8 v17;
	v6 =	vand.u32 $0xF, v6;
	[tilespmem:$0x1FDC0] =	vst v18;
	v5 =	vcombine.low v13, v5  }
0x26: {  	v14 =	vimm.s32 $0x4030201;
	v44 =	vsel vm0, v7, v2;
	v3 =	vcombine.low v3, v6;
	[tilespmem:$0x1FD50] =	vst v0  }
0x27: {  	v19 =	vunpack.c.0.s8.s32 v9;
	v0 =	vcombine.low v44, v45;
	[tilespmem:$0x1FDA0] =	vst v5;
	v5 =	vunpack.c.0.s8.s32 v14  }
0x28: {  	[tilespmem:$0x1FDD0] =	vst v3  }
0x29: {  	v47 =	vimm.s32 $0x36353433;
	s2 =	simm.s32 $0x0;
	v3 =	vand.u32 $0xF, v19;
	[tilespmem:$0x1FD80] =	vst v0;
	v5 =	vsel vm0, v5, v33  }
0x2a: {  	v53 =	vimm.s32 $0x3A393837;
	[smem:$0x7FF] =	sst s2;
	v2 =	vcombine.low v45, v3;
	[tilespmem:$0x1FDB0] =	vst v5  }
0x2b: {  	s0 =	rddreg [dreg:$0x0];
	v49 =	vunpack.c.0.s8.s32 v47;
	v59 =	vunpack.c.0.s8.s32 v53;
	v30 =	vimm.s32 $0xA9876543;
	_ =	strace $0x80000047;
	[tilespmem:$0x1FDE0] =	vst v11  }
0x2c: {  	v55 =	vimm.s32 $0x201003F;
	v29 =	vimm.s32 $0x6050403;
	v3 =	vunpack.c.l.s4.s8 v30;
	[tilespmem:$0x1FDF0] =	vst v2  }
0x2d: {  	v12 =	vunpack.c.0.s8.s32 v55;
	v36 =	vunpack.c.0.s8.s32 v29;
	v0 =	vsel vm0, v59, v49;
	[tilespmem:$0x1FE40] =	vst v59  }
0x2e: {  	v3 =	vunpack.c.0.s8.s32 v3;
	[tilespmem:$0x1FE50] =	vst v0  }
0x2f: {  	v42 =	vsel vm0, v36, v12;
	[tilespmem:$0x1FE70] =	vst v12  }
0x30: {  	v44 =	vand.u32 $0xF, v3;
	[tilespmem:$0x1FE80] =	vst v42  }
0x31: {  	v45 =	vadd.s32 $0x27, v35;
	[tilespmem:$0x1FEA0] =	vst v44  }
0x32: {  	v47 =	vadd.s32 $0x28, v35;
	[tilespmem:$0x1FEB0] =	vst v45  }
0x33: {  	v49 =	vadd.s32 $0x29, v35;
	[tilespmem:$0x1FEC0] =	vst v47  }
0x34: {  	v51 =	vadd.s32 $0x2A, v35;
	[tilespmem:$0x1FED0] =	vst v49  }
0x35: {  	v53 =	vadd.s32 $0x2B, v35;
	[tilespmem:$0x1FEE0] =	vst v51  }
0x36: {  	v55 =	vadd.s32 $0x2C, v35;
	[tilespmem:$0x1FEF0] =	vst v53  }
0x37: {  	v56 =	vadd.s32 $0x2D, v35;
	[tilespmem:$0x1FF00] =	vst v55  }
0x38: {  	vm1 =	vcmask $0x2F10;
	vm2 =	vcmask $0x3F30;
	v57 =	vadd.s32 $0x2E, v35;
	[tilespmem:$0x1FF10] =	vst v56  }
0x39: {  	v62 =	vmul.u32 $0x40, v35;
	v63 =	vadd.s32 $0x1, v35;
	v60 =	vor.u32 $0x30, v35;
	[tilespmem:$0x1FF20] =	vst v57  }
0x3a: {  	v40 =	vadd.s32 $0x2, v35;
	v41 =	vadd.s32 $0x3, v35;
	v46 =	vadd.s32 $0x4, v35;
	[tilespmem:$0x1FF40] =	vst v60  }
0x3b: {  	s21 =	simm.s32 $0x190;
	s18 =	simm.s32 $0x180;
	v48 =	vadd.s32 $0x5, v35;
	v50 =	vadd.s32 $0x6, v35;
	v52 =	vadd.s32 $0x7, v35;
	[tilespmem:$0x1FF50] =	vst v40  }
0x3c: {  	s20 =	simm.s32 $0x6640;
	s9 =	simm.s32 $0x310;
	v54 =	vadd.s32 $0x8, v35;
	v61 =	vadd.s32 $0x9, v35;
	v15 =	vimm.s32 $0x32107654;
	[tilespmem:$0x1FF60] =	vst v41  }
0x3d: {  	s11 =	simm.s32 $0xCA40;
	s13 =	simm.s32 $0x19640;
	v58 =	vadd.s32 $0xA, v35;
	v21 =	vimm.s32 $0x43218765;
	v7 =	vunpack.c.l.s4.s8 v15;
	[tilespmem:$0x1FF70] =	vst v46  }
0x3e: {  	v37 =	vimm.s32 $0x76543210;
	v22 =	vimm.s32 $0xB0A0908;
	v6 =	vunpack.c.l.s4.s8 v21;
	[tilespmem:$0x1FF80] =	vst v48  }
0x3f: {  	s1 =	srdreg.scid;
	s3 =	stileid.u32;
	s22 =	simm.s32 $0x1;
	v23 =	vimm.s32 $0x54329876;
	v27 =	vimm.s32 $0xC0B0A09;
	v7 =	vunpack.c.0.s8.s32 v7;
	[tilespmem:$0x1FF90] =	vst v50  }
0x40: {  	s23 =	simm.s32 $0x80;
	s12 =	simm.s32 $0x3;
	s14 =	simm.s32 $0x4;
	v28 =	vimm.s32 $0x6543A987;
	v34 =	vimm.s32 $0xE0D0C0B;
	v6 =	vunpack.c.0.s8.s32 v6;
	[tilespmem:$0x1FFA0] =	vst v52  }
0x41: {  	s17 =	simm.s32 $0xCE40;
	s19 =	simm.s32 $0x13240;
	s1 =	sand.u32 $0x1, s1;
	v25 =	vunpack.c.l.s4.s8 v23;
	v20 =	vand.u32 $0xF, v7;
	v7 =	vunpack.c.0.s8.s32 v22;
	[tilespmem:$0x1FFB0] =	vst v54  }
0x42: {  	s3 =	sshll.u32 s3, $0x1;
	s4 =	sadd.s32 $0x14200, s0;
	s5 =	sadd.s32 $0x800, s0;
	v26 =	vand.u32 $0xF, v6;
	v6 =	vunpack.c.l.s4.s8 v28;
	v5 =	vsel vm1, v20, v11;
	[tilespmem:$0x1FFC0] =	vst v58  }
0x43: {  	s6 =	sadd.s32 $0x31A00, s0;
	s8 =	sadd.s32 $0x27C00, s0;
	s3 =	sor.u32 s1, s3;
	v24 =	vsel vm2, v7, v5;
	v5 =	vunpack.c.0.s8.s32 v27;
	v2 =	vunpack.c.0.s8.s32 v25;
	[tilespmem:$0x1FFD0] =	vst v61  }
0x44: {  	s24 =	sadd.s32 $0x3BA00, s0;
	s1 =	ssub.s32 $0x2, s1;
	s7 =	smul.u32 $0x2710, s3;
	v1 =	vsel vm1, v26, v33;
	v32 =	vunpack.c.0.s8.s32 v6;
	v33 =	vimm.s32 $0xD0C0B0A;
	[tilespmem:$0x1FFE0] =	vst v62  }
0x45: {  	s10 =	sadd.s32 $0x3BC00, s0;
	s25 =	sshrl.u32 s1, $0x1;
	s3 =	simm.s32 $0x0;
	v4 =	vunpack.c.0.s8.s32 v33;
	[tilespmem:$0x1FFF0] =	vst v63;
	v1 =	vsel vm2, v5, v1;
	v31 =	vand.u32 $0xF, v2  }
0x46: {  	v38 =	vimm.s32 $0x3E3D3C3B;
	s26 =	ssub.s32 s1, s25;
	s25 =	simm.s32 $0x6A40;
	s28 =	sshrl.u32 s7, $0x3;
	[tilespmem:$0x1FE10] =	vst v1;
	v1 =	vsel vm1, v31, v39  }
0x47: {  	s29 =	sadd.s32 s6, s28;
	s30 =	sadd.s32 s8, s28;
	[dreg:$0x3] =	wrdreg s24;
	[tilespmem:$0x1FE00] =	vst v24;
	v2 =	vand.u32 $0xF, v32;
	v5 =	vunpack.c.0.s8.s32 v34;
	v1 =	vsel vm2, v4, v1  }
.Ltmp0:
0x48: {  	s1 =	sadd.s32 $0x32, s28;
	[dreg:$0x4] =	wrdreg s29;
	v59 =	vadd.s32 $0x2F, v35;
	v2 =	vsel vm1, v2, v12;
	[tilespmem:$0x1FE20] =	vst v1;
	v1 =	vunpack.c.l.s4.s8 v37;
	(pc) =	sbr.rel .LBB2_1-.Ltmp0, $4  }
0x49: {  	s15 =	sadd.s32 $0x320, s7;
	s31 =	sadd.s32 s6, s1;
	[dreg:$0x5] =	wrdreg s30;
	[tilespmem:$0x1FF30] =	vst v59;
	v39 =	vunpack.c.0.s8.s32 v38;
	v2 =	vsel vm2, v5, v2  }
0x4a: {  	s16 =	sadd.s32 $0x4B0, s7;
	s1 =	sadd.s32 s8, s1;
	[dreg:$0x6] =	wrdreg s31;
	[tilespmem:$0x1FE30] =	vst v2;
	v43 =	vunpack.c.0.s8.s32 v1  }
0x4b: {  	s0 =	smax.u32 s26, $0x1;
	s26 =	simm.s32 $0x5;
	[dreg:$0x7] =	wrdreg s1;
	[tilespmem:$0x1FE60] =	vst v39  }
0x4c: {  	[dreg:$0x8] =	wrdreg s0;
	s24 =	simm.s32 $0x640;
	s1 =	simm.s32 $0x10;
	[tilespmem:$0x1FE90] =	vst v43  }
.LBB2_12:
0x4d: {  	s0 =	simm.s32 $0x6  }
0x4e: {  	_ =	swait.ge [sflag:s0], $0x190  }
0x4f: {  	[sflag:s0] =	ssyncset.done $0x0  }
0x50: {  	[sflag:s0] =	ssyncadd.s32 $0xFFFFFE70  }
0x51: {  	_ =	swait.ge [sflag:s26], $0x190  }
0x52: {  	s3 =	rddreg [dreg:$0x9]  }
0x53: {  	s31 =	rddreg [dreg:$0x8];
	s3 =	sadd.s32 $0x1, s3  }
0x54: {  	p0 =	sne.s32 s3, s31  }
.Ltmp1:
0x55: {  	_ = 	snop;
	(pc) =	sbr.rel @!p0 .LBB2_13-.Ltmp1, $3  }
0x56: {  	_ =	sdelay $0x1  }
0x57: {  	[sflag:s26] =	ssyncset.done $0x0  }
0x58: {  	[sflag:s26] =	ssyncadd.s32 $0xFFFFFE70  }
.LBB2_1:
0x59: {  	[dreg:$0x9] =	wrdreg s3  }
0x5a: {  	s0 =	rddreg [dreg:$0x1];
	s31 =	simm.s32 $0x19960;
	s29 =	simm.s32 $0x7  }
0x5b: {  	[tilespmem:s31], [sflag:$0x7] =	stream.linear.gather [hbm4b:s0+s2], $0x400, $0x38;
	[tilespmem:$0x19D70] =	vst v63  }
0x5c: {  	_ =	swait.ge [sflag:s29], $0x400  }
0x5d: {  	[sflag:s29] =	ssyncset.done $0x0  }
0x5e: {  	s28 =	simm.s32 $0x19D60;
	s30 =	rddreg [dreg:$0x3];
	[sflag:s29] =	ssyncadd.s32 $0xFFFFFC00  }
0x5f: {  	[tilespmem:s28], [sflag:$0x7] =	stream.linear.gather [hbm4b:s30+s2], $0x10, $0x38;
	[tilespmem:$0x19D70] =	vst v63  }
0x60: {  	_ =	swait.ge [sflag:s29], $0x10  }
0x61: {  	[sflag:s29] =	ssyncset.done $0x0  }
0x62: {  	s31 =	rddreg [dreg:$0x4];
	[sflag:s29] =	ssyncadd.s32 $0xFFFFFFF0  }
0x63: {  	[tilespmem:s2], [sflag:$0x1] =	stream.linear.gather [hbm4b:s31+s2], $0x190, $0x38;
	[tilespmem:$0x19D70] =	vst v63  }
0x64: {  	s3 =	rddreg [dreg:$0x5]  }
0x65: {  	[tilespmem:s21], [sflag:$0x1] =	stream.linear.gather [hbm4b:s3+s2], $0x190, $0x38;
	[tilespmem:$0x19D70] =	vst v63  }
0x66: {  	_ =	swait.ge [sflag:s22], $0x190  }
0x67: {  	[sflag:s22] =	ssyncset.done $0x0  }
0x68: {  	[sflag:s22] =	ssyncadd.s32 $0xFFFFFE70  }
0x69: {  	_ =	swait.ge [sflag:s22], $0x190  }
0x6a: {  	[sflag:s22] =	ssyncset.done $0x0  }
0x6b: {  	[sflag:s22] =	ssyncadd.s32 $0xFFFFFE70  }
0x6c: {  	[tilespmem:s24], [sflag:$0x3] =	stream.indirect.gather [hbm4b:s4+s23], $0x40, s2, s23, $0xb8;
	[tilespmem:$0x19D70] =	vst v63  }
0x6d: {  	_ = 	snop  }
0x6e: {  	[tilespmem:s25], [sflag:$0x3] =	stream.indirect.gather [hbm4b:s5+s23], $0x40, s21, s23, $0xb8;
	[tilespmem:$0x19D70] =	vst v63  }
0x6f: {  	s29 =	simm.s32 $0x2640  }
0x70: {  	[tilespmem:s29], [sflag:$0x3] =	stream.indirect.gather [hbm4b:s4+s23], $0x40, s23, s23, $0xb8;
	[tilespmem:$0x19D70] =	vst v63  }
0x71: {  	s30 =	simm.s32 $0x210;
	s31 =	simm.s32 $0x8A40  }
0x72: {  	[tilespmem:s31], [sflag:$0x3] =	stream.indirect.gather [hbm4b:s5+s23], $0x40, s30, s23, $0xb8;
	[tilespmem:$0x19D70] =	vst v63  }
0x73: {  	s3 =	simm.s32 $0x100;
	s29 =	simm.s32 $0x4640  }
0x74: {  	[tilespmem:s29], [sflag:$0x3] =	stream.indirect.gather [hbm4b:s4+s23], $0x40, s3, s23, $0xb8;
	[tilespmem:$0x19D70] =	vst v63  }
0x75: {  	s30 =	simm.s32 $0x290;
	s31 =	simm.s32 $0xAA40  }
0x76: {  	[tilespmem:s31], [sflag:$0x3] =	stream.indirect.gather [hbm4b:s5+s23], $0x40, s30, s23, $0xb8;
	[tilespmem:$0x19D70] =	vst v63  }
0x77: {  	_ = 	snop  }
0x78: {  	[tilespmem:s20], [sflag:$0x3] =	stream.indirect.gather [hbm4b:s4+s1], $0x40, s18, s1, $0xb8;
	[tilespmem:$0x19D70] =	vst v63  }
0x79: {  	_ = 	snop  }
0x7a: {  	[tilespmem:s11], [sflag:$0x3] =	stream.indirect.gather [hbm4b:s5+s1], $0x40, s9, s1, $0xb8;
	[tilespmem:$0x19D70] =	vst v63  }
.Ltmp2:
0x7b: {  	_ = 	snop;
	(pc) =	sbr.rel .LBB2_2-.Ltmp2, $4  }
0x7c: {  	s3 =	rddreg [dreg:$0x6];
	s29 =	simm.s32 $0x320  }
0x7d: {  	[tilespmem:s29], [sflag:$0x2] =	stream.linear.gather [hbm4b:s3+s2], $0x190, $0x38;
	[tilespmem:$0x19D70] =	vst v63  }
0x7e: {  	s28 =	simm.s32 $0x0;
	s30 =	rddreg [dreg:$0x7];
	s31 =	simm.s32 $0x4B0  }
0x7f: {  	[tilespmem:s31], [sflag:$0x2] =	stream.linear.gather [hbm4b:s30+s2], $0x190, $0x38;
	[tilespmem:$0x19D70] =	vst v63  }
.LBB2_11:
0x80: {  	v40 =	vld [tilespmem:$0x1FF50]  }
0x81: {  	s28 =	sadd.s32 $0x1, s28;
	v41 =	vld [tilespmem:$0x1FF60]  }
0x82: {  	v46 =	vld [tilespmem:$0x1FF70];
	p0 =	sne.s32 s28, $0xD  }
.Ltmp3:
0x83: {  	v48 =	vld [tilespmem:$0x1FF80];
	(pc) =	sbr.rel @!p0 .LBB2_12-.Ltmp3, $4  }
0x84: {  	v50 =	vld [tilespmem:$0x1FF90]  }
0x85: {  	v52 =	vld [tilespmem:$0x1FFA0]  }
0x86: {  	v54 =	vld [tilespmem:$0x1FFB0]  }
0x87: {  	v58 =	vld [tilespmem:$0x1FFC0]  }
.LBB2_2:
0x88: {  	_ =	swait.ge [sflag:s12], $0x2000  }
0x89: {  	[sflag:s12] =	ssyncset.done $0x0  }
0x8a: {  	[sflag:s12] =	ssyncadd.s32 $0xFFFFE000  }
0x8b: {  	_ =	swait.ge [sflag:s12], $0x2000  }
0x8c: {  	[sflag:s12] =	ssyncset.done $0x0  }
0x8d: {  	[sflag:s12] =	ssyncadd.s32 $0xFFFFE000  }
0x8e: {  	_ =	swait.ge [sflag:s12], $0x2000  }
0x8f: {  	[sflag:s12] =	ssyncset.done $0x0  }
0x90: {  	[sflag:s12] =	ssyncadd.s32 $0xFFFFE000  }
0x91: {  	_ =	swait.ge [sflag:s12], $0x2000  }
0x92: {  	[sflag:s12] =	ssyncset.done $0x0  }
0x93: {  	[sflag:s12] =	ssyncadd.s32 $0xFFFFE000  }
0x94: {  	_ =	swait.ge [sflag:s12], $0x2000  }
0x95: {  	[sflag:s12] =	ssyncset.done $0x0  }
0x96: {  	[sflag:s12] =	ssyncadd.s32 $0xFFFFE000  }
0x97: {  	_ =	swait.ge [sflag:s12], $0x2000  }
0x98: {  	[sflag:s12] =	ssyncset.done $0x0  }
0x99: {  	[sflag:s12] =	ssyncadd.s32 $0xFFFFE000  }
0x9a: {  	_ =	swait.ge [sflag:s12], $0x400  }
0x9b: {  	[sflag:s12] =	ssyncset.done $0x0  }
0x9c: {  	[sflag:s12] =	ssyncadd.s32 $0xFFFFFC00  }
0x9d: {  	s29 =	sshllo.u32 s28, $0x1;
	_ =	swait.ge [sflag:s12], $0x400  }
0x9e: {  	p1 =	sgt.u32 s29, $0x18;
	[sflag:s12] =	ssyncset.done $0x0  }
0x9f: {  	s30 =	simm.s32 @!p1 $0x2;
	[sflag:s12] =	ssyncadd.s32 $0xFFFFFC00  }
0xa0: {  	_ =	swait.ge @!p1 [sflag:s30], $0x190  }
0xa1: {  	[sflag:s30] =	ssyncset.done @!p1 $0x0  }
0xa2: {  	[sflag:s30] =	ssyncadd.s32 @!p1 $0xFFFFFE70  }
0xa3: {  	_ =	swait.ge @!p1 [sflag:s30], $0x190  }
0xa4: {  	s31 =	simm.s32 @!p1 $0x320;
	[sflag:s30] =	ssyncset.done @!p1 $0x0  }
0xa5: {  	s0 =	simm.s32 @!p1 $0xCE40;
	[sflag:s30] =	ssyncadd.s32 @!p1 $0xFFFFFE70;
	s30 =	simm.s32 @!p1 $0x80  }
0xa6: {  	[tilespmem:s0], [sflag:$0x4] =	stream.indirect.gather @!p1 [hbm4b:s4+s30], $0x40, s31, s30, $0xb8;
	[tilespmem:$0x19D70] =	vst v63  }
0xa7: {  	s0 =	simm.s32 @!p1 $0x4B0;
	s31 =	simm.s32 @!p1 $0x13240  }
0xa8: {  	[tilespmem:s31], [sflag:$0x4] =	stream.indirect.gather @!p1 [hbm4b:s5+s30], $0x40, s0, s30, $0xb8;
	[tilespmem:$0x19D70] =	vst v63  }
0xa9: {  	s0 =	simm.s32 @!p1 $0x3A0;
	s31 =	simm.s32 @!p1 $0xEE40  }
0xaa: {  	[tilespmem:s31], [sflag:$0x4] =	stream.indirect.gather @!p1 [hbm4b:s4+s30], $0x40, s0, s30, $0xb8;
	[tilespmem:$0x19D70] =	vst v63  }
0xab: {  	s0 =	simm.s32 @!p1 $0x530;
	s31 =	simm.s32 @!p1 $0x15240  }
0xac: {  	[tilespmem:s31], [sflag:$0x4] =	stream.indirect.gather @!p1 [hbm4b:s5+s30], $0x40, s0, s30, $0xb8;
	[tilespmem:$0x19D70] =	vst v63  }
0xad: {  	p0 =	seq.s32 s28, $0xC;
	s0 =	simm.s32 @!p1 $0x420;
	s31 =	simm.s32 @!p1 $0x10E40  }
0xae: {  	[tilespmem:s31], [sflag:$0x4] =	stream.indirect.gather @!p1 [hbm4b:s4+s30], $0x40, s0, s30, $0xb8;
	[tilespmem:$0x19D70] =	vst v63  }
0xaf: {  	s3 =	smul.u32 @!p0 $0x320, s28;
	s0 =	simm.s32 @!p1 $0x5B0;
	s31 =	simm.s32 @!p1 $0x17240  }
0xb0: {  	[tilespmem:s31], [sflag:$0x4] =	stream.indirect.gather @!p1 [hbm4b:s5+s30], $0x40, s0, s30, $0xb8;
	[tilespmem:$0x19D70] =	vst v63  }
0xb1: {  	s0 =	simm.s32 @!p1 $0x10;
	s30 =	simm.s32 @!p1 $0x4A0;
	s31 =	simm.s32 @!p1 $0x12E40  }
0xb2: {  	[tilespmem:s31], [sflag:$0x4] =	stream.indirect.gather @!p1 [hbm4b:s4+s0], $0x40, s30, s0, $0xb8;
	[tilespmem:$0x19D70] =	vst v63  }
0xb3: {  	p2 =	seq.s32 @!p0 s28, $0x0;
	s30 =	simm.s32 @!p1 $0x630;
	s31 =	simm.s32 @!p1 $0x19240  }
0xb4: {  	[tilespmem:s31], [sflag:$0x4] =	stream.indirect.gather @!p1 [hbm4b:s5+s0], $0x40, s30, s0, $0xb8;
	[tilespmem:$0x19D70] =	vst v63  }
0xb5: {  	p2 =	por p0, !p2;
	s0 =	sadd.s32 @!p0 s3, s15  }
.Ltmp4:
0xb6: {  	s0 =	sshrl.u32 @!p0 s0, $0x3;
	(pc) =	sbr.rel @!p2 .LBB2_3-.Ltmp4, $4  }
0xb7: {  	s30 =	simm.s32 @!p0 $0x0;
	s3 =	sadd.s32 @!p0 s6, s0  }
0xb8: {  	[tilespmem:s30], [sflag:$0x1] =	stream.linear.gather @!p0 [hbm4b:s3+s30], $0x190, $0x38;
	[tilespmem:$0x19D70] =	vst v63  }
0xb9: {  	s0 =	sadd.s32 @!p0 s8, s0;
	s3 =	simm.s32 @!p0 $0x190  }
0xba: {  	[tilespmem:s3], [sflag:$0x1] =	stream.linear.gather @!p0 [hbm4b:s0+s30], $0x190, $0x38;
	[tilespmem:$0x19D70] =	vst v63  }
.Ltmp5:
0xbb: {  	(pc) =	sbr.rel .LBB2_5-.Ltmp5, $4  }
0xbc: {  	_ = 	snop  }
0xbd: {  	_ =	swait.ge [sflag:s26], $0x190  }
0xbe: {  	[sflag:s26] =	ssyncset.done $0x0  }
0xbf: {  	p0 =	por $0x0, $0x0;
	[sflag:s26] =	ssyncadd.s32 $0xFFFFFE70  }
.LBB2_3:
0xc0: {  	p0 =	por @!p0 $0x1, $0x1  }
.LBB2_5:
0xc1: {  	v0 =	vld [tilespmem:$0x19D30]  }
0xc2: {  	v53 =	vld [tilespmem:$0x19D20]  }
0xc3: {  	v55 =	vld [tilespmem:$0x19D10]  }
0xc4: {  	v56 =	vld [tilespmem:$0x19D00]  }
0xc5: {  	v57 =	vld [tilespmem:$0x19CF0]  }
0xc6: {  	v59 =	vld [tilespmem:$0x19CE0]  }
0xc7: {  	v60 =	vld [tilespmem:$0x19CD0]  }
0xc8: {  	v8 =	vld [tilespmem:$0x19CC0]  }
0xc9: {  	v9 =	vld [tilespmem:$0x19CB0]  }
0xca: {  	v10 =	vld [tilespmem:$0x19CA0]  }
0xcb: {  	v12 =	vld [tilespmem:$0x19C90]  }
0xcc: {  	v7 =	vld [tilespmem:$0x19C80]  }
0xcd: {  	v13 =	vld [tilespmem:$0x19C70]  }
0xce: {  	v14 =	vld [tilespmem:$0x19C60]  }
0xcf: {  	v15 =	vld [tilespmem:$0x19C50]  }
0xd0: {  	v16 =	vld [tilespmem:$0x19C40]  }
0xd1: {  	v17 =	vld [tilespmem:$0x19C30]  }
0xd2: {  	v18 =	vld [tilespmem:$0x19C20]  }
0xd3: {  	v19 =	vld [tilespmem:$0x19C10]  }
0xd4: {  	v20 =	vld [tilespmem:$0x19C00]  }
0xd5: {  	v21 =	vld [tilespmem:$0x19BF0]  }
0xd6: {  	v22 =	vld [tilespmem:$0x19BE0]  }
0xd7: {  	v23 =	vld [tilespmem:$0x19BD0]  }
0xd8: {  	v24 =	vld [tilespmem:$0x19BC0]  }
0xd9: {  	v25 =	vld [tilespmem:$0x19BB0]  }
0xda: {  	v26 =	vld [tilespmem:$0x19BA0]  }
0xdb: {  	v27 =	vld [tilespmem:$0x19B90]  }
0xdc: {  	v28 =	vld [tilespmem:$0x19B80]  }
0xdd: {  	v29 =	vld [tilespmem:$0x19B70]  }
0xde: {  	s0 =	simm.s32 $0x0;
	v30 =	vld [tilespmem:$0x19B60]  }
0xdf: {  	v31 =	vld [tilespmem:$0x19B50];
	v11 =	vmov s0  }
0xe0: {  	v32 =	vld [tilespmem:$0x19B40];
	v11 =	vshll.u32 v11, $0x6  }
0xe1: {  	v33 =	vld [tilespmem:$0x19B30];
	v11 =	vor.u32 v62, v11  }
0xe2: {  	v34 =	vld [tilespmem:$0x19B20];
	v38 =	vor.u32 v35, v11  }
0xe3: {  	v36 =	vld [tilespmem:$0x19B00]  }
0xe4: {  	v37 =	vld [tilespmem:$0x19AF0];
	v39 =	vor.u32 v63, v11  }
0xe5: {  	v6 =	vld [tilespmem:$0x1FB70]  }
0xe6: {  	v35 =	vld [tilespmem:$0x19B10];
	v40 =	vor.u32 v40, v11  }
0xe7: {  	v42 =	vld.idx.msk [tilespmem:v38+s24+$0x0], $0xffff  }
0xe8: {  	v62 =	vor.u32 v41, v11;
	v43 =	vld.idx.msk [tilespmem:v38+s25+$0x0], $0xffff  }
0xe9: {  	v44 =	vld.idx.msk [tilespmem:v39+s24+$0x0], $0xffff  }
0xea: {  	v63 =	vor.u32 v46, v11;
	v45 =	vld.idx.msk [tilespmem:v39+s25+$0x0], $0xffff  }
0xeb: {  	v46 =	vld.idx.msk [tilespmem:v40+s24+$0x0], $0xffff  }
0xec: {  	v1 =	vor.u32 v50, v11;
	v47 =	vld.idx.msk [tilespmem:v40+s25+$0x0], $0xffff  }
0xed: {  	[tilespmem:$0x1FAB0] =	vst v0;
	v0 =	vor.u32 v48, v11;
	v48 =	vld.idx.msk [tilespmem:v62+s24+$0x0], $0xffff  }
0xee: {  	v2 =	vor.u32 v52, v11;
	v49 =	vld.idx.msk [tilespmem:v62+s25+$0x0], $0xffff  }
0xef: {  	v50 =	vld.idx.msk [tilespmem:v63+s24+$0x0], $0xffff  }
0xf0: {  	v3 =	vor.u32 v54, v11;
	v51 =	vld.idx.msk [tilespmem:v63+s25+$0x0], $0xffff  }
0xf1: {  	v54 =	vld.idx.msk [tilespmem:v1+s24+$0x0], $0xffff  }
0xf2: {  	v4 =	vor.u32 v61, v11;
	[tilespmem:$0x1FA90] =	vst v55;
	v55 =	vld.idx.msk [tilespmem:v1+s25+$0x0], $0xffff  }
0xf3: {  	[tilespmem:$0x1FA80] =	vst v56;
	v56 =	vld.idx.msk [tilespmem:v2+s24+$0x0], $0xffff  }
0xf4: {  	[tilespmem:$0x1FA70] =	vst v57;
	v57 =	vld.idx.msk [tilespmem:v2+s25+$0x0], $0xffff  }
0xf5: {  	v5 =	vor.u32 v58, v11;
	v58 =	vld.idx.msk [tilespmem:v3+s24+$0x0], $0xffff  }
0xf6: {  	[tilespmem:$0x1FA60] =	vst v59;
	v59 =	vld.idx.msk [tilespmem:v3+s25+$0x0], $0xffff  }
0xf7: {  	[tilespmem:$0x1FA50] =	vst v60;
	v60 =	vld.idx.msk [tilespmem:v4+s24+$0x0], $0xffff  }
0xf8: {  	v61 =	vld.idx.msk [tilespmem:v4+s25+$0x0], $0xffff  }
0xf9: {  	v38 =	vld [tilespmem:$0x1FB80]  }
0xfa: {  	v62 =	vld.idx.msk [tilespmem:v5+s24+$0x0], $0xffff  }
0xfb: {  	v63 =	vld.idx.msk [tilespmem:v5+s25+$0x0], $0xffff  }
0xfc: {  	v39 =	vld [tilespmem:$0x19AD0]  }
0xfd: {  	v40 =	vor.u32 v6, v11;
	v2 =	vld [tilespmem:$0x19D60]  }
0xfe: {  	v1 =	vld [tilespmem:$0x19970]  }
0xff: {  	v52 =	vld.idx.msk [tilespmem:v0+s24+$0x0], $0xffff  }
0x100: {  	[tilespmem:$0x1FAA0] =	vst v53;
	v53 =	vld.idx.msk [tilespmem:v0+s25+$0x0], $0xffff  }
0x101: {  	v0 =	vld [tilespmem:$0x19960]  }
0x102: {  	v4 =	vld.idx.msk [tilespmem:v40+s24+$0x0], $0xffff  }
0x103: {  	v3 =	vld.idx.msk [tilespmem:v40+s25+$0x0], $0xffff  }
0x104: {  	v41 =	vor.u32 v38, v11;
	v38 =	vld [tilespmem:$0x19AE0]  }
0x105: {  	v40 =	vld [tilespmem:$0x19AC0]  }
0x106: {  	v43 =	vadd.f32 v43, v42;
	v42 =	vld [tilespmem:$0x19AA0]  }
0x107: {  	v44 =	vadd.f32 v45, v44;
	v45 =	vld [tilespmem:$0x19980]  }
0x108: {  	v46 =	vadd.f32 v47, v46;
	v47 =	vld [tilespmem:$0x19990]  }
0x109: {  	v56 =	vadd.f32 v57, v56;
	v57 =	vld [tilespmem:$0x1FB90]  }
0x10a: {  	v55 =	vadd.f32 v55, v54;
	v54 =	vld [tilespmem:$0x199F0]  }
0x10b: {  	v58 =	vadd.f32 v59, v58;
	v59 =	vld [tilespmem:$0x1FBA0]  }
0x10c: {  	v53 =	vadd.f32 v53, v52;
	v52 =	vld [tilespmem:$0x199E0];
	v43 =	vmax.f32 v43, $0.0e+00  }
0x10d: {  	v44 =	vmax.f32 v44, $0.0e+00;
	v0 =	vmul.f32 v43, v0;
	v43 =	vld [tilespmem:$0x19A90]  }
0x10e: {  	v1 =	vmul.f32 v44, v1;
	v44 =	vadd.f32 v49, v48;
	v48 =	vld [tilespmem:$0x199A0]  }
0x10f: {  	v49 =	vld [tilespmem:$0x199B0]  }
0x110: {  	v6 =	vld.idx.msk [tilespmem:v41+s24+$0x0], $0xffff  }
0x111: {  	v5 =	vld.idx.msk [tilespmem:v41+s25+$0x0], $0xffff  }
0x112: {  	v41 =	vld [tilespmem:$0x19AB0];
	v0 =	vadd.f32 v0, v2  }
0x113: {  	v46 =	vmax.f32 v46, $0.0e+00;
	v2 =	vld [tilespmem:$0x19A80]  }
0x114: {  	v0 =	vadd.f32 v1, v0;
	v1 =	vmul.f32 v46, v45;
	v45 =	vld [tilespmem:$0x19A70]  }
0x115: {  	v44 =	vmax.f32 v44, $0.0e+00;
	v46 =	vadd.f32 v51, v50;
	v50 =	vld [tilespmem:$0x199C0]  }
0x116: {  	v51 =	vld [tilespmem:$0x199D0];
	v0 =	vadd.f32 v1, v0;
	v1 =	vmul.f32 v44, v47  }
0x117: {  	v44 =	vld [tilespmem:$0x19A60];
	v46 =	vmax.f32 v46, $0.0e+00  }
0x118: {  	v0 =	vadd.f32 v1, v0;
	v1 =	vmul.f32 v46, v48;
	v46 =	vld [tilespmem:$0x19A50]  }
0x119: {  	v48 =	vmax.f32 v55, $0.0e+00;
	v55 =	vadd.f32 v61, v60;
	v61 =	vadd.f32 v63, v62;
	v63 =	vld [tilespmem:$0x1FBC0]  }
0x11a: {  	v47 =	vmax.f32 v53, $0.0e+00;
	v60 =	vld [tilespmem:$0x1FBB0]  }
0x11b: {  	v0 =	vadd.f32 v1, v0;
	v1 =	vmul.f32 v47, v49;
	v47 =	vld [tilespmem:$0x19A40]  }
0x11c: {  	v49 =	vmax.f32 v56, $0.0e+00;
	v56 =	vld [tilespmem:$0x19A00];
	v55 =	vmax.f32 v55, $0.0e+00  }
0x11d: {  	v0 =	vadd.f32 v1, v0;
	v1 =	vmul.f32 v48, v50;
	v48 =	vld [tilespmem:$0x19A30];
	v50 =	vor.u32 v57, v11  }
0x11e: {  	v62 =	vmul.f32 v55, v54;
	v54 =	vor.u32 v63, v11;
	v63 =	vld [tilespmem:$0x1FBF0]  }
0x11f: {  	v0 =	vadd.f32 v1, v0;
	v1 =	vmul.f32 v49, v51;
	v49 =	vld [tilespmem:$0x19A20];
	v51 =	vor.u32 v59, v11  }
0x120: {  	v53 =	vmax.f32 v58, $0.0e+00;
	v59 =	vmax.f32 v61, $0.0e+00;
	v61 =	vld [tilespmem:$0x1FBD0]  }
0x121: {  	v0 =	vadd.f32 v1, v0;
	v1 =	vmul.f32 v53, v52;
	v52 =	vld [tilespmem:$0x19A10]  }
0x122: {  	v53 =	vor.u32 v60, v11;
	v58 =	vld.idx.msk [tilespmem:v50+s24+$0x0], $0xffff  }
0x123: {  	v50 =	vld.idx.msk [tilespmem:v50+s25+$0x0], $0xffff  }
0x124: {  	v0 =	vadd.f32 v1, v0;
	v55 =	vld.idx.msk [tilespmem:v51+s24+$0x0], $0xffff  }
0x125: {  	v60 =	vld.idx.msk [tilespmem:v51+s25+$0x0], $0xffff  }
0x126: {  	v3 =	vadd.f32 v3, v4;
	v51 =	vor.u32 v61, v11;
	v0 =	vadd.f32 v62, v0;
	v62 =	vld [tilespmem:$0x1FBE0]  }
0x127: {  	v5 =	vadd.f32 v5, v6;
	v6 =	vld.idx.msk [tilespmem:v53+s24+$0x0], $0xffff  }
0x128: {  	v3 =	vmax.f32 v3, $0.0e+00;
	v53 =	vld.idx.msk [tilespmem:v53+s25+$0x0], $0xffff  }
0x129: {  	v4 =	vmul.f32 v59, v56;
	v56 =	vor.u32 v63, v11;
	v3 =	vmul.f32 v3, v52;
	v52 =	vld.idx.msk [tilespmem:v54+s24+$0x0], $0xffff  }
0x12a: {  	v5 =	vmax.f32 v5, $0.0e+00;
	v54 =	vld.idx.msk [tilespmem:v54+s25+$0x0], $0xffff  }
0x12b: {  	v57 =	vmul.f32 v5, v49;
	v5 =	vld.idx.msk [tilespmem:v51+s24+$0x0], $0xffff  }
0x12c: {  	v0 =	vadd.f32 v4, v0;
	v59 =	vld.idx.msk [tilespmem:v51+s25+$0x0], $0xffff  }
0x12d: {  	v1 =	vadd.f32 v60, v55;
	v60 =	vld [tilespmem:$0x1FC00]  }
0x12e: {  	v0 =	vadd.f32 v3, v0;
	v3 =	vld.idx.msk [tilespmem:v56+s24+$0x0], $0xffff;
	v4 =	vor.u32 v62, v11  }
0x12f: {  	v62 =	vld [tilespmem:$0x1FC10]  }
0x130: {  	v50 =	vadd.f32 v50, v58;
	v63 =	vadd.f32 v54, v52;
	v52 =	vld.idx.msk [tilespmem:v56+s25+$0x0], $0xffff  }
0x131: {  	v56 =	vld [tilespmem:$0x1FC20]  }
0x132: {  	v58 =	vmax.f32 v50, $0.0e+00;
	v51 =	vor.u32 v60, v11;
	v60 =	vld [tilespmem:$0x1FC30]  }
0x133: {  	v61 =	vmul.f32 v58, v48;
	v48 =	vld.idx.msk [tilespmem:v4+s24+$0x0], $0xffff  }
0x134: {  	v6 =	vadd.f32 v53, v6;
	v4 =	vld.idx.msk [tilespmem:v4+s25+$0x0], $0xffff  }
0x135: {  	v49 =	vor.u32 v62, v11;
	v62 =	vld [tilespmem:$0x1FC40]  }
0x136: {  	v6 =	vmax.f32 v6, $0.0e+00;
	v53 =	vor.u32 v56, v11;
	v56 =	vld [tilespmem:$0x1FC50]  }
0x137: {  	v0 =	vadd.f32 v57, v0;
	v57 =	vmul.f32 v6, v46;
	v6 =	vld.idx.msk [tilespmem:v51+s24+$0x0], $0xffff  }
0x138: {  	v5 =	vadd.f32 v59, v5;
	v59 =	vld.idx.msk [tilespmem:v51+s25+$0x0], $0xffff  }
0x139: {  	v1 =	vmax.f32 v1, $0.0e+00;
	v58 =	vmax.f32 v63, $0.0e+00;
	v50 =	vor.u32 v60, v11;
	v60 =	vld [tilespmem:$0x1FC60]  }
0x13a: {  	v1 =	vmul.f32 v1, v47;
	v0 =	vadd.f32 v61, v0;
	v61 =	vmul.f32 v58, v44;
	v44 =	vld.idx.msk [tilespmem:v49+s24+$0x0], $0xffff  }
0x13b: {  	v4 =	vadd.f32 v4, v48;
	v46 =	vld.idx.msk [tilespmem:v49+s25+$0x0], $0xffff  }
0x13c: {  	v0 =	vadd.f32 v1, v0;
	v48 =	vor.u32 v62, v11;
	v54 =	vld.idx.msk [tilespmem:v53+s24+$0x0], $0xffff  }
0x13d: {  	v55 =	vld.idx.msk [tilespmem:v53+s25+$0x0], $0xffff;
	v4 =	vmax.f32 v4, $0.0e+00  }
0x13e: {  	v0 =	vadd.f32 v57, v0;
	v49 =	vor.u32 v56, v11;
	v57 =	vmul.f32 v4, v2;
	v2 =	vld.idx.msk [tilespmem:v50+s24+$0x0], $0xffff  }
0x13f: {  	v58 =	vadd.f32 v59, v6;
	v59 =	vld.idx.msk [tilespmem:v50+s25+$0x0], $0xffff  }
0x140: {  	v50 =	vld [tilespmem:$0x1FC70]  }
0x141: {  	v62 =	vld.idx.msk [tilespmem:v48+s24+$0x0], $0xffff  }
0x142: {  	v5 =	vmax.f32 v5, $0.0e+00;
	v3 =	vadd.f32 v52, v3;
	v48 =	vld.idx.msk [tilespmem:v48+s25+$0x0], $0xffff  }
0x143: {  	v63 =	vmul.f32 v5, v45;
	v0 =	vadd.f32 v61, v0;
	v47 =	vor.u32 v60, v11;
	v52 =	vld.idx.msk [tilespmem:v49+s24+$0x0], $0xffff  }
0x144: {  	v5 =	vadd.f32 v55, v54;
	v54 =	vld.idx.msk [tilespmem:v49+s25+$0x0], $0xffff  }
0x145: {  	v0 =	vadd.f32 v63, v0;
	v63 =	vadd.f32 v46, v44;
	v55 =	vld [tilespmem:$0x1FC80]  }
0x146: {  	v49 =	vld [tilespmem:$0x1FCB0]  }
0x147: {  	v53 =	vmax.f32 v63, $0.0e+00;
	v63 =	vld [tilespmem:$0x1FCA0];
	v46 =	vor.u32 v50, v11  }
0x148: {  	v0 =	vadd.f32 v57, v0;
	v57 =	vld.idx.msk [tilespmem:v47+s24+$0x0], $0xffff  }
0x149: {  	v3 =	vmax.f32 v3, $0.0e+00;
	v4 =	vmax.f32 v58, $0.0e+00;
	v58 =	vld.idx.msk [tilespmem:v47+s25+$0x0], $0xffff  }
0x14a: {  	v61 =	vmul.f32 v3, v43;
	v56 =	vmul.f32 v53, v41;
	v53 =	vld [tilespmem:$0x1FCC0];
	v45 =	vor.u32 v55, v11  }
0x14b: {  	v2 =	vadd.f32 v59, v2;
	v59 =	vld [tilespmem:$0x1FC90]  }
0x14c: {  	v0 =	vadd.f32 v61, v0;
	v51 =	vmul.f32 v4, v42;
	v43 =	vor.u32 v49, v11;
	v61 =	vld.idx.msk [tilespmem:v46+s24+$0x0], $0xffff  }
0x14d: {  	v3 =	vadd.f32 v48, v62;
	v62 =	vld.idx.msk [tilespmem:v46+s25+$0x0], $0xffff  }
0x14e: {  	v0 =	vadd.f32 v51, v0;
	v6 =	vadd.f32 v58, v57;
	v57 =	vld [tilespmem:$0x1FCD0]  }
0x14f: {  	v5 =	vmax.f32 v5, $0.0e+00;
	v44 =	vor.u32 v63, v11;
	v47 =	vld.idx.msk [tilespmem:v45+s24+$0x0], $0xffff  }
0x150: {  	v60 =	vmul.f32 v5, v40;
	v0 =	vadd.f32 v56, v0;
	v48 =	vld.idx.msk [tilespmem:v45+s25+$0x0], $0xffff  }
0x151: {  	v41 =	vor.u32 v53, v11;
	v42 =	vor.u32 v59, v11;
	v59 =	vld.idx.msk [tilespmem:v43+s24+$0x0], $0xffff  }
0x152: {  	v0 =	vadd.f32 v60, v0;
	v60 =	vld.idx.msk [tilespmem:v43+s25+$0x0], $0xffff  }
0x153: {  	v43 =	vld [tilespmem:$0x1FCF0]  }
0x154: {  	v2 =	vmax.f32 v2, $0.0e+00;
	v55 =	vld.idx.msk [tilespmem:v44+s24+$0x0], $0xffff  }
0x155: {  	v4 =	vadd.f32 v54, v52;
	v46 =	vmul.f32 v2, v39;
	v56 =	vld.idx.msk [tilespmem:v44+s25+$0x0], $0xffff  }
0x156: {  	v3 =	vmax.f32 v3, $0.0e+00;
	v63 =	vld.idx.msk [tilespmem:v41+s24+$0x0], $0xffff  }
0x157: {  	v50 =	vmul.f32 v3, v38;
	v4 =	vmax.f32 v4, $0.0e+00;
	v0 =	vadd.f32 v46, v0;
	v51 =	vld.idx.msk [tilespmem:v42+s24+$0x0], $0xffff  }
0x158: {  	v54 =	vmul.f32 v4, v37;
	v52 =	vld.idx.msk [tilespmem:v42+s25+$0x0], $0xffff  }
0x159: {  	v0 =	vadd.f32 v50, v0;
	v5 =	vadd.f32 v62, v61;
	v40 =	vor.u32 v57, v11;
	v61 =	vld [tilespmem:$0x1FCE0]  }
0x15a: {  	v6 =	vmax.f32 v6, $0.0e+00;
	v42 =	vld.idx.msk [tilespmem:v41+s25+$0x0], $0xffff  }
0x15b: {  	v58 =	vmul.f32 v6, v36;
	v0 =	vadd.f32 v54, v0;
	v2 =	vadd.f32 v48, v47;
	v47 =	vld [tilespmem:$0x1FD00]  }
0x15c: {  	v4 =	vadd.f32 v56, v55;
	v55 =	vld [tilespmem:$0x1FD40]  }
0x15d: {  	v38 =	vor.u32 v43, v11;
	v0 =	vadd.f32 v58, v0;
	v58 =	vld [tilespmem:$0x1FEB0]  }
0x15e: {  	v45 =	vld.idx.msk [tilespmem:v40+s24+$0x0], $0xffff  }
0x15f: {  	v39 =	vor.u32 v61, v11;
	v46 =	vld.idx.msk [tilespmem:v40+s25+$0x0], $0xffff  }
0x160: {  	v3 =	vadd.f32 v52, v51;
	v51 =	vld [tilespmem:$0x1FD30]  }
0x161: {  	v61 =	vld [tilespmem:$0x1FEC0];
	v37 =	vor.u32 v47, v11  }
0x162: {  	v5 =	vmax.f32 v5, $0.0e+00;
	v53 =	vld.idx.msk [tilespmem:v38+s24+$0x0], $0xffff  }
0x163: {  	v6 =	vadd.f32 v60, v59;
	v62 =	vmul.f32 v5, v35;
	v54 =	vld.idx.msk [tilespmem:v38+s25+$0x0], $0xffff;
	v35 =	vor.u32 v55, v11  }
0x164: {  	v2 =	vmax.f32 v2, $0.0e+00;
	v49 =	vld.idx.msk [tilespmem:v39+s24+$0x0], $0xffff  }
0x165: {  	v6 =	vmax.f32 v6, $0.0e+00;
	v44 =	vmul.f32 v2, v34;
	v34 =	vor.u32 v58, v11;
	v50 =	vld.idx.msk [tilespmem:v39+s25+$0x0], $0xffff  }
0x166: {  	v0 =	vadd.f32 v62, v0;
	v36 =	vor.u32 v51, v11;
	v2 =	vadd.f32 v46, v45;
	v57 =	vld.idx.msk [tilespmem:v37+s24+$0x0], $0xffff  }
0x167: {  	v5 =	vadd.f32 v42, v63;
	v56 =	vmul.f32 v6, v31;
	v3 =	vmax.f32 v3, $0.0e+00;
	v31 =	vld.idx.msk [tilespmem:v37+s25+$0x0], $0xffff  }
0x168: {  	v0 =	vadd.f32 v44, v0;
	v48 =	vmul.f32 v3, v33;
	v2 =	vmax.f32 v2, $0.0e+00;
	v63 =	vld.idx.msk [tilespmem:v35+s24+$0x0], $0xffff  }
0x169: {  	v4 =	vmax.f32 v4, $0.0e+00;
	v33 =	vor.u32 v61, v11;
	v62 =	vmul.f32 v2, v29;
	v29 =	vld.idx.msk [tilespmem:v35+s25+$0x0], $0xffff  }
0x16a: {  	v52 =	vmul.f32 v4, v32;
	v0 =	vadd.f32 v48, v0;
	v38 =	vld.idx.msk [tilespmem:v34+s24+$0x0], $0xffff  }
0x16b: {  	v5 =	vmax.f32 v5, $0.0e+00;
	v60 =	vld.idx.msk [tilespmem:v36+s24+$0x0], $0xffff  }
0x16c: {  	v59 =	vmul.f32 v5, v30;
	v0 =	vadd.f32 v52, v0;
	v4 =	vadd.f32 v54, v53;
	v30 =	vld.idx.msk [tilespmem:v36+s25+$0x0], $0xffff  }
0x16d: {  	v36 =	vld [tilespmem:$0x1FED0]  }
0x16e: {  	v0 =	vadd.f32 v56, v0;
	v4 =	vmax.f32 v4, $0.0e+00;
	v40 =	vld.idx.msk [tilespmem:v33+s24+$0x0], $0xffff  }
0x16f: {  	v3 =	vadd.f32 v50, v49;
	v39 =	vmul.f32 v4, v27;
	v27 =	vld.idx.msk [tilespmem:v33+s25+$0x0], $0xffff  }
0x170: {  	v49 =	vld [tilespmem:$0x1FE60];
	v0 =	vadd.f32 v59, v0  }
0x171: {  	v3 =	vmax.f32 v3, $0.0e+00;
	v6 =	vadd.f32 v31, v57;
	v31 =	vld [tilespmem:$0x1FEE0]  }
0x172: {  	v0 =	vadd.f32 v62, v0;
	v37 =	vmul.f32 v3, v28;
	v28 =	vld.idx.msk [tilespmem:v34+s25+$0x0], $0xffff;
	v2 =	vadd.f32 v29, v63  }
0x173: {  	v29 =	vld [tilespmem:$0x1FF00];
	v32 =	vor.u32 v36, v11  }
0x174: {  	v0 =	vadd.f32 v37, v0;
	v5 =	vadd.f32 v30, v60;
	v30 =	vld [tilespmem:$0x1FEF0];
	v2 =	vmax.f32 v2, $0.0e+00  }
0x175: {  	v4 =	vadd.f32 v27, v40;
	v45 =	vmul.f32 v2, v24;
	v24 =	vld [tilespmem:$0x1FDE0]  }
0x176: {  	v0 =	vadd.f32 v39, v0;
	v39 =	vld [tilespmem:$0x1FEA0]  }
0x177: {  	v31 =	vor.u32 v31, v11;
	v4 =	vmax.f32 v4, $0.0e+00;
	v3 =	vadd.f32 v28, v38;
	v28 =	vld [tilespmem:$0x1FF10]  }
0x178: {  	v50 =	vmul.f32 v4, v22;
	v22 =	vld [tilespmem:$0x1FD60]  }
0x179: {  	v6 =	vmax.f32 v6, $0.0e+00;
	v42 =	vld.idx.msk [tilespmem:v32+s24+$0x0], $0xffff  }
0x17a: {  	v41 =	vmul.f32 v6, v26;
	v29 =	vor.u32 v29, v11;
	v26 =	vld.idx.msk [tilespmem:v32+s25+$0x0], $0xffff;
	v3 =	vmax.f32 v3, $0.0e+00  }
0x17b: {  	v5 =	vmax.f32 v5, $0.0e+00;
	v47 =	vmul.f32 v3, v23;
	v23 =	vld [tilespmem:$0x1FE40]  }
0x17c: {  	v43 =	vmul.f32 v5, v25;
	v0 =	vadd.f32 v41, v0;
	v30 =	vor.u32 v30, v11;
	v44 =	vld.idx.msk [tilespmem:v31+s24+$0x0], $0xffff  }
0x17d: {  	v25 =	vld.idx.msk [tilespmem:v31+s25+$0x0], $0xffff  }
0x17e: {  	v0 =	vadd.f32 v43, v0;
	v31 =	vld [tilespmem:$0x1FD90]  }
0x17f: {  	v48 =	vld.idx.msk [tilespmem:v29+s24+$0x0], $0xffff  }
0x180: {  	v0 =	vadd.f32 v45, v0;
	v45 =	vld [tilespmem:$0x1FE00]  }
0x181: {  	v46 =	vld.idx.msk [tilespmem:v30+s24+$0x0], $0xffff  }
0x182: {  	v28 =	vor.u32 v28, v11;
	v27 =	vld.idx.msk [tilespmem:v30+s25+$0x0], $0xffff  }
0x183: {  	v30 =	vld [tilespmem:$0x1FF20]  }
0x184: {  	v6 =	vadd.f32 v26, v42;
	v26 =	vld.idx.msk [tilespmem:v29+s25+$0x0], $0xffff  }
0x185: {  	v29 =	vld [tilespmem:$0x1FF30]  }
0x186: {  	v24 =	vsel vm0, v24, v31;
	v31 =	vld [tilespmem:$0x1FD70]  }
0x187: {  	v51 =	vld.idx.msk [tilespmem:v28+s24+$0x0], $0xffff  }
0x188: {  	v5 =	vadd.f32 v25, v44;
	v25 =	vld.idx.msk [tilespmem:v28+s25+$0x0], $0xffff  }
0x189: {  	v0 =	vadd.f32 v47, v0;
	v6 =	vmax.f32 v6, $0.0e+00;
	v28 =	vld [tilespmem:$0x1FF40]  }
0x18a: {  	v52 =	vmul.f32 v6, v21;
	v21 =	vld [tilespmem:$0x1FE70];
	v5 =	vmax.f32 v5, $0.0e+00  }
0x18b: {  	v0 =	vadd.f32 v50, v0;
	v54 =	vmul.f32 v5, v20;
	v20 =	vld [tilespmem:$0x1FE50]  }
0x18c: {  	v30 =	vor.u32 v30, v11;
	v2 =	vadd.f32 v27, v46;
	v3 =	vadd.f32 v26, v48;
	v26 =	vld [tilespmem:$0x1FD80]  }
0x18d: {  	v48 =	vld [tilespmem:$0x1FE10]  }
0x18e: {  	v0 =	vadd.f32 v52, v0;
	v52 =	vld [tilespmem:$0x1FE20];
	v2 =	vmax.f32 v2, $0.0e+00  }
0x18f: {  	v29 =	vor.u32 v29, v11;
	v3 =	vmax.f32 v3, $0.0e+00;
	v56 =	vmul.f32 v2, v19;
	v19 =	vld [tilespmem:$0x1FD10]  }
0x190: {  	v58 =	vmul.f32 v3, v18;
	v18 =	vld [tilespmem:$0x1FDB0]  }
0x191: {  	v53 =	vld.idx.msk [tilespmem:v30+s24+$0x0], $0xffff  }
0x192: {  	v27 =	vld.idx.msk [tilespmem:v30+s25+$0x0], $0xffff  }
0x193: {  	v0 =	vadd.f32 v54, v0;
	v30 =	vld [tilespmem:$0x1FD50]  }
0x194: {  	v28 =	vor.u32 v28, v11;
	v21 =	vsel vm0, v21, v49;
	v4 =	vadd.f32 v25, v51;
	v55 =	vld.idx.msk [tilespmem:v29+s24+$0x0], $0xffff  }
0x195: {  	v22 =	vsel vm0, v31, v22;
	v31 =	vcombine.low v20, v21;
	v20 =	vld.idx.msk [tilespmem:v29+s25+$0x0], $0xffff  }
0x196: {  	v26 =	vor.u32 v26, v11;
	v29 =	vld [tilespmem:$0x1FD20];
	v0 =	vadd.f32 v56, v0;
	v4 =	vmax.f32 v4, $0.0e+00  }
0x197: {  	v60 =	vmul.f32 v4, v17;
	v17 =	vld [tilespmem:$0x1FDC0]  }
0x198: {  	v0 =	vadd.f32 v58, v0;
	v58 =	vld [tilespmem:$0x1FA60]  }
0x199: {  	v57 =	vld.idx.msk [tilespmem:v28+s24+$0x0], $0xffff  }
0x19a: {  	v25 =	vld.idx.msk [tilespmem:v28+s25+$0x0], $0xffff;
	v28 =	vor.u32 v31, v11  }
0x19b: {  	v61 =	vld.idx.msk [tilespmem:v26+s24+$0x0], $0xffff  }
0x19c: {  	v19 =	vsel vm0, v29, v19;
	v6 =	vadd.f32 v27, v53;
	v53 =	vld [tilespmem:$0x1FA50]  }
0x19d: {  	v30 =	vor.u32 v30, v11;
	v29 =	vcombine.low v19, v18;
	v19 =	vld [tilespmem:$0x1FDA0]  }
0x19e: {  	v5 =	vadd.f32 v20, v55;
	v22 =	vcombine.low v22, v17;
	v17 =	vld.idx.msk [tilespmem:v26+s25+$0x0], $0xffff  }
0x19f: {  	v6 =	vmax.f32 v6, $0.0e+00;
	v63 =	vld.idx.msk [tilespmem:v28+s24+$0x0], $0xffff  }
0x1a0: {  	v5 =	vmax.f32 v5, $0.0e+00;
	v62 =	vmul.f32 v6, v16;
	v16 =	vld [tilespmem:$0x1FE80]  }
0x1a1: {  	v32 =	vmul.f32 v5, v15;
	v15 =	vld [tilespmem:$0x1FE90]  }
0x1a2: {  	v20 =	vor.u32 v29, v11;
	v59 =	vld.idx.msk [tilespmem:v30+s24+$0x0], $0xffff  }
0x1a3: {  	v0 =	vadd.f32 v60, v0;
	v18 =	vld.idx.msk [tilespmem:v30+s25+$0x0], $0xffff;
	v19 =	vor.u32 v19, v11  }
0x1a4: {  	v2 =	vadd.f32 v25, v57;
	v57 =	vld [tilespmem:$0x1FE30]  }
0x1a5: {  	v23 =	vsel vm0, v49, v23;
	v0 =	vadd.f32 v62, v0;
	v62 =	vld [tilespmem:$0x1FA70]  }
0x1a6: {  	[tilespmem:$0x1FA10] =	vst v22;
	v22 =	vor.u32 v22, v11;
	v23 =	vcombine.low v23, v16;
	v16 =	vld.idx.msk [tilespmem:v28+s25+$0x0], $0xffff  }
0x1a7: {  	v35 =	vld.idx.msk [tilespmem:v20+s24+$0x0], $0xffff  }
0x1a8: {  	v3 =	vadd.f32 v18, v59;
	v18 =	vor.u32 v23, v11;
	v33 =	vld.idx.msk [tilespmem:v19+s24+$0x0], $0xffff  }
0x1a9: {  	v2 =	vmax.f32 v2, $0.0e+00;
	v24 =	vcombine.low v24, v15;
	v15 =	vld.idx.msk [tilespmem:v19+s25+$0x0], $0xffff  }
0x1aa: {  	v34 =	vmul.f32 v2, v14;
	v14 =	vld.idx.msk [tilespmem:v20+s25+$0x0], $0xffff  }
0x1ab: {  	v0 =	vadd.f32 v32, v0;
	v37 =	vld.idx.msk [tilespmem:v22+s24+$0x0], $0xffff  }
0x1ac: {  	v4 =	vadd.f32 v17, v61;
	v3 =	vmax.f32 v3, $0.0e+00;
	v6 =	vadd.f32 v16, v63;
	v16 =	vld [tilespmem:$0x1FDD0]  }
0x1ad: {  	v0 =	vadd.f32 v34, v0;
	v17 =	vor.u32 v24, v11;
	v36 =	vmul.f32 v3, v13;
	v38 =	vld.idx.msk [tilespmem:v18+s24+$0x0], $0xffff  }
0x1ae: {  	v4 =	vmax.f32 v4, $0.0e+00;
	v5 =	vadd.f32 v15, v33;
	v15 =	vld.idx.msk [tilespmem:v18+s25+$0x0], $0xffff  }
0x1af: {  	v4 =	vmul.f32 v4, v7;
	v1 =	vadd.f32 v36, v0;
	v0 =	vcombine.low v21, v39;
	v18 =	vld [tilespmem:$0x1FDF0]  }
0x1b0: {  	v34 =	vld [tilespmem:$0x1FA80];
	v2 =	vadd.f32 v14, v35;
	v6 =	vmax.f32 v6, $0.0e+00  }
0x1b1: {  	v13 =	vld.idx.msk [tilespmem:v22+s25+$0x0], $0xffff;
	v40 =	vmul.f32 v6, v12;
	v1 =	vadd.f32 v4, v1;
	v14 =	vor.u32 v0, v11  }
0x1b2: {  	v41 =	vld.idx.msk [tilespmem:v17+s24+$0x0], $0xffff;
	v16 =	vor.u32 v16, v11;
	v5 =	vmax.f32 v5, $0.0e+00  }
0x1b3: {  	v12 =	vld.idx.msk [tilespmem:v17+s25+$0x0], $0xffff;
	v1 =	vadd.f32 v40, v1;
	v42 =	vmul.f32 v5, v10  }
0x1b4: {  	v18 =	vor.u32 v18, v11;
	v7 =	vadd.f32 v15, v38;
	v38 =	vld [tilespmem:$0x1FA90]  }
0x1b5: {  	v1 =	vadd.f32 v42, v1;
	v42 =	vld [tilespmem:$0x1FAA0]  }
0x1b6: {  	v50 =	vld.idx.msk [tilespmem:v14+s24+$0x0], $0xffff  }
0x1b7: {  	v2 =	vmax.f32 v2, $0.0e+00;
	v3 =	vadd.f32 v13, v37;
	v13 =	vor.u32 v45, v11;
	v43 =	vld.idx.msk [tilespmem:v16+s24+$0x0], $0xffff  }
0x1b8: {  	v2 =	vmul.f32 v2, v9;
	v44 =	vld.idx.msk [tilespmem:v16+s25+$0x0], $0xffff  }
0x1b9: {  	v3 =	vmax.f32 v3, $0.0e+00;
	v15 =	vor.u32 v48, v11;
	v46 =	vld.idx.msk [tilespmem:v18+s24+$0x0], $0xffff  }
0x1ba: {  	v49 =	vmul.f32 v3, v8;
	v1 =	vadd.f32 v2, v1;
	v47 =	vld.idx.msk [tilespmem:v18+s25+$0x0], $0xffff  }
0x1bb: {  	v6 =	vadd.f32 v12, v41;
	v12 =	vor.u32 v52, v11;
	v51 =	vld.idx.msk [tilespmem:v14+s25+$0x0], $0xffff;
	v7 =	vmax.f32 v7, $0.0e+00  }
0x1bc: {  	v55 =	vld.idx.msk [tilespmem:v13+s24+$0x0], $0xffff;
	v54 =	vmul.f32 v7, v53;
	v1 =	vadd.f32 v49, v1  }
0x1bd: {  	v11 =	vor.u32 v57, v11;
	v6 =	vmax.f32 v6, $0.0e+00;
	v56 =	vld.idx.msk [tilespmem:v13+s25+$0x0], $0xffff;
	v5 =	vadd.f32 v44, v43  }
0x1be: {  	v59 =	vmul.f32 v6, v58;
	v60 =	vld.idx.msk [tilespmem:v15+s24+$0x0], $0xffff;
	v1 =	vadd.f32 v54, v1  }
0x1bf: {  	v61 =	vld.idx.msk [tilespmem:v15+s25+$0x0], $0xffff;
	v5 =	vmax.f32 v5, $0.0e+00;
	v4 =	vadd.f32 v47, v46  }
0x1c0: {  	v32 =	vld.idx.msk [tilespmem:v12+s24+$0x0], $0xffff;
	v1 =	vadd.f32 v59, v1;
	v63 =	vmul.f32 v5, v62  }
0x1c1: {  	v33 =	vld.idx.msk [tilespmem:v12+s25+$0x0], $0xffff;
	v3 =	vadd.f32 v51, v50;
	v4 =	vmax.f32 v4, $0.0e+00  }
0x1c2: {  	v36 =	vld.idx.msk [tilespmem:v11+s24+$0x0], $0xffff;
	v1 =	vadd.f32 v63, v1;
	v35 =	vmul.f32 v4, v34  }
0x1c3: {  	v7 =	vadd.f32 v56, v55;
	v3 =	vmax.f32 v3, $0.0e+00;
	v46 =	vld [tilespmem:$0x1FAB0]  }
0x1c4: {  	v37 =	vld.idx.msk [tilespmem:v11+s25+$0x0], $0xffff;
	v39 =	vmul.f32 v3, v38;
	v1 =	vadd.f32 v35, v1  }
0x1c5: {  	v41 =	vld [tilespmem:$0x19D40];
	v40 =	vmax.f32 v7, $0.0e+00;
	v6 =	vadd.f32 v61, v60  }
0x1c6: {  	v43 =	vmul.f32 v40, v42;
	v1 =	vadd.f32 v39, v1  }
0x1c7: {  	v45 =	vld [tilespmem:$0x19D50];
	v5 =	vadd.f32 v33, v32;
	v44 =	vmax.f32 v6, $0.0e+00  }
0x1c8: {  	v47 =	vmul.f32 v44, v46;
	v1 =	vadd.f32 v43, v1  }
0x1c9: {  	v48 =	vmax.f32 v5, $0.0e+00;
	v4 =	vadd.f32 v37, v36  }
0x1ca: {  	v49 =	vmul.f32 v48, v41;
	v1 =	vadd.f32 v47, v1  }
0x1cb: {  	v50 =	vmax.f32 v4, $0.0e+00  }
0x1cc: {  	v51 =	vmul.f32 v50, v45;
	v1 =	vadd.f32 v49, v1;
	_ =	sdelay $0x1  }
0x1cd: {  	v1 =	vadd.f32 v51, v1  }
0x1ce: {  	s30 =	simm.s32 $0x19640  }
0x1cf: {  	[tilespmem:s30+$0x0] =	vst v1  }
0x1d0: {  	v52 =	vld [tilespmem:$0x19D30]  }
0x1d1: {  	v53 =	vld [tilespmem:$0x19D20]  }
0x1d2: {  	v54 =	vld [tilespmem:$0x19D10]  }
0x1d3: {  	v55 =	vld [tilespmem:$0x19D00]  }
0x1d4: {  	v56 =	vld [tilespmem:$0x19CF0]  }
0x1d5: {  	v57 =	vld [tilespmem:$0x19CE0]  }
0x1d6: {  	v58 =	vld [tilespmem:$0x19CD0]  }
0x1d7: {  	v59 =	vld [tilespmem:$0x19CC0]  }
0x1d8: {  	v60 =	vld [tilespmem:$0x19CB0]  }
0x1d9: {  	v61 =	vld [tilespmem:$0x19CA0]  }
0x1da: {  	v62 =	vld [tilespmem:$0x19C90]  }
0x1db: {  	v12 =	vld [tilespmem:$0x19C80]  }
0x1dc: {  	v13 =	vld [tilespmem:$0x19C70]  }
0x1dd: {  	v14 =	vld [tilespmem:$0x19C60]  }
0x1de: {  	v15 =	vld [tilespmem:$0x19C50]  }
0x1df: {  	v16 =	vld [tilespmem:$0x19C40]  }
0x1e0: {  	v17 =	vld [tilespmem:$0x19C30]  }
0x1e1: {  	v18 =	vld [tilespmem:$0x19C20]  }
0x1e2: {  	v19 =	vld [tilespmem:$0x19C10]  }
0x1e3: {  	v20 =	vld [tilespmem:$0x19C00]  }
0x1e4: {  	v21 =	vld [tilespmem:$0x19BF0]  }
0x1e5: {  	v22 =	vld [tilespmem:$0x19BE0]  }
0x1e6: {  	[tilespmem:$0x1FA20] =	vst v23;
	v23 =	vld [tilespmem:$0x19BD0]  }
0x1e7: {  	[tilespmem:$0x1FA30] =	vst v24;
	v24 =	vld [tilespmem:$0x19BC0]  }
0x1e8: {  	v25 =	vld [tilespmem:$0x19BB0]  }
0x1e9: {  	v26 =	vld [tilespmem:$0x19BA0]  }
0x1ea: {  	v27 =	vld [tilespmem:$0x19B90]  }
0x1eb: {  	v28 =	vld [tilespmem:$0x19B80]  }
0x1ec: {  	[tilespmem:$0x1FA00] =	vst v29;
	v29 =	vld [tilespmem:$0x19B70]  }
0x1ed: {  	v30 =	vld [tilespmem:$0x19B60]  }
0x1ee: {  	[tilespmem:$0x1F9F0] =	vst v31;
	v31 =	vld [tilespmem:$0x19B50]  }
0x1ef: {  	v32 =	vld [tilespmem:$0x19B40]  }
0x1f0: {  	v33 =	vld [tilespmem:$0x19B30]  }
0x1f1: {  	v34 =	vld [tilespmem:$0x19B20]  }
0x1f2: {  	v35 =	vld [tilespmem:$0x19B10]  }
0x1f3: {  	v36 =	vld [tilespmem:$0x19B00]  }
0x1f4: {  	v39 =	vld [tilespmem:$0x19AF0]  }
0x1f5: {  	v43 =	vld [tilespmem:$0x19AE0]  }
0x1f6: {  	v44 =	vld [tilespmem:$0x19AD0]  }
0x1f7: {  	v45 =	vld [tilespmem:$0x19AC0]  }
0x1f8: {  	v50 =	vld [tilespmem:$0x19AB0]  }
0x1f9: {  	v37 =	vld [tilespmem:$0x19A40]  }
0x1fa: {  	v38 =	vld [tilespmem:$0x19A30]  }
0x1fb: {  	v40 =	vld [tilespmem:$0x19A20]  }
0x1fc: {  	v41 =	vld [tilespmem:$0x19A10]  }
0x1fd: {  	[tilespmem:$0x1FA40] =	vst v0;
	v47 =	vld [tilespmem:$0x19A00]  }
0x1fe: {  	v48 =	vld [tilespmem:$0x199F0];
	[tilespmem:$0x1FAC0] =	vst v52  }
0x1ff: {  	v46 =	vld [tilespmem:$0x199E0];
	[tilespmem:$0x1FAD0] =	vst v53  }
0x200: {  	v49 =	vld [tilespmem:$0x199D0];
	[tilespmem:$0x1FAE0] =	vst v54  }
0x201: {  	v51 =	vld [tilespmem:$0x199C0];
	[tilespmem:$0x1FAF0] =	vst v55  }
0x202: {  	[tilespmem:$0x1FB00] =	vst v56;
	v53 =	vld [tilespmem:$0x19AA0]  }
0x203: {  	[tilespmem:$0x1FB10] =	vst v57;
	v54 =	vld [tilespmem:$0x19A90]  }
0x204: {  	[tilespmem:$0x1FB20] =	vst v58;
	v55 =	vld [tilespmem:$0x19A80]  }
0x205: {  	[tilespmem:$0x1FB30] =	vst v59;
	v56 =	vld [tilespmem:$0x19A70]  }
0x206: {  	s3 =	simm.s32 $0x10;
	[tilespmem:$0x1FB40] =	vst v60;
	v57 =	vld [tilespmem:$0x19A60]  }
0x207: {  	v63 =	vmov s3;
	[tilespmem:$0x1FB50] =	vst v61;
	v58 =	vld [tilespmem:$0x19A50]  }
0x208: {  	s31 =	simm.s32 $0x20;
	v42 =	vshll.u32 v63, $0x6;
	[tilespmem:$0x1FB60] =	vst v62;
	v52 =	vld [tilespmem:$0x199B0]  }
.LBB2_6:
0x209: {  	v0 =	vld [tilespmem:$0x1FFE0]  }
0x20a: {  	v63 =	vld [tilespmem:$0x19980]  }
0x20b: {  	v60 =	vld [tilespmem:$0x19D60]  }
0x20c: {  	v11 =	vld [tilespmem:$0x1FFF0]  }
0x20d: {  	v1 =	vld [tilespmem:$0x19970]  }
0x20e: {  	v10 =	vlaneseq.u32;
	v3 =	vld [tilespmem:$0x1FF50];
	v42 =	vor.u32 v0, v42  }
0x20f: {  	v2 =	vld [tilespmem:$0x19960];
	v61 =	vor.u32 v10, v42  }
0x210: {  	v5 =	vld [tilespmem:$0x1FF60]  }
0x211: {  	v7 =	vld [tilespmem:$0x1FF70];
	v0 =	vor.u32 v11, v42  }
0x212: {  	v9 =	vld [tilespmem:$0x1FF80]  }
0x213: {  	v3 =	vor.u32 v3, v42;
	v11 =	vld [tilespmem:$0x1FF90]  }
0x214: {  	v4 =	vld.idx.msk [tilespmem:v61+s24+$0x0], $0xffff  }
0x215: {  	v5 =	vor.u32 v5, v42;
	v61 =	vld.idx.msk [tilespmem:v61+s25+$0x0], $0xffff  }
0x216: {  	v6 =	vld.idx.msk [tilespmem:v0+s24+$0x0], $0xffff  }
0x217: {  	v7 =	vor.u32 v7, v42;
	v0 =	vld.idx.msk [tilespmem:v0+s25+$0x0], $0xffff  }
0x218: {  	v8 =	vld.idx.msk [tilespmem:v3+s24+$0x0], $0xffff  }
0x219: {  	v3 =	vld.idx.msk [tilespmem:v3+s25+$0x0], $0xffff  }
0x21a: {  	v9 =	vor.u32 v9, v42;
	v10 =	vld.idx.msk [tilespmem:v5+s24+$0x0], $0xffff  }
0x21b: {  	v5 =	vld.idx.msk [tilespmem:v5+s25+$0x0], $0xffff  }
0x21c: {  	v4 =	vadd.f32 v61, v4;
	v61 =	vor.u32 v11, v42;
	v11 =	vld.idx.msk [tilespmem:v7+s24+$0x0], $0xffff  }
0x21d: {  	v0 =	vadd.f32 v0, v6;
	v6 =	vld.idx.msk [tilespmem:v7+s25+$0x0], $0xffff  }
0x21e: {  	v7 =	vld [tilespmem:$0x1FFA0]  }
0x21f: {  	v3 =	vadd.f32 v3, v8;
	v8 =	vld.idx.msk [tilespmem:v9+s25+$0x0], $0xffff;
	v4 =	vmax.f32 v4, $0.0e+00  }
0x220: {  	v2 =	vmul.f32 v4, v2;
	v4 =	vld.idx.msk [tilespmem:v9+s24+$0x0], $0xffff  }
0x221: {  	v0 =	vmax.f32 v0, $0.0e+00;
	v9 =	vld [tilespmem:$0x1FFB0]  }
0x222: {  	v0 =	vmul.f32 v0, v1;
	v1 =	vld.idx.msk [tilespmem:v61+s24+$0x0], $0xffff  }
0x223: {  	v5 =	vadd.f32 v5, v10;
	v10 =	vld.idx.msk [tilespmem:v61+s25+$0x0], $0xffff  }
0x224: {  	v61 =	vld [tilespmem:$0x1FFC0]  }
0x225: {  	v59 =	vld [tilespmem:$0x199A0];
	v7 =	vor.u32 v7, v42  }
0x226: {  	v2 =	vadd.f32 v2, v60;
	v60 =	vld [tilespmem:$0x1FFD0]  }
0x227: {  	v62 =	vld [tilespmem:$0x19990];
	v3 =	vmax.f32 v3, $0.0e+00;
	v9 =	vor.u32 v9, v42  }
0x228: {  	v0 =	vadd.f32 v0, v2;
	v2 =	vmul.f32 v3, v63;
	v63 =	vld [tilespmem:$0x1FBD0]  }
0x229: {  	v6 =	vadd.f32 v6, v11;
	v11 =	vor.u32 v61, v42;
	v61 =	vld [tilespmem:$0x1FB70]  }
0x22a: {  	v3 =	vld.idx.msk [tilespmem:v7+s24+$0x0], $0xffff  }
0x22b: {  	v5 =	vmax.f32 v5, $0.0e+00;
	v60 =	vor.u32 v60, v42;
	v7 =	vld.idx.msk [tilespmem:v7+s25+$0x0], $0xffff  }
0x22c: {  	v0 =	vadd.f32 v2, v0;
	v2 =	vmul.f32 v5, v62;
	v1 =	vadd.f32 v10, v1;
	v5 =	vld.idx.msk [tilespmem:v9+s24+$0x0], $0xffff  }
0x22d: {  	v4 =	vadd.f32 v8, v4;
	v8 =	vld.idx.msk [tilespmem:v9+s25+$0x0], $0xffff  }
0x22e: {  	v1 =	vmax.f32 v1, $0.0e+00;
	v9 =	vor.u32 v61, v42;
	v61 =	vld [tilespmem:$0x1FB80]  }
0x22f: {  	v6 =	vmax.f32 v6, $0.0e+00;
	v1 =	vmul.f32 v1, v51;
	v51 =	vld [tilespmem:$0x1FBA0]  }
0x230: {  	v0 =	vadd.f32 v2, v0;
	v2 =	vmul.f32 v6, v59;
	v6 =	vld.idx.msk [tilespmem:v60+s24+$0x0], $0xffff  }
0x231: {  	v4 =	vmax.f32 v4, $0.0e+00;
	v10 =	vld.idx.msk [tilespmem:v60+s25+$0x0], $0xffff  }
0x232: {  	v60 =	vmul.f32 v4, v52;
	v4 =	vld.idx.msk [tilespmem:v11+s24+$0x0], $0xffff  }
0x233: {  	v3 =	vadd.f32 v7, v3;
	v7 =	vld.idx.msk [tilespmem:v11+s25+$0x0], $0xffff;
	v59 =	vor.u32 v61, v42  }
0x234: {  	v0 =	vadd.f32 v2, v0;
	v61 =	vld [tilespmem:$0x1FB90]  }
0x235: {  	v2 =	vld.idx.msk [tilespmem:v9+s24+$0x0], $0xffff  }
0x236: {  	v0 =	vadd.f32 v60, v0;
	v5 =	vadd.f32 v8, v5;
	v8 =	vld.idx.msk [tilespmem:v9+s25+$0x0], $0xffff;
	v9 =	vor.u32 v51, v42  }
0x237: {  	v62 =	vld [tilespmem:$0x1FBC0];
	v3 =	vmax.f32 v3, $0.0e+00  }
0x238: {  	v52 =	vmul.f32 v3, v49;
	v0 =	vadd.f32 v1, v0;
	v6 =	vadd.f32 v10, v6;
	v3 =	vld.idx.msk [tilespmem:v59+s24+$0x0], $0xffff  }
0x239: {  	v5 =	vmax.f32 v5, $0.0e+00;
	v4 =	vadd.f32 v7, v4;
	v11 =	vor.u32 v61, v42;
	v60 =	vld.idx.msk [tilespmem:v59+s25+$0x0], $0xffff  }
0x23a: {  	v0 =	vadd.f32 v52, v0;
	v46 =	vmul.f32 v5, v46;
	v6 =	vmax.f32 v6, $0.0e+00;
	v61 =	vld [tilespmem:$0x1FBB0]  }
0x23b: {  	v48 =	vmul.f32 v6, v48;
	v6 =	vld.idx.msk [tilespmem:v9+s24+$0x0], $0xffff  }
0x23c: {  	v4 =	vmax.f32 v4, $0.0e+00;
	v0 =	vadd.f32 v46, v0;
	v51 =	vld.idx.msk [tilespmem:v9+s25+$0x0], $0xffff  }
0x23d: {  	v2 =	vadd.f32 v8, v2;
	v59 =	vmul.f32 v4, v47;
	v47 =	vld [tilespmem:$0x1FBF0]  }
0x23e: {  	v52 =	vor.u32 v63, v42;
	v0 =	vadd.f32 v48, v0;
	v5 =	vld.idx.msk [tilespmem:v11+s24+$0x0], $0xffff  }
0x23f: {  	v2 =	vmax.f32 v2, $0.0e+00;
	v49 =	vor.u32 v61, v42;
	v7 =	vld.idx.msk [tilespmem:v11+s25+$0x0], $0xffff  }
0x240: {  	v0 =	vadd.f32 v59, v0;
	v3 =	vadd.f32 v60, v3;
	v60 =	vld [tilespmem:$0x1FBE0];
	v61 =	vmul.f32 v2, v41  }
0x241: {  	v11 =	vor.u32 v62, v42;
	v6 =	vadd.f32 v51, v6;
	v51 =	vld [tilespmem:$0x1FC00]  }
0x242: {  	v3 =	vmax.f32 v3, $0.0e+00;
	v0 =	vadd.f32 v61, v0;
	v61 =	vld [tilespmem:$0x1FC10]  }
0x243: {  	v48 =	vmul.f32 v3, v40;
	v3 =	vld.idx.msk [tilespmem:v52+s24+$0x0], $0xffff  }
0x244: {  	v4 =	vld.idx.msk [tilespmem:v49+s24+$0x0], $0xffff  }
0x245: {  	v10 =	vld.idx.msk [tilespmem:v49+s25+$0x0], $0xffff;
	v46 =	vor.u32 v60, v42  }
0x246: {  	v2 =	vld.idx.msk [tilespmem:v11+s24+$0x0], $0xffff  }
0x247: {  	v41 =	vld.idx.msk [tilespmem:v11+s25+$0x0], $0xffff;
	v11 =	vor.u32 v47, v42  }
0x248: {  	v49 =	vld.idx.msk [tilespmem:v52+s25+$0x0], $0xffff  }
0x249: {  	v5 =	vadd.f32 v7, v5;
	v9 =	vor.u32 v51, v42;
	v51 =	vld [tilespmem:$0x1FC30]  }
0x24a: {  	v59 =	vld.idx.msk [tilespmem:v46+s24+$0x0], $0xffff  }
0x24b: {  	v5 =	vmax.f32 v5, $0.0e+00;
	v60 =	vld.idx.msk [tilespmem:v46+s25+$0x0], $0xffff  }
0x24c: {  	v52 =	vmul.f32 v5, v38;
	v38 =	vor.u32 v61, v42;
	v40 =	vld.idx.msk [tilespmem:v11+s24+$0x0], $0xffff  }
0x24d: {  	v2 =	vadd.f32 v41, v2;
	v41 =	vld.idx.msk [tilespmem:v11+s25+$0x0], $0xffff  }
0x24e: {  	v6 =	vmax.f32 v6, $0.0e+00;
	v46 =	vld [tilespmem:$0x1FC20]  }
0x24f: {  	v37 =	vmul.f32 v6, v37;
	v0 =	vadd.f32 v48, v0;
	v4 =	vadd.f32 v10, v4;
	v48 =	vld.idx.msk [tilespmem:v9+s24+$0x0], $0xffff  }
0x250: {  	v3 =	vadd.f32 v49, v3;
	v49 =	vld.idx.msk [tilespmem:v9+s25+$0x0], $0xffff;
	v9 =	vor.u32 v51, v42;
	v2 =	vmax.f32 v2, $0.0e+00  }
0x251: {  	v0 =	vadd.f32 v52, v0;
	v4 =	vmax.f32 v4, $0.0e+00;
	v52 =	vmul.f32 v2, v57;
	v57 =	vld.idx.msk [tilespmem:v38+s24+$0x0], $0xffff  }
0x252: {  	v47 =	vmul.f32 v4, v58;
	v58 =	vld.idx.msk [tilespmem:v38+s25+$0x0], $0xffff  }
0x253: {  	v0 =	vadd.f32 v37, v0;
	v5 =	vadd.f32 v60, v59;
	v59 =	vld [tilespmem:$0x1FC40]  }
0x254: {  	v6 =	vadd.f32 v41, v40;
	v41 =	vld [tilespmem:$0x1FC50]  }
0x255: {  	v11 =	vor.u32 v46, v42;
	v0 =	vadd.f32 v47, v0;
	v47 =	vld.idx.msk [tilespmem:v9+s24+$0x0], $0xffff  }
0x256: {  	v4 =	vadd.f32 v49, v48;
	v48 =	vld.idx.msk [tilespmem:v9+s25+$0x0], $0xffff  }
0x257: {  	v49 =	vld [tilespmem:$0x1FC60];
	v5 =	vmax.f32 v5, $0.0e+00  }
0x258: {  	v3 =	vmax.f32 v3, $0.0e+00;
	v4 =	vmax.f32 v4, $0.0e+00;
	v46 =	vmul.f32 v5, v55;
	v55 =	vld [tilespmem:$0x1FC70]  }
0x259: {  	v60 =	vmul.f32 v3, v56;
	v56 =	vmul.f32 v4, v53;
	v53 =	vld [tilespmem:$0x1FCB0]  }
0x25a: {  	v37 =	vor.u32 v59, v42;
	v61 =	vld.idx.msk [tilespmem:v11+s24+$0x0], $0xffff  }
0x25b: {  	v40 =	vld.idx.msk [tilespmem:v11+s25+$0x0], $0xffff  }
0x25c: {  	v11 =	vor.u32 v41, v42;
	v59 =	vld [tilespmem:$0x1FC80]  }
0x25d: {  	v41 =	vld [tilespmem:$0x1FC90]  }
0x25e: {  	v9 =	vor.u32 v49, v42;
	v49 =	vld [tilespmem:$0x1FCA0]  }
0x25f: {  	v0 =	vadd.f32 v52, v0;
	v6 =	vmax.f32 v6, $0.0e+00;
	v52 =	vld.idx.msk [tilespmem:v37+s24+$0x0], $0xffff  }
0x260: {  	v51 =	vmul.f32 v6, v54;
	v54 =	vld.idx.msk [tilespmem:v37+s25+$0x0], $0xffff  }
0x261: {  	v2 =	vadd.f32 v58, v57;
	v37 =	vor.u32 v55, v42;
	v57 =	vld.idx.msk [tilespmem:v11+s24+$0x0], $0xffff  }
0x262: {  	v3 =	vadd.f32 v40, v61;
	v58 =	vld.idx.msk [tilespmem:v11+s25+$0x0], $0xffff  }
0x263: {  	v0 =	vadd.f32 v60, v0;
	v11 =	vor.u32 v59, v42;
	v61 =	vld.idx.msk [tilespmem:v9+s24+$0x0], $0xffff  }
0x264: {  	v40 =	vld.idx.msk [tilespmem:v9+s25+$0x0], $0xffff;
	v3 =	vmax.f32 v3, $0.0e+00  }
0x265: {  	v0 =	vadd.f32 v46, v0;
	v9 =	vor.u32 v41, v42;
	v46 =	vmul.f32 v3, v45;
	v45 =	vld [tilespmem:$0x1FCF0]  }
0x266: {  	v5 =	vadd.f32 v48, v47;
	v47 =	vld.idx.msk [tilespmem:v37+s24+$0x0], $0xffff  }
0x267: {  	v48 =	vld.idx.msk [tilespmem:v37+s25+$0x0], $0xffff  }
0x268: {  	v0 =	vadd.f32 v51, v0;
	v51 =	vld.idx.msk [tilespmem:v11+s24+$0x0], $0xffff  }
0x269: {  	v6 =	vadd.f32 v54, v52;
	v52 =	vld.idx.msk [tilespmem:v11+s25+$0x0], $0xffff  }
0x26a: {  	v55 =	vld.idx.msk [tilespmem:v9+s24+$0x0], $0xffff  }
0x26b: {  	v0 =	vadd.f32 v56, v0;
	v56 =	vld.idx.msk [tilespmem:v9+s25+$0x0], $0xffff  }
0x26c: {  	v2 =	vmax.f32 v2, $0.0e+00;
	v37 =	vor.u32 v49, v42;
	v4 =	vadd.f32 v58, v57;
	v57 =	vld [tilespmem:$0x1FCC0]  }
0x26d: {  	v60 =	vmul.f32 v2, v50;
	v2 =	vadd.f32 v40, v61;
	v61 =	vld [tilespmem:$0x1FCD0]  }
0x26e: {  	v11 =	vor.u32 v53, v42;
	v40 =	vld [tilespmem:$0x1FCE0]  }
0x26f: {  	v49 =	vld [tilespmem:$0x1FD00]  }
0x270: {  	v53 =	vld [tilespmem:$0x1FD30]  }
0x271: {  	v9 =	vor.u32 v57, v42;
	v59 =	vld.idx.msk [tilespmem:v37+s24+$0x0], $0xffff  }
0x272: {  	v0 =	vadd.f32 v60, v0;
	v60 =	vld.idx.msk [tilespmem:v37+s25+$0x0], $0xffff  }
0x273: {  	v5 =	vmax.f32 v5, $0.0e+00;
	v4 =	vmax.f32 v4, $0.0e+00;
	v37 =	vor.u32 v61, v42;
	v38 =	vld.idx.msk [tilespmem:v11+s24+$0x0], $0xffff  }
0x274: {  	v50 =	vmul.f32 v5, v44;
	v0 =	vadd.f32 v46, v0;
	v58 =	vmul.f32 v4, v39;
	v39 =	vld.idx.msk [tilespmem:v11+s25+$0x0], $0xffff  }
0x275: {  	v6 =	vmax.f32 v6, $0.0e+00;
	v5 =	vadd.f32 v52, v51;
	v11 =	vor.u32 v40, v42;
	v57 =	vld [tilespmem:$0x1FD40]  }
0x276: {  	v54 =	vmul.f32 v6, v43;
	v43 =	vld.idx.msk [tilespmem:v9+s24+$0x0], $0xffff  }
0x277: {  	v0 =	vadd.f32 v50, v0;
	v5 =	vmax.f32 v5, $0.0e+00;
	v44 =	vld.idx.msk [tilespmem:v9+s25+$0x0], $0xffff  }
0x278: {  	v3 =	vadd.f32 v48, v47;
	v46 =	vmul.f32 v5, v34;
	v34 =	vor.u32 v49, v42;
	v47 =	vld.idx.msk [tilespmem:v37+s24+$0x0], $0xffff  }
0x279: {  	v0 =	vadd.f32 v54, v0;
	v48 =	vld.idx.msk [tilespmem:v37+s25+$0x0], $0xffff  }
0x27a: {  	v2 =	vmax.f32 v2, $0.0e+00;
	v51 =	vld.idx.msk [tilespmem:v11+s24+$0x0], $0xffff  }
0x27b: {  	v36 =	vmul.f32 v2, v36;
	v0 =	vadd.f32 v58, v0;
	v3 =	vmax.f32 v3, $0.0e+00;
	v52 =	vld.idx.msk [tilespmem:v11+s25+$0x0], $0xffff  }
0x27c: {  	v41 =	vmul.f32 v3, v35;
	v2 =	vadd.f32 v39, v38;
	v38 =	vld [tilespmem:$0x1FED0]  }
0x27d: {  	v0 =	vadd.f32 v36, v0;
	v9 =	vor.u32 v45, v42;
	v4 =	vadd.f32 v60, v59;
	v59 =	vld.idx.msk [tilespmem:v34+s24+$0x0], $0xffff  }
0x27e: {  	v2 =	vmax.f32 v2, $0.0e+00;
	v60 =	vld.idx.msk [tilespmem:v34+s25+$0x0], $0xffff  }
0x27f: {  	v11 =	vor.u32 v53, v42;
	v0 =	vadd.f32 v41, v0;
	v58 =	vmul.f32 v2, v31;
	v31 =	vld [tilespmem:$0x1FEB0]  }
0x280: {  	v34 =	vld [tilespmem:$0x1FEC0]  }
0x281: {  	v6 =	vadd.f32 v56, v55;
	v0 =	vadd.f32 v46, v0;
	v46 =	vld [tilespmem:$0x1FEF0]  }
0x282: {  	v55 =	vld.idx.msk [tilespmem:v9+s24+$0x0], $0xffff  }
0x283: {  	v6 =	vmax.f32 v6, $0.0e+00;
	v4 =	vmax.f32 v4, $0.0e+00;
	v56 =	vld.idx.msk [tilespmem:v9+s25+$0x0], $0xffff  }
0x284: {  	v50 =	vmul.f32 v6, v33;
	v54 =	vmul.f32 v4, v32;
	v9 =	vor.u32 v57, v42;
	v32 =	vld.idx.msk [tilespmem:v11+s24+$0x0], $0xffff  }
0x285: {  	v6 =	vadd.f32 v52, v51;
	v33 =	vld.idx.msk [tilespmem:v11+s25+$0x0], $0xffff  }
0x286: {  	v0 =	vadd.f32 v50, v0;
	v50 =	vld [tilespmem:$0x1FF00]  }
0x287: {  	v3 =	vadd.f32 v44, v43;
	v57 =	vld [tilespmem:$0x1FF20];
	v6 =	vmax.f32 v6, $0.0e+00  }
0x288: {  	v0 =	vadd.f32 v54, v0;
	v31 =	vor.u32 v31, v42;
	v39 =	vmul.f32 v6, v28;
	v28 =	vld [tilespmem:$0x1FEE0]  }
0x289: {  	v3 =	vmax.f32 v3, $0.0e+00;
	v36 =	vld.idx.msk [tilespmem:v9+s24+$0x0], $0xffff  }
0x28a: {  	v61 =	vmul.f32 v3, v30;
	v11 =	vor.u32 v34, v42;
	v0 =	vadd.f32 v58, v0;
	v37 =	vld.idx.msk [tilespmem:v9+s25+$0x0], $0xffff  }
0x28b: {  	v9 =	vor.u32 v38, v42;
	v38 =	vld [tilespmem:$0x1FD50]  }
0x28c: {  	v5 =	vadd.f32 v48, v47;
	v0 =	vadd.f32 v61, v0;
	v61 =	vld [tilespmem:$0x1FF30]  }
0x28d: {  	v40 =	vld.idx.msk [tilespmem:v31+s24+$0x0], $0xffff  }
0x28e: {  	v5 =	vmax.f32 v5, $0.0e+00;
	v3 =	vadd.f32 v33, v32;
	v41 =	vld.idx.msk [tilespmem:v31+s25+$0x0], $0xffff  }
0x28f: {  	v35 =	vmul.f32 v5, v29;
	v44 =	vld.idx.msk [tilespmem:v11+s24+$0x0], $0xffff  }
0x290: {  	v4 =	vadd.f32 v56, v55;
	v3 =	vmax.f32 v3, $0.0e+00;
	v45 =	vld.idx.msk [tilespmem:v11+s25+$0x0], $0xffff  }
0x291: {  	v0 =	vadd.f32 v35, v0;
	v28 =	vor.u32 v28, v42;
	v51 =	vmul.f32 v3, v25;
	v25 =	vld [tilespmem:$0x1FF10]  }
0x292: {  	v4 =	vmax.f32 v4, $0.0e+00;
	v48 =	vld.idx.msk [tilespmem:v9+s24+$0x0], $0xffff  }
0x293: {  	v43 =	vmul.f32 v4, v27;
	v11 =	vor.u32 v46, v42;
	v0 =	vadd.f32 v39, v0;
	v49 =	vld.idx.msk [tilespmem:v9+s25+$0x0], $0xffff  }
0x294: {  	v9 =	vor.u32 v50, v42;
	v50 =	vld [tilespmem:$0x1FDA0]  }
0x295: {  	v0 =	vadd.f32 v43, v0;
	v43 =	vld [tilespmem:$0x1FD80]  }
0x296: {  	v52 =	vld.idx.msk [tilespmem:v28+s24+$0x0], $0xffff  }
0x297: {  	v53 =	vld.idx.msk [tilespmem:v28+s25+$0x0], $0xffff  }
0x298: {  	v55 =	vld.idx.msk [tilespmem:v11+s24+$0x0], $0xffff  }
0x299: {  	v2 =	vadd.f32 v60, v59;
	v25 =	vor.u32 v25, v42;
	v56 =	vld.idx.msk [tilespmem:v11+s25+$0x0], $0xffff  }
0x29a: {  	v4 =	vadd.f32 v45, v44;
	v59 =	vld.idx.msk [tilespmem:v9+s24+$0x0], $0xffff  }
0x29b: {  	v2 =	vmax.f32 v2, $0.0e+00;
	v11 =	vor.u32 v57, v42;
	v60 =	vld.idx.msk [tilespmem:v9+s25+$0x0], $0xffff  }
0x29c: {  	v47 =	vmul.f32 v2, v26;
	v4 =	vmax.f32 v4, $0.0e+00;
	v9 =	vor.u32 v61, v42;
	v61 =	vld [tilespmem:$0x1FA20]  }
0x29d: {  	v5 =	vadd.f32 v37, v36;
	v32 =	vmul.f32 v4, v22;
	v22 =	vld [tilespmem:$0x1FF40]  }
0x29e: {  	v0 =	vadd.f32 v47, v0;
	v33 =	vld.idx.msk [tilespmem:v25+s24+$0x0], $0xffff  }
0x29f: {  	v5 =	vmax.f32 v5, $0.0e+00;
	v34 =	vld.idx.msk [tilespmem:v25+s25+$0x0], $0xffff  }
0x2a0: {  	v6 =	vadd.f32 v41, v40;
	v54 =	vmul.f32 v5, v24;
	v0 =	vadd.f32 v51, v0;
	v36 =	vld.idx.msk [tilespmem:v11+s24+$0x0], $0xffff  }
0x2a1: {  	v37 =	vld.idx.msk [tilespmem:v11+s25+$0x0], $0xffff  }
0x2a2: {  	v6 =	vmax.f32 v6, $0.0e+00;
	v0 =	vadd.f32 v54, v0;
	v11 =	vor.u32 v38, v42;
	v54 =	vld [tilespmem:$0x1FA00]  }
0x2a3: {  	v58 =	vmul.f32 v6, v23;
	v5 =	vadd.f32 v56, v55;
	v40 =	vld.idx.msk [tilespmem:v9+s24+$0x0], $0xffff  }
0x2a4: {  	v2 =	vadd.f32 v49, v48;
	v41 =	vld.idx.msk [tilespmem:v9+s25+$0x0], $0xffff  }
0x2a5: {  	v0 =	vadd.f32 v58, v0;
	v5 =	vmax.f32 v5, $0.0e+00;
	v9 =	vor.u32 v43, v42;
	v43 =	vld [tilespmem:$0x1FDF0]  }
0x2a6: {  	v2 =	vmax.f32 v2, $0.0e+00;
	v44 =	vmul.f32 v5, v19;
	v19 =	vld [tilespmem:$0x1F9F0]  }
0x2a7: {  	v35 =	vmul.f32 v2, v21;
	v0 =	vadd.f32 v32, v0;
	v48 =	vld.idx.msk [tilespmem:v11+s24+$0x0], $0xffff  }
0x2a8: {  	v22 =	vor.u32 v22, v42;
	v49 =	vld.idx.msk [tilespmem:v11+s25+$0x0], $0xffff  }
0x2a9: {  	v0 =	vadd.f32 v35, v0;
	v35 =	vld [tilespmem:$0x1FA30]  }
0x2aa: {  	v3 =	vadd.f32 v53, v52;
	v52 =	vld.idx.msk [tilespmem:v9+s24+$0x0], $0xffff  }
0x2ab: {  	v11 =	vor.u32 v50, v42;
	v53 =	vld.idx.msk [tilespmem:v9+s25+$0x0], $0xffff  }
0x2ac: {  	v2 =	vadd.f32 v37, v36;
	v9 =	vor.u32 v54, v42;
	v54 =	vld [tilespmem:$0x1FE10]  }
0x2ad: {  	v3 =	vmax.f32 v3, $0.0e+00;
	v45 =	vld.idx.msk [tilespmem:v22+s24+$0x0], $0xffff  }
0x2ae: {  	v39 =	vmul.f32 v3, v20;
	v2 =	vmax.f32 v2, $0.0e+00;
	v46 =	vld.idx.msk [tilespmem:v22+s25+$0x0], $0xffff  }
0x2af: {  	v55 =	vmul.f32 v2, v16;
	v16 =	vld [tilespmem:$0x1FA10]  }
0x2b0: {  	v6 =	vadd.f32 v60, v59;
	v0 =	vadd.f32 v39, v0;
	v59 =	vld.idx.msk [tilespmem:v11+s24+$0x0], $0xffff  }
0x2b1: {  	v60 =	vld.idx.msk [tilespmem:v11+s25+$0x0], $0xffff  }
0x2b2: {  	v6 =	vmax.f32 v6, $0.0e+00;
	v0 =	vadd.f32 v44, v0;
	v44 =	vld [tilespmem:$0x1FB60]  }
0x2b3: {  	v47 =	vmul.f32 v6, v18;
	v19 =	vor.u32 v19, v42;
	v6 =	vadd.f32 v49, v48;
	v48 =	vld [tilespmem:$0x1FB50]  }
0x2b4: {  	v4 =	vadd.f32 v34, v33;
	v33 =	vld.idx.msk [tilespmem:v9+s24+$0x0], $0xffff  }
0x2b5: {  	v34 =	vld.idx.msk [tilespmem:v9+s25+$0x0], $0xffff  }
0x2b6: {  	v0 =	vadd.f32 v47, v0;
	v47 =	vld [tilespmem:$0x1FA40]  }
0x2b7: {  	v11 =	vor.u32 v61, v42;
	v9 =	vor.u32 v35, v42;
	v35 =	vld [tilespmem:$0x1FB00]  }
0x2b8: {  	v4 =	vmax.f32 v4, $0.0e+00;
	v56 =	vld.idx.msk [tilespmem:v19+s24+$0x0], $0xffff  }
0x2b9: {  	v51 =	vmul.f32 v4, v17;
	v6 =	vmax.f32 v6, $0.0e+00;
	v57 =	vld.idx.msk [tilespmem:v19+s25+$0x0], $0xffff  }
0x2ba: {  	v36 =	vmul.f32 v6, v13;
	v13 =	vld [tilespmem:$0x1FDD0]  }
0x2bb: {  	v4 =	vadd.f32 v53, v52;
	v0 =	vadd.f32 v51, v0;
	v51 =	vld [tilespmem:$0x1FB40]  }
0x2bc: {  	v3 =	vadd.f32 v41, v40;
	v40 =	vld.idx.msk [tilespmem:v11+s24+$0x0], $0xffff  }
0x2bd: {  	v4 =	vmax.f32 v4, $0.0e+00;
	v41 =	vld.idx.msk [tilespmem:v11+s25+$0x0], $0xffff  }
0x2be: {  	v3 =	vmax.f32 v3, $0.0e+00;
	v39 =	vmul.f32 v4, v12;
	v12 =	vld [tilespmem:$0x1FE00]  }
0x2bf: {  	v58 =	vmul.f32 v3, v15;
	v16 =	vor.u32 v16, v42;
	v3 =	vadd.f32 v60, v59;
	v59 =	vld [tilespmem:$0x1FB20]  }
0x2c0: {  	v5 =	vadd.f32 v46, v45;
	v11 =	vor.u32 v43, v42;
	v43 =	vld [tilespmem:$0x1FAD0]  }
0x2c1: {  	v0 =	vadd.f32 v55, v0;
	v55 =	vld [tilespmem:$0x1FB30]  }
0x2c2: {  	v5 =	vmax.f32 v5, $0.0e+00;
	v45 =	vld.idx.msk [tilespmem:v9+s24+$0x0], $0xffff  }
0x2c3: {  	v32 =	vmul.f32 v5, v14;
	v46 =	vld.idx.msk [tilespmem:v9+s25+$0x0], $0xffff;
	v0 =	vadd.f32 v58, v0  }
0x2c4: {  	v37 =	vld.idx.msk [tilespmem:v16+s24+$0x0], $0xffff  }
0x2c5: {  	v38 =	vld.idx.msk [tilespmem:v16+s25+$0x0], $0xffff;
	v13 =	vor.u32 v13, v42;
	v0 =	vadd.f32 v32, v0  }
0x2c6: {  	v2 =	vadd.f32 v57, v56;
	v58 =	vld [tilespmem:$0x1FE20]  }
0x2c7: {  	v12 =	vor.u32 v12, v42;
	v52 =	vld.idx.msk [tilespmem:v11+s24+$0x0], $0xffff;
	v0 =	vadd.f32 v36, v0  }
0x2c8: {  	v2 =	vmax.f32 v2, $0.0e+00;
	v53 =	vld.idx.msk [tilespmem:v11+s25+$0x0], $0xffff  }
0x2c9: {  	v32 =	vld [tilespmem:$0x1FB10];
	v1 =	vmul.f32 v2, v44;
	v0 =	vadd.f32 v39, v0  }
0x2ca: {  	v3 =	vmax.f32 v3, $0.0e+00;
	v5 =	vadd.f32 v34, v33;
	v49 =	vld.idx.msk [tilespmem:v13+s24+$0x0], $0xffff  }
0x2cb: {  	v9 =	vor.u32 v47, v42;
	v50 =	vld.idx.msk [tilespmem:v13+s25+$0x0], $0xffff;
	v0 =	vadd.f32 v1, v0;
	v1 =	vmul.f32 v3, v48  }
0x2cc: {  	v5 =	vmax.f32 v5, $0.0e+00;
	v6 =	vadd.f32 v38, v37;
	v60 =	vld.idx.msk [tilespmem:v12+s24+$0x0], $0xffff  }
0x2cd: {  	v61 =	vld.idx.msk [tilespmem:v12+s25+$0x0], $0xffff;
	v0 =	vadd.f32 v1, v0;
	v1 =	vmul.f32 v5, v51  }
0x2ce: {  	v4 =	vadd.f32 v41, v40;
	v6 =	vmax.f32 v6, $0.0e+00;
	v12 =	vld [tilespmem:$0x1FE30]  }
0x2cf: {  	v11 =	vor.u32 v54, v42;
	v41 =	vld [tilespmem:$0x1FAE0];
	v0 =	vadd.f32 v1, v0;
	v1 =	vmul.f32 v6, v55  }
0x2d0: {  	v56 =	vld.idx.msk [tilespmem:v9+s24+$0x0], $0xffff;
	v4 =	vmax.f32 v4, $0.0e+00;
	v2 =	vadd.f32 v46, v45  }
0x2d1: {  	v57 =	vld.idx.msk [tilespmem:v9+s25+$0x0], $0xffff;
	v9 =	vor.u32 v58, v42;
	v0 =	vadd.f32 v1, v0;
	v1 =	vmul.f32 v4, v59  }
0x2d2: {  	v38 =	vld [tilespmem:$0x1FAF0];
	v2 =	vmax.f32 v2, $0.0e+00;
	v3 =	vadd.f32 v50, v49  }
0x2d3: {  	v45 =	vld [tilespmem:$0x1FAC0];
	v12 =	vor.u32 v12, v42;
	v0 =	vadd.f32 v1, v0;
	v1 =	vmul.f32 v2, v32  }
0x2d4: {  	v33 =	vld.idx.msk [tilespmem:v11+s24+$0x0], $0xffff;
	v5 =	vadd.f32 v53, v52;
	v3 =	vmax.f32 v3, $0.0e+00  }
0x2d5: {  	v34 =	vld.idx.msk [tilespmem:v11+s25+$0x0], $0xffff;
	v0 =	vadd.f32 v1, v0;
	v1 =	vmul.f32 v3, v35  }
0x2d6: {  	v36 =	vld.idx.msk [tilespmem:v9+s24+$0x0], $0xffff;
	v5 =	vmax.f32 v5, $0.0e+00;
	v6 =	vadd.f32 v57, v56  }
0x2d7: {  	v37 =	vld.idx.msk [tilespmem:v9+s25+$0x0], $0xffff;
	v0 =	vadd.f32 v1, v0;
	v1 =	vmul.f32 v5, v38  }
0x2d8: {  	v6 =	vmax.f32 v6, $0.0e+00;
	v4 =	vadd.f32 v61, v60;
	v39 =	vld.idx.msk [tilespmem:v12+s24+$0x0], $0xffff  }
0x2d9: {  	v40 =	vld.idx.msk [tilespmem:v12+s25+$0x0], $0xffff;
	v0 =	vadd.f32 v1, v0;
	v1 =	vmul.f32 v6, v41  }
0x2da: {  	v42 =	vld [tilespmem:$0x19D40];
	v4 =	vmax.f32 v4, $0.0e+00;
	v2 =	vadd.f32 v34, v33  }
0x2db: {  	v0 =	vadd.f32 v1, v0;
	v1 =	vmul.f32 v4, v43  }
0x2dc: {  	v44 =	vld [tilespmem:$0x19D50];
	v2 =	vmax.f32 v2, $0.0e+00;
	v3 =	vadd.f32 v37, v36  }
0x2dd: {  	v0 =	vadd.f32 v1, v0;
	v1 =	vmul.f32 v2, v45  }
0x2de: {  	v46 =	vmax.f32 v3, $0.0e+00;
	v47 =	vadd.f32 v40, v39  }
0x2df: {  	v48 =	vmul.f32 v46, v42;
	v0 =	vadd.f32 v1, v0  }
0x2e0: {  	v49 =	vmax.f32 v47, $0.0e+00  }
0x2e1: {  	v50 =	vmul.f32 v49, v44;
	v0 =	vadd.f32 v48, v0;
	_ =	sdelay $0x1  }
0x2e2: {  	v0 =	vadd.f32 v50, v0  }
0x2e3: {  	s30 =	sadd.s32 $0x10, s30  }
0x2e4: {  	[tilespmem:s30+$0x0] =	vst v0  }
0x2e5: {  	v0 =	vld [tilespmem:$0x19D30]  }
0x2e6: {  	v51 =	vld [tilespmem:$0x19D20]  }
0x2e7: {  	v52 =	vld [tilespmem:$0x19D10]  }
0x2e8: {  	v53 =	vld [tilespmem:$0x19D00]  }
0x2e9: {  	v54 =	vld [tilespmem:$0x19CF0]  }
0x2ea: {  	v55 =	vld [tilespmem:$0x19CE0]  }
0x2eb: {  	v56 =	vld [tilespmem:$0x19CD0]  }
0x2ec: {  	v57 =	vld [tilespmem:$0x19CC0]  }
0x2ed: {  	v58 =	vld [tilespmem:$0x19CB0]  }
0x2ee: {  	v59 =	vld [tilespmem:$0x19CA0]  }
0x2ef: {  	v60 =	vld [tilespmem:$0x19C90]  }
0x2f0: {  	v12 =	vld [tilespmem:$0x19C80]  }
0x2f1: {  	v13 =	vld [tilespmem:$0x19C70]  }
0x2f2: {  	v14 =	vld [tilespmem:$0x19C60]  }
0x2f3: {  	v15 =	vld [tilespmem:$0x19C50]  }
0x2f4: {  	v16 =	vld [tilespmem:$0x19C40]  }
0x2f5: {  	v17 =	vld [tilespmem:$0x19C30]  }
0x2f6: {  	v18 =	vld [tilespmem:$0x19C20]  }
0x2f7: {  	v19 =	vld [tilespmem:$0x19C10]  }
0x2f8: {  	v20 =	vld [tilespmem:$0x19C00]  }
0x2f9: {  	v21 =	vld [tilespmem:$0x19BF0]  }
0x2fa: {  	v22 =	vld [tilespmem:$0x19BE0]  }
0x2fb: {  	v23 =	vld [tilespmem:$0x19BD0]  }
0x2fc: {  	v24 =	vld [tilespmem:$0x19BC0]  }
0x2fd: {  	v25 =	vld [tilespmem:$0x19BB0]  }
0x2fe: {  	v26 =	vld [tilespmem:$0x19BA0]  }
0x2ff: {  	v27 =	vld [tilespmem:$0x19B90]  }
0x300: {  	v28 =	vld [tilespmem:$0x19B80]  }
0x301: {  	v29 =	vld [tilespmem:$0x19B70]  }
0x302: {  	v30 =	vld [tilespmem:$0x19B60]  }
0x303: {  	v31 =	vld [tilespmem:$0x19B50]  }
0x304: {  	v32 =	vld [tilespmem:$0x19B40]  }
0x305: {  	v33 =	vld [tilespmem:$0x19B30]  }
0x306: {  	v34 =	vld [tilespmem:$0x19B20]  }
0x307: {  	v35 =	vld [tilespmem:$0x19B10]  }
0x308: {  	v36 =	vld [tilespmem:$0x19B00]  }
0x309: {  	v39 =	vld [tilespmem:$0x19AF0]  }
0x30a: {  	v43 =	vld [tilespmem:$0x19AE0]  }
0x30b: {  	v44 =	vld [tilespmem:$0x19AD0]  }
0x30c: {  	v45 =	vld [tilespmem:$0x19AC0]  }
0x30d: {  	v50 =	vld [tilespmem:$0x19AB0]  }
0x30e: {  	v37 =	vld [tilespmem:$0x19A40]  }
0x30f: {  	v38 =	vld [tilespmem:$0x19A30]  }
0x310: {  	v40 =	vld [tilespmem:$0x19A20]  }
0x311: {  	v41 =	vld [tilespmem:$0x19A10]  }
0x312: {  	v47 =	vld [tilespmem:$0x19A00]  }
0x313: {  	v48 =	vld [tilespmem:$0x199F0];
	[tilespmem:$0x1FAC0] =	vst v0  }
0x314: {  	v46 =	vld [tilespmem:$0x199E0];
	[tilespmem:$0x1FAD0] =	vst v51  }
0x315: {  	v49 =	vld [tilespmem:$0x199D0];
	[tilespmem:$0x1FAE0] =	vst v52  }
0x316: {  	[tilespmem:$0x1FAF0] =	vst v53;
	v53 =	vld [tilespmem:$0x19AA0]  }
0x317: {  	[tilespmem:$0x1FB00] =	vst v54;
	v54 =	vld [tilespmem:$0x19A90]  }
0x318: {  	p2 =	sne.s32 s31, $0x180;
	[tilespmem:$0x1FB10] =	vst v55;
	v55 =	vld [tilespmem:$0x19A80]  }
.Ltmp6:
0x319: {  	[tilespmem:$0x1FB20] =	vst v56;
	v56 =	vld [tilespmem:$0x19A70];
	(pc) =	sbr.rel @p2 .LBB2_6-.Ltmp6, $4  }
0x31a: {  	[tilespmem:$0x1FB30] =	vst v57;
	v57 =	vld [tilespmem:$0x19A60]  }
0x31b: {  	[tilespmem:$0x1FB40] =	vst v58;
	v58 =	vld [tilespmem:$0x19A50]  }
0x31c: {  	v61 =	vmov s31;
	[tilespmem:$0x1FB50] =	vst v59;
	v51 =	vld [tilespmem:$0x199C0]  }
0x31d: {  	s31 =	sadd.s32 $0x10, s31;
	v42 =	vshll.u32 v61, $0x6;
	[tilespmem:$0x1FB60] =	vst v60;
	v52 =	vld [tilespmem:$0x199B0]  }
0x31e: {  	v0 =	vld [tilespmem:$0x1FFE0];
	_ =	sdelay $0x1  }
0x31f: {  	v1 =	vld [tilespmem:$0x1FFF0]  }
0x320: {  	v2 =	vld [tilespmem:$0x1FF50]  }
0x321: {  	v4 =	vld [tilespmem:$0x1FF60]  }
0x322: {  	v10 =	vlaneseq.u32;
	v6 =	vld [tilespmem:$0x1FF70];
	v42 =	vor.u32 v0, v42  }
0x323: {  	v11 =	vld [tilespmem:$0x19960];
	v0 =	vor.u32 v10, v42  }
0x324: {  	v59 =	vld [tilespmem:$0x19D60]  }
0x325: {  	v60 =	vld [tilespmem:$0x19980];
	v1 =	vor.u32 v1, v42  }
0x326: {  	v61 =	vld [tilespmem:$0x1FF90]  }
0x327: {  	v2 =	vor.u32 v2, v42;
	v10 =	vld [tilespmem:$0x1FF80]  }
0x328: {  	v3 =	vld.idx.msk [tilespmem:v0+s24+$0x0], $0xffff  }
0x329: {  	v4 =	vor.u32 v4, v42;
	v0 =	vld.idx.msk [tilespmem:v0+s25+$0x0], $0xffff  }
0x32a: {  	v5 =	vld.idx.msk [tilespmem:v1+s24+$0x0], $0xffff  }
0x32b: {  	v6 =	vor.u32 v6, v42;
	v1 =	vld.idx.msk [tilespmem:v1+s25+$0x0], $0xffff  }
0x32c: {  	v7 =	vld.idx.msk [tilespmem:v2+s24+$0x0], $0xffff  }
0x32d: {  	v2 =	vld.idx.msk [tilespmem:v2+s25+$0x0], $0xffff  }
0x32e: {  	v8 =	vld.idx.msk [tilespmem:v4+s24+$0x0], $0xffff  }
0x32f: {  	v4 =	vld.idx.msk [tilespmem:v4+s25+$0x0], $0xffff;
	v10 =	vor.u32 v10, v42  }
0x330: {  	v9 =	vld.idx.msk [tilespmem:v6+s24+$0x0], $0xffff;
	v0 =	vadd.f32 v0, v3  }
0x331: {  	v6 =	vld.idx.msk [tilespmem:v6+s25+$0x0], $0xffff  }
0x332: {  	v61 =	vor.u32 v61, v42;
	v3 =	vld [tilespmem:$0x19970];
	v0 =	vmax.f32 v0, $0.0e+00  }
0x333: {  	v0 =	vmul.f32 v0, v11;
	v11 =	vld [tilespmem:$0x1FFA0]  }
0x334: {  	v1 =	vadd.f32 v1, v5;
	v5 =	vld.idx.msk [tilespmem:v10+s24+$0x0], $0xffff  }
0x335: {  	v10 =	vld.idx.msk [tilespmem:v10+s25+$0x0], $0xffff  }
0x336: {  	v2 =	vadd.f32 v2, v7;
	v7 =	vld [tilespmem:$0x19990]  }
0x337: {  	v4 =	vadd.f32 v4, v8;
	v8 =	vld.idx.msk [tilespmem:v61+s24+$0x0], $0xffff;
	v1 =	vmax.f32 v1, $0.0e+00  }
0x338: {  	v0 =	vadd.f32 v0, v59;
	v1 =	vmul.f32 v1, v3;
	v59 =	vld [tilespmem:$0x1FFB0];
	v11 =	vor.u32 v11, v42  }
0x339: {  	v2 =	vmax.f32 v2, $0.0e+00;
	v3 =	vld [tilespmem:$0x199A0]  }
0x33a: {  	v0 =	vadd.f32 v1, v0;
	v1 =	vmul.f32 v2, v60;
	v2 =	vld.idx.msk [tilespmem:v61+s25+$0x0], $0xffff  }
0x33b: {  	v61 =	vld [tilespmem:$0x1FFD0]  }
0x33c: {  	v6 =	vadd.f32 v6, v9;
	v4 =	vmax.f32 v4, $0.0e+00  }
0x33d: {  	v0 =	vadd.f32 v1, v0;
	v1 =	vmul.f32 v4, v7;
	v59 =	vor.u32 v59, v42;
	v9 =	vld.idx.msk [tilespmem:v11+s24+$0x0], $0xffff  }
0x33e: {  	v6 =	vmax.f32 v6, $0.0e+00;
	v5 =	vadd.f32 v10, v5;
	v4 =	vld.idx.msk [tilespmem:v11+s25+$0x0], $0xffff  }
0x33f: {  	v0 =	vadd.f32 v1, v0;
	v1 =	vmul.f32 v6, v3;
	v11 =	vld [tilespmem:$0x1FFC0]  }
0x340: {  	v5 =	vmax.f32 v5, $0.0e+00;
	v60 =	vor.u32 v61, v42  }
0x341: {  	v0 =	vadd.f32 v1, v0;
	v1 =	vmul.f32 v5, v52;
	v52 =	vld [tilespmem:$0x1FB80]  }
0x342: {  	v10 =	vld.idx.msk [tilespmem:v59+s24+$0x0], $0xffff  }
0x343: {  	v2 =	vadd.f32 v2, v8;
	v3 =	vld.idx.msk [tilespmem:v59+s25+$0x0], $0xffff  }
0x344: {  	v59 =	vld [tilespmem:$0x1FB70];
	v7 =	vor.u32 v11, v42  }
0x345: {  	v2 =	vmax.f32 v2, $0.0e+00;
	v8 =	vld.idx.msk [tilespmem:v60+s24+$0x0], $0xffff;
	v4 =	vadd.f32 v4, v9  }
0x346: {  	v0 =	vadd.f32 v1, v0;
	v5 =	vld.idx.msk [tilespmem:v60+s25+$0x0], $0xffff;
	v60 =	vmul.f32 v2, v51;
	v11 =	vor.u32 v52, v42  }
0x347: {  	v51 =	vld [tilespmem:$0x1FB90];
	v4 =	vmax.f32 v4, $0.0e+00  }
0x348: {  	v0 =	vadd.f32 v60, v0;
	v60 =	vmul.f32 v4, v49;
	v49 =	vld [tilespmem:$0x1FBA0]  }
0x349: {  	v6 =	vor.u32 v59, v42;
	v3 =	vadd.f32 v3, v10;
	v9 =	vld.idx.msk [tilespmem:v7+s24+$0x0], $0xffff  }
0x34a: {  	v2 =	vld.idx.msk [tilespmem:v7+s25+$0x0], $0xffff  }
0x34b: {  	v5 =	vadd.f32 v5, v8;
	v3 =	vmax.f32 v3, $0.0e+00;
	v8 =	vld.idx.msk [tilespmem:v11+s24+$0x0], $0xffff  }
0x34c: {  	v0 =	vadd.f32 v60, v0;
	v60 =	vmul.f32 v3, v46;
	v3 =	vld.idx.msk [tilespmem:v11+s25+$0x0], $0xffff  }
0x34d: {  	v7 =	vor.u32 v51, v42;
	v46 =	vld [tilespmem:$0x1FBB0]  }
0x34e: {  	v10 =	vld.idx.msk [tilespmem:v6+s24+$0x0], $0xffff  }
0x34f: {  	v4 =	vld.idx.msk [tilespmem:v6+s25+$0x0], $0xffff;
	v6 =	vor.u32 v49, v42;
	_ =	sdelay $0x2  }
0x350: {  	v5 =	vmax.f32 v5, $0.0e+00;
	v11 =	vor.u32 v46, v42;
	v2 =	vadd.f32 v2, v9;
	v9 =	vld.idx.msk [tilespmem:v7+s24+$0x0], $0xffff  }
0x351: {  	v0 =	vadd.f32 v60, v0;
	v60 =	vmul.f32 v5, v48;
	v5 =	vld.idx.msk [tilespmem:v7+s25+$0x0], $0xffff;
	v3 =	vadd.f32 v3, v8  }
0x352: {  	v4 =	vadd.f32 v4, v10;
	v10 =	vld.idx.msk [tilespmem:v6+s24+$0x0], $0xffff  }
0x353: {  	v7 =	vor.u32 v62, v42;
	v3 =	vmax.f32 v3, $0.0e+00;
	v1 =	vld.idx.msk [tilespmem:v6+s25+$0x0], $0xffff  }
0x354: {  	v2 =	vmax.f32 v2, $0.0e+00;
	v3 =	vmul.f32 v3, v40;
	v40 =	vld [tilespmem:$0x1FBF0]  }
0x355: {  	v48 =	vor.u32 v63, v42;
	v0 =	vadd.f32 v60, v0;
	v2 =	vmul.f32 v2, v47;
	v8 =	vld.idx.msk [tilespmem:v11+s24+$0x0], $0xffff  }
0x356: {  	v4 =	vmax.f32 v4, $0.0e+00;
	v60 =	vld.idx.msk [tilespmem:v11+s25+$0x0], $0xffff  }
0x357: {  	v0 =	vadd.f32 v2, v0;
	v4 =	vmul.f32 v4, v41;
	v41 =	vld [tilespmem:$0x1FBE0]  }
0x358: {  	v5 =	vadd.f32 v5, v9;
	v9 =	vld.idx.msk [tilespmem:v7+s24+$0x0], $0xffff  }
0x359: {  	v63 =	vld.idx.msk [tilespmem:v7+s25+$0x0], $0xffff;
	v0 =	vadd.f32 v4, v0  }
0x35a: {  	v5 =	vmax.f32 v5, $0.0e+00;
	v47 =	vor.u32 v40, v42;
	v1 =	vadd.f32 v1, v10;
	v10 =	vld.idx.msk [tilespmem:v48+s24+$0x0], $0xffff  }
0x35b: {  	v5 =	vmul.f32 v5, v38;
	v38 =	vld [tilespmem:$0x1FC00]  }
0x35c: {  	v0 =	vadd.f32 v3, v0;
	v3 =	vld.idx.msk [tilespmem:v48+s25+$0x0], $0xffff  }
0x35d: {  	v62 =	vor.u32 v41, v42;
	v1 =	vmax.f32 v1, $0.0e+00  }
0x35e: {  	v1 =	vmul.f32 v1, v37;
	v37 =	vld [tilespmem:$0x1FC10]  }
0x35f: {  	v4 =	vadd.f32 v63, v9;
	v9 =	vld.idx.msk [tilespmem:v47+s24+$0x0], $0xffff  }
0x360: {  	v48 =	vor.u32 v38, v42;
	v63 =	vld.idx.msk [tilespmem:v47+s25+$0x0], $0xffff  }
0x361: {  	v2 =	vadd.f32 v60, v8;
	v47 =	vld [tilespmem:$0x1FC20];
	v3 =	vadd.f32 v3, v10  }
0x362: {  	v0 =	vadd.f32 v5, v0;
	v8 =	vld.idx.msk [tilespmem:v62+s24+$0x0], $0xffff  }
0x363: {  	v2 =	vmax.f32 v2, $0.0e+00;
	v60 =	vld.idx.msk [tilespmem:v62+s25+$0x0], $0xffff;
	v62 =	vor.u32 v37, v42;
	v3 =	vmax.f32 v3, $0.0e+00  }
0x364: {  	v0 =	vadd.f32 v1, v0;
	v2 =	vmul.f32 v2, v58;
	v3 =	vmul.f32 v3, v56;
	v56 =	vld [tilespmem:$0x1FC40]  }
0x365: {  	v10 =	vld.idx.msk [tilespmem:v48+s24+$0x0], $0xffff  }
0x366: {  	v0 =	vadd.f32 v2, v0;
	v7 =	vor.u32 v47, v42;
	v2 =	vld.idx.msk [tilespmem:v48+s25+$0x0], $0xffff  }
0x367: {  	v48 =	vld [tilespmem:$0x1FC30];
	v1 =	vadd.f32 v63, v9  }
0x368: {  	v5 =	vadd.f32 v60, v8;
	v8 =	vld.idx.msk [tilespmem:v62+s24+$0x0], $0xffff  }
0x369: {  	v1 =	vmax.f32 v1, $0.0e+00;
	v60 =	vld.idx.msk [tilespmem:v62+s25+$0x0], $0xffff  }
0x36a: {  	v1 =	vmul.f32 v1, v54;
	v54 =	vld [tilespmem:$0x1FC60]  }
0x36b: {  	v62 =	vor.u32 v56, v42;
	v5 =	vmax.f32 v5, $0.0e+00;
	v63 =	vld.idx.msk [tilespmem:v7+s24+$0x0], $0xffff  }
0x36c: {  	v4 =	vmax.f32 v4, $0.0e+00;
	v5 =	vmul.f32 v5, v55;
	v55 =	vld [tilespmem:$0x1FC50];
	v2 =	vadd.f32 v2, v10  }
0x36d: {  	v4 =	vmul.f32 v4, v57;
	v6 =	vor.u32 v48, v42;
	v57 =	vld.idx.msk [tilespmem:v7+s25+$0x0], $0xffff  }
0x36e: {  	v7 =	vld [tilespmem:$0x1FD50];
	v2 =	vmax.f32 v2, $0.0e+00  }
0x36f: {  	v0 =	vadd.f32 v4, v0;
	v2 =	vmul.f32 v2, v53;
	v53 =	vld [tilespmem:$0x1FC70]  }
0x370: {  	v4 =	vadd.f32 v60, v8;
	v8 =	vld.idx.msk [tilespmem:v62+s24+$0x0], $0xffff  }
0x371: {  	v0 =	vadd.f32 v3, v0;
	v60 =	vld.idx.msk [tilespmem:v62+s25+$0x0], $0xffff;
	v58 =	vor.u32 v55, v42  }
0x372: {  	v10 =	vld.idx.msk [tilespmem:v6+s24+$0x0], $0xffff;
	v3 =	vadd.f32 v57, v63  }
0x373: {  	v0 =	vadd.f32 v5, v0;
	v5 =	vld.idx.msk [tilespmem:v6+s25+$0x0], $0xffff;
	v6 =	vor.u32 v54, v42;
	v4 =	vmax.f32 v4, $0.0e+00  }
0x374: {  	v4 =	vmul.f32 v4, v50;
	v50 =	vld [tilespmem:$0x1FC80];
	v3 =	vmax.f32 v3, $0.0e+00  }
0x375: {  	v0 =	vadd.f32 v1, v0;
	v3 =	vmul.f32 v3, v45;
	v45 =	vld [tilespmem:$0x1FC90]  }
0x376: {  	v62 =	vor.u32 v53, v42;
	v63 =	vld.idx.msk [tilespmem:v58+s24+$0x0], $0xffff  }
0x377: {  	v0 =	vadd.f32 v2, v0;
	v1 =	vadd.f32 v60, v8;
	v57 =	vld.idx.msk [tilespmem:v58+s25+$0x0], $0xffff  }
0x378: {  	v5 =	vadd.f32 v5, v10;
	v10 =	vld.idx.msk [tilespmem:v6+s24+$0x0], $0xffff  }
0x379: {  	v0 =	vadd.f32 v4, v0;
	v4 =	vld.idx.msk [tilespmem:v6+s25+$0x0], $0xffff;
	v58 =	vor.u32 v50, v42;
	v1 =	vmax.f32 v1, $0.0e+00  }
0x37a: {  	v1 =	vmul.f32 v1, v43;
	v43 =	vld [tilespmem:$0x1FCB0]  }
0x37b: {  	v5 =	vmax.f32 v5, $0.0e+00;
	v6 =	vor.u32 v45, v42;
	v8 =	vld.idx.msk [tilespmem:v62+s24+$0x0], $0xffff  }
0x37c: {  	v5 =	vmul.f32 v5, v44;
	v44 =	vld [tilespmem:$0x1FCA0]  }
0x37d: {  	v0 =	vadd.f32 v3, v0;
	v60 =	vld.idx.msk [tilespmem:v62+s25+$0x0], $0xffff  }
0x37e: {  	v2 =	vadd.f32 v57, v63;
	v63 =	vld.idx.msk [tilespmem:v58+s24+$0x0], $0xffff  }
0x37f: {  	v0 =	vadd.f32 v5, v0;
	v57 =	vld.idx.msk [tilespmem:v58+s25+$0x0], $0xffff  }
0x380: {  	v4 =	vadd.f32 v4, v10;
	v58 =	vor.u32 v43, v42;
	v2 =	vmax.f32 v2, $0.0e+00;
	v10 =	vld.idx.msk [tilespmem:v6+s24+$0x0], $0xffff  }
0x381: {  	v62 =	vor.u32 v44, v42;
	v2 =	vmul.f32 v2, v39;
	v39 =	vld [tilespmem:$0x1FCC0]  }
0x382: {  	v0 =	vadd.f32 v1, v0;
	v4 =	vmax.f32 v4, $0.0e+00;
	v1 =	vld.idx.msk [tilespmem:v6+s25+$0x0], $0xffff  }
0x383: {  	v4 =	vmul.f32 v4, v36;
	v36 =	vld [tilespmem:$0x1FCD0]  }
0x384: {  	v5 =	vadd.f32 v57, v63;
	v57 =	vld [tilespmem:$0x1FCE0]  }
0x385: {  	v9 =	vld.idx.msk [tilespmem:v58+s24+$0x0], $0xffff  }
0x386: {  	v3 =	vadd.f32 v60, v8;
	v6 =	vor.u32 v39, v42;
	v8 =	vld.idx.msk [tilespmem:v62+s24+$0x0], $0xffff  }
0x387: {  	v0 =	vadd.f32 v2, v0;
	v2 =	vld.idx.msk [tilespmem:v62+s25+$0x0], $0xffff;
	v1 =	vadd.f32 v1, v10  }
0x388: {  	v3 =	vmax.f32 v3, $0.0e+00;
	v60 =	vor.u32 v36, v42;
	v62 =	vld.idx.msk [tilespmem:v58+s25+$0x0], $0xffff;
	v5 =	vmax.f32 v5, $0.0e+00  }
0x389: {  	v3 =	vmul.f32 v3, v35;
	v5 =	vmul.f32 v5, v34;
	v34 =	vld [tilespmem:$0x1FCF0];
	v1 =	vmax.f32 v1, $0.0e+00  }
0x38a: {  	v0 =	vadd.f32 v4, v0;
	v63 =	vor.u32 v57, v42;
	v1 =	vmul.f32 v1, v33;
	v33 =	vld [tilespmem:$0x1FD00]  }
0x38b: {  	v10 =	vld.idx.msk [tilespmem:v6+s24+$0x0], $0xffff  }
0x38c: {  	v0 =	vadd.f32 v3, v0;
	v3 =	vld.idx.msk [tilespmem:v6+s25+$0x0], $0xffff  }
0x38d: {  	v2 =	vadd.f32 v2, v8;
	v8 =	vld.idx.msk [tilespmem:v60+s24+$0x0], $0xffff  }
0x38e: {  	v58 =	vld.idx.msk [tilespmem:v60+s25+$0x0], $0xffff;
	v6 =	vor.u32 v34, v42  }
0x38f: {  	v4 =	vadd.f32 v62, v9;
	v2 =	vmax.f32 v2, $0.0e+00;
	v9 =	vld.idx.msk [tilespmem:v63+s24+$0x0], $0xffff  }
0x390: {  	v0 =	vadd.f32 v5, v0;
	v2 =	vmul.f32 v2, v32;
	v32 =	vld [tilespmem:$0x1FD30]  }
0x391: {  	v4 =	vmax.f32 v4, $0.0e+00;
	v60 =	vor.u32 v33, v42;
	v62 =	vld.idx.msk [tilespmem:v63+s25+$0x0], $0xffff  }
0x392: {  	v0 =	vadd.f32 v1, v0;
	v4 =	vmul.f32 v4, v31;
	v31 =	vld [tilespmem:$0x1FD40];
	v3 =	vadd.f32 v3, v10  }
0x393: {  	v10 =	vld.idx.msk [tilespmem:v6+s24+$0x0], $0xffff  }
0x394: {  	v0 =	vadd.f32 v2, v0;
	v5 =	vadd.f32 v58, v8;
	v2 =	vld.idx.msk [tilespmem:v6+s25+$0x0], $0xffff;
	v3 =	vmax.f32 v3, $0.0e+00  }
0x395: {  	v63 =	vor.u32 v32, v42;
	v3 =	vmul.f32 v3, v30;
	v30 =	vld [tilespmem:$0x1FEB0]  }
0x396: {  	v5 =	vmax.f32 v5, $0.0e+00;
	v35 =	vld.idx.msk [tilespmem:v60+s24+$0x0], $0xffff;
	v1 =	vadd.f32 v62, v9  }
0x397: {  	v6 =	vor.u32 v31, v42;
	v5 =	vmul.f32 v5, v29;
	v29 =	vld [tilespmem:$0x1FEC0]  }
0x398: {  	v58 =	vld.idx.msk [tilespmem:v60+s25+$0x0], $0xffff;
	v1 =	vmax.f32 v1, $0.0e+00  }
0x399: {  	v0 =	vadd.f32 v4, v0;
	v1 =	vmul.f32 v1, v28;
	v28 =	vld [tilespmem:$0x1FED0]  }
0x39a: {  	v60 =	vor.u32 v30, v42;
	v9 =	vld.idx.msk [tilespmem:v63+s24+$0x0], $0xffff  }
0x39b: {  	v0 =	vadd.f32 v3, v0;
	v2 =	vadd.f32 v2, v10;
	v62 =	vld.idx.msk [tilespmem:v63+s25+$0x0], $0xffff  }
0x39c: {  	v63 =	vor.u32 v29, v42;
	v10 =	vld.idx.msk [tilespmem:v6+s24+$0x0], $0xffff  }
0x39d: {  	v0 =	vadd.f32 v5, v0;
	v5 =	vld.idx.msk [tilespmem:v6+s25+$0x0], $0xffff;
	v2 =	vmax.f32 v2, $0.0e+00  }
0x39e: {  	v2 =	vmul.f32 v2, v27;
	v27 =	vld [tilespmem:$0x1FEE0]  }
0x39f: {  	v4 =	vadd.f32 v58, v35;
	v6 =	vor.u32 v28, v42;
	v35 =	vld.idx.msk [tilespmem:v60+s24+$0x0], $0xffff  }
0x3a0: {  	v0 =	vadd.f32 v1, v0;
	v58 =	vld.idx.msk [tilespmem:v60+s25+$0x0], $0xffff  }
0x3a1: {  	v3 =	vadd.f32 v62, v9;
	v9 =	vld.idx.msk [tilespmem:v63+s24+$0x0], $0xffff  }
0x3a2: {  	v4 =	vmax.f32 v4, $0.0e+00;
	v0 =	vadd.f32 v2, v0;
	v2 =	vld.idx.msk [tilespmem:v63+s25+$0x0], $0xffff  }
0x3a3: {  	v4 =	vmul.f32 v4, v26;
	v62 =	vld [tilespmem:$0x1FEF0]  }
0x3a4: {  	v5 =	vadd.f32 v5, v10;
	v10 =	vld.idx.msk [tilespmem:v6+s24+$0x0], $0xffff  }
0x3a5: {  	v0 =	vadd.f32 v4, v0;
	v60 =	vor.u32 v27, v42;
	v4 =	vld.idx.msk [tilespmem:v6+s25+$0x0], $0xffff  }
0x3a6: {  	v3 =	vmax.f32 v3, $0.0e+00;
	v6 =	vld [tilespmem:$0x1FF00]  }
0x3a7: {  	v3 =	vmul.f32 v3, v25;
	v25 =	vld [tilespmem:$0x1FF30]  }
0x3a8: {  	v1 =	vadd.f32 v58, v35;
	v58 =	vld [tilespmem:$0x1FF10]  }
0x3a9: {  	v63 =	vor.u32 v62, v42;
	v62 =	vld [tilespmem:$0x1FF20]  }
0x3aa: {  	v5 =	vmax.f32 v5, $0.0e+00;
	v2 =	vadd.f32 v2, v9;
	v8 =	vld.idx.msk [tilespmem:v60+s24+$0x0], $0xffff  }
0x3ab: {  	v5 =	vmul.f32 v5, v24;
	v35 =	vld.idx.msk [tilespmem:v60+s25+$0x0], $0xffff  }
0x3ac: {  	v0 =	vadd.f32 v3, v0;
	v2 =	vmax.f32 v2, $0.0e+00;
	v26 =	vor.u32 v25, v42;
	v25 =	vld [tilespmem:$0x1FD80]  }
0x3ad: {  	v6 =	vor.u32 v6, v42;
	v2 =	vmul.f32 v2, v22;
	v22 =	vor.u32 v7, v42;
	v7 =	vld [tilespmem:$0x1FDA0]  }
0x3ae: {  	v4 =	vadd.f32 v4, v10;
	v9 =	vld.idx.msk [tilespmem:v63+s24+$0x0], $0xffff  }
0x3af: {  	v0 =	vadd.f32 v5, v0;
	v5 =	vld.idx.msk [tilespmem:v63+s25+$0x0], $0xffff  }
0x3b0: {  	v63 =	vor.u32 v62, v42;
	v4 =	vmax.f32 v4, $0.0e+00;
	v3 =	vadd.f32 v35, v8;
	v35 =	vld [tilespmem:$0x1FF40]  }
0x3b1: {  	v4 =	vmul.f32 v4, v21;
	v21 =	vld [tilespmem:$0x1FA00]  }
0x3b2: {  	v60 =	vor.u32 v58, v42;
	v10 =	vld.idx.msk [tilespmem:v6+s24+$0x0], $0xffff  }
0x3b3: {  	v1 =	vmax.f32 v1, $0.0e+00;
	v24 =	vld.idx.msk [tilespmem:v6+s25+$0x0], $0xffff  }
0x3b4: {  	v1 =	vmul.f32 v1, v23;
	v23 =	vld.idx.msk [tilespmem:v26+s24+$0x0], $0xffff  }
0x3b5: {  	v62 =	vld.idx.msk [tilespmem:v63+s24+$0x0], $0xffff  }
0x3b6: {  	v0 =	vadd.f32 v1, v0;
	v63 =	vld.idx.msk [tilespmem:v63+s25+$0x0], $0xffff  }
0x3b7: {  	v8 =	vld.idx.msk [tilespmem:v60+s24+$0x0], $0xffff  }
0x3b8: {  	v0 =	vadd.f32 v2, v0;
	v2 =	vld.idx.msk [tilespmem:v60+s25+$0x0], $0xffff;
	v60 =	vor.u32 v35, v42  }
0x3b9: {  	v6 =	vor.u32 v21, v42;
	v21 =	vld [tilespmem:$0x1FE00]  }
0x3ba: {  	v1 =	vadd.f32 v24, v10;
	v24 =	vld.idx.msk [tilespmem:v26+s25+$0x0], $0xffff  }
0x3bb: {  	v0 =	vadd.f32 v4, v0;
	v26 =	vor.u32 v25, v42;
	v4 =	vadd.f32 v63, v62;
	v62 =	vld.idx.msk [tilespmem:v22+s24+$0x0], $0xffff  }
0x3bc: {  	v3 =	vmax.f32 v3, $0.0e+00;
	v5 =	vadd.f32 v5, v9;
	v63 =	vld.idx.msk [tilespmem:v22+s25+$0x0], $0xffff  }
0x3bd: {  	v3 =	vmul.f32 v3, v20;
	v35 =	vld.idx.msk [tilespmem:v60+s24+$0x0], $0xffff  }
0x3be: {  	v5 =	vmax.f32 v5, $0.0e+00;
	v58 =	vld.idx.msk [tilespmem:v60+s25+$0x0], $0xffff  }
0x3bf: {  	v0 =	vadd.f32 v3, v0;
	v5 =	vmul.f32 v5, v19;
	v1 =	vmax.f32 v1, $0.0e+00;
	v60 =	vld [tilespmem:$0x1F9F0]  }
0x3c0: {  	v2 =	vadd.f32 v2, v8;
	v1 =	vmul.f32 v1, v18;
	v18 =	vor.u32 v7, v42;
	v19 =	vld.idx.msk [tilespmem:v26+s24+$0x0], $0xffff  }
0x3c1: {  	v20 =	vld.idx.msk [tilespmem:v26+s25+$0x0], $0xffff  }
0x3c2: {  	v0 =	vadd.f32 v5, v0;
	v2 =	vmax.f32 v2, $0.0e+00;
	v3 =	vadd.f32 v24, v23;
	v24 =	vld [tilespmem:$0x1FA10]  }
0x3c3: {  	v2 =	vmul.f32 v2, v17;
	v17 =	vld [tilespmem:$0x1FDD0]  }
0x3c4: {  	v0 =	vadd.f32 v1, v0;
	v1 =	vadd.f32 v63, v62;
	v62 =	vld [tilespmem:$0x1FA30]  }
0x3c5: {  	v25 =	vld.idx.msk [tilespmem:v18+s24+$0x0], $0xffff  }
0x3c6: {  	v26 =	vld.idx.msk [tilespmem:v18+s25+$0x0], $0xffff  }
0x3c7: {  	v5 =	vadd.f32 v58, v35;
	v35 =	vld [tilespmem:$0x1FA20]  }
0x3c8: {  	v58 =	vld.idx.msk [tilespmem:v6+s24+$0x0], $0xffff  }
0x3c9: {  	v11 =	vor.u32 v60, v42;
	v60 =	vld.idx.msk [tilespmem:v6+s25+$0x0], $0xffff  }
0x3ca: {  	v0 =	vadd.f32 v2, v0;
	v2 =	vadd.f32 v20, v19;
	v20 =	vld [tilespmem:$0x1FB40]  }
0x3cb: {  	v4 =	vmax.f32 v4, $0.0e+00;
	v5 =	vmax.f32 v5, $0.0e+00;
	v18 =	vor.u32 v17, v42;
	v17 =	vld [tilespmem:$0x1FB00]  }
0x3cc: {  	v4 =	vmul.f32 v4, v16;
	v5 =	vmul.f32 v5, v14;
	v14 =	vld [tilespmem:$0x1FE30]  }
0x3cd: {  	v3 =	vmax.f32 v3, $0.0e+00;
	v6 =	vor.u32 v62, v42;
	v62 =	vld [tilespmem:$0x1FA40]  }
0x3ce: {  	v3 =	vmul.f32 v3, v15;
	v0 =	vadd.f32 v4, v0;
	v22 =	vld.idx.msk [tilespmem:v11+s24+$0x0], $0xffff  }
0x3cf: {  	v23 =	vld.idx.msk [tilespmem:v11+s25+$0x0], $0xffff  }
0x3d0: {  	v0 =	vadd.f32 v3, v0;
	v11 =	vor.u32 v24, v42;
	v24 =	vld [tilespmem:$0x1FB60]  }
0x3d1: {  	v3 =	vadd.f32 v26, v25;
	v25 =	vld [tilespmem:$0x1FDF0]  }
0x3d2: {  	v2 =	vmax.f32 v2, $0.0e+00;
	v0 =	vadd.f32 v5, v0;
	v5 =	vadd.f32 v60, v58;
	v60 =	vld [tilespmem:$0x1FB50]  }
0x3d3: {  	v2 =	vmul.f32 v2, v12;
	v12 =	vld [tilespmem:$0x1FB10]  }
0x3d4: {  	v8 =	vld.idx.msk [tilespmem:v18+s24+$0x0], $0xffff;
	v5 =	vmax.f32 v5, $0.0e+00  }
0x3d5: {  	v7 =	vor.u32 v35, v42;
	v5 =	vmul.f32 v5, v20;
	v20 =	vld [tilespmem:$0x1FAF0]  }
0x3d6: {  	v35 =	vld.idx.msk [tilespmem:v6+s24+$0x0], $0xffff  }
0x3d7: {  	v58 =	vld.idx.msk [tilespmem:v6+s25+$0x0], $0xffff  }
0x3d8: {  	v63 =	vld.idx.msk [tilespmem:v11+s24+$0x0], $0xffff  }
0x3d9: {  	v16 =	vld.idx.msk [tilespmem:v11+s25+$0x0], $0xffff  }
0x3da: {  	v1 =	vmax.f32 v1, $0.0e+00;
	v4 =	vadd.f32 v23, v22;
	v19 =	vld.idx.msk [tilespmem:v7+s24+$0x0], $0xffff;
	v26 =	vor.u32 v25, v42  }
0x3db: {  	v1 =	vmul.f32 v1, v13;
	v3 =	vmax.f32 v3, $0.0e+00;
	v23 =	vld.idx.msk [tilespmem:v7+s25+$0x0], $0xffff  }
0x3dc: {  	v6 =	vor.u32 v62, v42;
	v3 =	vmul.f32 v3, v60;
	v60 =	vld [tilespmem:$0x1FE20];
	v4 =	vmax.f32 v4, $0.0e+00  }
0x3dd: {  	v0 =	vadd.f32 v1, v0;
	v4 =	vmul.f32 v4, v24;
	v24 =	vld [tilespmem:$0x1FE10]  }
0x3de: {  	v22 =	vor.u32 v21, v42;
	v1 =	vadd.f32 v16, v63;
	v63 =	vld.idx.msk [tilespmem:v18+s25+$0x0], $0xffff  }
0x3df: {  	v15 =	vor.u32 v14, v42;
	v0 =	vadd.f32 v2, v0;
	v9 =	vld.idx.msk [tilespmem:v26+s24+$0x0], $0xffff  }
0x3e0: {  	v2 =	vadd.f32 v23, v19;
	v23 =	vld [tilespmem:$0x1FB30]  }
0x3e1: {  	v0 =	vadd.f32 v4, v0;
	v4 =	vadd.f32 v58, v35;
	v35 =	vld.idx.msk [tilespmem:v6+s25+$0x0], $0xffff  }
0x3e2: {  	v58 =	vld [tilespmem:$0x1FB20]  }
0x3e3: {  	v62 =	vor.u32 v60, v42;
	v13 =	vld.idx.msk [tilespmem:v22+s25+$0x0], $0xffff;
	v0 =	vadd.f32 v3, v0  }
0x3e4: {  	v1 =	vmax.f32 v1, $0.0e+00;
	v25 =	vor.u32 v24, v42;
	v24 =	vld.idx.msk [tilespmem:v15+s25+$0x0], $0xffff  }
0x3e5: {  	v0 =	vadd.f32 v5, v0;
	v5 =	vld.idx.msk [tilespmem:v26+s25+$0x0], $0xffff;
	v1 =	vmul.f32 v1, v23  }
0x3e6: {  	v2 =	vmax.f32 v2, $0.0e+00;
	v26 =	vld.idx.msk [tilespmem:v6+s24+$0x0], $0xffff  }
0x3e7: {  	v2 =	vmul.f32 v2, v58;
	v3 =	vadd.f32 v63, v8;
	v63 =	vld.idx.msk [tilespmem:v22+s24+$0x0], $0xffff;
	v0 =	vadd.f32 v1, v0  }
0x3e8: {  	v4 =	vmax.f32 v4, $0.0e+00;
	v19 =	vld.idx.msk [tilespmem:v62+s24+$0x0], $0xffff  }
0x3e9: {  	v23 =	vld [tilespmem:$0x1FAE0];
	v0 =	vadd.f32 v2, v0;
	v2 =	vmul.f32 v4, v12  }
0x3ea: {  	v3 =	vmax.f32 v3, $0.0e+00;
	v16 =	vld.idx.msk [tilespmem:v25+s24+$0x0], $0xffff;
	v5 =	vadd.f32 v5, v9  }
0x3eb: {  	v18 =	vld.idx.msk [tilespmem:v25+s25+$0x0], $0xffff;
	v0 =	vadd.f32 v2, v0;
	v2 =	vmul.f32 v3, v17  }
0x3ec: {  	v1 =	vadd.f32 v35, v26;
	v26 =	vld [tilespmem:$0x1FAD0];
	v5 =	vmax.f32 v5, $0.0e+00  }
0x3ed: {  	v21 =	vld.idx.msk [tilespmem:v62+s25+$0x0], $0xffff;
	v0 =	vadd.f32 v2, v0;
	v2 =	vmul.f32 v5, v20  }
0x3ee: {  	v58 =	vld [tilespmem:$0x1FAC0];
	v4 =	vadd.f32 v13, v63;
	v1 =	vmax.f32 v1, $0.0e+00  }
0x3ef: {  	v22 =	vld.idx.msk [tilespmem:v15+s24+$0x0], $0xffff;
	v1 =	vmul.f32 v1, v23;
	v0 =	vadd.f32 v2, v0  }
0x3f0: {  	v25 =	vld [tilespmem:$0x19D40];
	v4 =	vmax.f32 v4, $0.0e+00;
	v3 =	vadd.f32 v18, v16  }
0x3f1: {  	v0 =	vadd.f32 v1, v0;
	v1 =	vmul.f32 v4, v26  }
0x3f2: {  	v42 =	vld [tilespmem:$0x19D50];
	v35 =	vadd.f32 v21, v19;
	v3 =	vmax.f32 v3, $0.0e+00  }
0x3f3: {  	v0 =	vadd.f32 v1, v0;
	v1 =	vmul.f32 v3, v58  }
0x3f4: {  	v60 =	vmax.f32 v35, $0.0e+00;
	v2 =	vadd.f32 v24, v22  }
0x3f5: {  	v62 =	vmul.f32 v60, v25;
	v0 =	vadd.f32 v1, v0  }
0x3f6: {  	v2 =	vmax.f32 v2, $0.0e+00  }
0x3f7: {  	s31 =	smul.u32 $0x320, s28;
	v63 =	vmul.f32 v2, v42;
	v0 =	vadd.f32 v62, v0  }
.Ltmp7:
0x3f8: {  	_ = 	snop;
	(pc) =	sbr.rel @p1 .LBB2_11-.Ltmp7, $4  }
0x3f9: {  	s0 =	sadd.s32 s7, s31;
	v0 =	vadd.f32 v63, v0  }
0x3fa: {  	s3 =	sadd.s32 $0x10, s30;
	s0 =	sshrl.u32 s0, $0x3  }
0x3fb: {  	s0 =	sadd.s32 s10, s0;
	v62 =	vld [tilespmem:$0x1FFE0];
	[tilespmem:s3+$0x0] =	vst v0  }
0x3fc: {  	v35 =	vlaneseq.u32;
	v63 =	vld [tilespmem:$0x1FFF0];
	[hbm4b:s0+s2] =	stream.linear.scatter [tilespmem:s13], [sflag:$0x5], $0x190, $0x38  }
0x3fd: {  	_ =	swait.ge [sflag:s14], $0x2000  }
0x3fe: {  	[sflag:s14] =	ssyncset.done $0x0  }
0x3ff: {  	[sflag:s14] =	ssyncadd.s32 $0xFFFFE000  }
0x400: {  	_ =	swait.ge [sflag:s14], $0x2000  }
0x401: {  	[sflag:s14] =	ssyncset.done $0x0  }
0x402: {  	[sflag:s14] =	ssyncadd.s32 $0xFFFFE000  }
0x403: {  	_ =	swait.ge [sflag:s14], $0x2000  }
0x404: {  	[sflag:s14] =	ssyncset.done $0x0  }
0x405: {  	[sflag:s14] =	ssyncadd.s32 $0xFFFFE000  }
0x406: {  	_ =	swait.ge [sflag:s14], $0x2000  }
0x407: {  	[sflag:s14] =	ssyncset.done $0x0  }
0x408: {  	[sflag:s14] =	ssyncadd.s32 $0xFFFFE000  }
0x409: {  	_ =	swait.ge [sflag:s14], $0x2000  }
0x40a: {  	[sflag:s14] =	ssyncset.done $0x0  }
0x40b: {  	[sflag:s14] =	ssyncadd.s32 $0xFFFFE000  }
0x40c: {  	_ =	swait.ge [sflag:s14], $0x2000  }
0x40d: {  	[sflag:s14] =	ssyncset.done $0x0  }
0x40e: {  	[sflag:s14] =	ssyncadd.s32 $0xFFFFE000  }
0x40f: {  	_ =	swait.ge [sflag:s14], $0x400  }
0x410: {  	[sflag:s14] =	ssyncset.done $0x0  }
0x411: {  	[sflag:s14] =	ssyncadd.s32 $0xFFFFFC00  }
0x412: {  	_ =	swait.ge [sflag:s14], $0x400  }
0x413: {  	[sflag:s14] =	ssyncset.done $0x0  }
0x414: {  	[sflag:s14] =	ssyncadd.s32 $0xFFFFFC00  }
0x415: {  	_ =	swait.ge [sflag:s22], $0x190  }
0x416: {  	[sflag:s22] =	ssyncset.done $0x0  }
0x417: {  	[sflag:s22] =	ssyncadd.s32 $0xFFFFFE70  }
0x418: {  	_ =	swait.ge [sflag:s22], $0x190  }
0x419: {  	[sflag:s22] =	ssyncset.done $0x0  }
0x41a: {  	[sflag:s22] =	ssyncadd.s32 $0xFFFFFE70  }
0x41b: {  	[tilespmem:s24], [sflag:$0x3] =	stream.indirect.gather [hbm4b:s4+s23], $0x40, s2, s23, $0xb8;
	[tilespmem:$0x19D70] =	vst v63  }
0x41c: {  	_ = 	snop  }
0x41d: {  	[tilespmem:s25], [sflag:$0x3] =	stream.indirect.gather [hbm4b:s5+s23], $0x40, s21, s23, $0xb8;
	[tilespmem:$0x19D70] =	vst v63  }
0x41e: {  	s0 =	simm.s32 $0x2640  }
0x41f: {  	[tilespmem:s0], [sflag:$0x3] =	stream.indirect.gather [hbm4b:s4+s23], $0x40, s23, s23, $0xb8;
	[tilespmem:$0x19D70] =	vst v63  }
0x420: {  	s3 =	simm.s32 $0x8A40;
	s0 =	simm.s32 $0x210  }
0x421: {  	[tilespmem:s3], [sflag:$0x3] =	stream.indirect.gather [hbm4b:s5+s23], $0x40, s0, s23, $0xb8;
	[tilespmem:$0x19D70] =	vst v63  }
0x422: {  	s0 =	simm.s32 $0x100;
	s3 =	simm.s32 $0x4640  }
0x423: {  	[tilespmem:s3], [sflag:$0x3] =	stream.indirect.gather [hbm4b:s4+s23], $0x40, s0, s23, $0xb8;
	[tilespmem:$0x19D70] =	vst v63  }
0x424: {  	p1 =	sgt.u32 s28, $0xA;
	s0 =	simm.s32 $0x290;
	s3 =	simm.s32 $0xAA40  }
0x425: {  	[tilespmem:s3], [sflag:$0x3] =	stream.indirect.gather [hbm4b:s5+s23], $0x40, s0, s23, $0xb8;
	[tilespmem:$0x19D70] =	vst v63  }
0x426: {  	s0 =	sadd.s32 @!p1 s31, s16  }
0x427: {  	[tilespmem:s20], [sflag:$0x3] =	stream.indirect.gather [hbm4b:s4+s1], $0x40, s18, s1, $0xb8;
	[tilespmem:$0x19D70] =	vst v63  }
0x428: {  	s0 =	sshrl.u32 @!p1 s0, $0x3  }
0x429: {  	[tilespmem:s11], [sflag:$0x3] =	stream.indirect.gather [hbm4b:s5+s1], $0x40, s9, s1, $0xb8;
	[tilespmem:$0x19D70] =	vst v63  }
0x42a: {  	s30 =	simm.s32 @!p1 $0x0;
	s31 =	simm.s32 @!p1 $0x320;
	s3 =	sadd.s32 @!p1 s6, s0  }
0x42b: {  	[tilespmem:s31], [sflag:$0x2] =	stream.linear.gather @!p1 [hbm4b:s3+s30], $0x190, $0x38;
	[tilespmem:$0x19D70] =	vst v63  }
0x42c: {  	s0 =	sadd.s32 @!p1 s8, s0;
	s3 =	simm.s32 @!p1 $0x4B0  }
0x42d: {  	[tilespmem:s3], [sflag:$0x2] =	stream.linear.gather @!p1 [hbm4b:s0+s30], $0x190, $0x38;
	[tilespmem:$0x19D70] =	vst v63  }
0x42e: {  	s0 =	simm.s32 @!p0 $0x6  }
0x42f: {  	_ =	swait.ge @!p0 [sflag:s0], $0x190  }
0x430: {  	[sflag:s0] =	ssyncset.done @!p0 $0x0  }
0x431: {  	v24 =	vmov v57;
	v57 =	vld [tilespmem:$0x1FF80];
	[sflag:s0] =	ssyncadd.s32 @!p0 $0xFFFFFE70  }
0x432: {  	v8 =	vld [tilespmem:$0x19D30]  }
0x433: {  	v4 =	vmov v51;
	v51 =	vmov v55;
	v55 =	vmov v54;
	v54 =	vld [tilespmem:$0x19D20]  }
0x434: {  	v58 =	vld [tilespmem:$0x19D10]  }
0x435: {  	v1 =	vmov v59;
	v59 =	vld [tilespmem:$0x19D00]  }
0x436: {  	v60 =	vld [tilespmem:$0x19CF0]  }
0x437: {  	v0 =	vld [tilespmem:$0x19CE0]  }
0x438: {  	v42 =	vmov v40;
	v40 =	vld [tilespmem:$0x19CD0]  }
0x439: {  	v7 =	vmov v41;
	v41 =	vmov v43;
	v43 =	vld [tilespmem:$0x19CC0]  }
0x43a: {  	v6 =	vmov v46;
	v46 =	vld [tilespmem:$0x19CB0]  }
0x43b: {  	v2 =	vmov v38;
	v38 =	vmov v47;
	v47 =	vld [tilespmem:$0x19CA0]  }
0x43c: {  	v5 =	vmov v49;
	v49 =	vmov v56;
	v56 =	vmov v50;
	v50 =	vld [tilespmem:$0x19C90]  }
0x43d: {  	v3 =	vmov v52;
	v52 =	vld [tilespmem:$0x19C80]  }
0x43e: {  	v26 =	vmov v33;
	v33 =	vld [tilespmem:$0x19B00]  }
0x43f: {  	v27 =	vmov v31;
	v31 =	vld [tilespmem:$0x19AF0]  }
0x440: {  	v23 =	vmov v39;
	v39 =	vld [tilespmem:$0x19AE0]  }
0x441: {  	v22 =	vmov v41;
	v41 =	vld [tilespmem:$0x19AC0];
	[tilespmem:$0x1F930] =	vst v8  }
0x442: {  	v25 =	vld [tilespmem:$0x19AB0];
	[tilespmem:$0x1F920] =	vst v54  }
0x443: {  	[tilespmem:$0x1F910] =	vst v58;
	v54 =	vld [tilespmem:$0x19C70]  }
0x444: {  	[tilespmem:$0x1F900] =	vst v59;
	v58 =	vld [tilespmem:$0x19C60]  }
0x445: {  	[tilespmem:$0x1F8F0] =	vst v60;
	v59 =	vld [tilespmem:$0x19C50]  }
0x446: {  	[tilespmem:$0x1F8E0] =	vst v0;
	v60 =	vld [tilespmem:$0x19C40]  }
0x447: {  	[tilespmem:$0x1F8D0] =	vst v40;
	v0 =	vld [tilespmem:$0x19C30]  }
0x448: {  	[tilespmem:$0x1F8C0] =	vst v43;
	v40 =	vld [tilespmem:$0x19C20]  }
0x449: {  	[tilespmem:$0x1F8B0] =	vst v46;
	v43 =	vld [tilespmem:$0x19C10]  }
0x44a: {  	[tilespmem:$0x1F8A0] =	vst v47;
	v46 =	vld [tilespmem:$0x19C00]  }
0x44b: {  	[tilespmem:$0x1F890] =	vst v50;
	v47 =	vld [tilespmem:$0x19BF0]  }
0x44c: {  	[tilespmem:$0x1F880] =	vst v52;
	v50 =	vld [tilespmem:$0x19BE0]  }
0x44d: {  	v52 =	vld [tilespmem:$0x19BD0];
	[tilespmem:$0x1F870] =	vst v54  }
0x44e: {  	v8 =	vmov v7;
	v7 =	vld [tilespmem:$0x1FFB0];
	[tilespmem:$0x1F860] =	vst v58  }
0x44f: {  	[tilespmem:$0x1F830] =	vst v0;
	v0 =	vld [tilespmem:$0x19B80]  }
0x450: {  	[tilespmem:$0x1F850] =	vst v59;
	v54 =	vld [tilespmem:$0x19BC0]  }
0x451: {  	[tilespmem:$0x1F840] =	vst v60;
	v58 =	vld [tilespmem:$0x19BB0]  }
0x452: {  	[tilespmem:$0x1F820] =	vst v40;
	v59 =	vld [tilespmem:$0x19BA0]  }
0x453: {  	[tilespmem:$0x1F810] =	vst v43;
	v60 =	vld [tilespmem:$0x19B90]  }
0x454: {  	[tilespmem:$0x1F780] =	vst v0;
	v0 =	vld [tilespmem:$0x19B60]  }
0x455: {  	[tilespmem:$0x1F800] =	vst v46;
	v40 =	vld [tilespmem:$0x19B70]  }
0x456: {  	[tilespmem:$0x1F7F0] =	vst v47;
	v46 =	vld [tilespmem:$0x19B50]  }
0x457: {  	s3 =	simm.s32 $0x0;
	[tilespmem:$0x1F7E0] =	vst v50;
	v47 =	vld [tilespmem:$0x19B40]  }
0x458: {  	v43 =	vmov s3;
	v50 =	vld [tilespmem:$0x19B30];
	[tilespmem:$0x1F7A0] =	vst v59  }
0x459: {  	v59 =	vld [tilespmem:$0x1FF50];
	[tilespmem:$0x1F760] =	vst v0;
	v0 =	vshll.u32 v43, $0x6  }
0x45a: {  	[tilespmem:$0x1F7D0] =	vst v52;
	v11 =	vor.u32 v62, v0;
	v62 =	vld [tilespmem:$0x1FF60]  }
0x45b: {  	[tilespmem:$0x1F7C0] =	vst v54;
	v54 =	vld [tilespmem:$0x19B20];
	v52 =	vor.u32 v35, v11  }
0x45c: {  	[tilespmem:$0x1F770] =	vst v40;
	v40 =	vld [tilespmem:$0x19AD0]  }
0x45d: {  	[tilespmem:$0x1F7B0] =	vst v58;
	v35 =	vld [tilespmem:$0x19B10];
	v58 =	vor.u32 v63, v11  }
0x45e: {  	[tilespmem:$0x1F790] =	vst v60;
	v60 =	vor.u32 v59, v11;
	v59 =	vld [tilespmem:$0x1FF90]  }
0x45f: {  	v63 =	vor.u32 v62, v11;
	v62 =	vld [tilespmem:$0x1FFA0]  }
0x460: {  	v43 =	vld.idx.msk [tilespmem:v52+s17+$0x0], $0xffff  }
0x461: {  	v13 =	vmov v2;
	v2 =	vld.idx.msk [tilespmem:v52+s19+$0x0], $0xffff  }
0x462: {  	v21 =	vmov v44;
	v9 =	vor.u32 v7, v11;
	v44 =	vld.idx.msk [tilespmem:v58+s17+$0x0], $0xffff  }
0x463: {  	v20 =	vmov v45;
	v10 =	vor.u32 v61, v11;
	v45 =	vld.idx.msk [tilespmem:v58+s19+$0x0], $0xffff  }
0x464: {  	v1 =	vor.u32 v1, v11;
	v52 =	vld [tilespmem:$0x1FF70]  }
0x465: {  	[tilespmem:$0x1F750] =	vst v46;
	v3 =	vor.u32 v3, v11;
	v46 =	vld.idx.msk [tilespmem:v60+s17+$0x0], $0xffff  }
0x466: {  	[tilespmem:$0x1F740] =	vst v47;
	v47 =	vld.idx.msk [tilespmem:v60+s19+$0x0], $0xffff  }
0x467: {  	v60 =	vor.u32 v59, v11;
	v59 =	vld.idx.msk [tilespmem:v9+s19+$0x0], $0xffff  }
0x468: {  	v58 =	vor.u32 v57, v11;
	v61 =	vld.idx.msk [tilespmem:v10+s19+$0x0], $0xffff  }
0x469: {  	v7 =	vld.idx.msk [tilespmem:v1+s19+$0x0], $0xffff  }
0x46a: {  	v12 =	vld.idx.msk [tilespmem:v3+s17+$0x0], $0xffff  }
0x46b: {  	v14 =	vmov v48;
	v48 =	vld.idx.msk [tilespmem:v63+s17+$0x0], $0xffff  }
0x46c: {  	v15 =	vmov v49;
	v49 =	vld.idx.msk [tilespmem:v63+s19+$0x0], $0xffff;
	v63 =	vor.u32 v62, v11  }
0x46d: {  	[tilespmem:$0x1F720] =	vst v54;
	v54 =	vor.u32 v52, v11;
	v52 =	vld.idx.msk [tilespmem:v58+s17+$0x0], $0xffff  }
0x46e: {  	v18 =	vmov v53;
	v53 =	vld.idx.msk [tilespmem:v58+s19+$0x0], $0xffff  }
0x46f: {  	v17 =	vmov v55;
	v55 =	vld.idx.msk [tilespmem:v60+s19+$0x0], $0xffff  }
0x470: {  	v58 =	vld.idx.msk [tilespmem:v9+s17+$0x0], $0xffff  }
0x471: {  	v19 =	vmov v56;
	v56 =	vld.idx.msk [tilespmem:v63+s17+$0x0], $0xffff  }
0x472: {  	v57 =	vld.idx.msk [tilespmem:v63+s19+$0x0], $0xffff  }
0x473: {  	v63 =	vld [tilespmem:$0x1FFC0]  }
0x474: {  	v9 =	vld.idx.msk [tilespmem:v1+s17+$0x0], $0xffff  }
0x475: {  	v1 =	vld [tilespmem:$0x19970]  }
0x476: {  	v2 =	vadd.f32 v2, v43;
	v43 =	vld [tilespmem:$0x19AA0]  }
0x477: {  	v44 =	vadd.f32 v45, v44;
	v45 =	vld [tilespmem:$0x19980]  }
0x478: {  	v46 =	vadd.f32 v47, v46;
	v47 =	vld [tilespmem:$0x19990];
	v0 =	vor.u32 v63, v11  }
0x479: {  	[tilespmem:$0x1F730] =	vst v50;
	v50 =	vld.idx.msk [tilespmem:v54+s17+$0x0], $0xffff  }
0x47a: {  	v16 =	vmov v51;
	v51 =	vld.idx.msk [tilespmem:v54+s19+$0x0], $0xffff  }
0x47b: {  	v54 =	vld.idx.msk [tilespmem:v60+s17+$0x0], $0xffff  }
0x47c: {  	v60 =	vld.idx.msk [tilespmem:v10+s17+$0x0], $0xffff  }
0x47d: {  	v62 =	vld.idx.msk [tilespmem:v0+s17+$0x0], $0xffff  }
0x47e: {  	v63 =	vld.idx.msk [tilespmem:v0+s19+$0x0], $0xffff  }
0x47f: {  	v0 =	vld [tilespmem:$0x19960]  }
0x480: {  	v10 =	vld.idx.msk [tilespmem:v3+s19+$0x0], $0xffff  }
0x481: {  	v44 =	vmax.f32 v44, $0.0e+00;
	v3 =	vld [tilespmem:$0x19D60]  }
0x482: {  	v1 =	vmul.f32 v44, v1;
	v44 =	vadd.f32 v49, v48;
	v48 =	vld [tilespmem:$0x199A0]  }
0x483: {  	v2 =	vmax.f32 v2, $0.0e+00;
	v49 =	vld [tilespmem:$0x199B0]  }
0x484: {  	v53 =	vadd.f32 v53, v52;
	v52 =	vld [tilespmem:$0x199E0];
	v0 =	vmul.f32 v2, v0  }
0x485: {  	v55 =	vadd.f32 v55, v54;
	v54 =	vld [tilespmem:$0x199F0]  }
0x486: {  	v2 =	vld [tilespmem:$0x19A90];
	v0 =	vadd.f32 v0, v3  }
0x487: {  	v46 =	vmax.f32 v46, $0.0e+00;
	v3 =	vld [tilespmem:$0x19A80]  }
0x488: {  	v0 =	vadd.f32 v1, v0;
	v1 =	vmul.f32 v46, v45;
	v46 =	vadd.f32 v51, v50;
	v50 =	vld [tilespmem:$0x199C0]  }
0x489: {  	v44 =	vmax.f32 v44, $0.0e+00;
	v45 =	vld [tilespmem:$0x19A70]  }
0x48a: {  	v51 =	vld [tilespmem:$0x199D0];
	v0 =	vadd.f32 v1, v0;
	v1 =	vmul.f32 v44, v47  }
0x48b: {  	v59 =	vadd.f32 v59, v58;
	v56 =	vadd.f32 v57, v56;
	v44 =	vld [tilespmem:$0x19A60];
	v46 =	vmax.f32 v46, $0.0e+00  }
0x48c: {  	v0 =	vadd.f32 v1, v0;
	v1 =	vmul.f32 v46, v48;
	v46 =	vld [tilespmem:$0x19A50];
	v48 =	vmax.f32 v55, $0.0e+00  }
0x48d: {  	v47 =	vmax.f32 v53, $0.0e+00;
	v57 =	vmul.f32 v48, v50;
	v48 =	vld [tilespmem:$0x19A30];
	v50 =	vor.u32 v4, v11  }
0x48e: {  	v0 =	vadd.f32 v1, v0;
	v1 =	vmul.f32 v47, v49;
	v47 =	vld [tilespmem:$0x19A40];
	v49 =	vmax.f32 v56, $0.0e+00  }
0x48f: {  	v53 =	vmax.f32 v59, $0.0e+00;
	v4 =	vmul.f32 v49, v51;
	v49 =	vld [tilespmem:$0x19A20]  }
0x490: {  	v51 =	vor.u32 v5, v11;
	v5 =	vadd.f32 v61, v60;
	v60 =	vld [tilespmem:$0x19A00];
	v0 =	vadd.f32 v1, v0  }
0x491: {  	v61 =	vmul.f32 v53, v52;
	v53 =	vor.u32 v6, v11;
	v6 =	vld [tilespmem:$0x1FBC0]  }
0x492: {  	v52 =	vld [tilespmem:$0x19A10];
	v0 =	vadd.f32 v57, v0  }
0x493: {  	v62 =	vadd.f32 v63, v62;
	v58 =	vld.idx.msk [tilespmem:v50+s17+$0x0], $0xffff  }
0x494: {  	v55 =	vmax.f32 v5, $0.0e+00;
	v50 =	vld.idx.msk [tilespmem:v50+s19+$0x0], $0xffff;
	v0 =	vadd.f32 v4, v0  }
0x495: {  	v9 =	vadd.f32 v7, v9;
	v63 =	vmul.f32 v55, v54;
	v57 =	vmax.f32 v62, $0.0e+00;
	v55 =	vld.idx.msk [tilespmem:v51+s17+$0x0], $0xffff  }
0x496: {  	v54 =	vor.u32 v6, v11;
	v5 =	vmul.f32 v57, v60;
	v60 =	vld [tilespmem:$0x1FBD0];
	v0 =	vadd.f32 v61, v0  }
0x497: {  	v62 =	vld.idx.msk [tilespmem:v53+s17+$0x0], $0xffff  }
0x498: {  	v4 =	vmax.f32 v9, $0.0e+00;
	v9 =	vor.u32 v8, v11;
	v0 =	vadd.f32 v63, v0;
	v63 =	vld.idx.msk [tilespmem:v53+s19+$0x0], $0xffff  }
0x499: {  	v59 =	vld.idx.msk [tilespmem:v51+s19+$0x0], $0xffff;
	v61 =	vadd.f32 v10, v12  }
0x49a: {  	v12 =	vld [tilespmem:$0x1FA40];
	v50 =	vadd.f32 v50, v58;
	v58 =	vor.u32 v42, v11  }
0x49b: {  	v6 =	vmax.f32 v61, $0.0e+00;
	v61 =	vor.u32 v13, v11;
	v10 =	vld.idx.msk [tilespmem:v54+s17+$0x0], $0xffff  }
0x49c: {  	v57 =	vld.idx.msk [tilespmem:v54+s19+$0x0], $0xffff  }
0x49d: {  	v51 =	vor.u32 v60, v11;
	v0 =	vadd.f32 v5, v0;
	v5 =	vadd.f32 v63, v62;
	v62 =	vld.idx.msk [tilespmem:v9+s17+$0x0], $0xffff  }
0x49e: {  	v63 =	vld.idx.msk [tilespmem:v9+s19+$0x0], $0xffff  }
0x49f: {  	v9 =	vor.u32 v37, v11;
	v37 =	vld.idx.msk [tilespmem:v58+s19+$0x0], $0xffff  }
0x4a0: {  	v4 =	vmul.f32 v4, v52;
	v52 =	vor.u32 v38, v11;
	v53 =	vld.idx.msk [tilespmem:v61+s17+$0x0], $0xffff  }
0x4a1: {  	v1 =	vadd.f32 v59, v55;
	v55 =	vor.u32 v14, v11;
	v54 =	vld.idx.msk [tilespmem:v61+s19+$0x0], $0xffff  }
0x4a2: {  	v59 =	vld.idx.msk [tilespmem:v51+s17+$0x0], $0xffff  }
0x4a3: {  	v60 =	vld.idx.msk [tilespmem:v51+s19+$0x0], $0xffff  }
0x4a4: {  	v6 =	vmul.f32 v6, v49;
	v0 =	vadd.f32 v4, v0;
	v4 =	vadd.f32 v57, v10;
	v10 =	vld.idx.msk [tilespmem:v58+s17+$0x0], $0xffff  }
0x4a5: {  	v50 =	vmax.f32 v50, $0.0e+00;
	v58 =	vld.idx.msk [tilespmem:v52+s17+$0x0], $0xffff  }
0x4a6: {  	v48 =	vmul.f32 v50, v48;
	v0 =	vadd.f32 v6, v0;
	v61 =	vld.idx.msk [tilespmem:v55+s19+$0x0], $0xffff  }
0x4a7: {  	v1 =	vmax.f32 v1, $0.0e+00;
	v57 =	vor.u32 v15, v11;
	v15 =	vld [tilespmem:$0x1FA30];
	v5 =	vmax.f32 v5, $0.0e+00  }
0x4a8: {  	v1 =	vmul.f32 v1, v47;
	v0 =	vadd.f32 v48, v0;
	v5 =	vmul.f32 v5, v46;
	v46 =	vld.idx.msk [tilespmem:v52+s19+$0x0], $0xffff  }
0x4a9: {  	v56 =	vld.idx.msk [tilespmem:v9+s17+$0x0], $0xffff  }
0x4aa: {  	v0 =	vadd.f32 v1, v0;
	v7 =	vadd.f32 v63, v62;
	v47 =	vld.idx.msk [tilespmem:v9+s19+$0x0], $0xffff;
	v62 =	vor.u32 v17, v11  }
0x4ab: {  	v4 =	vmax.f32 v4, $0.0e+00;
	v6 =	vadd.f32 v60, v59;
	v60 =	vld.idx.msk [tilespmem:v55+s17+$0x0], $0xffff  }
0x4ac: {  	v51 =	vor.u32 v19, v11;
	v4 =	vmul.f32 v4, v44;
	v63 =	vld.idx.msk [tilespmem:v57+s17+$0x0], $0xffff;
	v0 =	vadd.f32 v5, v0  }
0x4ad: {  	v1 =	vadd.f32 v37, v10;
	v37 =	vor.u32 v18, v11;
	v18 =	vld [tilespmem:$0x1FA00]  }
0x4ae: {  	v59 =	vor.u32 v16, v11;
	v0 =	vadd.f32 v4, v0;
	v4 =	vld.idx.msk [tilespmem:v57+s19+$0x0], $0xffff  }
0x4af: {  	v5 =	vadd.f32 v54, v53;
	v53 =	vld.idx.msk [tilespmem:v62+s17+$0x0], $0xffff  }
0x4b0: {  	v55 =	vld.idx.msk [tilespmem:v62+s19+$0x0], $0xffff  }
0x4b1: {  	v9 =	vmax.f32 v5, $0.0e+00;
	v62 =	vld.idx.msk [tilespmem:v51+s17+$0x0], $0xffff  }
0x4b2: {  	v38 =	vmul.f32 v9, v43;
	v43 =	vld [tilespmem:$0x1F740]  }
0x4b3: {  	v48 =	vld.idx.msk [tilespmem:v59+s17+$0x0], $0xffff  }
0x4b4: {  	v6 =	vmax.f32 v6, $0.0e+00;
	v50 =	vld.idx.msk [tilespmem:v59+s19+$0x0], $0xffff  }
0x4b5: {  	v49 =	vadd.f32 v46, v58;
	v6 =	vmul.f32 v6, v45;
	v58 =	vld.idx.msk [tilespmem:v37+s17+$0x0], $0xffff  }
0x4b6: {  	v10 =	vadd.f32 v47, v56;
	v56 =	vor.u32 v20, v11;
	v59 =	vld.idx.msk [tilespmem:v37+s19+$0x0], $0xffff  }
0x4b7: {  	v1 =	vmax.f32 v1, $0.0e+00;
	v0 =	vadd.f32 v6, v0;
	v6 =	vadd.f32 v61, v60;
	v37 =	vld [tilespmem:$0x1F7B0]  }
0x4b8: {  	v1 =	vmul.f32 v1, v2;
	v9 =	vor.u32 v22, v11;
	v2 =	vadd.f32 v4, v63;
	v63 =	vld.idx.msk [tilespmem:v51+s19+$0x0], $0xffff  }
0x4b9: {  	v6 =	vmax.f32 v6, $0.0e+00;
	v51 =	vor.u32 v36, v11;
	v36 =	vld [tilespmem:$0x1FF00]  }
0x4ba: {  	v61 =	vmul.f32 v6, v40;
	v40 =	vld [tilespmem:$0x1F7C0]  }
0x4bb: {  	v60 =	vor.u32 v21, v11;
	v45 =	vld.idx.msk [tilespmem:v56+s17+$0x0], $0xffff  }
0x4bc: {  	v54 =	vmax.f32 v49, $0.0e+00;
	v5 =	vmax.f32 v10, $0.0e+00;
	v46 =	vld.idx.msk [tilespmem:v56+s19+$0x0], $0xffff  }
0x4bd: {  	v47 =	vor.u32 v23, v11;
	v52 =	vmul.f32 v5, v25;
	v5 =	vadd.f32 v55, v53;
	v53 =	vld.idx.msk [tilespmem:v9+s17+$0x0], $0xffff  }
0x4be: {  	v7 =	vmax.f32 v7, $0.0e+00;
	v57 =	vmul.f32 v54, v41;
	v54 =	vld.idx.msk [tilespmem:v9+s19+$0x0], $0xffff  }
0x4bf: {  	v3 =	vmul.f32 v7, v3;
	v9 =	vld [tilespmem:$0x1F730]  }
0x4c0: {  	v49 =	vld.idx.msk [tilespmem:v60+s17+$0x0], $0xffff  }
0x4c1: {  	v42 =	vor.u32 v32, v11;
	v0 =	vadd.f32 v3, v0;
	v3 =	vadd.f32 v50, v48;
	v50 =	vld.idx.msk [tilespmem:v60+s19+$0x0], $0xffff  }
0x4c2: {  	v4 =	vadd.f32 v59, v58;
	v58 =	vld.idx.msk [tilespmem:v47+s19+$0x0], $0xffff  }
0x4c3: {  	v0 =	vadd.f32 v1, v0;
	v55 =	vor.u32 v24, v11;
	v2 =	vmax.f32 v2, $0.0e+00;
	v60 =	vld [tilespmem:$0x1F720]  }
0x4c4: {  	v18 =	vor.u32 v18, v11;
	v10 =	vmul.f32 v2, v39;
	v39 =	vld [tilespmem:$0x1FF10]  }
0x4c5: {  	v0 =	vadd.f32 v38, v0;
	v3 =	vmax.f32 v3, $0.0e+00;
	v6 =	vadd.f32 v63, v62;
	v62 =	vld.idx.msk [tilespmem:v51+s19+$0x0], $0xffff  }
0x4c6: {  	v5 =	vmax.f32 v5, $0.0e+00;
	v48 =	vmul.f32 v3, v31;
	v31 =	vld.idx.msk [tilespmem:v42+s19+$0x0], $0xffff  }
0x4c7: {  	v59 =	vor.u32 v34, v11;
	v0 =	vadd.f32 v52, v0;
	v52 =	vmul.f32 v5, v33;
	v33 =	vld [tilespmem:$0x1F7A0]  }
0x4c8: {  	v41 =	vld.idx.msk [tilespmem:v55+s19+$0x0], $0xffff  }
0x4c9: {  	v5 =	vadd.f32 v54, v53;
	v54 =	vld [tilespmem:$0x1F770]  }
0x4ca: {  	v2 =	vadd.f32 v46, v45;
	v46 =	vor.u32 v27, v11;
	v27 =	vor.u32 v36, v11;
	v36 =	vld.idx.msk [tilespmem:v18+s17+$0x0], $0xffff  }
0x4cb: {  	v0 =	vadd.f32 v57, v0;
	v57 =	vld.idx.msk [tilespmem:v47+s17+$0x0], $0xffff  }
0x4cc: {  	v44 =	vld.idx.msk [tilespmem:v59+s17+$0x0], $0xffff  }
0x4cd: {  	v63 =	vor.u32 v26, v11;
	v45 =	vld.idx.msk [tilespmem:v59+s19+$0x0], $0xffff  }
0x4ce: {  	v47 =	vld [tilespmem:$0x1F750]  }
0x4cf: {  	v59 =	vld [tilespmem:$0x1FEE0]  }
0x4d0: {  	v53 =	vor.u32 v29, v11;
	v0 =	vadd.f32 v61, v0;
	v61 =	vld.idx.msk [tilespmem:v51+s17+$0x0], $0xffff  }
0x4d1: {  	v51 =	vld [tilespmem:$0x1F760]  }
0x4d2: {  	v3 =	vadd.f32 v50, v49;
	v50 =	vor.u32 v30, v11;
	v49 =	vld.idx.msk [tilespmem:v63+s19+$0x0], $0xffff  }
0x4d3: {  	v0 =	vadd.f32 v10, v0;
	v10 =	vld.idx.msk [tilespmem:v55+s17+$0x0], $0xffff  }
0x4d4: {  	v30 =	vor.u32 v28, v11;
	v55 =	vld.idx.msk [tilespmem:v46+s17+$0x0], $0xffff  }
0x4d5: {  	v4 =	vmax.f32 v4, $0.0e+00;
	v28 =	vld.idx.msk [tilespmem:v53+s19+$0x0], $0xffff  }
0x4d6: {  	v56 =	vmul.f32 v4, v35;
	v4 =	vadd.f32 v58, v57;
	v57 =	vld [tilespmem:$0x1F780]  }
0x4d7: {  	v58 =	vld.idx.msk [tilespmem:v50+s17+$0x0], $0xffff  }
0x4d8: {  	v29 =	vld.idx.msk [tilespmem:v50+s19+$0x0], $0xffff  }
0x4d9: {  	v34 =	vld.idx.msk [tilespmem:v30+s17+$0x0], $0xffff  }
0x4da: {  	v35 =	vld.idx.msk [tilespmem:v30+s19+$0x0], $0xffff  }
0x4db: {  	v6 =	vmax.f32 v6, $0.0e+00;
	v50 =	vld [tilespmem:$0x1F7F0]  }
0x4dc: {  	v1 =	vmul.f32 v6, v60;
	v60 =	vor.u32 v59, v11;
	v59 =	vld [tilespmem:$0x1F820]  }
0x4dd: {  	v0 =	vadd.f32 v48, v0;
	v48 =	vld.idx.msk [tilespmem:v63+s17+$0x0], $0xffff  }
0x4de: {  	v63 =	vld [tilespmem:$0x1FEF0]  }
0x4df: {  	v6 =	vadd.f32 v62, v61;
	v61 =	vld [tilespmem:$0x1F790]  }
0x4e0: {  	v62 =	vld.idx.msk [tilespmem:v53+s17+$0x0], $0xffff  }
0x4e1: {  	v53 =	vld [tilespmem:$0x1F800]  }
0x4e2: {  	v0 =	vadd.f32 v52, v0;
	v52 =	vld.idx.msk [tilespmem:v42+s17+$0x0], $0xffff  }
0x4e3: {  	v42 =	vld [tilespmem:$0x1FF20]  }
0x4e4: {  	v0 =	vadd.f32 v56, v0;
	v56 =	vld.idx.msk [tilespmem:v46+s19+$0x0], $0xffff  }
0x4e5: {  	v38 =	vld.idx.msk [tilespmem:v60+s17+$0x0], $0xffff  }
0x4e6: {  	v2 =	vmax.f32 v2, $0.0e+00;
	v46 =	vld [tilespmem:$0x1FF30]  }
0x4e7: {  	v15 =	vor.u32 v15, v11;
	v26 =	vld.idx.msk [tilespmem:v60+s19+$0x0], $0xffff;
	v0 =	vadd.f32 v1, v0;
	v1 =	vmul.f32 v2, v9  }
0x4e8: {  	v3 =	vmax.f32 v3, $0.0e+00;
	v2 =	vadd.f32 v41, v10;
	v10 =	vld [tilespmem:$0x1F840]  }
0x4e9: {  	v0 =	vadd.f32 v1, v0;
	v1 =	vmul.f32 v3, v43;
	v43 =	vld [tilespmem:$0x1F7D0]  }
0x4ea: {  	v3 =	vadd.f32 v45, v44;
	v44 =	vld.idx.msk [tilespmem:v27+s17+$0x0], $0xffff  }
0x4eb: {  	v5 =	vmax.f32 v5, $0.0e+00;
	v45 =	vld.idx.msk [tilespmem:v27+s19+$0x0], $0xffff;
	v24 =	vor.u32 v46, v11  }
0x4ec: {  	v46 =	vld.idx.msk [tilespmem:v15+s19+$0x0], $0xffff;
	v0 =	vadd.f32 v1, v0;
	v1 =	vmul.f32 v5, v47  }
0x4ed: {  	v4 =	vmax.f32 v4, $0.0e+00;
	v47 =	vld [tilespmem:$0x1F7E0]  }
0x4ee: {  	v5 =	vadd.f32 v49, v48;
	v49 =	vld [tilespmem:$0x1FF40];
	v0 =	vadd.f32 v1, v0;
	v1 =	vmul.f32 v4, v51  }
0x4ef: {  	v6 =	vmax.f32 v6, $0.0e+00;
	v4 =	vadd.f32 v31, v52;
	v31 =	vor.u32 v63, v11;
	v52 =	vld [tilespmem:$0x1FD50]  }
0x4f0: {  	v0 =	vadd.f32 v1, v0;
	v1 =	vmul.f32 v6, v54;
	v54 =	vld.idx.msk [tilespmem:v24+s17+$0x0], $0xffff  }
0x4f1: {  	v6 =	vadd.f32 v56, v55;
	v55 =	vld.idx.msk [tilespmem:v24+s19+$0x0], $0xffff  }
0x4f2: {  	v2 =	vmax.f32 v2, $0.0e+00;
	v56 =	vld [tilespmem:$0x1FD80]  }
0x4f3: {  	v12 =	vor.u32 v12, v11;
	v0 =	vadd.f32 v1, v0;
	v1 =	vmul.f32 v2, v57;
	v57 =	vld [tilespmem:$0x1F810]  }
0x4f4: {  	v41 =	vld.idx.msk [tilespmem:v31+s17+$0x0], $0xffff  }
0x4f5: {  	v3 =	vmax.f32 v3, $0.0e+00;
	v2 =	vadd.f32 v29, v58;
	v25 =	vld.idx.msk [tilespmem:v31+s19+$0x0], $0xffff  }
0x4f6: {  	v29 =	vor.u32 v39, v11;
	v0 =	vadd.f32 v1, v0;
	v1 =	vmul.f32 v3, v61;
	v61 =	vld [tilespmem:$0x1FDA0]  }
0x4f7: {  	v3 =	vadd.f32 v28, v62;
	v62 =	vld [tilespmem:$0x1F830]  }
0x4f8: {  	v5 =	vmax.f32 v5, $0.0e+00;
	v21 =	vor.u32 v56, v11;
	v56 =	vld.idx.msk [tilespmem:v12+s17+$0x0], $0xffff  }
0x4f9: {  	v0 =	vadd.f32 v1, v0;
	v1 =	vmul.f32 v5, v33;
	v33 =	vld [tilespmem:$0x1F850]  }
0x4fa: {  	v28 =	vor.u32 v42, v11;
	v5 =	vadd.f32 v35, v34;
	v35 =	vld [tilespmem:$0x1F860]  }
0x4fb: {  	v48 =	vld.idx.msk [tilespmem:v29+s17+$0x0], $0xffff  }
0x4fc: {  	v4 =	vmax.f32 v4, $0.0e+00;
	v23 =	vld.idx.msk [tilespmem:v29+s19+$0x0], $0xffff  }
0x4fd: {  	v0 =	vadd.f32 v1, v0;
	v1 =	vmul.f32 v4, v37;
	v37 =	vld.idx.msk [tilespmem:v18+s19+$0x0], $0xffff  }
0x4fe: {  	v4 =	vadd.f32 v26, v38;
	v38 =	vld [tilespmem:$0x1F870]  }
0x4ff: {  	v51 =	vld.idx.msk [tilespmem:v28+s17+$0x0], $0xffff  }
0x500: {  	v22 =	vld.idx.msk [tilespmem:v28+s19+$0x0], $0xffff  }
0x501: {  	v63 =	vld.idx.msk [tilespmem:v21+s17+$0x0], $0xffff  }
0x502: {  	v6 =	vmax.f32 v6, $0.0e+00;
	v9 =	vld.idx.msk [tilespmem:v21+s19+$0x0], $0xffff  }
0x503: {  	v26 =	vor.u32 v49, v11;
	v0 =	vadd.f32 v1, v0;
	v1 =	vmul.f32 v6, v40;
	v40 =	vld [tilespmem:$0x1FDD0]  }
0x504: {  	v2 =	vmax.f32 v2, $0.0e+00;
	v6 =	vadd.f32 v25, v41;
	v41 =	vld [tilespmem:$0x1F880]  }
0x505: {  	v0 =	vadd.f32 v1, v0;
	v1 =	vmul.f32 v2, v43;
	v43 =	vld [tilespmem:$0x1FDF0]  }
0x506: {  	v2 =	vadd.f32 v45, v44;
	v44 =	vld [tilespmem:$0x1F890]  }
0x507: {  	v25 =	vor.u32 v52, v11;
	v45 =	vld.idx.msk [tilespmem:v15+s17+$0x0], $0xffff  }
0x508: {  	v58 =	vld.idx.msk [tilespmem:v26+s17+$0x0], $0xffff  }
0x509: {  	v3 =	vmax.f32 v3, $0.0e+00;
	v20 =	vld.idx.msk [tilespmem:v26+s19+$0x0], $0xffff  }
0x50a: {  	v0 =	vadd.f32 v1, v0;
	v1 =	vmul.f32 v3, v47;
	v3 =	vadd.f32 v23, v48;
	v23 =	vld [tilespmem:$0x1F9F0]  }
0x50b: {  	v47 =	vld [tilespmem:$0x1F8A0]  }
0x50c: {  	v5 =	vmax.f32 v5, $0.0e+00;
	v60 =	vld.idx.msk [tilespmem:v25+s17+$0x0], $0xffff  }
0x50d: {  	v19 =	vld.idx.msk [tilespmem:v25+s19+$0x0], $0xffff;
	v0 =	vadd.f32 v1, v0;
	v1 =	vmul.f32 v5, v50  }
0x50e: {  	v4 =	vmax.f32 v4, $0.0e+00;
	v50 =	vld [tilespmem:$0x1FE00]  }
0x50f: {  	v5 =	vadd.f32 v22, v51;
	v51 =	vld [tilespmem:$0x1F8B0];
	v0 =	vadd.f32 v1, v0;
	v1 =	vmul.f32 v4, v53  }
0x510: {  	v6 =	vmax.f32 v6, $0.0e+00;
	v4 =	vadd.f32 v55, v54;
	v54 =	vld [tilespmem:$0x1FE10]  }
0x511: {  	v55 =	vld [tilespmem:$0x1F8C0];
	v0 =	vadd.f32 v1, v0;
	v1 =	vmul.f32 v6, v57  }
0x512: {  	v2 =	vmax.f32 v2, $0.0e+00;
	v22 =	vor.u32 v61, v11;
	v6 =	vadd.f32 v20, v58;
	v20 =	vld [tilespmem:$0x1FA10]  }
0x513: {  	v23 =	vor.u32 v23, v11;
	v57 =	vld.idx.msk [tilespmem:v12+s19+$0x0], $0xffff;
	v0 =	vadd.f32 v1, v0;
	v1 =	vmul.f32 v2, v59  }
0x514: {  	v3 =	vmax.f32 v3, $0.0e+00;
	v58 =	vld [tilespmem:$0x1FE20]  }
0x515: {  	v12 =	vld [tilespmem:$0x1FE30];
	v0 =	vadd.f32 v1, v0;
	v1 =	vmul.f32 v3, v62  }
0x516: {  	v5 =	vmax.f32 v5, $0.0e+00;
	v2 =	vadd.f32 v19, v60;
	v19 =	vld [tilespmem:$0x1FA20]  }
0x517: {  	v34 =	vld.idx.msk [tilespmem:v22+s17+$0x0], $0xffff;
	v0 =	vadd.f32 v1, v0;
	v1 =	vmul.f32 v5, v10  }
0x518: {  	v4 =	vmax.f32 v4, $0.0e+00;
	v32 =	vld.idx.msk [tilespmem:v23+s17+$0x0], $0xffff  }
0x519: {  	v17 =	vld.idx.msk [tilespmem:v23+s19+$0x0], $0xffff;
	v20 =	vor.u32 v20, v11;
	v0 =	vadd.f32 v1, v0;
	v1 =	vmul.f32 v4, v33  }
0x51a: {  	v16 =	vld.idx.msk [tilespmem:v22+s19+$0x0], $0xffff;
	v6 =	vmax.f32 v6, $0.0e+00  }
0x51b: {  	v59 =	vld [tilespmem:$0x1F8D0];
	v19 =	vor.u32 v19, v11;
	v0 =	vadd.f32 v1, v0;
	v1 =	vmul.f32 v6, v35  }
0x51c: {  	v2 =	vmax.f32 v2, $0.0e+00;
	v3 =	vadd.f32 v9, v63;
	v62 =	vld [tilespmem:$0x1F8E0]  }
0x51d: {  	v33 =	vld [tilespmem:$0x1F8F0];
	v0 =	vadd.f32 v1, v0;
	v1 =	vmul.f32 v2, v38  }
0x51e: {  	v8 =	vor.u32 v58, v11;
	v3 =	vmax.f32 v3, $0.0e+00;
	v5 =	vadd.f32 v17, v32;
	v39 =	vld.idx.msk [tilespmem:v20+s17+$0x0], $0xffff  }
0x51f: {  	v17 =	vor.u32 v40, v11;
	v14 =	vld.idx.msk [tilespmem:v20+s19+$0x0], $0xffff;
	v0 =	vadd.f32 v1, v0;
	v1 =	vmul.f32 v3, v41  }
0x520: {  	v4 =	vadd.f32 v16, v34;
	v5 =	vmax.f32 v5, $0.0e+00;
	v42 =	vld.idx.msk [tilespmem:v19+s17+$0x0], $0xffff  }
0x521: {  	v16 =	vor.u32 v43, v11;
	v13 =	vld.idx.msk [tilespmem:v19+s19+$0x0], $0xffff;
	v0 =	vadd.f32 v1, v0;
	v1 =	vmul.f32 v5, v44  }
0x522: {  	v43 =	vld [tilespmem:$0x1F920];
	v4 =	vmax.f32 v4, $0.0e+00;
	v6 =	vadd.f32 v37, v36  }
0x523: {  	v34 =	vld.idx.msk [tilespmem:v8+s17+$0x0], $0xffff;
	v0 =	vadd.f32 v1, v0;
	v1 =	vmul.f32 v4, v47  }
0x524: {  	v6 =	vmax.f32 v6, $0.0e+00;
	v48 =	vld.idx.msk [tilespmem:v17+s17+$0x0], $0xffff;
	v2 =	vadd.f32 v14, v39  }
0x525: {  	v49 =	vld.idx.msk [tilespmem:v17+s19+$0x0], $0xffff;
	v14 =	vor.u32 v50, v11;
	v0 =	vadd.f32 v1, v0;
	v1 =	vmul.f32 v6, v51  }
0x526: {  	v52 =	vld.idx.msk [tilespmem:v16+s17+$0x0], $0xffff;
	v2 =	vmax.f32 v2, $0.0e+00;
	v3 =	vadd.f32 v13, v42  }
0x527: {  	v53 =	vld.idx.msk [tilespmem:v16+s19+$0x0], $0xffff;
	v13 =	vor.u32 v54, v11;
	v0 =	vadd.f32 v1, v0;
	v1 =	vmul.f32 v2, v55  }
0x528: {  	v36 =	vld [tilespmem:$0x1F900];
	v5 =	vadd.f32 v46, v45;
	v3 =	vmax.f32 v3, $0.0e+00  }
0x529: {  	v39 =	vld [tilespmem:$0x1F910];
	v0 =	vadd.f32 v1, v0;
	v1 =	vmul.f32 v3, v59  }
0x52a: {  	v5 =	vmax.f32 v5, $0.0e+00;
	v4 =	vadd.f32 v49, v48;
	v60 =	vld.idx.msk [tilespmem:v14+s17+$0x0], $0xffff  }
0x52b: {  	v11 =	vor.u32 v12, v11;
	v61 =	vld.idx.msk [tilespmem:v14+s19+$0x0], $0xffff;
	v0 =	vadd.f32 v1, v0;
	v1 =	vmul.f32 v5, v62  }
0x52c: {  	v6 =	vadd.f32 v53, v52;
	v4 =	vmax.f32 v4, $0.0e+00;
	v63 =	vld.idx.msk [tilespmem:v13+s17+$0x0], $0xffff  }
0x52d: {  	v32 =	vld.idx.msk [tilespmem:v13+s19+$0x0], $0xffff;
	v0 =	vadd.f32 v1, v0;
	v1 =	vmul.f32 v4, v33  }
0x52e: {  	v35 =	vld.idx.msk [tilespmem:v8+s19+$0x0], $0xffff;
	v6 =	vmax.f32 v6, $0.0e+00;
	v2 =	vadd.f32 v57, v56  }
0x52f: {  	v47 =	vld [tilespmem:$0x1F930];
	v0 =	vadd.f32 v1, v0;
	v1 =	vmul.f32 v6, v36  }
0x530: {  	v37 =	vld.idx.msk [tilespmem:v11+s17+$0x0], $0xffff;
	v2 =	vmax.f32 v2, $0.0e+00;
	v3 =	vadd.f32 v61, v60  }
0x531: {  	v38 =	vld.idx.msk [tilespmem:v11+s19+$0x0], $0xffff;
	v0 =	vadd.f32 v1, v0;
	v1 =	vmul.f32 v2, v39  }
0x532: {  	v42 =	vld [tilespmem:$0x19D40];
	v40 =	vmax.f32 v3, $0.0e+00;
	v41 =	vadd.f32 v32, v63  }
0x533: {  	v0 =	vadd.f32 v1, v0;
	v1 =	vmul.f32 v40, v43  }
0x534: {  	v45 =	vadd.f32 v35, v34;
	v46 =	vld [tilespmem:$0x19D50];
	v44 =	vmax.f32 v41, $0.0e+00  }
0x535: {  	v0 =	vadd.f32 v1, v0;
	v1 =	vmul.f32 v44, v47  }
0x536: {  	v48 =	vmax.f32 v45, $0.0e+00;
	v49 =	vadd.f32 v38, v37  }
0x537: {  	v50 =	vmul.f32 v48, v42;
	v0 =	vadd.f32 v1, v0  }
0x538: {  	v51 =	vmax.f32 v49, $0.0e+00  }
0x539: {  	v52 =	vmul.f32 v51, v46;
	v0 =	vadd.f32 v50, v0;
	_ =	sdelay $0x1  }
0x53a: {  	v0 =	vadd.f32 v52, v0  }
0x53b: {  	s30 =	simm.s32 $0x197D0  }
0x53c: {  	[tilespmem:s30+$0x0] =	vst v0  }
0x53d: {  	v0 =	vld [tilespmem:$0x19D30]  }
0x53e: {  	v53 =	vld [tilespmem:$0x19D20]  }
0x53f: {  	v54 =	vld [tilespmem:$0x19D10]  }
0x540: {  	v55 =	vld [tilespmem:$0x19D00]  }
0x541: {  	v56 =	vld [tilespmem:$0x19CF0]  }
0x542: {  	v57 =	vld [tilespmem:$0x19CE0]  }
0x543: {  	v58 =	vld [tilespmem:$0x19CD0]  }
0x544: {  	v59 =	vld [tilespmem:$0x19CC0]  }
0x545: {  	v60 =	vld [tilespmem:$0x19CB0]  }
0x546: {  	v61 =	vld [tilespmem:$0x19CA0]  }
0x547: {  	v62 =	vld [tilespmem:$0x19C90]  }
0x548: {  	v12 =	vld [tilespmem:$0x19C80]  }
0x549: {  	v13 =	vld [tilespmem:$0x19C70]  }
0x54a: {  	v14 =	vld [tilespmem:$0x19C60]  }
0x54b: {  	v15 =	vld [tilespmem:$0x19C50]  }
0x54c: {  	v16 =	vld [tilespmem:$0x19C40]  }
0x54d: {  	v17 =	vld [tilespmem:$0x19C30]  }
0x54e: {  	v18 =	vld [tilespmem:$0x19C20]  }
0x54f: {  	v19 =	vld [tilespmem:$0x19C10]  }
0x550: {  	v20 =	vld [tilespmem:$0x19C00]  }
0x551: {  	v21 =	vld [tilespmem:$0x19BF0]  }
0x552: {  	v22 =	vld [tilespmem:$0x19BE0]  }
0x553: {  	v23 =	vld [tilespmem:$0x19BD0]  }
0x554: {  	v24 =	vld [tilespmem:$0x19BC0]  }
0x555: {  	v25 =	vld [tilespmem:$0x19BB0]  }
0x556: {  	v26 =	vld [tilespmem:$0x19BA0]  }
0x557: {  	v27 =	vld [tilespmem:$0x19B90]  }
0x558: {  	v28 =	vld [tilespmem:$0x19B80]  }
0x559: {  	v29 =	vld [tilespmem:$0x19B70]  }
0x55a: {  	v30 =	vld [tilespmem:$0x19B60]  }
0x55b: {  	v31 =	vld [tilespmem:$0x19B50]  }
0x55c: {  	v32 =	vld [tilespmem:$0x19B40]  }
0x55d: {  	v33 =	vld [tilespmem:$0x19B30]  }
0x55e: {  	v34 =	vld [tilespmem:$0x19B20]  }
0x55f: {  	v35 =	vld [tilespmem:$0x19B10]  }
0x560: {  	v36 =	vld [tilespmem:$0x19B00]  }
0x561: {  	v39 =	vld [tilespmem:$0x19AF0]  }
0x562: {  	v43 =	vld [tilespmem:$0x19AE0]  }
0x563: {  	v44 =	vld [tilespmem:$0x19AD0]  }
0x564: {  	v45 =	vld [tilespmem:$0x19AC0]  }
0x565: {  	v50 =	vld [tilespmem:$0x19AB0]  }
0x566: {  	v37 =	vld [tilespmem:$0x19A40]  }
0x567: {  	v38 =	vld [tilespmem:$0x19A30]  }
0x568: {  	v40 =	vld [tilespmem:$0x19A20]  }
0x569: {  	v41 =	vld [tilespmem:$0x19A10]  }
0x56a: {  	v47 =	vld [tilespmem:$0x19A00]  }
0x56b: {  	v48 =	vld [tilespmem:$0x199F0];
	[tilespmem:$0x1F940] =	vst v0  }
0x56c: {  	v46 =	vld [tilespmem:$0x199E0];
	[tilespmem:$0x1F950] =	vst v53  }
0x56d: {  	v49 =	vld [tilespmem:$0x199D0];
	[tilespmem:$0x1F960] =	vst v54  }
0x56e: {  	v51 =	vld [tilespmem:$0x199C0];
	[tilespmem:$0x1F970] =	vst v55  }
0x56f: {  	v52 =	vld [tilespmem:$0x199B0];
	[tilespmem:$0x1F980] =	vst v56  }
0x570: {  	[tilespmem:$0x1F990] =	vst v57;
	v53 =	vld [tilespmem:$0x19AA0]  }
0x571: {  	[tilespmem:$0x1F9A0] =	vst v58;
	v54 =	vld [tilespmem:$0x19A90]  }
0x572: {  	[tilespmem:$0x1F9B0] =	vst v59;
	v55 =	vld [tilespmem:$0x19A80]  }
0x573: {  	s3 =	simm.s32 $0x10;
	[tilespmem:$0x1F9C0] =	vst v60;
	v56 =	vld [tilespmem:$0x19A70]  }
0x574: {  	v63 =	vmov s3;
	[tilespmem:$0x1F9D0] =	vst v61;
	v57 =	vld [tilespmem:$0x19A60]  }
0x575: {  	s31 =	simm.s32 $0x20;
	v42 =	vshll.u32 v63, $0x6;
	[tilespmem:$0x1F9E0] =	vst v62;
	v58 =	vld [tilespmem:$0x19A50]  }
.LBB2_9:
0x576: {  	v0 =	vld [tilespmem:$0x1FFE0];
	_ =	sdelay $0x1  }
0x577: {  	v61 =	vld [tilespmem:$0x19980]  }
0x578: {  	v11 =	vld [tilespmem:$0x1FFF0]  }
0x579: {  	v62 =	vld [tilespmem:$0x19D60]  }
0x57a: {  	v1 =	vlaneseq.u32;
	v3 =	vld [tilespmem:$0x1FF50];
	v42 =	vor.u32 v0, v42  }
0x57b: {  	v2 =	vld [tilespmem:$0x19960];
	v59 =	vor.u32 v1, v42  }
0x57c: {  	v5 =	vld [tilespmem:$0x1FF60]  }
0x57d: {  	v7 =	vld [tilespmem:$0x1FF70];
	v63 =	vor.u32 v11, v42  }
0x57e: {  	v9 =	vld [tilespmem:$0x1FF80]  }
0x57f: {  	v3 =	vor.u32 v3, v42;
	v11 =	vld [tilespmem:$0x1FF90]  }
0x580: {  	v4 =	vld.idx.msk [tilespmem:v59+s17+$0x0], $0xffff  }
0x581: {  	v59 =	vld.idx.msk [tilespmem:v59+s19+$0x0], $0xffff  }
0x582: {  	v5 =	vor.u32 v5, v42;
	v6 =	vld.idx.msk [tilespmem:v63+s17+$0x0], $0xffff  }
0x583: {  	v63 =	vld.idx.msk [tilespmem:v63+s19+$0x0], $0xffff  }
0x584: {  	v8 =	vld.idx.msk [tilespmem:v3+s17+$0x0], $0xffff  }
0x585: {  	v9 =	vor.u32 v9, v42;
	v3 =	vld.idx.msk [tilespmem:v3+s19+$0x0], $0xffff  }
0x586: {  	v1 =	vld [tilespmem:$0x19970]  }
0x587: {  	v10 =	vld.idx.msk [tilespmem:v5+s17+$0x0], $0xffff  }
0x588: {  	v5 =	vld.idx.msk [tilespmem:v5+s19+$0x0], $0xffff;
	v4 =	vadd.f32 v59, v4;
	v59 =	vor.u32 v11, v42  }
0x589: {  	v6 =	vadd.f32 v63, v6;
	v63 =	vld [tilespmem:$0x1FFA0]  }
0x58a: {  	v3 =	vadd.f32 v3, v8;
	v8 =	vld.idx.msk [tilespmem:v9+s19+$0x0], $0xffff;
	v4 =	vmax.f32 v4, $0.0e+00  }
0x58b: {  	v2 =	vmul.f32 v4, v2;
	v4 =	vld.idx.msk [tilespmem:v9+s17+$0x0], $0xffff  }
0x58c: {  	v7 =	vor.u32 v7, v42;
	v6 =	vmax.f32 v6, $0.0e+00;
	v9 =	vld [tilespmem:$0x1FFB0]  }
0x58d: {  	v1 =	vmul.f32 v6, v1;
	v6 =	vld.idx.msk [tilespmem:v59+s17+$0x0], $0xffff  }
0x58e: {  	v5 =	vadd.f32 v5, v10;
	v10 =	vld.idx.msk [tilespmem:v59+s19+$0x0], $0xffff  }
0x58f: {  	v59 =	vld [tilespmem:$0x1FFD0]  }
0x590: {  	v60 =	vld [tilespmem:$0x19990]  }
0x591: {  	v11 =	vld.idx.msk [tilespmem:v7+s17+$0x0], $0xffff;
	v63 =	vor.u32 v63, v42;
	v2 =	vadd.f32 v2, v62  }
0x592: {  	v7 =	vld.idx.msk [tilespmem:v7+s19+$0x0], $0xffff;
	v3 =	vmax.f32 v3, $0.0e+00  }
0x593: {  	v0 =	vld [tilespmem:$0x199A0];
	v1 =	vadd.f32 v1, v2;
	v2 =	vmul.f32 v3, v61;
	v9 =	vor.u32 v9, v42  }
0x594: {  	v5 =	vmax.f32 v5, $0.0e+00;
	v61 =	vld [tilespmem:$0x1FFC0];
	v59 =	vor.u32 v59, v42  }
0x595: {  	v1 =	vadd.f32 v2, v1;
	v2 =	vmul.f32 v5, v60;
	v60 =	vld [tilespmem:$0x1FB70]  }
0x596: {  	v3 =	vld.idx.msk [tilespmem:v63+s17+$0x0], $0xffff  }
0x597: {  	v7 =	vadd.f32 v7, v11;
	v11 =	vld.idx.msk [tilespmem:v63+s19+$0x0], $0xffff  }
0x598: {  	v5 =	vld.idx.msk [tilespmem:v9+s17+$0x0], $0xffff  }
0x599: {  	v7 =	vmax.f32 v7, $0.0e+00;
	v1 =	vadd.f32 v2, v1;
	v61 =	vor.u32 v61, v42;
	v2 =	vld.idx.msk [tilespmem:v59+s17+$0x0], $0xffff  }
0x59a: {  	v0 =	vmul.f32 v7, v0;
	v7 =	vld.idx.msk [tilespmem:v59+s19+$0x0], $0xffff  }
0x59b: {  	v4 =	vadd.f32 v8, v4;
	v59 =	vld [tilespmem:$0x1FB80]  }
0x59c: {  	v8 =	vld.idx.msk [tilespmem:v9+s19+$0x0], $0xffff  }
0x59d: {  	v63 =	vld [tilespmem:$0x1FBD0];
	v4 =	vmax.f32 v4, $0.0e+00;
	v6 =	vadd.f32 v10, v6  }
0x59e: {  	v0 =	vadd.f32 v0, v1;
	v9 =	vor.u32 v60, v42;
	v60 =	vmul.f32 v4, v52;
	v4 =	vld.idx.msk [tilespmem:v61+s17+$0x0], $0xffff  }
0x59f: {  	v6 =	vmax.f32 v6, $0.0e+00;
	v3 =	vadd.f32 v11, v3;
	v11 =	vld.idx.msk [tilespmem:v61+s19+$0x0], $0xffff  }
0x5a0: {  	v0 =	vadd.f32 v60, v0;
	v60 =	vmul.f32 v6, v51;
	v61 =	vld [tilespmem:$0x1FBA0];
	v10 =	vor.u32 v59, v42  }
0x5a1: {  	v62 =	vld [tilespmem:$0x1FBC0];
	v3 =	vmax.f32 v3, $0.0e+00;
	v5 =	vadd.f32 v8, v5  }
0x5a2: {  	v0 =	vadd.f32 v60, v0;
	v51 =	vmul.f32 v3, v49;
	v59 =	vld [tilespmem:$0x1FB90]  }
0x5a3: {  	v6 =	vld.idx.msk [tilespmem:v9+s17+$0x0], $0xffff;
	v5 =	vmax.f32 v5, $0.0e+00;
	v2 =	vadd.f32 v7, v2  }
0x5a4: {  	v49 =	vor.u32 v63, v42;
	v8 =	vld.idx.msk [tilespmem:v9+s19+$0x0], $0xffff;
	v0 =	vadd.f32 v51, v0;
	v60 =	vmul.f32 v5, v46  }
0x5a5: {  	v9 =	vor.u32 v61, v42;
	v2 =	vmax.f32 v2, $0.0e+00;
	v3 =	vld.idx.msk [tilespmem:v10+s17+$0x0], $0xffff  }
0x5a6: {  	v4 =	vadd.f32 v11, v4;
	v0 =	vadd.f32 v60, v0;
	v61 =	vmul.f32 v2, v48;
	v7 =	vld.idx.msk [tilespmem:v10+s19+$0x0], $0xffff  }
0x5a7: {  	v46 =	vor.u32 v62, v42;
	v52 =	vor.u32 v59, v42;
	v59 =	vld [tilespmem:$0x1FBB0]  }
0x5a8: {  	v4 =	vmax.f32 v4, $0.0e+00;
	v0 =	vadd.f32 v61, v0;
	v61 =	vld [tilespmem:$0x1FBF0]  }
0x5a9: {  	v6 =	vadd.f32 v8, v6;
	v51 =	vmul.f32 v4, v47;
	v47 =	vld.idx.msk [tilespmem:v49+s17+$0x0], $0xffff  }
0x5aa: {  	v2 =	vld.idx.msk [tilespmem:v9+s17+$0x0], $0xffff  }
0x5ab: {  	v6 =	vmax.f32 v6, $0.0e+00;
	v48 =	vld.idx.msk [tilespmem:v9+s19+$0x0], $0xffff  }
0x5ac: {  	v60 =	vmul.f32 v6, v41;
	v6 =	vld.idx.msk [tilespmem:v46+s17+$0x0], $0xffff  }
0x5ad: {  	v10 =	vor.u32 v59, v42;
	v5 =	vld.idx.msk [tilespmem:v52+s17+$0x0], $0xffff  }
0x5ae: {  	v11 =	vld.idx.msk [tilespmem:v52+s19+$0x0], $0xffff  }
0x5af: {  	v59 =	vld [tilespmem:$0x1FBE0]  }
0x5b0: {  	v41 =	vor.u32 v61, v42;
	v2 =	vadd.f32 v48, v2;
	v48 =	vld.idx.msk [tilespmem:v49+s19+$0x0], $0xffff  }
0x5b1: {  	v49 =	vld [tilespmem:$0x1FC00]  }
0x5b2: {  	v4 =	vld.idx.msk [tilespmem:v10+s17+$0x0], $0xffff  }
0x5b3: {  	v0 =	vadd.f32 v51, v0;
	v3 =	vadd.f32 v7, v3;
	v52 =	vld.idx.msk [tilespmem:v10+s19+$0x0], $0xffff  }
0x5b4: {  	v10 =	vor.u32 v59, v42;
	v5 =	vadd.f32 v11, v5;
	v11 =	vld.idx.msk [tilespmem:v46+s19+$0x0], $0xffff  }
0x5b5: {  	v0 =	vadd.f32 v60, v0;
	v3 =	vmax.f32 v3, $0.0e+00;
	v60 =	vld.idx.msk [tilespmem:v41+s17+$0x0], $0xffff  }
0x5b6: {  	v46 =	vmul.f32 v3, v40;
	v40 =	vld [tilespmem:$0x1FC20]  }
0x5b7: {  	v61 =	vld.idx.msk [tilespmem:v41+s19+$0x0], $0xffff  }
0x5b8: {  	v5 =	vmax.f32 v5, $0.0e+00;
	v9 =	vor.u32 v49, v42;
	v3 =	vadd.f32 v48, v47;
	v48 =	vld [tilespmem:$0x1FC30]  }
0x5b9: {  	v2 =	vmax.f32 v2, $0.0e+00;
	v51 =	vmul.f32 v5, v38;
	v5 =	vld.idx.msk [tilespmem:v10+s17+$0x0], $0xffff  }
0x5ba: {  	v59 =	vmul.f32 v2, v37;
	v7 =	vld.idx.msk [tilespmem:v10+s19+$0x0], $0xffff  }
0x5bb: {  	v0 =	vadd.f32 v46, v0;
	v4 =	vadd.f32 v52, v4;
	v52 =	vld [tilespmem:$0x1FC10];
	v37 =	vor.u32 v40, v42  }
0x5bc: {  	v6 =	vadd.f32 v11, v6;
	v2 =	vadd.f32 v61, v60;
	v61 =	vld [tilespmem:$0x1FC50]  }
0x5bd: {  	v46 =	vld.idx.msk [tilespmem:v9+s17+$0x0], $0xffff  }
0x5be: {  	v0 =	vadd.f32 v51, v0;
	v6 =	vmax.f32 v6, $0.0e+00;
	v47 =	vld.idx.msk [tilespmem:v9+s19+$0x0], $0xffff;
	v9 =	vor.u32 v48, v42  }
0x5bf: {  	v49 =	vmul.f32 v6, v57;
	v57 =	vld [tilespmem:$0x1FC40]  }
0x5c0: {  	v4 =	vmax.f32 v4, $0.0e+00;
	v0 =	vadd.f32 v59, v0;
	v59 =	vld.idx.msk [tilespmem:v37+s17+$0x0], $0xffff  }
0x5c1: {  	v41 =	vmul.f32 v4, v58;
	v10 =	vor.u32 v52, v42;
	v60 =	vld.idx.msk [tilespmem:v37+s19+$0x0], $0xffff  }
0x5c2: {  	v37 =	vor.u32 v61, v42;
	v61 =	vld [tilespmem:$0x1FC90]  }
0x5c3: {  	v0 =	vadd.f32 v41, v0;
	v41 =	vld.idx.msk [tilespmem:v9+s17+$0x0], $0xffff  }
0x5c4: {  	v4 =	vadd.f32 v47, v46;
	v46 =	vld.idx.msk [tilespmem:v9+s19+$0x0], $0xffff  }
0x5c5: {  	v5 =	vadd.f32 v7, v5;
	v47 =	vld [tilespmem:$0x1FC60]  }
0x5c6: {  	v51 =	vld.idx.msk [tilespmem:v10+s17+$0x0], $0xffff  }
0x5c7: {  	v5 =	vmax.f32 v5, $0.0e+00;
	v52 =	vld.idx.msk [tilespmem:v10+s19+$0x0], $0xffff  }
0x5c8: {  	v3 =	vmax.f32 v3, $0.0e+00;
	v40 =	vmul.f32 v5, v55;
	v10 =	vor.u32 v57, v42;
	v55 =	vld.idx.msk [tilespmem:v37+s17+$0x0], $0xffff  }
0x5c9: {  	v58 =	vmul.f32 v3, v56;
	v3 =	vadd.f32 v60, v59;
	v56 =	vld.idx.msk [tilespmem:v37+s19+$0x0], $0xffff  }
0x5ca: {  	v2 =	vmax.f32 v2, $0.0e+00;
	v4 =	vmax.f32 v4, $0.0e+00;
	v57 =	vld [tilespmem:$0x1FC80]  }
0x5cb: {  	v48 =	vmul.f32 v2, v54;
	v54 =	vmul.f32 v4, v53;
	v53 =	vld [tilespmem:$0x1FCC0];
	v3 =	vmax.f32 v3, $0.0e+00  }
0x5cc: {  	v9 =	vor.u32 v47, v42;
	v38 =	vmul.f32 v3, v45;
	v45 =	vld [tilespmem:$0x1FCA0]  }
0x5cd: {  	v0 =	vadd.f32 v49, v0;
	v49 =	vld.idx.msk [tilespmem:v10+s17+$0x0], $0xffff  }
0x5ce: {  	v6 =	vadd.f32 v52, v51;
	v51 =	vld.idx.msk [tilespmem:v10+s19+$0x0], $0xffff  }
0x5cf: {  	v52 =	vld [tilespmem:$0x1FC70];
	v37 =	vor.u32 v57, v42  }
0x5d0: {  	v57 =	vld [tilespmem:$0x1FCD0]  }
0x5d1: {  	v0 =	vadd.f32 v58, v0;
	v59 =	vld.idx.msk [tilespmem:v9+s17+$0x0], $0xffff  }
0x5d2: {  	v60 =	vld.idx.msk [tilespmem:v9+s19+$0x0], $0xffff;
	v9 =	vor.u32 v61, v42  }
0x5d3: {  	v0 =	vadd.f32 v40, v0;
	v61 =	vld [tilespmem:$0x1FCE0]  }
0x5d4: {  	v47 =	vld.idx.msk [tilespmem:v37+s17+$0x0], $0xffff  }
0x5d5: {  	v0 =	vadd.f32 v48, v0;
	v10 =	vor.u32 v52, v42;
	v48 =	vld.idx.msk [tilespmem:v37+s19+$0x0], $0xffff  }
0x5d6: {  	v2 =	vadd.f32 v51, v49;
	v49 =	vld [tilespmem:$0x1FCB0]  }
0x5d7: {  	v51 =	vld.idx.msk [tilespmem:v9+s17+$0x0], $0xffff  }
0x5d8: {  	v52 =	vld.idx.msk [tilespmem:v9+s19+$0x0], $0xffff  }
0x5d9: {  	v6 =	vmax.f32 v6, $0.0e+00;
	v9 =	vor.u32 v53, v42;
	v53 =	vld [tilespmem:$0x1FD40]  }
0x5da: {  	v0 =	vadd.f32 v54, v0;
	v58 =	vmul.f32 v6, v50;
	v40 =	vld.idx.msk [tilespmem:v10+s17+$0x0], $0xffff  }
0x5db: {  	v5 =	vadd.f32 v46, v41;
	v41 =	vld.idx.msk [tilespmem:v10+s19+$0x0], $0xffff;
	v10 =	vor.u32 v45, v42  }
0x5dc: {  	v4 =	vadd.f32 v56, v55;
	v0 =	vadd.f32 v58, v0;
	v45 =	vld [tilespmem:$0x1FD00]  }
0x5dd: {  	v6 =	vadd.f32 v60, v59;
	v37 =	vor.u32 v49, v42;
	v49 =	vld [tilespmem:$0x1FD30]  }
0x5de: {  	v4 =	vmax.f32 v4, $0.0e+00;
	v0 =	vadd.f32 v38, v0;
	v38 =	vld.idx.msk [tilespmem:v9+s17+$0x0], $0xffff  }
0x5df: {  	v54 =	vmul.f32 v4, v39;
	v6 =	vmax.f32 v6, $0.0e+00;
	v39 =	vld.idx.msk [tilespmem:v9+s19+$0x0], $0xffff  }
0x5e0: {  	v5 =	vmax.f32 v5, $0.0e+00;
	v58 =	vmul.f32 v6, v36;
	v36 =	vor.u32 v61, v42;
	v55 =	vld.idx.msk [tilespmem:v10+s17+$0x0], $0xffff  }
0x5e1: {  	v46 =	vmul.f32 v5, v44;
	v56 =	vld.idx.msk [tilespmem:v10+s19+$0x0], $0xffff  }
0x5e2: {  	v2 =	vmax.f32 v2, $0.0e+00;
	v59 =	vld.idx.msk [tilespmem:v37+s17+$0x0], $0xffff  }
0x5e3: {  	v50 =	vmul.f32 v2, v43;
	v0 =	vadd.f32 v46, v0;
	v5 =	vadd.f32 v48, v47;
	v60 =	vld.idx.msk [tilespmem:v37+s19+$0x0], $0xffff  }
0x5e4: {  	v2 =	vadd.f32 v52, v51;
	v3 =	vadd.f32 v41, v40;
	v40 =	vld [tilespmem:$0x1FCF0]  }
0x5e5: {  	v0 =	vadd.f32 v50, v0;
	v10 =	vor.u32 v57, v42;
	v47 =	vld.idx.msk [tilespmem:v36+s17+$0x0], $0xffff  }
0x5e6: {  	v5 =	vmax.f32 v5, $0.0e+00;
	v2 =	vmax.f32 v2, $0.0e+00;
	v48 =	vld.idx.msk [tilespmem:v36+s19+$0x0], $0xffff  }
0x5e7: {  	v0 =	vadd.f32 v54, v0;
	v46 =	vmul.f32 v2, v33;
	v33 =	vor.u32 v49, v42;
	v57 =	vld [tilespmem:$0x1FEB0]  }
0x5e8: {  	v41 =	vmul.f32 v5, v34;
	v34 =	vld [tilespmem:$0x1FED0];
	v3 =	vmax.f32 v3, $0.0e+00  }
0x5e9: {  	v0 =	vadd.f32 v58, v0;
	v37 =	vmul.f32 v3, v35;
	v3 =	vadd.f32 v39, v38;
	v38 =	vld [tilespmem:$0x1FEE0]  }
0x5ea: {  	v43 =	vld.idx.msk [tilespmem:v10+s17+$0x0], $0xffff  }
0x5eb: {  	v9 =	vor.u32 v40, v42;
	v0 =	vadd.f32 v37, v0;
	v44 =	vld.idx.msk [tilespmem:v10+s19+$0x0], $0xffff  }
0x5ec: {  	v6 =	vadd.f32 v60, v59;
	v59 =	vld.idx.msk [tilespmem:v33+s17+$0x0], $0xffff  }
0x5ed: {  	v10 =	vor.u32 v45, v42;
	v3 =	vmax.f32 v3, $0.0e+00;
	v60 =	vld.idx.msk [tilespmem:v33+s19+$0x0], $0xffff;
	v0 =	vadd.f32 v41, v0  }
0x5ee: {  	v58 =	vmul.f32 v3, v30;
	v30 =	vld [tilespmem:$0x1FEC0]  }
0x5ef: {  	v0 =	vadd.f32 v46, v0;
	v46 =	vld [tilespmem:$0x1FF00]  }
0x5f0: {  	v4 =	vadd.f32 v56, v55;
	v51 =	vld.idx.msk [tilespmem:v9+s17+$0x0], $0xffff  }
0x5f1: {  	v52 =	vld.idx.msk [tilespmem:v9+s19+$0x0], $0xffff;
	v9 =	vor.u32 v53, v42  }
0x5f2: {  	v4 =	vmax.f32 v4, $0.0e+00;
	v55 =	vld.idx.msk [tilespmem:v10+s17+$0x0], $0xffff  }
0x5f3: {  	v50 =	vmul.f32 v4, v32;
	v56 =	vld.idx.msk [tilespmem:v10+s19+$0x0], $0xffff;
	v10 =	vor.u32 v57, v42  }
0x5f4: {  	v57 =	vld [tilespmem:$0x1FF30]  }
0x5f5: {  	v0 =	vadd.f32 v50, v0;
	v50 =	vld [tilespmem:$0x1FF10]  }
0x5f6: {  	v6 =	vmax.f32 v6, $0.0e+00;
	v30 =	vor.u32 v30, v42;
	v32 =	vld.idx.msk [tilespmem:v9+s17+$0x0], $0xffff  }
0x5f7: {  	v54 =	vmul.f32 v6, v31;
	v33 =	vld.idx.msk [tilespmem:v9+s19+$0x0], $0xffff  }
0x5f8: {  	v5 =	vadd.f32 v44, v43;
	v36 =	vld.idx.msk [tilespmem:v10+s17+$0x0], $0xffff  }
0x5f9: {  	v0 =	vadd.f32 v54, v0;
	v37 =	vld.idx.msk [tilespmem:v10+s19+$0x0], $0xffff  }
0x5fa: {  	v5 =	vmax.f32 v5, $0.0e+00;
	v9 =	vor.u32 v34, v42;
	v10 =	vor.u32 v38, v42;
	v38 =	vld [tilespmem:$0x1FD80]  }
0x5fb: {  	v61 =	vmul.f32 v5, v29;
	v0 =	vadd.f32 v58, v0;
	v4 =	vadd.f32 v52, v51;
	v40 =	vld.idx.msk [tilespmem:v30+s17+$0x0], $0xffff  }
0x5fc: {  	v2 =	vadd.f32 v48, v47;
	v41 =	vld.idx.msk [tilespmem:v30+s19+$0x0], $0xffff  }
0x5fd: {  	v0 =	vadd.f32 v61, v0;
	v4 =	vmax.f32 v4, $0.0e+00;
	v61 =	vld [tilespmem:$0x1FF40]  }
0x5fe: {  	v2 =	vmax.f32 v2, $0.0e+00;
	v6 =	vadd.f32 v56, v55;
	v39 =	vmul.f32 v4, v27;
	v27 =	vld [tilespmem:$0x1FEF0]  }
0x5ff: {  	v35 =	vmul.f32 v2, v28;
	v44 =	vld.idx.msk [tilespmem:v9+s17+$0x0], $0xffff  }
0x600: {  	v6 =	vmax.f32 v6, $0.0e+00;
	v45 =	vld.idx.msk [tilespmem:v9+s19+$0x0], $0xffff  }
0x601: {  	v0 =	vadd.f32 v35, v0;
	v5 =	vadd.f32 v33, v32;
	v9 =	vor.u32 v46, v42;
	v48 =	vld.idx.msk [tilespmem:v10+s17+$0x0], $0xffff  }
0x602: {  	v43 =	vmul.f32 v6, v26;
	v49 =	vld.idx.msk [tilespmem:v10+s19+$0x0], $0xffff  }
0x603: {  	v10 =	vor.u32 v50, v42;
	v50 =	vld [tilespmem:$0x1FA00];
	v0 =	vadd.f32 v39, v0;
	v5 =	vmax.f32 v5, $0.0e+00  }
0x604: {  	v3 =	vadd.f32 v60, v59;
	v51 =	vmul.f32 v5, v24;
	v24 =	vld [tilespmem:$0x1FF20]  }
0x605: {  	v0 =	vadd.f32 v43, v0;
	v43 =	vld [tilespmem:$0x1F9F0]  }
0x606: {  	v3 =	vmax.f32 v3, $0.0e+00;
	v27 =	vor.u32 v27, v42;
	v55 =	vld.idx.msk [tilespmem:v9+s17+$0x0], $0xffff  }
0x607: {  	v47 =	vmul.f32 v3, v25;
	v56 =	vld.idx.msk [tilespmem:v9+s19+$0x0], $0xffff  }
0x608: {  	v59 =	vld.idx.msk [tilespmem:v10+s17+$0x0], $0xffff  }
0x609: {  	v2 =	vadd.f32 v37, v36;
	v0 =	vadd.f32 v47, v0;
	v60 =	vld.idx.msk [tilespmem:v10+s19+$0x0], $0xffff  }
0x60a: {  	v6 =	vadd.f32 v45, v44;
	v9 =	vor.u32 v57, v42;
	v10 =	vor.u32 v61, v42;
	v61 =	vld [tilespmem:$0x1FA30]  }
0x60b: {  	v2 =	vmax.f32 v2, $0.0e+00;
	v52 =	vld.idx.msk [tilespmem:v27+s17+$0x0], $0xffff  }
0x60c: {  	v54 =	vmul.f32 v2, v23;
	v0 =	vadd.f32 v51, v0;
	v6 =	vmax.f32 v6, $0.0e+00;
	v53 =	vld.idx.msk [tilespmem:v27+s19+$0x0], $0xffff  }
0x60d: {  	v32 =	vmul.f32 v6, v21;
	v21 =	vld [tilespmem:$0x1FD50]  }
0x60e: {  	v0 =	vadd.f32 v54, v0;
	v54 =	vld [tilespmem:$0x1FA10]  }
0x60f: {  	v24 =	vor.u32 v24, v42;
	v36 =	vld.idx.msk [tilespmem:v9+s17+$0x0], $0xffff  }
0x610: {  	v37 =	vld.idx.msk [tilespmem:v9+s19+$0x0], $0xffff  }
0x611: {  	v4 =	vadd.f32 v41, v40;
	v40 =	vld.idx.msk [tilespmem:v10+s17+$0x0], $0xffff  }
0x612: {  	v9 =	vor.u32 v38, v42;
	v41 =	vld.idx.msk [tilespmem:v10+s19+$0x0], $0xffff  }
0x613: {  	v2 =	vadd.f32 v56, v55;
	v10 =	vor.u32 v43, v42;
	v43 =	vld [tilespmem:$0x1FA40]  }
0x614: {  	v4 =	vmax.f32 v4, $0.0e+00;
	v33 =	vld.idx.msk [tilespmem:v24+s17+$0x0], $0xffff  }
0x615: {  	v58 =	vmul.f32 v4, v22;
	v2 =	vmax.f32 v2, $0.0e+00;
	v34 =	vld.idx.msk [tilespmem:v24+s19+$0x0], $0xffff  }
0x616: {  	v3 =	vadd.f32 v49, v48;
	v44 =	vmul.f32 v2, v18;
	v18 =	vld [tilespmem:$0x1FDA0]  }
0x617: {  	v0 =	vadd.f32 v58, v0;
	v48 =	vld.idx.msk [tilespmem:v9+s17+$0x0], $0xffff  }
0x618: {  	v3 =	vmax.f32 v3, $0.0e+00;
	v21 =	vor.u32 v21, v42;
	v49 =	vld.idx.msk [tilespmem:v9+s19+$0x0], $0xffff  }
0x619: {  	v35 =	vmul.f32 v3, v20;
	v5 =	vadd.f32 v53, v52;
	v0 =	vadd.f32 v32, v0;
	v52 =	vld.idx.msk [tilespmem:v10+s17+$0x0], $0xffff  }
0x61a: {  	v53 =	vld.idx.msk [tilespmem:v10+s19+$0x0], $0xffff  }
0x61b: {  	v0 =	vadd.f32 v35, v0;
	v35 =	vld [tilespmem:$0x1FDD0]  }
0x61c: {  	v3 =	vadd.f32 v37, v36;
	v9 =	vor.u32 v50, v42;
	v10 =	vor.u32 v54, v42;
	v54 =	vld [tilespmem:$0x1FE20]  }
0x61d: {  	v5 =	vmax.f32 v5, $0.0e+00;
	v45 =	vld.idx.msk [tilespmem:v21+s17+$0x0], $0xffff  }
0x61e: {  	v39 =	vmul.f32 v5, v19;
	v3 =	vmax.f32 v3, $0.0e+00;
	v46 =	vld.idx.msk [tilespmem:v21+s19+$0x0], $0xffff  }
0x61f: {  	v55 =	vmul.f32 v3, v15;
	v15 =	vld [tilespmem:$0x1FA20]  }
0x620: {  	v0 =	vadd.f32 v39, v0;
	v39 =	vld [tilespmem:$0x1F9E0]  }
0x621: {  	v4 =	vadd.f32 v60, v59;
	v59 =	vld.idx.msk [tilespmem:v9+s17+$0x0], $0xffff  }
0x622: {  	v60 =	vld.idx.msk [tilespmem:v9+s19+$0x0], $0xffff  }
0x623: {  	v6 =	vadd.f32 v34, v33;
	v33 =	vld.idx.msk [tilespmem:v10+s17+$0x0], $0xffff  }
0x624: {  	v18 =	vor.u32 v18, v42;
	v34 =	vld.idx.msk [tilespmem:v10+s19+$0x0], $0xffff  }
0x625: {  	v4 =	vmax.f32 v4, $0.0e+00;
	v0 =	vadd.f32 v44, v0;
	v44 =	vld [tilespmem:$0x1F9D0]  }
0x626: {  	v47 =	vmul.f32 v4, v17;
	v4 =	vadd.f32 v49, v48;
	v48 =	vld [tilespmem:$0x1F9C0]  }
0x627: {  	v10 =	vor.u32 v35, v42;
	v35 =	vld [tilespmem:$0x1F970]  }
0x628: {  	v9 =	vor.u32 v61, v42;
	v0 =	vadd.f32 v47, v0;
	v47 =	vld [tilespmem:$0x1FE00]  }
0x629: {  	v6 =	vmax.f32 v6, $0.0e+00;
	v56 =	vld.idx.msk [tilespmem:v18+s17+$0x0], $0xffff  }
0x62a: {  	v51 =	vmul.f32 v6, v16;
	v4 =	vmax.f32 v4, $0.0e+00;
	v57 =	vld.idx.msk [tilespmem:v18+s19+$0x0], $0xffff  }
0x62b: {  	v36 =	vmul.f32 v4, v12;
	v12 =	vld [tilespmem:$0x1FDF0]  }
0x62c: {  	v0 =	vadd.f32 v51, v0;
	v51 =	vld [tilespmem:$0x1F9B0]  }
0x62d: {  	v5 =	vadd.f32 v41, v40;
	v40 =	vld.idx.msk [tilespmem:v9+s17+$0x0], $0xffff  }
0x62e: {  	v15 =	vor.u32 v15, v42;
	v41 =	vld.idx.msk [tilespmem:v9+s19+$0x0], $0xffff  }
0x62f: {  	v5 =	vmax.f32 v5, $0.0e+00;
	v2 =	vadd.f32 v46, v45;
	v45 =	vld.idx.msk [tilespmem:v10+s17+$0x0], $0xffff  }
0x630: {  	v58 =	vmul.f32 v5, v14;
	v46 =	vld.idx.msk [tilespmem:v10+s19+$0x0], $0xffff;
	v0 =	vadd.f32 v55, v0;
	v12 =	vor.u32 v12, v42  }
0x631: {  	v2 =	vmax.f32 v2, $0.0e+00;
	v5 =	vadd.f32 v60, v59;
	v59 =	vld [tilespmem:$0x1F990]  }
0x632: {  	v32 =	vmul.f32 v2, v13;
	v55 =	vld [tilespmem:$0x1F9A0];
	v0 =	vadd.f32 v58, v0  }
0x633: {  	v6 =	vadd.f32 v53, v52;
	v37 =	vld.idx.msk [tilespmem:v15+s17+$0x0], $0xffff  }
0x634: {  	v9 =	vor.u32 v43, v42;
	v38 =	vld.idx.msk [tilespmem:v15+s19+$0x0], $0xffff;
	v0 =	vadd.f32 v32, v0  }
0x635: {  	v6 =	vmax.f32 v6, $0.0e+00;
	v3 =	vadd.f32 v57, v56;
	v49 =	vld.idx.msk [tilespmem:v12+s17+$0x0], $0xffff  }
0x636: {  	v1 =	vmul.f32 v6, v39;
	v0 =	vadd.f32 v36, v0;
	v50 =	vld.idx.msk [tilespmem:v12+s19+$0x0], $0xffff  }
0x637: {  	v10 =	vor.u32 v47, v42;
	v3 =	vmax.f32 v3, $0.0e+00;
	v12 =	vld [tilespmem:$0x1FE10]  }
0x638: {  	v58 =	vld [tilespmem:$0x1FE30];
	v0 =	vadd.f32 v1, v0;
	v1 =	vmul.f32 v3, v44  }
0x639: {  	v2 =	vadd.f32 v34, v33;
	v5 =	vmax.f32 v5, $0.0e+00;
	v52 =	vld.idx.msk [tilespmem:v9+s17+$0x0], $0xffff  }
0x63a: {  	v53 =	vld.idx.msk [tilespmem:v9+s19+$0x0], $0xffff;
	v0 =	vadd.f32 v1, v0;
	v1 =	vmul.f32 v5, v48  }
0x63b: {  	v2 =	vmax.f32 v2, $0.0e+00;
	v9 =	vor.u32 v54, v42;
	v32 =	vld [tilespmem:$0x1F980];
	v4 =	vadd.f32 v38, v37  }
0x63c: {  	v56 =	vld.idx.msk [tilespmem:v10+s17+$0x0], $0xffff;
	v12 =	vor.u32 v12, v42;
	v0 =	vadd.f32 v1, v0;
	v1 =	vmul.f32 v2, v51  }
0x63d: {  	v6 =	vadd.f32 v41, v40;
	v57 =	vld.idx.msk [tilespmem:v10+s19+$0x0], $0xffff;
	v4 =	vmax.f32 v4, $0.0e+00  }
0x63e: {  	v38 =	vld [tilespmem:$0x1F960];
	v0 =	vadd.f32 v1, v0;
	v1 =	vmul.f32 v4, v55  }
0x63f: {  	v6 =	vmax.f32 v6, $0.0e+00;
	v3 =	vadd.f32 v46, v45;
	v45 =	vld [tilespmem:$0x1F940]  }
0x640: {  	v10 =	vor.u32 v58, v42;
	v33 =	vld.idx.msk [tilespmem:v9+s17+$0x0], $0xffff;
	v0 =	vadd.f32 v1, v0;
	v1 =	vmul.f32 v6, v59  }
0x641: {  	v3 =	vmax.f32 v3, $0.0e+00;
	v5 =	vadd.f32 v50, v49;
	v60 =	vld.idx.msk [tilespmem:v12+s17+$0x0], $0xffff  }
0x642: {  	v61 =	vld.idx.msk [tilespmem:v12+s19+$0x0], $0xffff;
	v0 =	vadd.f32 v1, v0;
	v1 =	vmul.f32 v3, v32  }
0x643: {  	v2 =	vadd.f32 v53, v52;
	v42 =	vld [tilespmem:$0x1F950];
	v5 =	vmax.f32 v5, $0.0e+00  }
0x644: {  	v34 =	vld.idx.msk [tilespmem:v9+s19+$0x0], $0xffff;
	v0 =	vadd.f32 v1, v0;
	v1 =	vmul.f32 v5, v35  }
0x645: {  	v36 =	vld.idx.msk [tilespmem:v10+s17+$0x0], $0xffff;
	v2 =	vmax.f32 v2, $0.0e+00;
	v4 =	vadd.f32 v57, v56  }
0x646: {  	v37 =	vld.idx.msk [tilespmem:v10+s19+$0x0], $0xffff;
	v0 =	vadd.f32 v1, v0;
	v1 =	vmul.f32 v2, v38  }
0x647: {  	v41 =	vld [tilespmem:$0x19D40];
	v39 =	vmax.f32 v4, $0.0e+00;
	v40 =	vadd.f32 v61, v60  }
0x648: {  	v0 =	vadd.f32 v1, v0;
	v1 =	vmul.f32 v39, v42  }
0x649: {  	v44 =	vld [tilespmem:$0x19D50];
	v3 =	vadd.f32 v34, v33;
	v43 =	vmax.f32 v40, $0.0e+00  }
0x64a: {  	v0 =	vadd.f32 v1, v0;
	v1 =	vmul.f32 v43, v45  }
0x64b: {  	v47 =	vadd.f32 v37, v36;
	v46 =	vmax.f32 v3, $0.0e+00  }
0x64c: {  	v48 =	vmul.f32 v46, v41;
	v0 =	vadd.f32 v1, v0  }
0x64d: {  	v49 =	vmax.f32 v47, $0.0e+00  }
0x64e: {  	v50 =	vmul.f32 v49, v44;
	v0 =	vadd.f32 v48, v0;
	_ =	sdelay $0x1  }
0x64f: {  	v0 =	vadd.f32 v50, v0  }
0x650: {  	s30 =	sadd.s32 $0x10, s30  }
0x651: {  	[tilespmem:s30+$0x0] =	vst v0  }
0x652: {  	v0 =	vld [tilespmem:$0x19D30]  }
0x653: {  	v51 =	vld [tilespmem:$0x19D20]  }
0x654: {  	v52 =	vld [tilespmem:$0x19D10]  }
0x655: {  	v53 =	vld [tilespmem:$0x19D00]  }
0x656: {  	v54 =	vld [tilespmem:$0x19CF0]  }
0x657: {  	v55 =	vld [tilespmem:$0x19CE0]  }
0x658: {  	v56 =	vld [tilespmem:$0x19CD0]  }
0x659: {  	v57 =	vld [tilespmem:$0x19CC0]  }
0x65a: {  	v58 =	vld [tilespmem:$0x19CB0]  }
0x65b: {  	v59 =	vld [tilespmem:$0x19CA0]  }
0x65c: {  	v60 =	vld [tilespmem:$0x19C90]  }
0x65d: {  	v12 =	vld [tilespmem:$0x19C80]  }
0x65e: {  	v13 =	vld [tilespmem:$0x19C70]  }
0x65f: {  	v14 =	vld [tilespmem:$0x19C60]  }
0x660: {  	v15 =	vld [tilespmem:$0x19C50]  }
0x661: {  	v16 =	vld [tilespmem:$0x19C40]  }
0x662: {  	v17 =	vld [tilespmem:$0x19C30]  }
0x663: {  	v18 =	vld [tilespmem:$0x19C20]  }
0x664: {  	v19 =	vld [tilespmem:$0x19C10]  }
0x665: {  	v20 =	vld [tilespmem:$0x19C00]  }
0x666: {  	v21 =	vld [tilespmem:$0x19BF0]  }
0x667: {  	v22 =	vld [tilespmem:$0x19BE0]  }
0x668: {  	v23 =	vld [tilespmem:$0x19BD0]  }
0x669: {  	v24 =	vld [tilespmem:$0x19BC0]  }
0x66a: {  	v25 =	vld [tilespmem:$0x19BB0]  }
0x66b: {  	v26 =	vld [tilespmem:$0x19BA0]  }
0x66c: {  	v27 =	vld [tilespmem:$0x19B90]  }
0x66d: {  	v28 =	vld [tilespmem:$0x19B80]  }
0x66e: {  	v29 =	vld [tilespmem:$0x19B70]  }
0x66f: {  	v30 =	vld [tilespmem:$0x19B60]  }
0x670: {  	v31 =	vld [tilespmem:$0x19B50]  }
0x671: {  	v32 =	vld [tilespmem:$0x19B40]  }
0x672: {  	v33 =	vld [tilespmem:$0x19B30]  }
0x673: {  	v34 =	vld [tilespmem:$0x19B20]  }
0x674: {  	v35 =	vld [tilespmem:$0x19B10]  }
0x675: {  	v36 =	vld [tilespmem:$0x19B00]  }
0x676: {  	v39 =	vld [tilespmem:$0x19AF0]  }
0x677: {  	v43 =	vld [tilespmem:$0x19AE0]  }
0x678: {  	v44 =	vld [tilespmem:$0x19AD0]  }
0x679: {  	v45 =	vld [tilespmem:$0x19AC0]  }
0x67a: {  	v50 =	vld [tilespmem:$0x19AB0]  }
0x67b: {  	v37 =	vld [tilespmem:$0x19A40]  }
0x67c: {  	v38 =	vld [tilespmem:$0x19A30]  }
0x67d: {  	v40 =	vld [tilespmem:$0x19A20]  }
0x67e: {  	v41 =	vld [tilespmem:$0x19A10]  }
0x67f: {  	v47 =	vld [tilespmem:$0x19A00]  }
0x680: {  	v48 =	vld [tilespmem:$0x199F0];
	[tilespmem:$0x1F940] =	vst v0  }
0x681: {  	v46 =	vld [tilespmem:$0x199E0];
	[tilespmem:$0x1F950] =	vst v51  }
0x682: {  	v49 =	vld [tilespmem:$0x199D0];
	[tilespmem:$0x1F960] =	vst v52  }
0x683: {  	[tilespmem:$0x1F970] =	vst v53;
	v53 =	vld [tilespmem:$0x19AA0]  }
0x684: {  	[tilespmem:$0x1F980] =	vst v54;
	v54 =	vld [tilespmem:$0x19A90]  }
0x685: {  	p0 =	sne.s32 s31, $0x180;
	[tilespmem:$0x1F990] =	vst v55;
	v55 =	vld [tilespmem:$0x19A80]  }
.Ltmp8:
0x686: {  	[tilespmem:$0x1F9A0] =	vst v56;
	v56 =	vld [tilespmem:$0x19A70];
	(pc) =	sbr.rel @p0 .LBB2_9-.Ltmp8, $4  }
0x687: {  	[tilespmem:$0x1F9B0] =	vst v57;
	v57 =	vld [tilespmem:$0x19A60]  }
0x688: {  	[tilespmem:$0x1F9C0] =	vst v58;
	v58 =	vld [tilespmem:$0x19A50]  }
0x689: {  	v61 =	vmov s31;
	[tilespmem:$0x1F9D0] =	vst v59;
	v51 =	vld [tilespmem:$0x199C0]  }
0x68a: {  	s31 =	sadd.s32 $0x10, s31;
	v42 =	vshll.u32 v61, $0x6;
	[tilespmem:$0x1F9E0] =	vst v60;
	v52 =	vld [tilespmem:$0x199B0]  }
0x68b: {  	v0 =	vld [tilespmem:$0x1FFE0];
	_ =	sdelay $0x1  }
0x68c: {  	v1 =	vld [tilespmem:$0x1FFF0]  }
0x68d: {  	v2 =	vld [tilespmem:$0x1FF50]  }
0x68e: {  	v4 =	vld [tilespmem:$0x1FF60]  }
0x68f: {  	v10 =	vlaneseq.u32;
	v6 =	vld [tilespmem:$0x1FF70];
	v42 =	vor.u32 v0, v42  }
0x690: {  	v11 =	vld [tilespmem:$0x19960];
	v0 =	vor.u32 v10, v42  }
0x691: {  	v59 =	vld [tilespmem:$0x19D60]  }
0x692: {  	v60 =	vld [tilespmem:$0x19980];
	v1 =	vor.u32 v1, v42  }
0x693: {  	v61 =	vld [tilespmem:$0x1FF90]  }
0x694: {  	v2 =	vor.u32 v2, v42;
	v10 =	vld [tilespmem:$0x1FF80]  }
0x695: {  	v3 =	vld.idx.msk [tilespmem:v0+s17+$0x0], $0xffff  }
0x696: {  	v4 =	vor.u32 v4, v42;
	v0 =	vld.idx.msk [tilespmem:v0+s19+$0x0], $0xffff  }
0x697: {  	v5 =	vld.idx.msk [tilespmem:v1+s17+$0x0], $0xffff  }
0x698: {  	v1 =	vld.idx.msk [tilespmem:v1+s19+$0x0], $0xffff  }
0x699: {  	v6 =	vor.u32 v6, v42;
	v7 =	vld.idx.msk [tilespmem:v2+s17+$0x0], $0xffff  }
0x69a: {  	v2 =	vld.idx.msk [tilespmem:v2+s19+$0x0], $0xffff  }
0x69b: {  	v8 =	vld.idx.msk [tilespmem:v4+s17+$0x0], $0xffff  }
0x69c: {  	v4 =	vld.idx.msk [tilespmem:v4+s19+$0x0], $0xffff;
	v0 =	vadd.f32 v0, v3  }
0x69d: {  	v61 =	vor.u32 v61, v42;
	v3 =	vld [tilespmem:$0x19970]  }
0x69e: {  	v9 =	vld.idx.msk [tilespmem:v6+s17+$0x0], $0xffff;
	v0 =	vmax.f32 v0, $0.0e+00  }
0x69f: {  	v1 =	vadd.f32 v1, v5;
	v0 =	vmul.f32 v0, v11;
	v11 =	vld [tilespmem:$0x1FFA0]  }
0x6a0: {  	v6 =	vld.idx.msk [tilespmem:v6+s19+$0x0], $0xffff  }
0x6a1: {  	v10 =	vor.u32 v10, v42;
	v2 =	vadd.f32 v2, v7;
	v7 =	vld [tilespmem:$0x19990];
	v1 =	vmax.f32 v1, $0.0e+00  }
0x6a2: {  	v4 =	vadd.f32 v4, v8;
	v8 =	vld.idx.msk [tilespmem:v61+s17+$0x0], $0xffff;
	v0 =	vadd.f32 v0, v59;
	v1 =	vmul.f32 v1, v3  }
0x6a3: {  	v2 =	vmax.f32 v2, $0.0e+00;
	v59 =	vld [tilespmem:$0x1FFB0]  }
0x6a4: {  	v0 =	vadd.f32 v1, v0;
	v1 =	vmul.f32 v2, v60;
	v2 =	vld.idx.msk [tilespmem:v61+s19+$0x0], $0xffff;
	v11 =	vor.u32 v11, v42  }
0x6a5: {  	v61 =	vld [tilespmem:$0x1FFD0]  }
0x6a6: {  	v5 =	vld.idx.msk [tilespmem:v10+s17+$0x0], $0xffff  }
0x6a7: {  	v10 =	vld.idx.msk [tilespmem:v10+s19+$0x0], $0xffff  }
0x6a8: {  	v3 =	vld [tilespmem:$0x199A0];
	v59 =	vor.u32 v59, v42  }
0x6a9: {  	v6 =	vadd.f32 v6, v9;
	v4 =	vmax.f32 v4, $0.0e+00;
	v9 =	vld.idx.msk [tilespmem:v11+s17+$0x0], $0xffff  }
0x6aa: {  	v0 =	vadd.f32 v1, v0;
	v1 =	vmul.f32 v4, v7;
	v60 =	vor.u32 v61, v42;
	v4 =	vld.idx.msk [tilespmem:v11+s19+$0x0], $0xffff  }
0x6ab: {  	v11 =	vld [tilespmem:$0x1FFC0];
	_ =	sdelay $0x1  }
0x6ac: {  	v6 =	vmax.f32 v6, $0.0e+00;
	v5 =	vadd.f32 v10, v5;
	v10 =	vld.idx.msk [tilespmem:v59+s17+$0x0], $0xffff  }
0x6ad: {  	v0 =	vadd.f32 v1, v0;
	v1 =	vmul.f32 v6, v3;
	v3 =	vld.idx.msk [tilespmem:v59+s19+$0x0], $0xffff  }
0x6ae: {  	v2 =	vadd.f32 v2, v8;
	v8 =	vld.idx.msk [tilespmem:v60+s17+$0x0], $0xffff  }
0x6af: {  	v5 =	vmax.f32 v5, $0.0e+00;
	v7 =	vor.u32 v11, v42;
	v11 =	vld [tilespmem:$0x1FB70]  }
0x6b0: {  	v59 =	vmul.f32 v5, v52;
	v5 =	vld.idx.msk [tilespmem:v60+s19+$0x0], $0xffff  }
0x6b1: {  	v0 =	vadd.f32 v1, v0;
	v60 =	vld [tilespmem:$0x1FB80];
	_ =	sdelay $0x1  }
0x6b2: {  	v0 =	vadd.f32 v59, v0;
	v59 =	vld [tilespmem:$0x1FB90];
	v4 =	vadd.f32 v4, v9  }
0x6b3: {  	v6 =	vor.u32 v11, v42  }
0x6b4: {  	v4 =	vmax.f32 v4, $0.0e+00;
	v9 =	vld.idx.msk [tilespmem:v7+s17+$0x0], $0xffff  }
0x6b5: {  	v2 =	vmax.f32 v2, $0.0e+00;
	v11 =	vor.u32 v60, v42;
	v60 =	vmul.f32 v4, v49;
	v49 =	vld [tilespmem:$0x1FBA0]  }
0x6b6: {  	v52 =	vmul.f32 v2, v51;
	v3 =	vadd.f32 v3, v10;
	v2 =	vld.idx.msk [tilespmem:v7+s19+$0x0], $0xffff  }
0x6b7: {  	v7 =	vor.u32 v59, v42;
	v59 =	vld [tilespmem:$0x1FBB0]  }
0x6b8: {  	v0 =	vadd.f32 v52, v0;
	v5 =	vadd.f32 v5, v8;
	v3 =	vmax.f32 v3, $0.0e+00;
	v10 =	vld.idx.msk [tilespmem:v6+s17+$0x0], $0xffff  }
0x6b9: {  	v51 =	vmul.f32 v3, v46;
	v4 =	vld.idx.msk [tilespmem:v6+s19+$0x0], $0xffff  }
0x6ba: {  	v5 =	vmax.f32 v5, $0.0e+00;
	v0 =	vadd.f32 v60, v0;
	v6 =	vor.u32 v49, v42;
	v8 =	vld.idx.msk [tilespmem:v11+s17+$0x0], $0xffff  }
0x6bb: {  	v60 =	vmul.f32 v5, v48;
	v52 =	vld.idx.msk [tilespmem:v11+s19+$0x0], $0xffff  }
0x6bc: {  	v0 =	vadd.f32 v51, v0;
	v11 =	vor.u32 v59, v42;
	v2 =	vadd.f32 v2, v9;
	v9 =	vld.idx.msk [tilespmem:v7+s17+$0x0], $0xffff  }
0x6bd: {  	v5 =	vld.idx.msk [tilespmem:v7+s19+$0x0], $0xffff  }
0x6be: {  	v7 =	vor.u32 v62, v42;
	v0 =	vadd.f32 v60, v0;
	v60 =	vld [tilespmem:$0x1FBE0]  }
0x6bf: {  	v46 =	vld.idx.msk [tilespmem:v6+s17+$0x0], $0xffff  }
0x6c0: {  	v48 =	vld.idx.msk [tilespmem:v6+s19+$0x0], $0xffff  }
0x6c1: {  	v51 =	vld.idx.msk [tilespmem:v11+s17+$0x0], $0xffff  }
0x6c2: {  	v49 =	vor.u32 v63, v42;
	v3 =	vadd.f32 v52, v8;
	v59 =	vld.idx.msk [tilespmem:v11+s19+$0x0], $0xffff  }
0x6c3: {  	v4 =	vadd.f32 v4, v10;
	v62 =	vld.idx.msk [tilespmem:v7+s17+$0x0], $0xffff  }
0x6c4: {  	v11 =	vor.u32 v60, v42;
	v60 =	vld [tilespmem:$0x1FC10];
	v3 =	vmax.f32 v3, $0.0e+00  }
0x6c5: {  	v4 =	vmax.f32 v4, $0.0e+00;
	v63 =	vmul.f32 v3, v40;
	v40 =	vld.idx.msk [tilespmem:v7+s19+$0x0], $0xffff  }
0x6c6: {  	v2 =	vmax.f32 v2, $0.0e+00;
	v52 =	vmul.f32 v4, v41;
	v41 =	vld [tilespmem:$0x1FBF0]  }
0x6c7: {  	v47 =	vmul.f32 v2, v47;
	v2 =	vadd.f32 v48, v46;
	v46 =	vld.idx.msk [tilespmem:v49+s17+$0x0], $0xffff  }
0x6c8: {  	v48 =	vld.idx.msk [tilespmem:v49+s19+$0x0], $0xffff  }
0x6c9: {  	v0 =	vadd.f32 v47, v0;
	v5 =	vadd.f32 v5, v9;
	v49 =	vld [tilespmem:$0x1FC00]  }
0x6ca: {  	v4 =	vadd.f32 v59, v51;
	v51 =	vld.idx.msk [tilespmem:v11+s17+$0x0], $0xffff  }
0x6cb: {  	v5 =	vmax.f32 v5, $0.0e+00;
	v0 =	vadd.f32 v52, v0;
	v59 =	vld.idx.msk [tilespmem:v11+s19+$0x0], $0xffff;
	v11 =	vor.u32 v60, v42  }
0x6cc: {  	v47 =	vmul.f32 v5, v38;
	v38 =	vld [tilespmem:$0x1FC20];
	v4 =	vmax.f32 v4, $0.0e+00  }
0x6cd: {  	v0 =	vadd.f32 v63, v0;
	v7 =	vor.u32 v41, v42;
	v63 =	vmul.f32 v4, v58;
	v58 =	vld [tilespmem:$0x1FC60]  }
0x6ce: {  	v5 =	vadd.f32 v48, v46;
	v46 =	vld [tilespmem:$0x1FC30]  }
0x6cf: {  	v6 =	vor.u32 v49, v42;
	v49 =	vld [tilespmem:$0x1FC40]  }
0x6d0: {  	v0 =	vadd.f32 v47, v0;
	v47 =	vld.idx.msk [tilespmem:v11+s17+$0x0], $0xffff  }
0x6d1: {  	v2 =	vmax.f32 v2, $0.0e+00;
	v48 =	vld.idx.msk [tilespmem:v11+s19+$0x0], $0xffff  }
0x6d2: {  	v52 =	vmul.f32 v2, v37;
	v3 =	vadd.f32 v40, v62;
	v2 =	vadd.f32 v59, v51;
	v62 =	vld.idx.msk [tilespmem:v7+s17+$0x0], $0xffff  }
0x6d3: {  	v37 =	vld.idx.msk [tilespmem:v7+s19+$0x0], $0xffff  }
0x6d4: {  	v0 =	vadd.f32 v52, v0;
	v7 =	vor.u32 v38, v42;
	v2 =	vmax.f32 v2, $0.0e+00;
	v38 =	vld [tilespmem:$0x1FC80]  }
0x6d5: {  	v3 =	vmax.f32 v3, $0.0e+00;
	v2 =	vmul.f32 v2, v55;
	v55 =	vld [tilespmem:$0x1FC50]  }
0x6d6: {  	v3 =	vmul.f32 v3, v57;
	v0 =	vadd.f32 v63, v0;
	v40 =	vld.idx.msk [tilespmem:v6+s17+$0x0], $0xffff  }
0x6d7: {  	v41 =	vld.idx.msk [tilespmem:v6+s19+$0x0], $0xffff;
	v6 =	vor.u32 v46, v42  }
0x6d8: {  	v0 =	vadd.f32 v3, v0;
	v3 =	vadd.f32 v48, v47;
	v48 =	vld [tilespmem:$0x1FCA0]  }
0x6d9: {  	v11 =	vor.u32 v49, v42;
	v51 =	vld.idx.msk [tilespmem:v7+s17+$0x0], $0xffff  }
0x6da: {  	v52 =	vld.idx.msk [tilespmem:v7+s19+$0x0], $0xffff  }
0x6db: {  	v5 =	vmax.f32 v5, $0.0e+00;
	v4 =	vadd.f32 v37, v62;
	v62 =	vld [tilespmem:$0x1FC70]  }
0x6dc: {  	v5 =	vmul.f32 v5, v56;
	v56 =	vld.idx.msk [tilespmem:v6+s17+$0x0], $0xffff  }
0x6dd: {  	v7 =	vor.u32 v55, v42;
	v57 =	vld.idx.msk [tilespmem:v6+s19+$0x0], $0xffff  }
0x6de: {  	v59 =	vld.idx.msk [tilespmem:v11+s17+$0x0], $0xffff  }
0x6df: {  	v4 =	vmax.f32 v4, $0.0e+00;
	v60 =	vld.idx.msk [tilespmem:v11+s19+$0x0], $0xffff  }
0x6e0: {  	v6 =	vor.u32 v58, v42;
	v4 =	vmul.f32 v4, v54;
	v54 =	vld [tilespmem:$0x1FCC0]  }
0x6e1: {  	v0 =	vadd.f32 v5, v0;
	v5 =	vadd.f32 v52, v51;
	v51 =	vld [tilespmem:$0x1FCB0]  }
0x6e2: {  	v63 =	vld.idx.msk [tilespmem:v7+s17+$0x0], $0xffff  }
0x6e3: {  	v37 =	vld.idx.msk [tilespmem:v7+s19+$0x0], $0xffff  }
0x6e4: {  	v7 =	vor.u32 v38, v42;
	v38 =	vld [tilespmem:$0x1FD00]  }
0x6e5: {  	v1 =	vadd.f32 v41, v40;
	v11 =	vor.u32 v62, v42;
	v40 =	vld.idx.msk [tilespmem:v6+s17+$0x0], $0xffff  }
0x6e6: {  	v0 =	vadd.f32 v2, v0;
	v41 =	vld.idx.msk [tilespmem:v6+s19+$0x0], $0xffff  }
0x6e7: {  	v2 =	vadd.f32 v57, v56;
	v57 =	vld [tilespmem:$0x1FCD0]  }
0x6e8: {  	v0 =	vadd.f32 v4, v0;
	v5 =	vmax.f32 v5, $0.0e+00;
	v4 =	vadd.f32 v60, v59;
	v60 =	vld [tilespmem:$0x1FCE0]  }
0x6e9: {  	v5 =	vmul.f32 v5, v45;
	v45 =	vld [tilespmem:$0x1FC90]  }
0x6ea: {  	v46 =	vld.idx.msk [tilespmem:v11+s17+$0x0], $0xffff  }
0x6eb: {  	v1 =	vmax.f32 v1, $0.0e+00;
	v47 =	vld.idx.msk [tilespmem:v11+s19+$0x0], $0xffff  }
0x6ec: {  	v1 =	vmul.f32 v1, v53;
	v11 =	vor.u32 v48, v42;
	v48 =	vld [tilespmem:$0x1FEB0]  }
0x6ed: {  	v3 =	vmax.f32 v3, $0.0e+00;
	v49 =	vld.idx.msk [tilespmem:v7+s17+$0x0], $0xffff  }
0x6ee: {  	v3 =	vmul.f32 v3, v50;
	v0 =	vadd.f32 v1, v0;
	v50 =	vld.idx.msk [tilespmem:v7+s19+$0x0], $0xffff  }
0x6ef: {  	v7 =	vor.u32 v51, v42;
	v51 =	vld [tilespmem:$0x1FEC0]  }
0x6f0: {  	v0 =	vadd.f32 v3, v0;
	v3 =	vadd.f32 v41, v40;
	v41 =	vld [tilespmem:$0x1FD30]  }
0x6f1: {  	v6 =	vor.u32 v45, v42;
	v45 =	vld [tilespmem:$0x1FD40]  }
0x6f2: {  	v55 =	vld.idx.msk [tilespmem:v11+s17+$0x0], $0xffff  }
0x6f3: {  	v56 =	vld.idx.msk [tilespmem:v11+s19+$0x0], $0xffff  }
0x6f4: {  	v11 =	vor.u32 v57, v42;
	v57 =	vld [tilespmem:$0x1FEE0]  }
0x6f5: {  	v58 =	vld.idx.msk [tilespmem:v7+s17+$0x0], $0xffff  }
0x6f6: {  	v59 =	vld.idx.msk [tilespmem:v7+s19+$0x0], $0xffff  }
0x6f7: {  	v0 =	vadd.f32 v5, v0;
	v5 =	vadd.f32 v47, v46;
	v7 =	vor.u32 v60, v42;
	v60 =	vld [tilespmem:$0x1FEF0]  }
0x6f8: {  	v52 =	vld.idx.msk [tilespmem:v6+s17+$0x0], $0xffff  }
0x6f9: {  	v5 =	vmax.f32 v5, $0.0e+00;
	v53 =	vld.idx.msk [tilespmem:v6+s19+$0x0], $0xffff  }
0x6fa: {  	v2 =	vmax.f32 v2, $0.0e+00;
	v5 =	vmul.f32 v5, v35;
	v35 =	vld [tilespmem:$0x1FCF0]  }
0x6fb: {  	v2 =	vmul.f32 v2, v44;
	v3 =	vmax.f32 v3, $0.0e+00;
	v6 =	vor.u32 v54, v42;
	v54 =	vld [tilespmem:$0x1FED0]  }
0x6fc: {  	v4 =	vmax.f32 v4, $0.0e+00;
	v1 =	vadd.f32 v37, v63;
	v3 =	vmul.f32 v3, v36;
	v36 =	vld.idx.msk [tilespmem:v11+s17+$0x0], $0xffff  }
0x6fd: {  	v4 =	vmul.f32 v4, v43;
	v0 =	vadd.f32 v2, v0;
	v37 =	vld.idx.msk [tilespmem:v11+s19+$0x0], $0xffff  }
0x6fe: {  	v1 =	vmax.f32 v1, $0.0e+00;
	v11 =	vor.u32 v38, v42;
	v38 =	vld [tilespmem:$0x1FF40]  }
0x6ff: {  	v1 =	vmul.f32 v1, v39;
	v0 =	vadd.f32 v4, v0;
	v39 =	vld.idx.msk [tilespmem:v7+s17+$0x0], $0xffff  }
0x700: {  	v40 =	vld.idx.msk [tilespmem:v7+s19+$0x0], $0xffff  }
0x701: {  	v0 =	vadd.f32 v1, v0;
	v1 =	vadd.f32 v56, v55;
	v7 =	vor.u32 v41, v42;
	v41 =	vld [tilespmem:$0x1FD50]  }
0x702: {  	v62 =	vld.idx.msk [tilespmem:v6+s17+$0x0], $0xffff  }
0x703: {  	v1 =	vmax.f32 v1, $0.0e+00;
	v63 =	vld.idx.msk [tilespmem:v6+s19+$0x0], $0xffff  }
0x704: {  	v2 =	vadd.f32 v50, v49;
	v1 =	vmul.f32 v1, v32;
	v32 =	vld [tilespmem:$0x1FF20]  }
0x705: {  	v0 =	vadd.f32 v3, v0;
	v6 =	vor.u32 v35, v42;
	v35 =	vld [tilespmem:$0x1FF30]  }
0x706: {  	v2 =	vmax.f32 v2, $0.0e+00;
	v46 =	vld.idx.msk [tilespmem:v11+s17+$0x0], $0xffff  }
0x707: {  	v2 =	vmul.f32 v2, v34;
	v0 =	vadd.f32 v5, v0;
	v47 =	vld.idx.msk [tilespmem:v11+s19+$0x0], $0xffff  }
0x708: {  	v49 =	vld.idx.msk [tilespmem:v7+s17+$0x0], $0xffff  }
0x709: {  	v0 =	vadd.f32 v2, v0;
	v2 =	vadd.f32 v37, v36;
	v11 =	vor.u32 v48, v42;
	v50 =	vld.idx.msk [tilespmem:v7+s19+$0x0], $0xffff  }
0x70a: {  	v4 =	vadd.f32 v53, v52;
	v43 =	vld.idx.msk [tilespmem:v6+s17+$0x0], $0xffff  }
0x70b: {  	v7 =	vor.u32 v51, v42;
	v2 =	vmax.f32 v2, $0.0e+00;
	v44 =	vld.idx.msk [tilespmem:v6+s19+$0x0], $0xffff  }
0x70c: {  	v4 =	vmax.f32 v4, $0.0e+00;
	v2 =	vmul.f32 v2, v29;
	v29 =	vld [tilespmem:$0x1FF10]  }
0x70d: {  	v4 =	vmul.f32 v4, v33;
	v6 =	vor.u32 v45, v42;
	v45 =	vld [tilespmem:$0x1FD80]  }
0x70e: {  	v3 =	vadd.f32 v59, v58;
	v55 =	vld.idx.msk [tilespmem:v11+s17+$0x0], $0xffff  }
0x70f: {  	v0 =	vadd.f32 v4, v0;
	v56 =	vld.idx.msk [tilespmem:v11+s19+$0x0], $0xffff  }
0x710: {  	v3 =	vmax.f32 v3, $0.0e+00;
	v5 =	vadd.f32 v63, v62;
	v58 =	vld.idx.msk [tilespmem:v7+s17+$0x0], $0xffff  }
0x711: {  	v3 =	vmul.f32 v3, v31;
	v0 =	vadd.f32 v1, v0;
	v59 =	vld.idx.msk [tilespmem:v7+s19+$0x0], $0xffff  }
0x712: {  	v5 =	vmax.f32 v5, $0.0e+00;
	v11 =	vor.u32 v57, v42;
	v7 =	vor.u32 v60, v42;
	v60 =	vld [tilespmem:$0x1FA10]  }
0x713: {  	v5 =	vmul.f32 v5, v30;
	v0 =	vadd.f32 v3, v0;
	v3 =	vadd.f32 v47, v46;
	v52 =	vld.idx.msk [tilespmem:v6+s17+$0x0], $0xffff  }
0x714: {  	v4 =	vadd.f32 v40, v39;
	v1 =	vadd.f32 v44, v43;
	v53 =	vld.idx.msk [tilespmem:v6+s19+$0x0], $0xffff  }
0x715: {  	v0 =	vadd.f32 v5, v0;
	v5 =	vadd.f32 v50, v49;
	v3 =	vmax.f32 v3, $0.0e+00;
	v49 =	vld [tilespmem:$0x1F9F0]  }
0x716: {  	v4 =	vmax.f32 v4, $0.0e+00;
	v3 =	vmul.f32 v3, v26;
	v26 =	vld [tilespmem:$0x1FF00]  }
0x717: {  	v4 =	vmul.f32 v4, v28;
	v6 =	vor.u32 v54, v42;
	v1 =	vmax.f32 v1, $0.0e+00;
	v28 =	vld.idx.msk [tilespmem:v11+s19+$0x0], $0xffff  }
0x718: {  	v1 =	vmul.f32 v1, v27;
	v27 =	vld.idx.msk [tilespmem:v11+s17+$0x0], $0xffff  }
0x719: {  	v30 =	vld.idx.msk [tilespmem:v7+s17+$0x0], $0xffff  }
0x71a: {  	v5 =	vmax.f32 v5, $0.0e+00;
	v31 =	vld.idx.msk [tilespmem:v7+s19+$0x0], $0xffff  }
0x71b: {  	v5 =	vmul.f32 v5, v25;
	v25 =	vld [tilespmem:$0x1F9E0]  }
0x71c: {  	v11 =	vor.u32 v29, v42;
	v62 =	vld.idx.msk [tilespmem:v6+s17+$0x0], $0xffff  }
0x71d: {  	v0 =	vadd.f32 v2, v0;
	v63 =	vld.idx.msk [tilespmem:v6+s19+$0x0], $0xffff  }
0x71e: {  	v7 =	vor.u32 v32, v42;
	v2 =	vadd.f32 v53, v52;
	v52 =	vld [tilespmem:$0x1FDA0]  }
0x71f: {  	v0 =	vadd.f32 v4, v0;
	v4 =	vadd.f32 v56, v55;
	v56 =	vld [tilespmem:$0x1FA00]  }
0x720: {  	v6 =	vor.u32 v26, v42;
	v26 =	vld [tilespmem:$0x1FDF0]  }
0x721: {  	v36 =	vld.idx.msk [tilespmem:v11+s17+$0x0], $0xffff  }
0x722: {  	v37 =	vld.idx.msk [tilespmem:v11+s19+$0x0], $0xffff  }
0x723: {  	v39 =	vld.idx.msk [tilespmem:v7+s17+$0x0], $0xffff  }
0x724: {  	v0 =	vadd.f32 v1, v0;
	v1 =	vadd.f32 v59, v58;
	v40 =	vld.idx.msk [tilespmem:v7+s19+$0x0], $0xffff  }
0x725: {  	v11 =	vor.u32 v38, v42;
	v38 =	vld [tilespmem:$0x1FE10]  }
0x726: {  	v7 =	vor.u32 v41, v42;
	v41 =	vld [tilespmem:$0x1F9A0];
	v0 =	vadd.f32 v3, v0;
	v1 =	vmax.f32 v1, $0.0e+00  }
0x727: {  	v1 =	vmul.f32 v1, v22;
	v22 =	vld [tilespmem:$0x1FDD0]  }
0x728: {  	v0 =	vadd.f32 v5, v0;
	v5 =	vadd.f32 v28, v27;
	v28 =	vld [tilespmem:$0x1F9D0]  }
0x729: {  	v33 =	vld.idx.msk [tilespmem:v6+s17+$0x0], $0xffff  }
0x72a: {  	v34 =	vld.idx.msk [tilespmem:v6+s19+$0x0], $0xffff  }
0x72b: {  	v46 =	vld.idx.msk [tilespmem:v11+s17+$0x0], $0xffff  }
0x72c: {  	v2 =	vmax.f32 v2, $0.0e+00;
	v48 =	vld.idx.msk [tilespmem:v11+s19+$0x0], $0xffff  }
0x72d: {  	v2 =	vmul.f32 v2, v24;
	v50 =	vld.idx.msk [tilespmem:v7+s17+$0x0], $0xffff  }
0x72e: {  	v6 =	vor.u32 v35, v42;
	v51 =	vld.idx.msk [tilespmem:v7+s19+$0x0], $0xffff  }
0x72f: {  	v0 =	vadd.f32 v2, v0;
	v2 =	vadd.f32 v31, v30;
	v30 =	vld [tilespmem:$0x1FA40]  }
0x730: {  	v11 =	vor.u32 v49, v42;
	v49 =	vld [tilespmem:$0x1F980]  }
0x731: {  	v4 =	vmax.f32 v4, $0.0e+00;
	v7 =	vor.u32 v52, v42;
	v52 =	vld [tilespmem:$0x1F970];
	v2 =	vmax.f32 v2, $0.0e+00  }
0x732: {  	v4 =	vmul.f32 v4, v23;
	v2 =	vmul.f32 v2, v19;
	v19 =	vld [tilespmem:$0x1FA30]  }
0x733: {  	v3 =	vadd.f32 v63, v62;
	v43 =	vld.idx.msk [tilespmem:v6+s17+$0x0], $0xffff  }
0x734: {  	v0 =	vadd.f32 v4, v0;
	v44 =	vld.idx.msk [tilespmem:v6+s19+$0x0], $0xffff  }
0x735: {  	v3 =	vmax.f32 v3, $0.0e+00;
	v4 =	vadd.f32 v34, v33;
	v33 =	vld [tilespmem:$0x1F9C0]  }
0x736: {  	v3 =	vmul.f32 v3, v21;
	v0 =	vadd.f32 v1, v0;
	v34 =	vld [tilespmem:$0x1FE00]  }
0x737: {  	v5 =	vmax.f32 v5, $0.0e+00;
	v1 =	vadd.f32 v37, v36;
	v37 =	vld [tilespmem:$0x1F9B0]  }
0x738: {  	v5 =	vmul.f32 v5, v20;
	v6 =	vor.u32 v45, v42;
	v45 =	vld [tilespmem:$0x1F990];
	v0 =	vadd.f32 v3, v0  }
0x739: {  	v57 =	vld.idx.msk [tilespmem:v11+s17+$0x0], $0xffff  }
0x73a: {  	v59 =	vld.idx.msk [tilespmem:v11+s19+$0x0], $0xffff;
	v11 =	vor.u32 v60, v42;
	v0 =	vadd.f32 v5, v0  }
0x73b: {  	v62 =	vld.idx.msk [tilespmem:v7+s17+$0x0], $0xffff;
	v4 =	vmax.f32 v4, $0.0e+00;
	v3 =	vadd.f32 v40, v39;
	v1 =	vmax.f32 v1, $0.0e+00  }
0x73c: {  	v60 =	vld [tilespmem:$0x1F940];
	v47 =	vmul.f32 v4, v18;
	v5 =	vadd.f32 v44, v43;
	v0 =	vadd.f32 v2, v0  }
0x73d: {  	v1 =	vmul.f32 v1, v17;
	v4 =	vadd.f32 v48, v46;
	v53 =	vld.idx.msk [tilespmem:v6+s17+$0x0], $0xffff  }
0x73e: {  	v3 =	vmax.f32 v3, $0.0e+00;
	v55 =	vld.idx.msk [tilespmem:v6+s19+$0x0], $0xffff;
	v5 =	vmax.f32 v5, $0.0e+00;
	v0 =	vadd.f32 v47, v0  }
0x73f: {  	v54 =	vmul.f32 v3, v16;
	v58 =	vmul.f32 v5, v15;
	v15 =	vld [tilespmem:$0x1FA20]  }
0x740: {  	v6 =	vor.u32 v56, v42;
	v4 =	vmax.f32 v4, $0.0e+00;
	v43 =	vld [tilespmem:$0x1FE20];
	v0 =	vadd.f32 v1, v0  }
0x741: {  	v63 =	vmul.f32 v4, v14;
	v14 =	vld.idx.msk [tilespmem:v7+s19+$0x0], $0xffff  }
0x742: {  	v20 =	vld.idx.msk [tilespmem:v11+s17+$0x0], $0xffff;
	v0 =	vadd.f32 v54, v0  }
0x743: {  	v2 =	vadd.f32 v51, v50;
	v21 =	vld.idx.msk [tilespmem:v11+s19+$0x0], $0xffff;
	v11 =	vor.u32 v22, v42  }
0x744: {  	v47 =	vld [tilespmem:$0x1FE30];
	v7 =	vor.u32 v15, v42;
	v0 =	vadd.f32 v58, v0  }
0x745: {  	v2 =	vmax.f32 v2, $0.0e+00;
	v3 =	vadd.f32 v55, v53;
	v16 =	vld.idx.msk [tilespmem:v6+s17+$0x0], $0xffff  }
0x746: {  	v17 =	vmul.f32 v2, v13;
	v18 =	vld.idx.msk [tilespmem:v6+s19+$0x0], $0xffff;
	v6 =	vor.u32 v19, v42;
	v0 =	vadd.f32 v63, v0  }
0x747: {  	v5 =	vadd.f32 v59, v57;
	v55 =	vld [tilespmem:$0x1F960];
	v3 =	vmax.f32 v3, $0.0e+00  }
0x748: {  	v31 =	vld.idx.msk [tilespmem:v11+s17+$0x0], $0xffff;
	v3 =	vmul.f32 v3, v12;
	v0 =	vadd.f32 v17, v0  }
0x749: {  	v5 =	vmax.f32 v5, $0.0e+00;
	v4 =	vadd.f32 v14, v62;
	v23 =	vld.idx.msk [tilespmem:v7+s17+$0x0], $0xffff  }
0x74a: {  	v5 =	vmul.f32 v5, v25;
	v24 =	vld.idx.msk [tilespmem:v7+s19+$0x0], $0xffff;
	v7 =	vor.u32 v26, v42;
	v0 =	vadd.f32 v3, v0  }
0x74b: {  	v4 =	vmax.f32 v4, $0.0e+00;
	v2 =	vadd.f32 v18, v16;
	v27 =	vld.idx.msk [tilespmem:v6+s17+$0x0], $0xffff  }
0x74c: {  	v4 =	vmul.f32 v4, v28;
	v29 =	vld.idx.msk [tilespmem:v6+s19+$0x0], $0xffff;
	v6 =	vor.u32 v30, v42;
	v0 =	vadd.f32 v5, v0  }
0x74d: {  	v1 =	vadd.f32 v21, v20;
	v32 =	vld.idx.msk [tilespmem:v11+s19+$0x0], $0xffff;
	v2 =	vmax.f32 v2, $0.0e+00  }
0x74e: {  	v11 =	vor.u32 v34, v42;
	v58 =	vld [tilespmem:$0x1F950];
	v2 =	vmul.f32 v2, v33;
	v0 =	vadd.f32 v4, v0  }
0x74f: {  	v1 =	vmax.f32 v1, $0.0e+00;
	v3 =	vadd.f32 v24, v23;
	v35 =	vld.idx.msk [tilespmem:v7+s17+$0x0], $0xffff  }
0x750: {  	v1 =	vmul.f32 v1, v37;
	v36 =	vld.idx.msk [tilespmem:v7+s19+$0x0], $0xffff;
	v7 =	vor.u32 v38, v42;
	v0 =	vadd.f32 v2, v0  }
0x751: {  	v39 =	vld.idx.msk [tilespmem:v6+s17+$0x0], $0xffff;
	v5 =	vadd.f32 v29, v27;
	v3 =	vmax.f32 v3, $0.0e+00  }
0x752: {  	v40 =	vld.idx.msk [tilespmem:v6+s19+$0x0], $0xffff;
	v6 =	vor.u32 v43, v42;
	v3 =	vmul.f32 v3, v41;
	v0 =	vadd.f32 v1, v0  }
0x753: {  	v44 =	vld.idx.msk [tilespmem:v11+s17+$0x0], $0xffff;
	v4 =	vadd.f32 v32, v31;
	v5 =	vmax.f32 v5, $0.0e+00  }
0x754: {  	v46 =	vld.idx.msk [tilespmem:v11+s19+$0x0], $0xffff;
	v11 =	vor.u32 v47, v42;
	v0 =	vadd.f32 v3, v0;
	v3 =	vmul.f32 v5, v45  }
0x755: {  	v4 =	vmax.f32 v4, $0.0e+00;
	v2 =	vadd.f32 v36, v35;
	v48 =	vld.idx.msk [tilespmem:v7+s17+$0x0], $0xffff  }
0x756: {  	v50 =	vld.idx.msk [tilespmem:v7+s19+$0x0], $0xffff;
	v0 =	vadd.f32 v3, v0;
	v3 =	vmul.f32 v4, v49  }
0x757: {  	v51 =	vld.idx.msk [tilespmem:v6+s17+$0x0], $0xffff;
	v1 =	vadd.f32 v40, v39;
	v2 =	vmax.f32 v2, $0.0e+00  }
0x758: {  	v53 =	vld.idx.msk [tilespmem:v6+s19+$0x0], $0xffff;
	v2 =	vmul.f32 v2, v52;
	v0 =	vadd.f32 v3, v0  }
0x759: {  	v54 =	vld.idx.msk [tilespmem:v11+s17+$0x0], $0xffff;
	v5 =	vadd.f32 v46, v44;
	v1 =	vmax.f32 v1, $0.0e+00  }
0x75a: {  	v56 =	vld.idx.msk [tilespmem:v11+s19+$0x0], $0xffff;
	v1 =	vmul.f32 v1, v55;
	v0 =	vadd.f32 v2, v0  }
0x75b: {  	v57 =	vld [tilespmem:$0x19D40];
	v5 =	vmax.f32 v5, $0.0e+00;
	v4 =	vadd.f32 v50, v48  }
0x75c: {  	v0 =	vadd.f32 v1, v0;
	v1 =	vmul.f32 v5, v58  }
0x75d: {  	v59 =	vld [tilespmem:$0x19D50];
	v3 =	vadd.f32 v53, v51;
	v4 =	vmax.f32 v4, $0.0e+00  }
0x75e: {  	v0 =	vadd.f32 v1, v0;
	v1 =	vmul.f32 v4, v60  }
0x75f: {  	v2 =	vadd.f32 v56, v54;
	v3 =	vmax.f32 v3, $0.0e+00  }
0x760: {  	v62 =	vmul.f32 v3, v57;
	v0 =	vadd.f32 v1, v0  }
0x761: {  	v2 =	vmax.f32 v2, $0.0e+00  }
0x762: {  	s0 =	smul.u32 $0x190, s29;
	v63 =	vmul.f32 v2, v59;
	v0 =	vadd.f32 v62, v0  }
.Ltmp9:
0x763: {  	_ = 	snop;
	(pc) =	sbr.rel .LBB2_11-.Ltmp9, $4  }
0x764: {  	s0 =	sadd.s32 s7, s0;
	v0 =	vadd.f32 v63, v0  }
0x765: {  	s3 =	sadd.s32 $0x10, s30;
	s0 =	sshrl.u32 s0, $0x3  }
0x766: {  	s31 =	simm.s32 $0x197D0;
	s0 =	sadd.s32 s10, s0;
	v62 =	vld [tilespmem:$0x1FFE0];
	[tilespmem:s3+$0x0] =	vst v0  }
0x767: {  	v35 =	vlaneseq.u32;
	v63 =	vld [tilespmem:$0x1FFF0];
	[hbm4b:s0+s2] =	stream.linear.scatter [tilespmem:s31], [sflag:$0x6], $0x190, $0x38  }
.LBB2_13:
0x768: {  	_ =	sfence.sel $0x180000  }
0x769: {  	[bflag:$0x0] =	sbarrier.arrive $0xFFFF  }
0x76a: {  	_ =	strace $0x90000047  }
0x76b: {  	s0 =	stileid.u32;
	[bflag:$0x2] =	sbarrier.arrive $0xFFFF  }
0x76c: {  	p0 =	sne.s32 s0, $0x0;
	s0 =	rddreg [dreg:$0x2]  }
0x76d: {  	s0 =	sadd.s32 @!p0 $0x100000, s0  }
0x76e: {  	[sflag:s0] =	ssyncadd.tile.s32 @!p0 $0x1;
	_ =	shalt  }
.Lfunc_end2:
_tile_overlayer_lowered:
.L_overlay_start_2:
0x76f: {  	(tag) =	ssettag $0x2  }
0x770: {  	s0 =	rddreg [dreg:$0x0];
	s2 =	stileid.u32  }
0x771: {  	s1 =	rddreg [dreg:$0x1];
	p0 =	sne.s32 s2, $0x0  }
0x772: {  	s3 =	rddreg [dreg:$0x2];
	[bflag:$0x3] =	sbarrier.arrive $0xFFFF;
	s2 =	simm.s32 @!p0 $0x1C07  }
0x773: {  	[timem:s3], [sflag:s2] =	dma.local @!p0 [hbm:s0], s1  }
0x774: {  	s0 =	simm.s32 @!p0 $0x7  }
0x775: {  	_ =	swait.ge @!p0 [sflag:s0], s1  }
0x776: {  	s1 =	ssub.s32 @!p0 $0x0, s1;
	[sflag:s0] =	ssyncset.done @!p0 $0x0  }
0x777: {  	[sflag:s0] =	ssyncadd.s32 @!p0 s1  }
0x778: {  	[bflag:$0x3] =	sbarrier.arrive $0xFFFF  }
0x779: {  	_ =	shalt  }

</sc_bundles>
